<compile_context>
chip_gen: v7x
topology: tpu7x:2x2x1
jax: 0.10.2.dev20260603
libtpu: 0.0.44.dev20260713+nightly
codegen_flags: <defaults>
</compile_context>

<pallas_src>
import functools

import jax
import jax.numpy as jnp
from jax import lax
from jax.experimental import pallas as pl
from jax.experimental.pallas import tpu as pltpu
from jax.experimental.pallas import tpu_sc as plsc

EMB = 32
B_ROWS = 4096
B_COLS = 200
NW = 32
T_TILES = 32
UNITS = B_COLS * T_TILES
U_PER_W = UNITS // NW
NBUF = 4


def _emb_body(idx_hbm, tab_hbm, out_hbm, idx_v, rows_v, block_v, sems):
    isems, gsems, ssems = sems
    nc = 2
    wid = lax.axis_index("s") * nc + lax.axis_index("c")
    u_base = wid * U_PER_W

    l_iota = lax.iota(jnp.int32, 16)

    def unit_jt(u):
        uu = u_base + u
        j = uu // T_TILES
        t = uu % T_TILES
        return j, t

    def fire_idx(u, b):
        j, t = unit_jt(u)
        pltpu.async_copy(idx_hbm.at[j // 8, t, j % 8], idx_v.at[b], isems[b])

    def wait_idx(b):
        pltpu.make_async_copy(idx_hbm.at[0, 0, 0], idx_v.at[b], isems[b]).wait()

    def fire_gather(b):
        pltpu.async_copy(tab_hbm.at[idx_v.at[b]], rows_v.at[b], gsems[b])

    def wait_gather(b):
        pltpu.make_async_copy(tab_hbm.at[idx_v.at[b]], rows_v.at[b], gsems[b]).wait()

    def fire_store(u, b):
        j, t = unit_jt(u)
        pltpu.async_copy(block_v.at[b, :, :, pl.ds(0, 128)], out_hbm.at[j, :, t], ssems[b])

    def wait_store(b):
        pltpu.make_async_copy(
            block_v.at[b, :, :, pl.ds(0, 128)], out_hbm.at[0, :, 0], ssems[b]
        ).wait()

    g0 = l_iota // 8
    s0 = l_iota % 8
    g1 = g0 + 2

    def transpose(b):
        @plsc.parallel_loop(0, 128, 1, unroll=4)
        def row_loop(l):
            lv = jnp.full((16,), 1, jnp.int32) * l
            v0 = rows_v[b, l, pl.ds(0, 16)]
            v1 = rows_v[b, l, pl.ds(16, 16)]
            plsc.store_scatter(block_v.at[b], [g0, s0, lv], v0)
            plsc.store_scatter(block_v.at[b], [g1, s0, lv], v1)

    for b in range(NBUF):
        fire_idx(b, b)
    for b in range(2):
        wait_idx(b)
        fire_gather(b)

    def group(g, carry):
        for b in range(NBUF):
            u = NBUF * g + b
            wait_gather(b)

            @pl.when(u + NBUF < U_PER_W)
            def _():
                fire_idx(u + NBUF, b)

            @pl.when(u >= NBUF)
            def _():
                wait_store(b)

            transpose(b)
            fire_store(u, b)

            b2 = (b + 2) % NBUF

            @pl.when(u + 2 < U_PER_W)
            def _():
                wait_idx(b2)
                fire_gather(b2)

        return carry

    lax.fori_loop(0, U_PER_W // NBUF, group, 0)
    for b in range(NBUF):
        wait_store(b)


VPAD = 1000064
TT = VPAD // 128
TPW = -(-TT // NW)
NBUF2 = 4


def _tab_body(xt_hbm, tab_hbm, blk_v, rowsp_v, isems, ssems, l_iota):
    nc = 2
    wid = lax.axis_index("s") * nc + lax.axis_index("c")

    def fire_stage(n, b):
        t = wid + NW * n
        pltpu.async_copy(xt_hbm.at[:, t], blk_v.at[b], isems[b])

    def wait_stage(b):
        pltpu.make_async_copy(xt_hbm.at[:, 0], blk_v.at[b], isems[b]).wait()

    def fire_store(n, b):
        t = wid + NW * n
        pltpu.async_copy(
            rowsp_v.at[b, :, pl.ds(0, EMB)], tab_hbm.at[pl.ds(t * 128, 128)], ssems[b]
        )

    def wait_store(b):
        pltpu.make_async_copy(
            rowsp_v.at[b, :, pl.ds(0, EMB)], tab_hbm.at[pl.ds(0, 128)], ssems[b]
        ).wait()

    def transpose(b):
        @plsc.parallel_loop(0, EMB, 1, unroll=4)
        def kloop(k):
            kv = jnp.full((16,), 1, jnp.int32) * k
            for l0 in range(8):
                v = blk_v[b, k // 8, k % 8, pl.ds(16 * l0, 16)]
                plsc.store_scatter(rowsp_v.at[b], [l_iota + 16 * l0, kv], v)

    def in_range(n):
        return wid + NW * n < TT

    for b in range(NBUF2):
        @pl.when(in_range(b))
        def _():
            fire_stage(b, b)

    def group(gn, carry):
        for b in range(NBUF2):
            n = NBUF2 * gn + b

            @pl.when(in_range(n))
            def _():
                wait_stage(b)

                @pl.when(n >= NBUF2)
                def _():
                    wait_store(b)

                transpose(b)
                fire_store(n, b)

            @pl.when(in_range(n + NBUF2))
            def _():
                fire_stage(n + NBUF2, b)

        return carry

    lax.fori_loop(0, TPW // NBUF2 + 1, group, 0)
    for b in range(NBUF2):
        wait_store(b)


@functools.partial(
    pl.kernel,
    mesh=plsc.VectorSubcoreMesh(core_axis_name="c", subcore_axis_name="s"),
    out_type=jax.ShapeDtypeStruct((VPAD, EMB), jnp.float32),
    scratch_types=[
        pltpu.VMEM((NBUF2, 4, 8, 128), jnp.float32),
        pltpu.VMEM((NBUF2, 128, 33), jnp.float32),
        (pltpu.SemaphoreType.DMA,) * NBUF2,
        (pltpu.SemaphoreType.DMA,) * NBUF2,
    ],
    compiler_params=pltpu.CompilerParams(
        use_tc_tiling_on_sc=False, needs_layout_passes=False
    ),
)
def _tab_transpose(xt_hbm, tab_hbm, blk_v, rowsp_v, isems, ssems):
    _tab_body(xt_hbm, tab_hbm, blk_v, rowsp_v, isems, ssems, lax.iota(jnp.int32, 16))


@functools.partial(
    pl.kernel,
    mesh=plsc.VectorSubcoreMesh(core_axis_name="c", subcore_axis_name="s"),
    out_type=jax.ShapeDtypeStruct((B_COLS, 4, T_TILES, 8, 128), jnp.float32),
    scratch_types=[
        pltpu.VMEM((NBUF, 128), jnp.int32),
        pltpu.VMEM((NBUF, 128, EMB), jnp.float32),
        pltpu.VMEM((NBUF, 4, 8, 129), jnp.float32),
        (pltpu.SemaphoreType.DMA,) * NBUF,
        (pltpu.SemaphoreType.DMA,) * NBUF,
        (pltpu.SemaphoreType.DMA,) * NBUF,
    ],
    compiler_params=pltpu.CompilerParams(
        use_tc_tiling_on_sc=False, needs_layout_passes=False
    ),
)
def _emb_lookup(idx_hbm, tab_hbm, out_hbm, idx_v, rows_v, block_v, isems, gsems, ssems):
    _emb_body(idx_hbm, tab_hbm, out_hbm, idx_v, rows_v, block_v, (isems, gsems, ssems))


def kernel(vocab_ids, node_embs_weight):
    ids = vocab_ids.astype(jnp.int32)
    idx_native = ids.T.reshape(25, 8, T_TILES, 128).transpose(0, 2, 1, 3)
    tabx = jnp.pad(node_embs_weight, ((0, VPAD - 1000000), (0, 0)))
    xt = tabx.T.reshape(4, 8, TT, 128).transpose(0, 2, 1, 3)
    tab_lin = _tab_transpose(xt)
    out5 = _emb_lookup(idx_native, tab_lin)
    return out5.transpose(2, 4, 0, 1, 3).reshape(B_ROWS, B_COLS, EMB)

# --- scband reference (transcript-rebuilt; emitter-appended) ---
"""Pipeline reference for scband-node-embeddings-25194278158861 (READ-ONLY COPY).

The authoritative reference and input builder live on the scoring server;
editing this copy changes nothing except your own understanding.
"""

import jax, jax.numpy as jnp
import numpy as np

VOCAB_SIZE = 1000000
EMB_SIZE = 32


def setup_inputs(seed: int = 0) -> dict:
    key = jax.random.key(seed)
    k_idx, k_tab = jax.random.split(key)
    vocab_ids = jax.random.randint(k_idx, (4096, 200), 0, VOCAB_SIZE, dtype=jnp.int64 if jax.config.jax_enable_x64 else jnp.int32)
    # nn.Embedding default init: N(0, 1)
    node_embs_weight = jax.random.normal(k_tab, (VOCAB_SIZE, EMB_SIZE), dtype=jnp.float32)
    return {"vocab_ids": vocab_ids, "node_embs_weight": node_embs_weight}


def reference(vocab_ids, node_embs_weight):
    # nn.Embedding lookup: gather rows of the table by index
    embs = jnp.take(node_embs_weight, vocab_ids, axis=0)
    return embs

if __name__ == "__main__":
    import jax
    _d = setup_inputs()
    print(jax.jit(kernel)(*tuple(_d.values())))

</pallas_src>

<mosaic_0001>
#map = affine_map<(d0, d1) -> (0, 0, 0, 0)>
#map1 = affine_map<(d0, d1) -> (0, 0)>
module attributes {stable_mosaic.version = 14 : i64} {
  func.func @_tab_transpose(%arg0: i32, %arg1: i32, %arg2: memref<4x7813x8x128xf32, #tpu.memory_space<hbm>>, %arg3: memref<1000064x32xf32, #tpu.memory_space<hbm>>, %arg4: memref<4x4x8x128xf32, #tpu.memory_space<vmem>>, %arg5: memref<4x128x33xf32, #tpu.memory_space<vmem>>, %arg6: memref<!tpu.dma_semaphore, #tpu.memory_space<semaphore_mem>>, %arg7: memref<!tpu.dma_semaphore, #tpu.memory_space<semaphore_mem>>, %arg8: memref<!tpu.dma_semaphore, #tpu.memory_space<semaphore_mem>>, %arg9: memref<!tpu.dma_semaphore, #tpu.memory_space<semaphore_mem>>, %arg10: memref<!tpu.dma_semaphore, #tpu.memory_space<semaphore_mem>>, %arg11: memref<!tpu.dma_semaphore, #tpu.memory_space<semaphore_mem>>, %arg12: memref<!tpu.dma_semaphore, #tpu.memory_space<semaphore_mem>>, %arg13: memref<!tpu.dma_semaphore, #tpu.memory_space<semaphore_mem>>) attributes {dimension_semantics = [#tpu.dimension_semantics<core_parallel>, #tpu.dimension_semantics<subcore_parallel>], iteration_bounds = array<i64: 2, 16>, scalar_prefetch = 0 : i64, scratch_operands = 10 : i64, tpu.core_type = #tpu.core_type<sc_vector_subcore>, window_params = [{transform_indices = #map}, {transform_indices = #map1}]} {
    %iota3A = tpu.iota {dimensions = array<i32: 0>} : vector<16xi32>
    %mul3A = arith.constant 2 : i32
    %mul3A_0 = arith.muli %arg1, %mul3A : i32
    %add3A = arith.addi %mul3A_0, %arg0 : i32
    %add3A_1 = arith.constant 0 : i32
    %add3A_2 = arith.addi %add3A, %add3A_1 : i32
    %lt3A = arith.constant 7813 : i32
    %lt3A_3 = arith.cmpi slt, %add3A_2, %lt3A : i32
    %convert_element_type3A = arith.extui %lt3A_3 : i1 to i32
    %cond3A = arith.constant 0 : i32
    %cond3A_4 = arith.cmpi ne, %convert_element_type3A, %cond3A : i32
    scf.if %cond3A_4 {
      %add3A_90 = arith.constant 0 : i32
      %add3A_91 = arith.addi %add3A, %add3A_90 : i32
      %dma_start3A = arith.constant 0 : i32
      %dma_start3A_92 = arith.constant 0 : i32
      %dma_start3A_93 = arith.constant 0 : i32
      %dma_start3A_94 = arith.constant 0 : i32
      %dma_start3A_95 = tpu.memref_slice %arg4[%dma_start3A, %dma_start3A_92, %dma_start3A_93, %dma_start3A_94] : memref<4x4x8x128xf32, #tpu.memory_space<vmem>> -> memref<1x4x8x128xf32, #tpu.memory_space<vmem>>
      %dma_start3A_96 = tpu.memref_squeeze %dma_start3A_95 : memref<1x4x8x128xf32, #tpu.memory_space<vmem>> -> memref<4x8x128xf32, #tpu.memory_space<vmem>>
      %dma_start3A_97 = arith.constant 0 : i32
      %dma_start3A_98 = arith.constant 0 : i32
      %dma_start3A_99 = arith.constant 0 : i32
      %dma_start3A_100 = tpu.memref_slice %arg2[%dma_start3A_97, %add3A_91, %dma_start3A_98, %dma_start3A_99] : memref<4x7813x8x128xf32, #tpu.memory_space<hbm>> -> memref<4x1x8x128xf32, #tpu.memory_space<hbm>>
      %dma_start3A_101 = tpu.memref_squeeze %dma_start3A_100 : memref<4x1x8x128xf32, #tpu.memory_space<hbm>> -> memref<4x8x128xf32, #tpu.memory_space<hbm>>
      %dma_start3A_102 = arith.constant 0 : i32
      %dma_start3A_103 = arith.constant 0 : i32
      %dma_start3A_104 = arith.constant 0 : i32
      %dma_start3A_105 = tpu.memref_slice %arg4[%dma_start3A, %dma_start3A_102, %dma_start3A_103, %dma_start3A_104] : memref<4x4x8x128xf32, #tpu.memory_space<vmem>> -> memref<1x4x8x128xf32, #tpu.memory_space<vmem>>
      %dma_start3A_106 = tpu.memref_squeeze %dma_start3A_105 : memref<1x4x8x128xf32, #tpu.memory_space<vmem>> -> memref<4x8x128xf32, #tpu.memory_space<vmem>>
      %dma_start3A_107 = arith.constant 0 : i32
      %dma_start3A_108 = arith.constant 0 : i32
      %dma_start3A_109 = arith.constant 0 : i32
      %dma_start3A_110 = tpu.memref_slice %arg2[%dma_start3A_107, %add3A_91, %dma_start3A_108, %dma_start3A_109] : memref<4x7813x8x128xf32, #tpu.memory_space<hbm>> -> memref<4x1x8x128xf32, #tpu.memory_space<hbm>>
      %dma_start3A_111 = tpu.memref_squeeze %dma_start3A_110 : memref<4x1x8x128xf32, #tpu.memory_space<hbm>> -> memref<4x8x128xf32, #tpu.memory_space<hbm>>
      tpu.enqueue_dma source(%dma_start3A_111 : memref<4x8x128xf32, #tpu.memory_space<hbm>>) target(%dma_start3A_106 : memref<4x8x128xf32, #tpu.memory_space<vmem>>) target_semaphore(%arg6 : memref<!tpu.dma_semaphore, #tpu.memory_space<semaphore_mem>>)
    } else {
    }
    %add3A_5 = arith.constant 32 : i32
    %add3A_6 = arith.addi %add3A, %add3A_5 : i32
    %lt3A_7 = arith.constant 7813 : i32
    %lt3A_8 = arith.cmpi slt, %add3A_6, %lt3A_7 : i32
    %convert_element_type3A_9 = arith.extui %lt3A_8 : i1 to i32
    %cond3A_10 = arith.constant 0 : i32
    %cond3A_11 = arith.cmpi ne, %convert_element_type3A_9, %cond3A_10 : i32
    scf.if %cond3A_11 {
      %add3A_90 = arith.constant 32 : i32
      %add3A_91 = arith.addi %add3A, %add3A_90 : i32
      %dma_start3A = arith.constant 1 : i32
      %dma_start3A_92 = arith.constant 0 : i32
      %dma_start3A_93 = arith.constant 0 : i32
      %dma_start3A_94 = arith.constant 0 : i32
      %dma_start3A_95 = tpu.memref_slice %arg4[%dma_start3A, %dma_start3A_92, %dma_start3A_93, %dma_start3A_94] : memref<4x4x8x128xf32, #tpu.memory_space<vmem>> -> memref<1x4x8x128xf32, #tpu.memory_space<vmem>>
      %dma_start3A_96 = tpu.memref_squeeze %dma_start3A_95 : memref<1x4x8x128xf32, #tpu.memory_space<vmem>> -> memref<4x8x128xf32, #tpu.memory_space<vmem>>
      %dma_start3A_97 = arith.constant 0 : i32
      %dma_start3A_98 = arith.constant 0 : i32
      %dma_start3A_99 = arith.constant 0 : i32
      %dma_start3A_100 = tpu.memref_slice %arg2[%dma_start3A_97, %add3A_91, %dma_start3A_98, %dma_start3A_99] : memref<4x7813x8x128xf32, #tpu.memory_space<hbm>> -> memref<4x1x8x128xf32, #tpu.memory_space<hbm>>
      %dma_start3A_101 = tpu.memref_squeeze %dma_start3A_100 : memref<4x1x8x128xf32, #tpu.memory_space<hbm>> -> memref<4x8x128xf32, #tpu.memory_space<hbm>>
      %dma_start3A_102 = arith.constant 0 : i32
      %dma_start3A_103 = arith.constant 0 : i32
      %dma_start3A_104 = arith.constant 0 : i32
      %dma_start3A_105 = tpu.memref_slice %arg4[%dma_start3A, %dma_start3A_102, %dma_start3A_103, %dma_start3A_104] : memref<4x4x8x128xf32, #tpu.memory_space<vmem>> -> memref<1x4x8x128xf32, #tpu.memory_space<vmem>>
      %dma_start3A_106 = tpu.memref_squeeze %dma_start3A_105 : memref<1x4x8x128xf32, #tpu.memory_space<vmem>> -> memref<4x8x128xf32, #tpu.memory_space<vmem>>
      %dma_start3A_107 = arith.constant 0 : i32
      %dma_start3A_108 = arith.constant 0 : i32
      %dma_start3A_109 = arith.constant 0 : i32
      %dma_start3A_110 = tpu.memref_slice %arg2[%dma_start3A_107, %add3A_91, %dma_start3A_108, %dma_start3A_109] : memref<4x7813x8x128xf32, #tpu.memory_space<hbm>> -> memref<4x1x8x128xf32, #tpu.memory_space<hbm>>
      %dma_start3A_111 = tpu.memref_squeeze %dma_start3A_110 : memref<4x1x8x128xf32, #tpu.memory_space<hbm>> -> memref<4x8x128xf32, #tpu.memory_space<hbm>>
      tpu.enqueue_dma source(%dma_start3A_111 : memref<4x8x128xf32, #tpu.memory_space<hbm>>) target(%dma_start3A_106 : memref<4x8x128xf32, #tpu.memory_space<vmem>>) target_semaphore(%arg7 : memref<!tpu.dma_semaphore, #tpu.memory_space<semaphore_mem>>)
    } else {
    }
    %add3A_12 = arith.constant 64 : i32
    %add3A_13 = arith.addi %add3A, %add3A_12 : i32
    %lt3A_14 = arith.constant 7813 : i32
    %lt3A_15 = arith.cmpi slt, %add3A_13, %lt3A_14 : i32
    %convert_element_type3A_16 = arith.extui %lt3A_15 : i1 to i32
    %cond3A_17 = arith.constant 0 : i32
    %cond3A_18 = arith.cmpi ne, %convert_element_type3A_16, %cond3A_17 : i32
    scf.if %cond3A_18 {
      %add3A_90 = arith.constant 64 : i32
      %add3A_91 = arith.addi %add3A, %add3A_90 : i32
      %dma_start3A = arith.constant 2 : i32
      %dma_start3A_92 = arith.constant 0 : i32
      %dma_start3A_93 = arith.constant 0 : i32
      %dma_start3A_94 = arith.constant 0 : i32
      %dma_start3A_95 = tpu.memref_slice %arg4[%dma_start3A, %dma_start3A_92, %dma_start3A_93, %dma_start3A_94] : memref<4x4x8x128xf32, #tpu.memory_space<vmem>> -> memref<1x4x8x128xf32, #tpu.memory_space<vmem>>
      %dma_start3A_96 = tpu.memref_squeeze %dma_start3A_95 : memref<1x4x8x128xf32, #tpu.memory_space<vmem>> -> memref<4x8x128xf32, #tpu.memory_space<vmem>>
      %dma_start3A_97 = arith.constant 0 : i32
      %dma_start3A_98 = arith.constant 0 : i32
      %dma_start3A_99 = arith.constant 0 : i32
      %dma_start3A_100 = tpu.memref_slice %arg2[%dma_start3A_97, %add3A_91, %dma_start3A_98, %dma_start3A_99] : memref<4x7813x8x128xf32, #tpu.memory_space<hbm>> -> memref<4x1x8x128xf32, #tpu.memory_space<hbm>>
      %dma_start3A_101 = tpu.memref_squeeze %dma_start3A_100 : memref<4x1x8x128xf32, #tpu.memory_space<hbm>> -> memref<4x8x128xf32, #tpu.memory_space<hbm>>
      %dma_start3A_102 = arith.constant 0 : i32
      %dma_start3A_103 = arith.constant 0 : i32
      %dma_start3A_104 = arith.constant 0 : i32
      %dma_start3A_105 = tpu.memref_slice %arg4[%dma_start3A, %dma_start3A_102, %dma_start3A_103, %dma_start3A_104] : memref<4x4x8x128xf32, #tpu.memory_space<vmem>> -> memref<1x4x8x128xf32, #tpu.memory_space<vmem>>
      %dma_start3A_106 = tpu.memref_squeeze %dma_start3A_105 : memref<1x4x8x128xf32, #tpu.memory_space<vmem>> -> memref<4x8x128xf32, #tpu.memory_space<vmem>>
      %dma_start3A_107 = arith.constant 0 : i32
      %dma_start3A_108 = arith.constant 0 : i32
      %dma_start3A_109 = arith.constant 0 : i32
      %dma_start3A_110 = tpu.memref_slice %arg2[%dma_start3A_107, %add3A_91, %dma_start3A_108, %dma_start3A_109] : memref<4x7813x8x128xf32, #tpu.memory_space<hbm>> -> memref<4x1x8x128xf32, #tpu.memory_space<hbm>>
      %dma_start3A_111 = tpu.memref_squeeze %dma_start3A_110 : memref<4x1x8x128xf32, #tpu.memory_space<hbm>> -> memref<4x8x128xf32, #tpu.memory_space<hbm>>
      tpu.enqueue_dma source(%dma_start3A_111 : memref<4x8x128xf32, #tpu.memory_space<hbm>>) target(%dma_start3A_106 : memref<4x8x128xf32, #tpu.memory_space<vmem>>) target_semaphore(%arg8 : memref<!tpu.dma_semaphore, #tpu.memory_space<semaphore_mem>>)
    } else {
    }
    %add3A_19 = arith.constant 96 : i32
    %add3A_20 = arith.addi %add3A, %add3A_19 : i32
    %lt3A_21 = arith.constant 7813 : i32
    %lt3A_22 = arith.cmpi slt, %add3A_20, %lt3A_21 : i32
    %convert_element_type3A_23 = arith.extui %lt3A_22 : i1 to i32
    %cond3A_24 = arith.constant 0 : i32
    %cond3A_25 = arith.cmpi ne, %convert_element_type3A_23, %cond3A_24 : i32
    scf.if %cond3A_25 {
      %add3A_90 = arith.constant 96 : i32
      %add3A_91 = arith.addi %add3A, %add3A_90 : i32
      %dma_start3A = arith.constant 3 : i32
      %dma_start3A_92 = arith.constant 0 : i32
      %dma_start3A_93 = arith.constant 0 : i32
      %dma_start3A_94 = arith.constant 0 : i32
      %dma_start3A_95 = tpu.memref_slice %arg4[%dma_start3A, %dma_start3A_92, %dma_start3A_93, %dma_start3A_94] : memref<4x4x8x128xf32, #tpu.memory_space<vmem>> -> memref<1x4x8x128xf32, #tpu.memory_space<vmem>>
      %dma_start3A_96 = tpu.memref_squeeze %dma_start3A_95 : memref<1x4x8x128xf32, #tpu.memory_space<vmem>> -> memref<4x8x128xf32, #tpu.memory_space<vmem>>
      %dma_start3A_97 = arith.constant 0 : i32
      %dma_start3A_98 = arith.constant 0 : i32
      %dma_start3A_99 = arith.constant 0 : i32
      %dma_start3A_100 = tpu.memref_slice %arg2[%dma_start3A_97, %add3A_91, %dma_start3A_98, %dma_start3A_99] : memref<4x7813x8x128xf32, #tpu.memory_space<hbm>> -> memref<4x1x8x128xf32, #tpu.memory_space<hbm>>
      %dma_start3A_101 = tpu.memref_squeeze %dma_start3A_100 : memref<4x1x8x128xf32, #tpu.memory_space<hbm>> -> memref<4x8x128xf32, #tpu.memory_space<hbm>>
      %dma_start3A_102 = arith.constant 0 : i32
      %dma_start3A_103 = arith.constant 0 : i32
      %dma_start3A_104 = arith.constant 0 : i32
      %dma_start3A_105 = tpu.memref_slice %arg4[%dma_start3A, %dma_start3A_102, %dma_start3A_103, %dma_start3A_104] : memref<4x4x8x128xf32, #tpu.memory_space<vmem>> -> memref<1x4x8x128xf32, #tpu.memory_space<vmem>>
      %dma_start3A_106 = tpu.memref_squeeze %dma_start3A_105 : memref<1x4x8x128xf32, #tpu.memory_space<vmem>> -> memref<4x8x128xf32, #tpu.memory_space<vmem>>
      %dma_start3A_107 = arith.constant 0 : i32
      %dma_start3A_108 = arith.constant 0 : i32
      %dma_start3A_109 = arith.constant 0 : i32
      %dma_start3A_110 = tpu.memref_slice %arg2[%dma_start3A_107, %add3A_91, %dma_start3A_108, %dma_start3A_109] : memref<4x7813x8x128xf32, #tpu.memory_space<hbm>> -> memref<4x1x8x128xf32, #tpu.memory_space<hbm>>
      %dma_start3A_111 = tpu.memref_squeeze %dma_start3A_110 : memref<4x1x8x128xf32, #tpu.memory_space<hbm>> -> memref<4x8x128xf32, #tpu.memory_space<hbm>>
      tpu.enqueue_dma source(%dma_start3A_111 : memref<4x8x128xf32, #tpu.memory_space<hbm>>) target(%dma_start3A_106 : memref<4x8x128xf32, #tpu.memory_space<vmem>>) target_semaphore(%arg9 : memref<!tpu.dma_semaphore, #tpu.memory_space<semaphore_mem>>)
    } else {
    }
    %scan3A = arith.constant 0 : i32
    %scan3A_26 = arith.constant 0 : i32
    %scan3A_27 = arith.constant 62 : i32
    %scan3A_28 = arith.addi %scan3A_26, %scan3A_27 : i32
    %scan3A_29 = arith.constant 1 : i32
    scf.for %scan3A_90 = %scan3A_26 to %scan3A_28 step %scan3A_29  : i32 {
      %mul3A_91 = arith.constant 4 : i32
      %mul3A_92 = arith.muli %mul3A_91, %scan3A_90 : i32
      %add3A_93 = arith.constant 0 : i32
      %add3A_94 = arith.addi %mul3A_92, %add3A_93 : i32
      %mul3A_95 = arith.constant 32 : i32
      %mul3A_96 = arith.muli %mul3A_95, %add3A_94 : i32
      %add3A_97 = arith.addi %add3A, %mul3A_96 : i32
      %lt3A_98 = arith.constant 7813 : i32
      %lt3A_99 = arith.cmpi slt, %add3A_97, %lt3A_98 : i32
      %convert_element_type3A_100 = arith.extui %lt3A_99 : i1 to i32
      %cond3A_101 = arith.constant 0 : i32
      %cond3A_102 = arith.cmpi ne, %convert_element_type3A_100, %cond3A_101 : i32
      scf.if %cond3A_102 {
        %dma_wait3A_179 = arith.constant 0 : i32
        %dma_wait3A_180 = arith.constant 0 : i32
        %dma_wait3A_181 = arith.constant 0 : i32
        %dma_wait3A_182 = arith.constant 0 : i32
        %dma_wait3A_183 = arith.constant 0 : i32
        %dma_wait3A_184 = tpu.memref_slice %arg4[%dma_wait3A_180, %dma_wait3A_181, %dma_wait3A_182, %dma_wait3A_183] : memref<4x4x8x128xf32, #tpu.memory_space<vmem>> -> memref<1x4x8x128xf32, #tpu.memory_space<vmem>>
        %dma_wait3A_185 = tpu.memref_squeeze %dma_wait3A_184 : memref<1x4x8x128xf32, #tpu.memory_space<vmem>> -> memref<4x8x128xf32, #tpu.memory_space<vmem>>
        %dma_wait3A_186 = arith.constant 0 : i32
        %dma_wait3A_187 = arith.constant 0 : i32
        %dma_wait3A_188 = arith.constant 0 : i32
        %dma_wait3A_189 = tpu.memref_slice %arg2[%dma_wait3A_186, %dma_wait3A_179, %dma_wait3A_187, %dma_wait3A_188] : memref<4x7813x8x128xf32, #tpu.memory_space<hbm>> -> memref<4x1x8x128xf32, #tpu.memory_space<hbm>>
        %dma_wait3A_190 = tpu.memref_squeeze %dma_wait3A_189 : memref<4x1x8x128xf32, #tpu.memory_space<hbm>> -> memref<4x8x128xf32, #tpu.memory_space<hbm>>
        %dma_wait3A_191 = arith.constant 0 : i32
        %dma_wait3A_192 = arith.constant 0 : i32
        %dma_wait3A_193 = arith.constant 0 : i32
        %dma_wait3A_194 = tpu.memref_slice %arg4[%dma_wait3A_180, %dma_wait3A_191, %dma_wait3A_192, %dma_wait3A_193] : memref<4x4x8x128xf32, #tpu.memory_space<vmem>> -> memref<1x4x8x128xf32, #tpu.memory_space<vmem>>
        %dma_wait3A_195 = tpu.memref_squeeze %dma_wait3A_194 : memref<1x4x8x128xf32, #tpu.memory_space<vmem>> -> memref<4x8x128xf32, #tpu.memory_space<vmem>>
        %dma_wait3A_196 = arith.constant 0 : i32
        %dma_wait3A_197 = arith.constant 0 : i32
        %dma_wait3A_198 = arith.constant 0 : i32
        %dma_wait3A_199 = tpu.memref_slice %arg2[%dma_wait3A_196, %dma_wait3A_179, %dma_wait3A_197, %dma_wait3A_198] : memref<4x7813x8x128xf32, #tpu.memory_space<hbm>> -> memref<4x1x8x128xf32, #tpu.memory_space<hbm>>
        %dma_wait3A_200 = tpu.memref_squeeze %dma_wait3A_199 : memref<4x1x8x128xf32, #tpu.memory_space<hbm>> -> memref<4x8x128xf32, #tpu.memory_space<hbm>>
        tpu.wait_dma2 semaphore(%arg6 : memref<!tpu.dma_semaphore, #tpu.memory_space<semaphore_mem>>) src(%dma_wait3A_200 : memref<4x8x128xf32, #tpu.memory_space<hbm>>) dst(%dma_wait3A_195 : memref<4x8x128xf32, #tpu.memory_space<vmem>>)
        %ge3A = arith.constant 4 : i32
        %ge3A_201 = arith.cmpi sge, %add3A_94, %ge3A : i32
        %convert_element_type3A_202 = arith.extui %ge3A_201 : i1 to i32
        %cond3A_203 = arith.constant 0 : i32
        %cond3A_204 = arith.cmpi ne, %convert_element_type3A_202, %cond3A_203 : i32
        scf.if %cond3A_204 {
          %dma_wait3A_224 = arith.constant 0 : i32
          %dma_wait3A_225 = arith.constant 0 : i32
          %dma_wait3A_226 = arith.constant 0 : i32
          %dma_wait3A_227 = tpu.memref_slice %arg5[%dma_wait3A_224, %dma_wait3A_225, %dma_wait3A_226] : memref<4x128x33xf32, #tpu.memory_space<vmem>> -> memref<1x128x32xf32, #tpu.memory_space<vmem>>
          %dma_wait3A_228 = tpu.memref_squeeze %dma_wait3A_227 : memref<1x128x32xf32, #tpu.memory_space<vmem>> -> memref<128x32xf32, #tpu.memory_space<vmem>>
          %dma_wait3A_229 = arith.constant 0 : i32
          %dma_wait3A_230 = arith.constant 0 : i32
          %dma_wait3A_231 = tpu.memref_slice %arg3[%dma_wait3A_229, %dma_wait3A_230] : memref<1000064x32xf32, #tpu.memory_space<hbm>> -> memref<128x32xf32, #tpu.memory_space<hbm>>
          %dma_wait3A_232 = arith.constant 0 : i32
          %dma_wait3A_233 = arith.constant 0 : i32
          %dma_wait3A_234 = tpu.memref_slice %arg3[%dma_wait3A_232, %dma_wait3A_233] : memref<1000064x32xf32, #tpu.memory_space<hbm>> -> memref<128x32xf32, #tpu.memory_space<hbm>>
          %dma_wait3A_235 = arith.constant 0 : i32
          %dma_wait3A_236 = arith.constant 0 : i32
          %dma_wait3A_237 = tpu.memref_slice %arg5[%dma_wait3A_224, %dma_wait3A_235, %dma_wait3A_236] : memref<4x128x33xf32, #tpu.memory_space<vmem>> -> memref<1x128x32xf32, #tpu.memory_space<vmem>>
          %dma_wait3A_238 = tpu.memref_squeeze %dma_wait3A_237 : memref<1x128x32xf32, #tpu.memory_space<vmem>> -> memref<128x32xf32, #tpu.memory_space<vmem>>
          tpu.wait_dma2 semaphore(%arg10 : memref<!tpu.dma_semaphore, #tpu.memory_space<semaphore_mem>>) src(%dma_wait3A_238 : memref<128x32xf32, #tpu.memory_space<vmem>>) dst(%dma_wait3A_234 : memref<128x32xf32, #tpu.memory_space<hbm>>)
        } else {
        }
        %parallel_loop3A = arith.constant 0 : i32
        %parallel_loop3A_205 = arith.constant 32 : i32
        %parallel_loop3A_206 = arith.constant 1 : i32
        scf.for %parallel_loop3A_224 = %parallel_loop3A to %parallel_loop3A_205 step %parallel_loop3A_206  : i32 {
          %parallel_loop3A_225 = arith.constant 1 : i32
          %parallel_loop3A_226 = vector.broadcast %parallel_loop3A_225 : i32 to vector<16xi32>
          %parallel_loop3A_227 = vector.broadcast %parallel_loop3A_224 : i32 to vector<16xi32>
          %parallel_loop3A_228 = arith.muli %parallel_loop3A_226, %parallel_loop3A_227 : vector<16xi32>
          %parallel_loop3A_229 = arith.constant 8 : i32
          %parallel_loop3A_230 = arith.divsi %parallel_loop3A_224, %parallel_loop3A_229 : i32
          %parallel_loop3A_231 = arith.constant 0 : i32
          %parallel_loop3A_232 = arith.cmpi sgt, %parallel_loop3A_224, %parallel_loop3A_231 : i32
          %parallel_loop3A_233 = arith.extui %parallel_loop3A_232 : i1 to i32
          %parallel_loop3A_234 = arith.constant 0 : i32
          %parallel_loop3A_235 = arith.cmpi slt, %parallel_loop3A_224, %parallel_loop3A_234 : i32
          %parallel_loop3A_236 = arith.extui %parallel_loop3A_235 : i1 to i32
          %parallel_loop3A_237 = arith.subi %parallel_loop3A_233, %parallel_loop3A_236 : i32
          %parallel_loop3A_238 = arith.constant 0 : i32
          %parallel_loop3A_239 = arith.cmpi sgt, %parallel_loop3A_229, %parallel_loop3A_238 : i32
          %parallel_loop3A_240 = arith.extui %parallel_loop3A_239 : i1 to i32
          %parallel_loop3A_241 = arith.constant 0 : i32
          %parallel_loop3A_242 = arith.cmpi slt, %parallel_loop3A_229, %parallel_loop3A_241 : i32
          %parallel_loop3A_243 = arith.extui %parallel_loop3A_242 : i1 to i32
          %parallel_loop3A_244 = arith.subi %parallel_loop3A_240, %parallel_loop3A_243 : i32
          %parallel_loop3A_245 = arith.cmpi ne, %parallel_loop3A_237, %parallel_loop3A_244 : i32
          %parallel_loop3A_246 = arith.remsi %parallel_loop3A_224, %parallel_loop3A_229 : i32
          %parallel_loop3A_247 = arith.constant 0 : i32
          %parallel_loop3A_248 = arith.cmpi ne, %parallel_loop3A_246, %parallel_loop3A_247 : i32
          %parallel_loop3A_249 = arith.andi %parallel_loop3A_245, %parallel_loop3A_248 : i1
          %parallel_loop3A_250 = arith.constant 1 : i32
          %parallel_loop3A_251 = arith.subi %parallel_loop3A_230, %parallel_loop3A_250 : i32
          %parallel_loop3A_252 = arith.select %parallel_loop3A_249, %parallel_loop3A_251, %parallel_loop3A_230 : i32
          %parallel_loop3A_253 = arith.constant 8 : i32
          %parallel_loop3A_254 = arith.constant 0 : i32
          %parallel_loop3A_255 = arith.cmpi eq, %parallel_loop3A_253, %parallel_loop3A_254 : i32
          %parallel_loop3A_256 = arith.constant 1 : i32
          %parallel_loop3A_257 = arith.select %parallel_loop3A_255, %parallel_loop3A_256, %parallel_loop3A_253 : i32
          %parallel_loop3A_258 = arith.remsi %parallel_loop3A_224, %parallel_loop3A_257 : i32
          %parallel_loop3A_259 = arith.constant 0 : i32
          %parallel_loop3A_260 = arith.cmpi ne, %parallel_loop3A_258, %parallel_loop3A_259 : i32
          %parallel_loop3A_261 = arith.constant 0 : i32
          %parallel_loop3A_262 = arith.cmpi slt, %parallel_loop3A_258, %parallel_loop3A_261 : i32
          %parallel_loop3A_263 = arith.constant 0 : i32
          %parallel_loop3A_264 = arith.cmpi slt, %parallel_loop3A_257, %parallel_loop3A_263 : i32
          %parallel_loop3A_265 = arith.xori %parallel_loop3A_262, %parallel_loop3A_264 : i1
          %parallel_loop3A_266 = arith.andi %parallel_loop3A_265, %parallel_loop3A_260 : i1
          %parallel_loop3A_267 = arith.addi %parallel_loop3A_258, %parallel_loop3A_257 : i32
          %parallel_loop3A_268 = arith.select %parallel_loop3A_266, %parallel_loop3A_267, %parallel_loop3A_258 : i32
          %parallel_loop3A_269 = arith.constant 0 : i32
          %parallel_loop3A_270 = arith.index_cast %parallel_loop3A_269 : i32 to index
          %parallel_loop3A_271 = arith.index_cast %parallel_loop3A_252 : i32 to index
          %parallel_loop3A_272 = arith.index_cast %parallel_loop3A_268 : i32 to index
          %parallel_loop3A_273 = arith.constant 0 : index
          %parallel_loop3A_274 = tpu.vector_load %arg4[%parallel_loop3A_270, %parallel_loop3A_271, %parallel_loop3A_272, %parallel_loop3A_273] {strides = array<i32>} : memref<4x4x8x128xf32, #tpu.memory_space<vmem>>, vector<16xf32>,
          %parallel_loop3A_275 = arith.constant 0 : i32
          %parallel_loop3A_276 = vector.broadcast %parallel_loop3A_275 : i32 to vector<16xi32>
          %parallel_loop3A_277 = arith.addi %iota3A, %parallel_loop3A_276 : vector<16xi32>
          %parallel_loop3A_278 = arith.constant 0 : i32
          %parallel_loop3A_279 = arith.constant 0 : i32
          %parallel_loop3A_280 = arith.constant 0 : i32
          %parallel_loop3A_281 = tpu.memref_slice %arg5[%parallel_loop3A_278, %parallel_loop3A_279, %parallel_loop3A_280] : memref<4x128x33xf32, #tpu.memory_space<vmem>> -> memref<1x128x33xf32, #tpu.memory_space<vmem>>
          %parallel_loop3A_282 = tpu.memref_squeeze %parallel_loop3A_281 : memref<1x128x33xf32, #tpu.memory_space<vmem>> -> memref<128x33xf32, #tpu.memory_space<vmem>>
          tpu.vector_store_idx %parallel_loop3A_282[%parallel_loop3A_277, %parallel_loop3A_228], %parallel_loop3A_274 : memref<128x33xf32, #tpu.memory_space<vmem>>[vector<16xi32>, vector<16xi32>], vector<16xf32>,
          %parallel_loop3A_283 = arith.constant 8 : i32
          %parallel_loop3A_284 = arith.divsi %parallel_loop3A_224, %parallel_loop3A_283 : i32
          %parallel_loop3A_285 = arith.constant 0 : i32
          %parallel_loop3A_286 = arith.cmpi sgt, %parallel_loop3A_224, %parallel_loop3A_285 : i32
          %parallel_loop3A_287 = arith.extui %parallel_loop3A_286 : i1 to i32
          %parallel_loop3A_288 = arith.constant 0 : i32
          %parallel_loop3A_289 = arith.cmpi slt, %parallel_loop3A_224, %parallel_loop3A_288 : i32
          %parallel_loop3A_290 = arith.extui %parallel_loop3A_289 : i1 to i32
          %parallel_loop3A_291 = arith.subi %parallel_loop3A_287, %parallel_loop3A_290 : i32
          %parallel_loop3A_292 = arith.constant 0 : i32
          %parallel_loop3A_293 = arith.cmpi sgt, %parallel_loop3A_283, %parallel_loop3A_292 : i32
          %parallel_loop3A_294 = arith.extui %parallel_loop3A_293 : i1 to i32
          %parallel_loop3A_295 = arith.constant 0 : i32
          %parallel_loop3A_296 = arith.cmpi slt, %parallel_loop3A_283, %parallel_loop3A_295 : i32
          %parallel_loop3A_297 = arith.extui %parallel_loop3A_296 : i1 to i32
          %parallel_loop3A_298 = arith.subi %parallel_loop3A_294, %parallel_loop3A_297 : i32
          %parallel_loop3A_299 = arith.cmpi ne, %parallel_loop3A_291, %parallel_loop3A_298 : i32
          %parallel_loop3A_300 = arith.remsi %parallel_loop3A_224, %parallel_loop3A_283 : i32
          %parallel_loop3A_301 = arith.constant 0 : i32
          %parallel_loop3A_302 = arith.cmpi ne, %parallel_loop3A_300, %parallel_loop3A_301 : i32
          %parallel_loop3A_303 = arith.andi %parallel_loop3A_299, %parallel_loop3A_302 : i1
          %parallel_loop3A_304 = arith.constant 1 : i32
          %parallel_loop3A_305 = arith.subi %parallel_loop3A_284, %parallel_loop3A_304 : i32
          %parallel_loop3A_306 = arith.select %parallel_loop3A_303, %parallel_loop3A_305, %parallel_loop3A_284 : i32
          %parallel_loop3A_307 = arith.constant 8 : i32
          %parallel_loop3A_308 = arith.constant 0 : i32
          %parallel_loop3A_309 = arith.cmpi eq, %parallel_loop3A_307, %parallel_loop3A_308 : i32
          %parallel_loop3A_310 = arith.constant 1 : i32
          %parallel_loop3A_311 = arith.select %parallel_loop3A_309, %parallel_loop3A_310, %parallel_loop3A_307 : i32
          %parallel_loop3A_312 = arith.remsi %parallel_loop3A_224, %parallel_loop3A_311 : i32
          %parallel_loop3A_313 = arith.constant 0 : i32
          %parallel_loop3A_314 = arith.cmpi ne, %parallel_loop3A_312, %parallel_loop3A_313 : i32
          %parallel_loop3A_315 = arith.constant 0 : i32
          %parallel_loop3A_316 = arith.cmpi slt, %parallel_loop3A_312, %parallel_loop3A_315 : i32
          %parallel_loop3A_317 = arith.constant 0 : i32
          %parallel_loop3A_318 = arith.cmpi slt, %parallel_loop3A_311, %parallel_loop3A_317 : i32
          %parallel_loop3A_319 = arith.xori %parallel_loop3A_316, %parallel_loop3A_318 : i1
          %parallel_loop3A_320 = arith.andi %parallel_loop3A_319, %parallel_loop3A_314 : i1
          %parallel_loop3A_321 = arith.addi %parallel_loop3A_312, %parallel_loop3A_311 : i32
          %parallel_loop3A_322 = arith.select %parallel_loop3A_320, %parallel_loop3A_321, %parallel_loop3A_312 : i32
          %parallel_loop3A_323 = arith.constant 0 : i32
          %parallel_loop3A_324 = arith.index_cast %parallel_loop3A_323 : i32 to index
          %parallel_loop3A_325 = arith.index_cast %parallel_loop3A_306 : i32 to index
          %parallel_loop3A_326 = arith.index_cast %parallel_loop3A_322 : i32 to index
          %parallel_loop3A_327 = arith.constant 16 : index
          %parallel_loop3A_328 = tpu.vector_load %arg4[%parallel_loop3A_324, %parallel_loop3A_325, %parallel_loop3A_326, %parallel_loop3A_327] {strides = array<i32>} : memref<4x4x8x128xf32, #tpu.memory_space<vmem>>, vector<16xf32>,
          %parallel_loop3A_329 = arith.constant 16 : i32
          %parallel_loop3A_330 = vector.broadcast %parallel_loop3A_329 : i32 to vector<16xi32>
          %parallel_loop3A_331 = arith.addi %iota3A, %parallel_loop3A_330 : vector<16xi32>
          %parallel_loop3A_332 = arith.constant 0 : i32
          %parallel_loop3A_333 = arith.constant 0 : i32
          %parallel_loop3A_334 = arith.constant 0 : i32
          %parallel_loop3A_335 = tpu.memref_slice %arg5[%parallel_loop3A_332, %parallel_loop3A_333, %parallel_loop3A_334] : memref<4x128x33xf32, #tpu.memory_space<vmem>> -> memref<1x128x33xf32, #tpu.memory_space<vmem>>
          %parallel_loop3A_336 = tpu.memref_squeeze %parallel_loop3A_335 : memref<1x128x33xf32, #tpu.memory_space<vmem>> -> memref<128x33xf32, #tpu.memory_space<vmem>>
          tpu.vector_store_idx %parallel_loop3A_336[%parallel_loop3A_331, %parallel_loop3A_228], %parallel_loop3A_328 : memref<128x33xf32, #tpu.memory_space<vmem>>[vector<16xi32>, vector<16xi32>], vector<16xf32>,
          %parallel_loop3A_337 = arith.constant 8 : i32
          %parallel_loop3A_338 = arith.divsi %parallel_loop3A_224, %parallel_loop3A_337 : i32
          %parallel_loop3A_339 = arith.constant 0 : i32
          %parallel_loop3A_340 = arith.cmpi sgt, %parallel_loop3A_224, %parallel_loop3A_339 : i32
          %parallel_loop3A_341 = arith.extui %parallel_loop3A_340 : i1 to i32
          %parallel_loop3A_342 = arith.constant 0 : i32
          %parallel_loop3A_343 = arith.cmpi slt, %parallel_loop3A_224, %parallel_loop3A_342 : i32
          %parallel_loop3A_344 = arith.extui %parallel_loop3A_343 : i1 to i32
          %parallel_loop3A_345 = arith.subi %parallel_loop3A_341, %parallel_loop3A_344 : i32
          %parallel_loop3A_346 = arith.constant 0 : i32
          %parallel_loop3A_347 = arith.cmpi sgt, %parallel_loop3A_337, %parallel_loop3A_346 : i32
          %parallel_loop3A_348 = arith.extui %parallel_loop3A_347 : i1 to i32
          %parallel_loop3A_349 = arith.constant 0 : i32
          %parallel_loop3A_350 = arith.cmpi slt, %parallel_loop3A_337, %parallel_loop3A_349 : i32
          %parallel_loop3A_351 = arith.extui %parallel_loop3A_350 : i1 to i32
          %parallel_loop3A_352 = arith.subi %parallel_loop3A_348, %parallel_loop3A_351 : i32
          %parallel_loop3A_353 = arith.cmpi ne, %parallel_loop3A_345, %parallel_loop3A_352 : i32
          %parallel_loop3A_354 = arith.remsi %parallel_loop3A_224, %parallel_loop3A_337 : i32
          %parallel_loop3A_355 = arith.constant 0 : i32
          %parallel_loop3A_356 = arith.cmpi ne, %parallel_loop3A_354, %parallel_loop3A_355 : i32
          %parallel_loop3A_357 = arith.andi %parallel_loop3A_353, %parallel_loop3A_356 : i1
          %parallel_loop3A_358 = arith.constant 1 : i32
          %parallel_loop3A_359 = arith.subi %parallel_loop3A_338, %parallel_loop3A_358 : i32
          %parallel_loop3A_360 = arith.select %parallel_loop3A_357, %parallel_loop3A_359, %parallel_loop3A_338 : i32
          %parallel_loop3A_361 = arith.constant 8 : i32
          %parallel_loop3A_362 = arith.constant 0 : i32
          %parallel_loop3A_363 = arith.cmpi eq, %parallel_loop3A_361, %parallel_loop3A_362 : i32
          %parallel_loop3A_364 = arith.constant 1 : i32
          %parallel_loop3A_365 = arith.select %parallel_loop3A_363, %parallel_loop3A_364, %parallel_loop3A_361 : i32
          %parallel_loop3A_366 = arith.remsi %parallel_loop3A_224, %parallel_loop3A_365 : i32
          %parallel_loop3A_367 = arith.constant 0 : i32
          %parallel_loop3A_368 = arith.cmpi ne, %parallel_loop3A_366, %parallel_loop3A_367 : i32
          %parallel_loop3A_369 = arith.constant 0 : i32
          %parallel_loop3A_370 = arith.cmpi slt, %parallel_loop3A_366, %parallel_loop3A_369 : i32
          %parallel_loop3A_371 = arith.constant 0 : i32
          %parallel_loop3A_372 = arith.cmpi slt, %parallel_loop3A_365, %parallel_loop3A_371 : i32
          %parallel_loop3A_373 = arith.xori %parallel_loop3A_370, %parallel_loop3A_372 : i1
          %parallel_loop3A_374 = arith.andi %parallel_loop3A_373, %parallel_loop3A_368 : i1
          %parallel_loop3A_375 = arith.addi %parallel_loop3A_366, %parallel_loop3A_365 : i32
          %parallel_loop3A_376 = arith.select %parallel_loop3A_374, %parallel_loop3A_375, %parallel_loop3A_366 : i32
          %parallel_loop3A_377 = arith.constant 0 : i32
          %parallel_loop3A_378 = arith.index_cast %parallel_loop3A_377 : i32 to index
          %parallel_loop3A_379 = arith.index_cast %parallel_loop3A_360 : i32 to index
          %parallel_loop3A_380 = arith.index_cast %parallel_loop3A_376 : i32 to index
          %parallel_loop3A_381 = arith.constant 32 : index
          %parallel_loop3A_382 = tpu.vector_load %arg4[%parallel_loop3A_378, %parallel_loop3A_379, %parallel_loop3A_380, %parallel_loop3A_381] {strides = array<i32>} : memref<4x4x8x128xf32, #tpu.memory_space<vmem>>, vector<16xf32>,
          %parallel_loop3A_383 = arith.constant 32 : i32
          %parallel_loop3A_384 = vector.broadcast %parallel_loop3A_383 : i32 to vector<16xi32>
          %parallel_loop3A_385 = arith.addi %iota3A, %parallel_loop3A_384 : vector<16xi32>
          %parallel_loop3A_386 = arith.constant 0 : i32
          %parallel_loop3A_387 = arith.constant 0 : i32
          %parallel_loop3A_388 = arith.constant 0 : i32
          %parallel_loop3A_389 = tpu.memref_slice %arg5[%parallel_loop3A_386, %parallel_loop3A_387, %parallel_loop3A_388] : memref<4x128x33xf32, #tpu.memory_space<vmem>> -> memref<1x128x33xf32, #tpu.memory_space<vmem>>
          %parallel_loop3A_390 = tpu.memref_squeeze %parallel_loop3A_389 : memref<1x128x33xf32, #tpu.memory_space<vmem>> -> memref<128x33xf32, #tpu.memory_space<vmem>>
          tpu.vector_store_idx %parallel_loop3A_390[%parallel_loop3A_385, %parallel_loop3A_228], %parallel_loop3A_382 : memref<128x33xf32, #tpu.memory_space<vmem>>[vector<16xi32>, vector<16xi32>], vector<16xf32>,
          %parallel_loop3A_391 = arith.constant 8 : i32
          %parallel_loop3A_392 = arith.divsi %parallel_loop3A_224, %parallel_loop3A_391 : i32
          %parallel_loop3A_393 = arith.constant 0 : i32
          %parallel_loop3A_394 = arith.cmpi sgt, %parallel_loop3A_224, %parallel_loop3A_393 : i32
          %parallel_loop3A_395 = arith.extui %parallel_loop3A_394 : i1 to i32
          %parallel_loop3A_396 = arith.constant 0 : i32
          %parallel_loop3A_397 = arith.cmpi slt, %parallel_loop3A_224, %parallel_loop3A_396 : i32
          %parallel_loop3A_398 = arith.extui %parallel_loop3A_397 : i1 to i32
          %parallel_loop3A_399 = arith.subi %parallel_loop3A_395, %parallel_loop3A_398 : i32
          %parallel_loop3A_400 = arith.constant 0 : i32
          %parallel_loop3A_401 = arith.cmpi sgt, %parallel_loop3A_391, %parallel_loop3A_400 : i32
          %parallel_loop3A_402 = arith.extui %parallel_loop3A_401 : i1 to i32
          %parallel_loop3A_403 = arith.constant 0 : i32
          %parallel_loop3A_404 = arith.cmpi slt, %parallel_loop3A_391, %parallel_loop3A_403 : i32
          %parallel_loop3A_405 = arith.extui %parallel_loop3A_404 : i1 to i32
          %parallel_loop3A_406 = arith.subi %parallel_loop3A_402, %parallel_loop3A_405 : i32
          %parallel_loop3A_407 = arith.cmpi ne, %parallel_loop3A_399, %parallel_loop3A_406 : i32
          %parallel_loop3A_408 = arith.remsi %parallel_loop3A_224, %parallel_loop3A_391 : i32
          %parallel_loop3A_409 = arith.constant 0 : i32
          %parallel_loop3A_410 = arith.cmpi ne, %parallel_loop3A_408, %parallel_loop3A_409 : i32
          %parallel_loop3A_411 = arith.andi %parallel_loop3A_407, %parallel_loop3A_410 : i1
          %parallel_loop3A_412 = arith.constant 1 : i32
          %parallel_loop3A_413 = arith.subi %parallel_loop3A_392, %parallel_loop3A_412 : i32
          %parallel_loop3A_414 = arith.select %parallel_loop3A_411, %parallel_loop3A_413, %parallel_loop3A_392 : i32
          %parallel_loop3A_415 = arith.constant 8 : i32
          %parallel_loop3A_416 = arith.constant 0 : i32
          %parallel_loop3A_417 = arith.cmpi eq, %parallel_loop3A_415, %parallel_loop3A_416 : i32
          %parallel_loop3A_418 = arith.constant 1 : i32
          %parallel_loop3A_419 = arith.select %parallel_loop3A_417, %parallel_loop3A_418, %parallel_loop3A_415 : i32
          %parallel_loop3A_420 = arith.remsi %parallel_loop3A_224, %parallel_loop3A_419 : i32
          %parallel_loop3A_421 = arith.constant 0 : i32
          %parallel_loop3A_422 = arith.cmpi ne, %parallel_loop3A_420, %parallel_loop3A_421 : i32
          %parallel_loop3A_423 = arith.constant 0 : i32
          %parallel_loop3A_424 = arith.cmpi slt, %parallel_loop3A_420, %parallel_loop3A_423 : i32
          %parallel_loop3A_425 = arith.constant 0 : i32
          %parallel_loop3A_426 = arith.cmpi slt, %parallel_loop3A_419, %parallel_loop3A_425 : i32
          %parallel_loop3A_427 = arith.xori %parallel_loop3A_424, %parallel_loop3A_426 : i1
          %parallel_loop3A_428 = arith.andi %parallel_loop3A_427, %parallel_loop3A_422 : i1
          %parallel_loop3A_429 = arith.addi %parallel_loop3A_420, %parallel_loop3A_419 : i32
          %parallel_loop3A_430 = arith.select %parallel_loop3A_428, %parallel_loop3A_429, %parallel_loop3A_420 : i32
          %parallel_loop3A_431 = arith.constant 0 : i32
          %parallel_loop3A_432 = arith.index_cast %parallel_loop3A_431 : i32 to index
          %parallel_loop3A_433 = arith.index_cast %parallel_loop3A_414 : i32 to index
          %parallel_loop3A_434 = arith.index_cast %parallel_loop3A_430 : i32 to index
          %parallel_loop3A_435 = arith.constant 48 : index
          %parallel_loop3A_436 = tpu.vector_load %arg4[%parallel_loop3A_432, %parallel_loop3A_433, %parallel_loop3A_434, %parallel_loop3A_435] {strides = array<i32>} : memref<4x4x8x128xf32, #tpu.memory_space<vmem>>, vector<16xf32>,
          %parallel_loop3A_437 = arith.constant 48 : i32
          %parallel_loop3A_438 = vector.broadcast %parallel_loop3A_437 : i32 to vector<16xi32>
          %parallel_loop3A_439 = arith.addi %iota3A, %parallel_loop3A_438 : vector<16xi32>
          %parallel_loop3A_440 = arith.constant 0 : i32
          %parallel_loop3A_441 = arith.constant 0 : i32
          %parallel_loop3A_442 = arith.constant 0 : i32
          %parallel_loop3A_443 = tpu.memref_slice %arg5[%parallel_loop3A_440, %parallel_loop3A_441, %parallel_loop3A_442] : memref<4x128x33xf32, #tpu.memory_space<vmem>> -> memref<1x128x33xf32, #tpu.memory_space<vmem>>
          %parallel_loop3A_444 = tpu.memref_squeeze %parallel_loop3A_443 : memref<1x128x33xf32, #tpu.memory_space<vmem>> -> memref<128x33xf32, #tpu.memory_space<vmem>>
          tpu.vector_store_idx %parallel_loop3A_444[%parallel_loop3A_439, %parallel_loop3A_228], %parallel_loop3A_436 : memref<128x33xf32, #tpu.memory_space<vmem>>[vector<16xi32>, vector<16xi32>], vector<16xf32>,
          %parallel_loop3A_445 = arith.constant 8 : i32
          %parallel_loop3A_446 = arith.divsi %parallel_loop3A_224, %parallel_loop3A_445 : i32
          %parallel_loop3A_447 = arith.constant 0 : i32
          %parallel_loop3A_448 = arith.cmpi sgt, %parallel_loop3A_224, %parallel_loop3A_447 : i32
          %parallel_loop3A_449 = arith.extui %parallel_loop3A_448 : i1 to i32
          %parallel_loop3A_450 = arith.constant 0 : i32
          %parallel_loop3A_451 = arith.cmpi slt, %parallel_loop3A_224, %parallel_loop3A_450 : i32
          %parallel_loop3A_452 = arith.extui %parallel_loop3A_451 : i1 to i32
          %parallel_loop3A_453 = arith.subi %parallel_loop3A_449, %parallel_loop3A_452 : i32
          %parallel_loop3A_454 = arith.constant 0 : i32
          %parallel_loop3A_455 = arith.cmpi sgt, %parallel_loop3A_445, %parallel_loop3A_454 : i32
          %parallel_loop3A_456 = arith.extui %parallel_loop3A_455 : i1 to i32
          %parallel_loop3A_457 = arith.constant 0 : i32
          %parallel_loop3A_458 = arith.cmpi slt, %parallel_loop3A_445, %parallel_loop3A_457 : i32
          %parallel_loop3A_459 = arith.extui %parallel_loop3A_458 : i1 to i32
          %parallel_loop3A_460 = arith.subi %parallel_loop3A_456, %parallel_loop3A_459 : i32
          %parallel_loop3A_461 = arith.cmpi ne, %parallel_loop3A_453, %parallel_loop3A_460 : i32
          %parallel_loop3A_462 = arith.remsi %parallel_loop3A_224, %parallel_loop3A_445 : i32
          %parallel_loop3A_463 = arith.constant 0 : i32
          %parallel_loop3A_464 = arith.cmpi ne, %parallel_loop3A_462, %parallel_loop3A_463 : i32
          %parallel_loop3A_465 = arith.andi %parallel_loop3A_461, %parallel_loop3A_464 : i1
          %parallel_loop3A_466 = arith.constant 1 : i32
          %parallel_loop3A_467 = arith.subi %parallel_loop3A_446, %parallel_loop3A_466 : i32
          %parallel_loop3A_468 = arith.select %parallel_loop3A_465, %parallel_loop3A_467, %parallel_loop3A_446 : i32
          %parallel_loop3A_469 = arith.constant 8 : i32
          %parallel_loop3A_470 = arith.constant 0 : i32
          %parallel_loop3A_471 = arith.cmpi eq, %parallel_loop3A_469, %parallel_loop3A_470 : i32
          %parallel_loop3A_472 = arith.constant 1 : i32
          %parallel_loop3A_473 = arith.select %parallel_loop3A_471, %parallel_loop3A_472, %parallel_loop3A_469 : i32
          %parallel_loop3A_474 = arith.remsi %parallel_loop3A_224, %parallel_loop3A_473 : i32
          %parallel_loop3A_475 = arith.constant 0 : i32
          %parallel_loop3A_476 = arith.cmpi ne, %parallel_loop3A_474, %parallel_loop3A_475 : i32
          %parallel_loop3A_477 = arith.constant 0 : i32
          %parallel_loop3A_478 = arith.cmpi slt, %parallel_loop3A_474, %parallel_loop3A_477 : i32
          %parallel_loop3A_479 = arith.constant 0 : i32
          %parallel_loop3A_480 = arith.cmpi slt, %parallel_loop3A_473, %parallel_loop3A_479 : i32
          %parallel_loop3A_481 = arith.xori %parallel_loop3A_478, %parallel_loop3A_480 : i1
          %parallel_loop3A_482 = arith.andi %parallel_loop3A_481, %parallel_loop3A_476 : i1
          %parallel_loop3A_483 = arith.addi %parallel_loop3A_474, %parallel_loop3A_473 : i32
          %parallel_loop3A_484 = arith.select %parallel_loop3A_482, %parallel_loop3A_483, %parallel_loop3A_474 : i32
          %parallel_loop3A_485 = arith.constant 0 : i32
          %parallel_loop3A_486 = arith.index_cast %parallel_loop3A_485 : i32 to index
          %parallel_loop3A_487 = arith.index_cast %parallel_loop3A_468 : i32 to index
          %parallel_loop3A_488 = arith.index_cast %parallel_loop3A_484 : i32 to index
          %parallel_loop3A_489 = arith.constant 64 : index
          %parallel_loop3A_490 = tpu.vector_load %arg4[%parallel_loop3A_486, %parallel_loop3A_487, %parallel_loop3A_488, %parallel_loop3A_489] {strides = array<i32>} : memref<4x4x8x128xf32, #tpu.memory_space<vmem>>, vector<16xf32>,
          %parallel_loop3A_491 = arith.constant 64 : i32
          %parallel_loop3A_492 = vector.broadcast %parallel_loop3A_491 : i32 to vector<16xi32>
          %parallel_loop3A_493 = arith.addi %iota3A, %parallel_loop3A_492 : vector<16xi32>
          %parallel_loop3A_494 = arith.constant 0 : i32
          %parallel_loop3A_495 = arith.constant 0 : i32
          %parallel_loop3A_496 = arith.constant 0 : i32
          %parallel_loop3A_497 = tpu.memref_slice %arg5[%parallel_loop3A_494, %parallel_loop3A_495, %parallel_loop3A_496] : memref<4x128x33xf32, #tpu.memory_space<vmem>> -> memref<1x128x33xf32, #tpu.memory_space<vmem>>
          %parallel_loop3A_498 = tpu.memref_squeeze %parallel_loop3A_497 : memref<1x128x33xf32, #tpu.memory_space<vmem>> -> memref<128x33xf32, #tpu.memory_space<vmem>>
          tpu.vector_store_idx %parallel_loop3A_498[%parallel_loop3A_493, %parallel_loop3A_228], %parallel_loop3A_490 : memref<128x33xf32, #tpu.memory_space<vmem>>[vector<16xi32>, vector<16xi32>], vector<16xf32>,
          %parallel_loop3A_499 = arith.constant 8 : i32
          %parallel_loop3A_500 = arith.divsi %parallel_loop3A_224, %parallel_loop3A_499 : i32
          %parallel_loop3A_501 = arith.constant 0 : i32
          %parallel_loop3A_502 = arith.cmpi sgt, %parallel_loop3A_224, %parallel_loop3A_501 : i32
          %parallel_loop3A_503 = arith.extui %parallel_loop3A_502 : i1 to i32
          %parallel_loop3A_504 = arith.constant 0 : i32
          %parallel_loop3A_505 = arith.cmpi slt, %parallel_loop3A_224, %parallel_loop3A_504 : i32
          %parallel_loop3A_506 = arith.extui %parallel_loop3A_505 : i1 to i32
          %parallel_loop3A_507 = arith.subi %parallel_loop3A_503, %parallel_loop3A_506 : i32
          %parallel_loop3A_508 = arith.constant 0 : i32
          %parallel_loop3A_509 = arith.cmpi sgt, %parallel_loop3A_499, %parallel_loop3A_508 : i32
          %parallel_loop3A_510 = arith.extui %parallel_loop3A_509 : i1 to i32
          %parallel_loop3A_511 = arith.constant 0 : i32
          %parallel_loop3A_512 = arith.cmpi slt, %parallel_loop3A_499, %parallel_loop3A_511 : i32
          %parallel_loop3A_513 = arith.extui %parallel_loop3A_512 : i1 to i32
          %parallel_loop3A_514 = arith.subi %parallel_loop3A_510, %parallel_loop3A_513 : i32
          %parallel_loop3A_515 = arith.cmpi ne, %parallel_loop3A_507, %parallel_loop3A_514 : i32
          %parallel_loop3A_516 = arith.remsi %parallel_loop3A_224, %parallel_loop3A_499 : i32
          %parallel_loop3A_517 = arith.constant 0 : i32
          %parallel_loop3A_518 = arith.cmpi ne, %parallel_loop3A_516, %parallel_loop3A_517 : i32
          %parallel_loop3A_519 = arith.andi %parallel_loop3A_515, %parallel_loop3A_518 : i1
          %parallel_loop3A_520 = arith.constant 1 : i32
          %parallel_loop3A_521 = arith.subi %parallel_loop3A_500, %parallel_loop3A_520 : i32
          %parallel_loop3A_522 = arith.select %parallel_loop3A_519, %parallel_loop3A_521, %parallel_loop3A_500 : i32
          %parallel_loop3A_523 = arith.constant 8 : i32
          %parallel_loop3A_524 = arith.constant 0 : i32
          %parallel_loop3A_525 = arith.cmpi eq, %parallel_loop3A_523, %parallel_loop3A_524 : i32
          %parallel_loop3A_526 = arith.constant 1 : i32
          %parallel_loop3A_527 = arith.select %parallel_loop3A_525, %parallel_loop3A_526, %parallel_loop3A_523 : i32
          %parallel_loop3A_528 = arith.remsi %parallel_loop3A_224, %parallel_loop3A_527 : i32
          %parallel_loop3A_529 = arith.constant 0 : i32
          %parallel_loop3A_530 = arith.cmpi ne, %parallel_loop3A_528, %parallel_loop3A_529 : i32
          %parallel_loop3A_531 = arith.constant 0 : i32
          %parallel_loop3A_532 = arith.cmpi slt, %parallel_loop3A_528, %parallel_loop3A_531 : i32
          %parallel_loop3A_533 = arith.constant 0 : i32
          %parallel_loop3A_534 = arith.cmpi slt, %parallel_loop3A_527, %parallel_loop3A_533 : i32
          %parallel_loop3A_535 = arith.xori %parallel_loop3A_532, %parallel_loop3A_534 : i1
          %parallel_loop3A_536 = arith.andi %parallel_loop3A_535, %parallel_loop3A_530 : i1
          %parallel_loop3A_537 = arith.addi %parallel_loop3A_528, %parallel_loop3A_527 : i32
          %parallel_loop3A_538 = arith.select %parallel_loop3A_536, %parallel_loop3A_537, %parallel_loop3A_528 : i32
          %parallel_loop3A_539 = arith.constant 0 : i32
          %parallel_loop3A_540 = arith.index_cast %parallel_loop3A_539 : i32 to index
          %parallel_loop3A_541 = arith.index_cast %parallel_loop3A_522 : i32 to index
          %parallel_loop3A_542 = arith.index_cast %parallel_loop3A_538 : i32 to index
          %parallel_loop3A_543 = arith.constant 80 : index
          %parallel_loop3A_544 = tpu.vector_load %arg4[%parallel_loop3A_540, %parallel_loop3A_541, %parallel_loop3A_542, %parallel_loop3A_543] {strides = array<i32>} : memref<4x4x8x128xf32, #tpu.memory_space<vmem>>, vector<16xf32>,
          %parallel_loop3A_545 = arith.constant 80 : i32
          %parallel_loop3A_546 = vector.broadcast %parallel_loop3A_545 : i32 to vector<16xi32>
          %parallel_loop3A_547 = arith.addi %iota3A, %parallel_loop3A_546 : vector<16xi32>
          %parallel_loop3A_548 = arith.constant 0 : i32
          %parallel_loop3A_549 = arith.constant 0 : i32
          %parallel_loop3A_550 = arith.constant 0 : i32
          %parallel_loop3A_551 = tpu.memref_slice %arg5[%parallel_loop3A_548, %parallel_loop3A_549, %parallel_loop3A_550] : memref<4x128x33xf32, #tpu.memory_space<vmem>> -> memref<1x128x33xf32, #tpu.memory_space<vmem>>
          %parallel_loop3A_552 = tpu.memref_squeeze %parallel_loop3A_551 : memref<1x128x33xf32, #tpu.memory_space<vmem>> -> memref<128x33xf32, #tpu.memory_space<vmem>>
          tpu.vector_store_idx %parallel_loop3A_552[%parallel_loop3A_547, %parallel_loop3A_228], %parallel_loop3A_544 : memref<128x33xf32, #tpu.memory_space<vmem>>[vector<16xi32>, vector<16xi32>], vector<16xf32>,
          %parallel_loop3A_553 = arith.constant 8 : i32
          %parallel_loop3A_554 = arith.divsi %parallel_loop3A_224, %parallel_loop3A_553 : i32
          %parallel_loop3A_555 = arith.constant 0 : i32
          %parallel_loop3A_556 = arith.cmpi sgt, %parallel_loop3A_224, %parallel_loop3A_555 : i32
          %parallel_loop3A_557 = arith.extui %parallel_loop3A_556 : i1 to i32
          %parallel_loop3A_558 = arith.constant 0 : i32
          %parallel_loop3A_559 = arith.cmpi slt, %parallel_loop3A_224, %parallel_loop3A_558 : i32
          %parallel_loop3A_560 = arith.extui %parallel_loop3A_559 : i1 to i32
          %parallel_loop3A_561 = arith.subi %parallel_loop3A_557, %parallel_loop3A_560 : i32
          %parallel_loop3A_562 = arith.constant 0 : i32
          %parallel_loop3A_563 = arith.cmpi sgt, %parallel_loop3A_553, %parallel_loop3A_562 : i32
          %parallel_loop3A_564 = arith.extui %parallel_loop3A_563 : i1 to i32
          %parallel_loop3A_565 = arith.constant 0 : i32
          %parallel_loop3A_566 = arith.cmpi slt, %parallel_loop3A_553, %parallel_loop3A_565 : i32
          %parallel_loop3A_567 = arith.extui %parallel_loop3A_566 : i1 to i32
          %parallel_loop3A_568 = arith.subi %parallel_loop3A_564, %parallel_loop3A_567 : i32
          %parallel_loop3A_569 = arith.cmpi ne, %parallel_loop3A_561, %parallel_loop3A_568 : i32
          %parallel_loop3A_570 = arith.remsi %parallel_loop3A_224, %parallel_loop3A_553 : i32
          %parallel_loop3A_571 = arith.constant 0 : i32
          %parallel_loop3A_572 = arith.cmpi ne, %parallel_loop3A_570, %parallel_loop3A_571 : i32
          %parallel_loop3A_573 = arith.andi %parallel_loop3A_569, %parallel_loop3A_572 : i1
          %parallel_loop3A_574 = arith.constant 1 : i32
          %parallel_loop3A_575 = arith.subi %parallel_loop3A_554, %parallel_loop3A_574 : i32
          %parallel_loop3A_576 = arith.select %parallel_loop3A_573, %parallel_loop3A_575, %parallel_loop3A_554 : i32
          %parallel_loop3A_577 = arith.constant 8 : i32
          %parallel_loop3A_578 = arith.constant 0 : i32
          %parallel_loop3A_579 = arith.cmpi eq, %parallel_loop3A_577, %parallel_loop3A_578 : i32
          %parallel_loop3A_580 = arith.constant 1 : i32
          %parallel_loop3A_581 = arith.select %parallel_loop3A_579, %parallel_loop3A_580, %parallel_loop3A_577 : i32
          %parallel_loop3A_582 = arith.remsi %parallel_loop3A_224, %parallel_loop3A_581 : i32
          %parallel_loop3A_583 = arith.constant 0 : i32
          %parallel_loop3A_584 = arith.cmpi ne, %parallel_loop3A_582, %parallel_loop3A_583 : i32
          %parallel_loop3A_585 = arith.constant 0 : i32
          %parallel_loop3A_586 = arith.cmpi slt, %parallel_loop3A_582, %parallel_loop3A_585 : i32
          %parallel_loop3A_587 = arith.constant 0 : i32
          %parallel_loop3A_588 = arith.cmpi slt, %parallel_loop3A_581, %parallel_loop3A_587 : i32
          %parallel_loop3A_589 = arith.xori %parallel_loop3A_586, %parallel_loop3A_588 : i1
          %parallel_loop3A_590 = arith.andi %parallel_loop3A_589, %parallel_loop3A_584 : i1
          %parallel_loop3A_591 = arith.addi %parallel_loop3A_582, %parallel_loop3A_581 : i32
          %parallel_loop3A_592 = arith.select %parallel_loop3A_590, %parallel_loop3A_591, %parallel_loop3A_582 : i32
          %parallel_loop3A_593 = arith.constant 0 : i32
          %parallel_loop3A_594 = arith.index_cast %parallel_loop3A_593 : i32 to index
          %parallel_loop3A_595 = arith.index_cast %parallel_loop3A_576 : i32 to index
          %parallel_loop3A_596 = arith.index_cast %parallel_loop3A_592 : i32 to index
          %parallel_loop3A_597 = arith.constant 96 : index
          %parallel_loop3A_598 = tpu.vector_load %arg4[%parallel_loop3A_594, %parallel_loop3A_595, %parallel_loop3A_596, %parallel_loop3A_597] {strides = array<i32>} : memref<4x4x8x128xf32, #tpu.memory_space<vmem>>, vector<16xf32>,
          %parallel_loop3A_599 = arith.constant 96 : i32
          %parallel_loop3A_600 = vector.broadcast %parallel_loop3A_599 : i32 to vector<16xi32>
          %parallel_loop3A_601 = arith.addi %iota3A, %parallel_loop3A_600 : vector<16xi32>
          %parallel_loop3A_602 = arith.constant 0 : i32
          %parallel_loop3A_603 = arith.constant 0 : i32
          %parallel_loop3A_604 = arith.constant 0 : i32
          %parallel_loop3A_605 = tpu.memref_slice %arg5[%parallel_loop3A_602, %parallel_loop3A_603, %parallel_loop3A_604] : memref<4x128x33xf32, #tpu.memory_space<vmem>> -> memref<1x128x33xf32, #tpu.memory_space<vmem>>
          %parallel_loop3A_606 = tpu.memref_squeeze %parallel_loop3A_605 : memref<1x128x33xf32, #tpu.memory_space<vmem>> -> memref<128x33xf32, #tpu.memory_space<vmem>>
          tpu.vector_store_idx %parallel_loop3A_606[%parallel_loop3A_601, %parallel_loop3A_228], %parallel_loop3A_598 : memref<128x33xf32, #tpu.memory_space<vmem>>[vector<16xi32>, vector<16xi32>], vector<16xf32>,
          %parallel_loop3A_607 = arith.constant 8 : i32
          %parallel_loop3A_608 = arith.divsi %parallel_loop3A_224, %parallel_loop3A_607 : i32
          %parallel_loop3A_609 = arith.constant 0 : i32
          %parallel_loop3A_610 = arith.cmpi sgt, %parallel_loop3A_224, %parallel_loop3A_609 : i32
          %parallel_loop3A_611 = arith.extui %parallel_loop3A_610 : i1 to i32
          %parallel_loop3A_612 = arith.constant 0 : i32
          %parallel_loop3A_613 = arith.cmpi slt, %parallel_loop3A_224, %parallel_loop3A_612 : i32
          %parallel_loop3A_614 = arith.extui %parallel_loop3A_613 : i1 to i32
          %parallel_loop3A_615 = arith.subi %parallel_loop3A_611, %parallel_loop3A_614 : i32
          %parallel_loop3A_616 = arith.constant 0 : i32
          %parallel_loop3A_617 = arith.cmpi sgt, %parallel_loop3A_607, %parallel_loop3A_616 : i32
          %parallel_loop3A_618 = arith.extui %parallel_loop3A_617 : i1 to i32
          %parallel_loop3A_619 = arith.constant 0 : i32
          %parallel_loop3A_620 = arith.cmpi slt, %parallel_loop3A_607, %parallel_loop3A_619 : i32
          %parallel_loop3A_621 = arith.extui %parallel_loop3A_620 : i1 to i32
          %parallel_loop3A_622 = arith.subi %parallel_loop3A_618, %parallel_loop3A_621 : i32
          %parallel_loop3A_623 = arith.cmpi ne, %parallel_loop3A_615, %parallel_loop3A_622 : i32
          %parallel_loop3A_624 = arith.remsi %parallel_loop3A_224, %parallel_loop3A_607 : i32
          %parallel_loop3A_625 = arith.constant 0 : i32
          %parallel_loop3A_626 = arith.cmpi ne, %parallel_loop3A_624, %parallel_loop3A_625 : i32
          %parallel_loop3A_627 = arith.andi %parallel_loop3A_623, %parallel_loop3A_626 : i1
          %parallel_loop3A_628 = arith.constant 1 : i32
          %parallel_loop3A_629 = arith.subi %parallel_loop3A_608, %parallel_loop3A_628 : i32
          %parallel_loop3A_630 = arith.select %parallel_loop3A_627, %parallel_loop3A_629, %parallel_loop3A_608 : i32
          %parallel_loop3A_631 = arith.constant 8 : i32
          %parallel_loop3A_632 = arith.constant 0 : i32
          %parallel_loop3A_633 = arith.cmpi eq, %parallel_loop3A_631, %parallel_loop3A_632 : i32
          %parallel_loop3A_634 = arith.constant 1 : i32
          %parallel_loop3A_635 = arith.select %parallel_loop3A_633, %parallel_loop3A_634, %parallel_loop3A_631 : i32
          %parallel_loop3A_636 = arith.remsi %parallel_loop3A_224, %parallel_loop3A_635 : i32
          %parallel_loop3A_637 = arith.constant 0 : i32
          %parallel_loop3A_638 = arith.cmpi ne, %parallel_loop3A_636, %parallel_loop3A_637 : i32
          %parallel_loop3A_639 = arith.constant 0 : i32
          %parallel_loop3A_640 = arith.cmpi slt, %parallel_loop3A_636, %parallel_loop3A_639 : i32
          %parallel_loop3A_641 = arith.constant 0 : i32
          %parallel_loop3A_642 = arith.cmpi slt, %parallel_loop3A_635, %parallel_loop3A_641 : i32
          %parallel_loop3A_643 = arith.xori %parallel_loop3A_640, %parallel_loop3A_642 : i1
          %parallel_loop3A_644 = arith.andi %parallel_loop3A_643, %parallel_loop3A_638 : i1
          %parallel_loop3A_645 = arith.addi %parallel_loop3A_636, %parallel_loop3A_635 : i32
          %parallel_loop3A_646 = arith.select %parallel_loop3A_644, %parallel_loop3A_645, %parallel_loop3A_636 : i32
          %parallel_loop3A_647 = arith.constant 0 : i32
          %parallel_loop3A_648 = arith.index_cast %parallel_loop3A_647 : i32 to index
          %parallel_loop3A_649 = arith.index_cast %parallel_loop3A_630 : i32 to index
          %parallel_loop3A_650 = arith.index_cast %parallel_loop3A_646 : i32 to index
          %parallel_loop3A_651 = arith.constant 112 : index
          %parallel_loop3A_652 = tpu.vector_load %arg4[%parallel_loop3A_648, %parallel_loop3A_649, %parallel_loop3A_650, %parallel_loop3A_651] {strides = array<i32>} : memref<4x4x8x128xf32, #tpu.memory_space<vmem>>, vector<16xf32>,
          %parallel_loop3A_653 = arith.constant 112 : i32
          %parallel_loop3A_654 = vector.broadcast %parallel_loop3A_653 : i32 to vector<16xi32>
          %parallel_loop3A_655 = arith.addi %iota3A, %parallel_loop3A_654 : vector<16xi32>
          %parallel_loop3A_656 = arith.constant 0 : i32
          %parallel_loop3A_657 = arith.constant 0 : i32
          %parallel_loop3A_658 = arith.constant 0 : i32
          %parallel_loop3A_659 = tpu.memref_slice %arg5[%parallel_loop3A_656, %parallel_loop3A_657, %parallel_loop3A_658] : memref<4x128x33xf32, #tpu.memory_space<vmem>> -> memref<1x128x33xf32, #tpu.memory_space<vmem>>
          %parallel_loop3A_660 = tpu.memref_squeeze %parallel_loop3A_659 : memref<1x128x33xf32, #tpu.memory_space<vmem>> -> memref<128x33xf32, #tpu.memory_space<vmem>>
          tpu.vector_store_idx %parallel_loop3A_660[%parallel_loop3A_655, %parallel_loop3A_228], %parallel_loop3A_652 : memref<128x33xf32, #tpu.memory_space<vmem>>[vector<16xi32>, vector<16xi32>], vector<16xf32>,
        } {sc.loop_unroll_factor = 4 : i64, sc.parallel_access}
        %mul3A_207 = arith.constant 32 : i32
        %mul3A_208 = arith.muli %mul3A_207, %add3A_94 : i32
        %add3A_209 = arith.addi %add3A, %mul3A_208 : i32
        %mul3A_210 = arith.constant 128 : i32
        %mul3A_211 = arith.muli %add3A_209, %mul3A_210 : i32
        %dma_start3A = arith.constant 0 : i32
        %dma_start3A_212 = arith.constant 0 : i32
        %dma_start3A_213 = arith.constant 0 : i32
        %dma_start3A_214 = tpu.memref_slice %arg5[%dma_start3A, %dma_start3A_212, %dma_start3A_213] : memref<4x128x33xf32, #tpu.memory_space<vmem>> -> memref<1x128x32xf32, #tpu.memory_space<vmem>>
        %dma_start3A_215 = tpu.memref_squeeze %dma_start3A_214 : memref<1x128x32xf32, #tpu.memory_space<vmem>> -> memref<128x32xf32, #tpu.memory_space<vmem>>
        %dma_start3A_216 = arith.constant 0 : i32
        %dma_start3A_217 = tpu.memref_slice %arg3[%mul3A_211, %dma_start3A_216] : memref<1000064x32xf32, #tpu.memory_space<hbm>> -> memref<128x32xf32, #tpu.memory_space<hbm>>
        %dma_start3A_218 = arith.constant 0 : i32
        %dma_start3A_219 = tpu.memref_slice %arg3[%mul3A_211, %dma_start3A_218] : memref<1000064x32xf32, #tpu.memory_space<hbm>> -> memref<128x32xf32, #tpu.memory_space<hbm>>
        %dma_start3A_220 = arith.constant 0 : i32
        %dma_start3A_221 = arith.constant 0 : i32
        %dma_start3A_222 = tpu.memref_slice %arg5[%dma_start3A, %dma_start3A_220, %dma_start3A_221] : memref<4x128x33xf32, #tpu.memory_space<vmem>> -> memref<1x128x32xf32, #tpu.memory_space<vmem>>
        %dma_start3A_223 = tpu.memref_squeeze %dma_start3A_222 : memref<1x128x32xf32, #tpu.memory_space<vmem>> -> memref<128x32xf32, #tpu.memory_space<vmem>>
        tpu.enqueue_dma source(%dma_start3A_223 : memref<128x32xf32, #tpu.memory_space<vmem>>) target(%dma_start3A_219 : memref<128x32xf32, #tpu.memory_space<hbm>>) target_semaphore(%arg10 : memref<!tpu.dma_semaphore, #tpu.memory_space<semaphore_mem>>)
      } else {
      }
      %add3A_103 = arith.constant 4 : i32
      %add3A_104 = arith.addi %add3A_94, %add3A_103 : i32
      %mul3A_105 = arith.constant 32 : i32
      %mul3A_106 = arith.muli %mul3A_105, %add3A_104 : i32
      %add3A_107 = arith.addi %add3A, %mul3A_106 : i32
      %lt3A_108 = arith.constant 7813 : i32
      %lt3A_109 = arith.cmpi slt, %add3A_107, %lt3A_108 : i32
      %convert_element_type3A_110 = arith.extui %lt3A_109 : i1 to i32
      %cond3A_111 = arith.constant 0 : i32
      %cond3A_112 = arith.cmpi ne, %convert_element_type3A_110, %cond3A_111 : i32
      scf.if %cond3A_112 {
        %add3A_179 = arith.constant 4 : i32
        %add3A_180 = arith.addi %add3A_94, %add3A_179 : i32
        %mul3A_181 = arith.constant 32 : i32
        %mul3A_182 = arith.muli %mul3A_181, %add3A_180 : i32
        %add3A_183 = arith.addi %add3A, %mul3A_182 : i32
        %dma_start3A = arith.constant 0 : i32
        %dma_start3A_184 = arith.constant 0 : i32
        %dma_start3A_185 = arith.constant 0 : i32
        %dma_start3A_186 = arith.constant 0 : i32
        %dma_start3A_187 = tpu.memref_slice %arg4[%dma_start3A, %dma_start3A_184, %dma_start3A_185, %dma_start3A_186] : memref<4x4x8x128xf32, #tpu.memory_space<vmem>> -> memref<1x4x8x128xf32, #tpu.memory_space<vmem>>
        %dma_start3A_188 = tpu.memref_squeeze %dma_start3A_187 : memref<1x4x8x128xf32, #tpu.memory_space<vmem>> -> memref<4x8x128xf32, #tpu.memory_space<vmem>>
        %dma_start3A_189 = arith.constant 0 : i32
        %dma_start3A_190 = arith.constant 0 : i32
        %dma_start3A_191 = arith.constant 0 : i32
        %dma_start3A_192 = tpu.memref_slice %arg2[%dma_start3A_189, %add3A_183, %dma_start3A_190, %dma_start3A_191] : memref<4x7813x8x128xf32, #tpu.memory_space<hbm>> -> memref<4x1x8x128xf32, #tpu.memory_space<hbm>>
        %dma_start3A_193 = tpu.memref_squeeze %dma_start3A_192 : memref<4x1x8x128xf32, #tpu.memory_space<hbm>> -> memref<4x8x128xf32, #tpu.memory_space<hbm>>
        %dma_start3A_194 = arith.constant 0 : i32
        %dma_start3A_195 = arith.constant 0 : i32
        %dma_start3A_196 = arith.constant 0 : i32
        %dma_start3A_197 = tpu.memref_slice %arg4[%dma_start3A, %dma_start3A_194, %dma_start3A_195, %dma_start3A_196] : memref<4x4x8x128xf32, #tpu.memory_space<vmem>> -> memref<1x4x8x128xf32, #tpu.memory_space<vmem>>
        %dma_start3A_198 = tpu.memref_squeeze %dma_start3A_197 : memref<1x4x8x128xf32, #tpu.memory_space<vmem>> -> memref<4x8x128xf32, #tpu.memory_space<vmem>>
        %dma_start3A_199 = arith.constant 0 : i32
        %dma_start3A_200 = arith.constant 0 : i32
        %dma_start3A_201 = arith.constant 0 : i32
        %dma_start3A_202 = tpu.memref_slice %arg2[%dma_start3A_199, %add3A_183, %dma_start3A_200, %dma_start3A_201] : memref<4x7813x8x128xf32, #tpu.memory_space<hbm>> -> memref<4x1x8x128xf32, #tpu.memory_space<hbm>>
        %dma_start3A_203 = tpu.memref_squeeze %dma_start3A_202 : memref<4x1x8x128xf32, #tpu.memory_space<hbm>> -> memref<4x8x128xf32, #tpu.memory_space<hbm>>
        tpu.enqueue_dma source(%dma_start3A_203 : memref<4x8x128xf32, #tpu.memory_space<hbm>>) target(%dma_start3A_198 : memref<4x8x128xf32, #tpu.memory_space<vmem>>) target_semaphore(%arg6 : memref<!tpu.dma_semaphore, #tpu.memory_space<semaphore_mem>>)
      } else {
      }
      %mul3A_113 = arith.constant 4 : i32
      %mul3A_114 = arith.muli %mul3A_113, %scan3A_90 : i32
      %add3A_115 = arith.constant 1 : i32
      %add3A_116 = arith.addi %mul3A_114, %add3A_115 : i32
      %mul3A_117 = arith.constant 32 : i32
      %mul3A_118 = arith.muli %mul3A_117, %add3A_116 : i32
      %add3A_119 = arith.addi %add3A, %mul3A_118 : i32
      %lt3A_120 = arith.constant 7813 : i32
      %lt3A_121 = arith.cmpi slt, %add3A_119, %lt3A_120 : i32
      %convert_element_type3A_122 = arith.extui %lt3A_121 : i1 to i32
      %cond3A_123 = arith.constant 0 : i32
      %cond3A_124 = arith.cmpi ne, %convert_element_type3A_122, %cond3A_123 : i32
      scf.if %cond3A_124 {
        %dma_wait3A_179 = arith.constant 0 : i32
        %dma_wait3A_180 = arith.constant 1 : i32
        %dma_wait3A_181 = arith.constant 0 : i32
        %dma_wait3A_182 = arith.constant 0 : i32
        %dma_wait3A_183 = arith.constant 0 : i32
        %dma_wait3A_184 = tpu.memref_slice %arg4[%dma_wait3A_180, %dma_wait3A_181, %dma_wait3A_182, %dma_wait3A_183] : memref<4x4x8x128xf32, #tpu.memory_space<vmem>> -> memref<1x4x8x128xf32, #tpu.memory_space<vmem>>
        %dma_wait3A_185 = tpu.memref_squeeze %dma_wait3A_184 : memref<1x4x8x128xf32, #tpu.memory_space<vmem>> -> memref<4x8x128xf32, #tpu.memory_space<vmem>>
        %dma_wait3A_186 = arith.constant 0 : i32
        %dma_wait3A_187 = arith.constant 0 : i32
        %dma_wait3A_188 = arith.constant 0 : i32
        %dma_wait3A_189 = tpu.memref_slice %arg2[%dma_wait3A_186, %dma_wait3A_179, %dma_wait3A_187, %dma_wait3A_188] : memref<4x7813x8x128xf32, #tpu.memory_space<hbm>> -> memref<4x1x8x128xf32, #tpu.memory_space<hbm>>
        %dma_wait3A_190 = tpu.memref_squeeze %dma_wait3A_189 : memref<4x1x8x128xf32, #tpu.memory_space<hbm>> -> memref<4x8x128xf32, #tpu.memory_space<hbm>>
        %dma_wait3A_191 = arith.constant 0 : i32
        %dma_wait3A_192 = arith.constant 0 : i32
        %dma_wait3A_193 = arith.constant 0 : i32
        %dma_wait3A_194 = tpu.memref_slice %arg4[%dma_wait3A_180, %dma_wait3A_191, %dma_wait3A_192, %dma_wait3A_193] : memref<4x4x8x128xf32, #tpu.memory_space<vmem>> -> memref<1x4x8x128xf32, #tpu.memory_space<vmem>>
        %dma_wait3A_195 = tpu.memref_squeeze %dma_wait3A_194 : memref<1x4x8x128xf32, #tpu.memory_space<vmem>> -> memref<4x8x128xf32, #tpu.memory_space<vmem>>
        %dma_wait3A_196 = arith.constant 0 : i32
        %dma_wait3A_197 = arith.constant 0 : i32
        %dma_wait3A_198 = arith.constant 0 : i32
        %dma_wait3A_199 = tpu.memref_slice %arg2[%dma_wait3A_196, %dma_wait3A_179, %dma_wait3A_197, %dma_wait3A_198] : memref<4x7813x8x128xf32, #tpu.memory_space<hbm>> -> memref<4x1x8x128xf32, #tpu.memory_space<hbm>>
        %dma_wait3A_200 = tpu.memref_squeeze %dma_wait3A_199 : memref<4x1x8x128xf32, #tpu.memory_space<hbm>> -> memref<4x8x128xf32, #tpu.memory_space<hbm>>
        tpu.wait_dma2 semaphore(%arg7 : memref<!tpu.dma_semaphore, #tpu.memory_space<semaphore_mem>>) src(%dma_wait3A_200 : memref<4x8x128xf32, #tpu.memory_space<hbm>>) dst(%dma_wait3A_195 : memref<4x8x128xf32, #tpu.memory_space<vmem>>)
        %ge3A = arith.constant 4 : i32
        %ge3A_201 = arith.cmpi sge, %add3A_116, %ge3A : i32
        %convert_element_type3A_202 = arith.extui %ge3A_201 : i1 to i32
        %cond3A_203 = arith.constant 0 : i32
        %cond3A_204 = arith.cmpi ne, %convert_element_type3A_202, %cond3A_203 : i32
        scf.if %cond3A_204 {
          %dma_wait3A_224 = arith.constant 1 : i32
          %dma_wait3A_225 = arith.constant 0 : i32
          %dma_wait3A_226 = arith.constant 0 : i32
          %dma_wait3A_227 = tpu.memref_slice %arg5[%dma_wait3A_224, %dma_wait3A_225, %dma_wait3A_226] : memref<4x128x33xf32, #tpu.memory_space<vmem>> -> memref<1x128x32xf32, #tpu.memory_space<vmem>>
          %dma_wait3A_228 = tpu.memref_squeeze %dma_wait3A_227 : memref<1x128x32xf32, #tpu.memory_space<vmem>> -> memref<128x32xf32, #tpu.memory_space<vmem>>
          %dma_wait3A_229 = arith.constant 0 : i32
          %dma_wait3A_230 = arith.constant 0 : i32
          %dma_wait3A_231 = tpu.memref_slice %arg3[%dma_wait3A_229, %dma_wait3A_230] : memref<1000064x32xf32, #tpu.memory_space<hbm>> -> memref<128x32xf32, #tpu.memory_space<hbm>>
          %dma_wait3A_232 = arith.constant 0 : i32
          %dma_wait3A_233 = arith.constant 0 : i32
          %dma_wait3A_234 = tpu.memref_slice %arg3[%dma_wait3A_232, %dma_wait3A_233] : memref<1000064x32xf32, #tpu.memory_space<hbm>> -> memref<128x32xf32, #tpu.memory_space<hbm>>
          %dma_wait3A_235 = arith.constant 0 : i32
          %dma_wait3A_236 = arith.constant 0 : i32
          %dma_wait3A_237 = tpu.memref_slice %arg5[%dma_wait3A_224, %dma_wait3A_235, %dma_wait3A_236] : memref<4x128x33xf32, #tpu.memory_space<vmem>> -> memref<1x128x32xf32, #tpu.memory_space<vmem>>
          %dma_wait3A_238 = tpu.memref_squeeze %dma_wait3A_237 : memref<1x128x32xf32, #tpu.memory_space<vmem>> -> memref<128x32xf32, #tpu.memory_space<vmem>>
          tpu.wait_dma2 semaphore(%arg11 : memref<!tpu.dma_semaphore, #tpu.memory_space<semaphore_mem>>) src(%dma_wait3A_238 : memref<128x32xf32, #tpu.memory_space<vmem>>) dst(%dma_wait3A_234 : memref<128x32xf32, #tpu.memory_space<hbm>>)
        } else {
        }
        %parallel_loop3A = arith.constant 0 : i32
        %parallel_loop3A_205 = arith.constant 32 : i32
        %parallel_loop3A_206 = arith.constant 1 : i32
        scf.for %parallel_loop3A_224 = %parallel_loop3A to %parallel_loop3A_205 step %parallel_loop3A_206  : i32 {
          %parallel_loop3A_225 = arith.constant 1 : i32
          %parallel_loop3A_226 = vector.broadcast %parallel_loop3A_225 : i32 to vector<16xi32>
          %parallel_loop3A_227 = vector.broadcast %parallel_loop3A_224 : i32 to vector<16xi32>
          %parallel_loop3A_228 = arith.muli %parallel_loop3A_226, %parallel_loop3A_227 : vector<16xi32>
          %parallel_loop3A_229 = arith.constant 8 : i32
          %parallel_loop3A_230 = arith.divsi %parallel_loop3A_224, %parallel_loop3A_229 : i32
          %parallel_loop3A_231 = arith.constant 0 : i32
          %parallel_loop3A_232 = arith.cmpi sgt, %parallel_loop3A_224, %parallel_loop3A_231 : i32
          %parallel_loop3A_233 = arith.extui %parallel_loop3A_232 : i1 to i32
          %parallel_loop3A_234 = arith.constant 0 : i32
          %parallel_loop3A_235 = arith.cmpi slt, %parallel_loop3A_224, %parallel_loop3A_234 : i32
          %parallel_loop3A_236 = arith.extui %parallel_loop3A_235 : i1 to i32
          %parallel_loop3A_237 = arith.subi %parallel_loop3A_233, %parallel_loop3A_236 : i32
          %parallel_loop3A_238 = arith.constant 0 : i32
          %parallel_loop3A_239 = arith.cmpi sgt, %parallel_loop3A_229, %parallel_loop3A_238 : i32
          %parallel_loop3A_240 = arith.extui %parallel_loop3A_239 : i1 to i32
          %parallel_loop3A_241 = arith.constant 0 : i32
          %parallel_loop3A_242 = arith.cmpi slt, %parallel_loop3A_229, %parallel_loop3A_241 : i32
          %parallel_loop3A_243 = arith.extui %parallel_loop3A_242 : i1 to i32
          %parallel_loop3A_244 = arith.subi %parallel_loop3A_240, %parallel_loop3A_243 : i32
          %parallel_loop3A_245 = arith.cmpi ne, %parallel_loop3A_237, %parallel_loop3A_244 : i32
          %parallel_loop3A_246 = arith.remsi %parallel_loop3A_224, %parallel_loop3A_229 : i32
          %parallel_loop3A_247 = arith.constant 0 : i32
          %parallel_loop3A_248 = arith.cmpi ne, %parallel_loop3A_246, %parallel_loop3A_247 : i32
          %parallel_loop3A_249 = arith.andi %parallel_loop3A_245, %parallel_loop3A_248 : i1
          %parallel_loop3A_250 = arith.constant 1 : i32
          %parallel_loop3A_251 = arith.subi %parallel_loop3A_230, %parallel_loop3A_250 : i32
          %parallel_loop3A_252 = arith.select %parallel_loop3A_249, %parallel_loop3A_251, %parallel_loop3A_230 : i32
          %parallel_loop3A_253 = arith.constant 8 : i32
          %parallel_loop3A_254 = arith.constant 0 : i32
          %parallel_loop3A_255 = arith.cmpi eq, %parallel_loop3A_253, %parallel_loop3A_254 : i32
          %parallel_loop3A_256 = arith.constant 1 : i32
          %parallel_loop3A_257 = arith.select %parallel_loop3A_255, %parallel_loop3A_256, %parallel_loop3A_253 : i32
          %parallel_loop3A_258 = arith.remsi %parallel_loop3A_224, %parallel_loop3A_257 : i32
          %parallel_loop3A_259 = arith.constant 0 : i32
          %parallel_loop3A_260 = arith.cmpi ne, %parallel_loop3A_258, %parallel_loop3A_259 : i32
          %parallel_loop3A_261 = arith.constant 0 : i32
          %parallel_loop3A_262 = arith.cmpi slt, %parallel_loop3A_258, %parallel_loop3A_261 : i32
          %parallel_loop3A_263 = arith.constant 0 : i32
          %parallel_loop3A_264 = arith.cmpi slt, %parallel_loop3A_257, %parallel_loop3A_263 : i32
          %parallel_loop3A_265 = arith.xori %parallel_loop3A_262, %parallel_loop3A_264 : i1
          %parallel_loop3A_266 = arith.andi %parallel_loop3A_265, %parallel_loop3A_260 : i1
          %parallel_loop3A_267 = arith.addi %parallel_loop3A_258, %parallel_loop3A_257 : i32
          %parallel_loop3A_268 = arith.select %parallel_loop3A_266, %parallel_loop3A_267, %parallel_loop3A_258 : i32
          %parallel_loop3A_269 = arith.constant 1 : i32
          %parallel_loop3A_270 = arith.index_cast %parallel_loop3A_269 : i32 to index
          %parallel_loop3A_271 = arith.index_cast %parallel_loop3A_252 : i32 to index
          %parallel_loop3A_272 = arith.index_cast %parallel_loop3A_268 : i32 to index
          %parallel_loop3A_273 = arith.constant 0 : index
          %parallel_loop3A_274 = tpu.vector_load %arg4[%parallel_loop3A_270, %parallel_loop3A_271, %parallel_loop3A_272, %parallel_loop3A_273] {strides = array<i32>} : memref<4x4x8x128xf32, #tpu.memory_space<vmem>>, vector<16xf32>,
          %parallel_loop3A_275 = arith.constant 0 : i32
          %parallel_loop3A_276 = vector.broadcast %parallel_loop3A_275 : i32 to vector<16xi32>
          %parallel_loop3A_277 = arith.addi %iota3A, %parallel_loop3A_276 : vector<16xi32>
          %parallel_loop3A_278 = arith.constant 1 : i32
          %parallel_loop3A_279 = arith.constant 0 : i32
          %parallel_loop3A_280 = arith.constant 0 : i32
          %parallel_loop3A_281 = tpu.memref_slice %arg5[%parallel_loop3A_278, %parallel_loop3A_279, %parallel_loop3A_280] : memref<4x128x33xf32, #tpu.memory_space<vmem>> -> memref<1x128x33xf32, #tpu.memory_space<vmem>>
          %parallel_loop3A_282 = tpu.memref_squeeze %parallel_loop3A_281 : memref<1x128x33xf32, #tpu.memory_space<vmem>> -> memref<128x33xf32, #tpu.memory_space<vmem>>
          tpu.vector_store_idx %parallel_loop3A_282[%parallel_loop3A_277, %parallel_loop3A_228], %parallel_loop3A_274 : memref<128x33xf32, #tpu.memory_space<vmem>>[vector<16xi32>, vector<16xi32>], vector<16xf32>,
          %parallel_loop3A_283 = arith.constant 8 : i32
          %parallel_loop3A_284 = arith.divsi %parallel_loop3A_224, %parallel_loop3A_283 : i32
          %parallel_loop3A_285 = arith.constant 0 : i32
          %parallel_loop3A_286 = arith.cmpi sgt, %parallel_loop3A_224, %parallel_loop3A_285 : i32
          %parallel_loop3A_287 = arith.extui %parallel_loop3A_286 : i1 to i32
          %parallel_loop3A_288 = arith.constant 0 : i32
          %parallel_loop3A_289 = arith.cmpi slt, %parallel_loop3A_224, %parallel_loop3A_288 : i32
          %parallel_loop3A_290 = arith.extui %parallel_loop3A_289 : i1 to i32
          %parallel_loop3A_291 = arith.subi %parallel_loop3A_287, %parallel_loop3A_290 : i32
          %parallel_loop3A_292 = arith.constant 0 : i32
          %parallel_loop3A_293 = arith.cmpi sgt, %parallel_loop3A_283, %parallel_loop3A_292 : i32
          %parallel_loop3A_294 = arith.extui %parallel_loop3A_293 : i1 to i32
          %parallel_loop3A_295 = arith.constant 0 : i32
          %parallel_loop3A_296 = arith.cmpi slt, %parallel_loop3A_283, %parallel_loop3A_295 : i32
          %parallel_loop3A_297 = arith.extui %parallel_loop3A_296 : i1 to i32
          %parallel_loop3A_298 = arith.subi %parallel_loop3A_294, %parallel_loop3A_297 : i32
          %parallel_loop3A_299 = arith.cmpi ne, %parallel_loop3A_291, %parallel_loop3A_298 : i32
          %parallel_loop3A_300 = arith.remsi %parallel_loop3A_224, %parallel_loop3A_283 : i32
          %parallel_loop3A_301 = arith.constant 0 : i32
          %parallel_loop3A_302 = arith.cmpi ne, %parallel_loop3A_300, %parallel_loop3A_301 : i32
          %parallel_loop3A_303 = arith.andi %parallel_loop3A_299, %parallel_loop3A_302 : i1
          %parallel_loop3A_304 = arith.constant 1 : i32
          %parallel_loop3A_305 = arith.subi %parallel_loop3A_284, %parallel_loop3A_304 : i32
          %parallel_loop3A_306 = arith.select %parallel_loop3A_303, %parallel_loop3A_305, %parallel_loop3A_284 : i32
          %parallel_loop3A_307 = arith.constant 8 : i32
          %parallel_loop3A_308 = arith.constant 0 : i32
          %parallel_loop3A_309 = arith.cmpi eq, %parallel_loop3A_307, %parallel_loop3A_308 : i32
          %parallel_loop3A_310 = arith.constant 1 : i32
          %parallel_loop3A_311 = arith.select %parallel_loop3A_309, %parallel_loop3A_310, %parallel_loop3A_307 : i32
          %parallel_loop3A_312 = arith.remsi %parallel_loop3A_224, %parallel_loop3A_311 : i32
          %parallel_loop3A_313 = arith.constant 0 : i32
          %parallel_loop3A_314 = arith.cmpi ne, %parallel_loop3A_312, %parallel_loop3A_313 : i32
          %parallel_loop3A_315 = arith.constant 0 : i32
          %parallel_loop3A_316 = arith.cmpi slt, %parallel_loop3A_312, %parallel_loop3A_315 : i32
          %parallel_loop3A_317 = arith.constant 0 : i32
          %parallel_loop3A_318 = arith.cmpi slt, %parallel_loop3A_311, %parallel_loop3A_317 : i32
          %parallel_loop3A_319 = arith.xori %parallel_loop3A_316, %parallel_loop3A_318 : i1
          %parallel_loop3A_320 = arith.andi %parallel_loop3A_319, %parallel_loop3A_314 : i1
          %parallel_loop3A_321 = arith.addi %parallel_loop3A_312, %parallel_loop3A_311 : i32
          %parallel_loop3A_322 = arith.select %parallel_loop3A_320, %parallel_loop3A_321, %parallel_loop3A_312 : i32
          %parallel_loop3A_323 = arith.constant 1 : i32
          %parallel_loop3A_324 = arith.index_cast %parallel_loop3A_323 : i32 to index
          %parallel_loop3A_325 = arith.index_cast %parallel_loop3A_306 : i32 to index
          %parallel_loop3A_326 = arith.index_cast %parallel_loop3A_322 : i32 to index
          %parallel_loop3A_327 = arith.constant 16 : index
          %parallel_loop3A_328 = tpu.vector_load %arg4[%parallel_loop3A_324, %parallel_loop3A_325, %parallel_loop3A_326, %parallel_loop3A_327] {strides = array<i32>} : memref<4x4x8x128xf32, #tpu.memory_space<vmem>>, vector<16xf32>,
          %parallel_loop3A_329 = arith.constant 16 : i32
          %parallel_loop3A_330 = vector.broadcast %parallel_loop3A_329 : i32 to vector<16xi32>
          %parallel_loop3A_331 = arith.addi %iota3A, %parallel_loop3A_330 : vector<16xi32>
          %parallel_loop3A_332 = arith.constant 1 : i32
          %parallel_loop3A_333 = arith.constant 0 : i32
          %parallel_loop3A_334 = arith.constant 0 : i32
          %parallel_loop3A_335 = tpu.memref_slice %arg5[%parallel_loop3A_332, %parallel_loop3A_333, %parallel_loop3A_334] : memref<4x128x33xf32, #tpu.memory_space<vmem>> -> memref<1x128x33xf32, #tpu.memory_space<vmem>>
          %parallel_loop3A_336 = tpu.memref_squeeze %parallel_loop3A_335 : memref<1x128x33xf32, #tpu.memory_space<vmem>> -> memref<128x33xf32, #tpu.memory_space<vmem>>
          tpu.vector_store_idx %parallel_loop3A_336[%parallel_loop3A_331, %parallel_loop3A_228], %parallel_loop3A_328 : memref<128x33xf32, #tpu.memory_space<vmem>>[vector<16xi32>, vector<16xi32>], vector<16xf32>,
          %parallel_loop3A_337 = arith.constant 8 : i32
          %parallel_loop3A_338 = arith.divsi %parallel_loop3A_224, %parallel_loop3A_337 : i32
          %parallel_loop3A_339 = arith.constant 0 : i32
          %parallel_loop3A_340 = arith.cmpi sgt, %parallel_loop3A_224, %parallel_loop3A_339 : i32
          %parallel_loop3A_341 = arith.extui %parallel_loop3A_340 : i1 to i32
          %parallel_loop3A_342 = arith.constant 0 : i32
          %parallel_loop3A_343 = arith.cmpi slt, %parallel_loop3A_224, %parallel_loop3A_342 : i32
          %parallel_loop3A_344 = arith.extui %parallel_loop3A_343 : i1 to i32
          %parallel_loop3A_345 = arith.subi %parallel_loop3A_341, %parallel_loop3A_344 : i32
          %parallel_loop3A_346 = arith.constant 0 : i32
          %parallel_loop3A_347 = arith.cmpi sgt, %parallel_loop3A_337, %parallel_loop3A_346 : i32
          %parallel_loop3A_348 = arith.extui %parallel_loop3A_347 : i1 to i32
          %parallel_loop3A_349 = arith.constant 0 : i32
          %parallel_loop3A_350 = arith.cmpi slt, %parallel_loop3A_337, %parallel_loop3A_349 : i32
          %parallel_loop3A_351 = arith.extui %parallel_loop3A_350 : i1 to i32
          %parallel_loop3A_352 = arith.subi %parallel_loop3A_348, %parallel_loop3A_351 : i32
          %parallel_loop3A_353 = arith.cmpi ne, %parallel_loop3A_345, %parallel_loop3A_352 : i32
          %parallel_loop3A_354 = arith.remsi %parallel_loop3A_224, %parallel_loop3A_337 : i32
          %parallel_loop3A_355 = arith.constant 0 : i32
          %parallel_loop3A_356 = arith.cmpi ne, %parallel_loop3A_354, %parallel_loop3A_355 : i32
          %parallel_loop3A_357 = arith.andi %parallel_loop3A_353, %parallel_loop3A_356 : i1
          %parallel_loop3A_358 = arith.constant 1 : i32
          %parallel_loop3A_359 = arith.subi %parallel_loop3A_338, %parallel_loop3A_358 : i32
          %parallel_loop3A_360 = arith.select %parallel_loop3A_357, %parallel_loop3A_359, %parallel_loop3A_338 : i32
          %parallel_loop3A_361 = arith.constant 8 : i32
          %parallel_loop3A_362 = arith.constant 0 : i32
          %parallel_loop3A_363 = arith.cmpi eq, %parallel_loop3A_361, %parallel_loop3A_362 : i32
          %parallel_loop3A_364 = arith.constant 1 : i32
          %parallel_loop3A_365 = arith.select %parallel_loop3A_363, %parallel_loop3A_364, %parallel_loop3A_361 : i32
          %parallel_loop3A_366 = arith.remsi %parallel_loop3A_224, %parallel_loop3A_365 : i32
          %parallel_loop3A_367 = arith.constant 0 : i32
          %parallel_loop3A_368 = arith.cmpi ne, %parallel_loop3A_366, %parallel_loop3A_367 : i32
          %parallel_loop3A_369 = arith.constant 0 : i32
          %parallel_loop3A_370 = arith.cmpi slt, %parallel_loop3A_366, %parallel_loop3A_369 : i32
          %parallel_loop3A_371 = arith.constant 0 : i32
          %parallel_loop3A_372 = arith.cmpi slt, %parallel_loop3A_365, %parallel_loop3A_371 : i32
          %parallel_loop3A_373 = arith.xori %parallel_loop3A_370, %parallel_loop3A_372 : i1
          %parallel_loop3A_374 = arith.andi %parallel_loop3A_373, %parallel_loop3A_368 : i1
          %parallel_loop3A_375 = arith.addi %parallel_loop3A_366, %parallel_loop3A_365 : i32
          %parallel_loop3A_376 = arith.select %parallel_loop3A_374, %parallel_loop3A_375, %parallel_loop3A_366 : i32
          %parallel_loop3A_377 = arith.constant 1 : i32
          %parallel_loop3A_378 = arith.index_cast %parallel_loop3A_377 : i32 to index
          %parallel_loop3A_379 = arith.index_cast %parallel_loop3A_360 : i32 to index
          %parallel_loop3A_380 = arith.index_cast %parallel_loop3A_376 : i32 to index
          %parallel_loop3A_381 = arith.constant 32 : index
          %parallel_loop3A_382 = tpu.vector_load %arg4[%parallel_loop3A_378, %parallel_loop3A_379, %parallel_loop3A_380, %parallel_loop3A_381] {strides = array<i32>} : memref<4x4x8x128xf32, #tpu.memory_space<vmem>>, vector<16xf32>,
          %parallel_loop3A_383 = arith.constant 32 : i32
          %parallel_loop3A_384 = vector.broadcast %parallel_loop3A_383 : i32 to vector<16xi32>
          %parallel_loop3A_385 = arith.addi %iota3A, %parallel_loop3A_384 : vector<16xi32>
          %parallel_loop3A_386 = arith.constant 1 : i32
          %parallel_loop3A_387 = arith.constant 0 : i32
          %parallel_loop3A_388 = arith.constant 0 : i32
          %parallel_loop3A_389 = tpu.memref_slice %arg5[%parallel_loop3A_386, %parallel_loop3A_387, %parallel_loop3A_388] : memref<4x128x33xf32, #tpu.memory_space<vmem>> -> memref<1x128x33xf32, #tpu.memory_space<vmem>>
          %parallel_loop3A_390 = tpu.memref_squeeze %parallel_loop3A_389 : memref<1x128x33xf32, #tpu.memory_space<vmem>> -> memref<128x33xf32, #tpu.memory_space<vmem>>
          tpu.vector_store_idx %parallel_loop3A_390[%parallel_loop3A_385, %parallel_loop3A_228], %parallel_loop3A_382 : memref<128x33xf32, #tpu.memory_space<vmem>>[vector<16xi32>, vector<16xi32>], vector<16xf32>,
          %parallel_loop3A_391 = arith.constant 8 : i32
          %parallel_loop3A_392 = arith.divsi %parallel_loop3A_224, %parallel_loop3A_391 : i32
          %parallel_loop3A_393 = arith.constant 0 : i32
          %parallel_loop3A_394 = arith.cmpi sgt, %parallel_loop3A_224, %parallel_loop3A_393 : i32
          %parallel_loop3A_395 = arith.extui %parallel_loop3A_394 : i1 to i32
          %parallel_loop3A_396 = arith.constant 0 : i32
          %parallel_loop3A_397 = arith.cmpi slt, %parallel_loop3A_224, %parallel_loop3A_396 : i32
          %parallel_loop3A_398 = arith.extui %parallel_loop3A_397 : i1 to i32
          %parallel_loop3A_399 = arith.subi %parallel_loop3A_395, %parallel_loop3A_398 : i32
          %parallel_loop3A_400 = arith.constant 0 : i32
          %parallel_loop3A_401 = arith.cmpi sgt, %parallel_loop3A_391, %parallel_loop3A_400 : i32
          %parallel_loop3A_402 = arith.extui %parallel_loop3A_401 : i1 to i32
          %parallel_loop3A_403 = arith.constant 0 : i32
          %parallel_loop3A_404 = arith.cmpi slt, %parallel_loop3A_391, %parallel_loop3A_403 : i32
          %parallel_loop3A_405 = arith.extui %parallel_loop3A_404 : i1 to i32
          %parallel_loop3A_406 = arith.subi %parallel_loop3A_402, %parallel_loop3A_405 : i32
          %parallel_loop3A_407 = arith.cmpi ne, %parallel_loop3A_399, %parallel_loop3A_406 : i32
          %parallel_loop3A_408 = arith.remsi %parallel_loop3A_224, %parallel_loop3A_391 : i32
          %parallel_loop3A_409 = arith.constant 0 : i32
          %parallel_loop3A_410 = arith.cmpi ne, %parallel_loop3A_408, %parallel_loop3A_409 : i32
          %parallel_loop3A_411 = arith.andi %parallel_loop3A_407, %parallel_loop3A_410 : i1
          %parallel_loop3A_412 = arith.constant 1 : i32
          %parallel_loop3A_413 = arith.subi %parallel_loop3A_392, %parallel_loop3A_412 : i32
          %parallel_loop3A_414 = arith.select %parallel_loop3A_411, %parallel_loop3A_413, %parallel_loop3A_392 : i32
          %parallel_loop3A_415 = arith.constant 8 : i32
          %parallel_loop3A_416 = arith.constant 0 : i32
          %parallel_loop3A_417 = arith.cmpi eq, %parallel_loop3A_415, %parallel_loop3A_416 : i32
          %parallel_loop3A_418 = arith.constant 1 : i32
          %parallel_loop3A_419 = arith.select %parallel_loop3A_417, %parallel_loop3A_418, %parallel_loop3A_415 : i32
          %parallel_loop3A_420 = arith.remsi %parallel_loop3A_224, %parallel_loop3A_419 : i32
          %parallel_loop3A_421 = arith.constant 0 : i32
          %parallel_loop3A_422 = arith.cmpi ne, %parallel_loop3A_420, %parallel_loop3A_421 : i32
          %parallel_loop3A_423 = arith.constant 0 : i32
          %parallel_loop3A_424 = arith.cmpi slt, %parallel_loop3A_420, %parallel_loop3A_423 : i32
          %parallel_loop3A_425 = arith.constant 0 : i32
          %parallel_loop3A_426 = arith.cmpi slt, %parallel_loop3A_419, %parallel_loop3A_425 : i32
          %parallel_loop3A_427 = arith.xori %parallel_loop3A_424, %parallel_loop3A_426 : i1
          %parallel_loop3A_428 = arith.andi %parallel_loop3A_427, %parallel_loop3A_422 : i1
          %parallel_loop3A_429 = arith.addi %parallel_loop3A_420, %parallel_loop3A_419 : i32
          %parallel_loop3A_430 = arith.select %parallel_loop3A_428, %parallel_loop3A_429, %parallel_loop3A_420 : i32
          %parallel_loop3A_431 = arith.constant 1 : i32
          %parallel_loop3A_432 = arith.index_cast %parallel_loop3A_431 : i32 to index
          %parallel_loop3A_433 = arith.index_cast %parallel_loop3A_414 : i32 to index
          %parallel_loop3A_434 = arith.index_cast %parallel_loop3A_430 : i32 to index
          %parallel_loop3A_435 = arith.constant 48 : index
          %parallel_loop3A_436 = tpu.vector_load %arg4[%parallel_loop3A_432, %parallel_loop3A_433, %parallel_loop3A_434, %parallel_loop3A_435] {strides = array<i32>} : memref<4x4x8x128xf32, #tpu.memory_space<vmem>>, vector<16xf32>,
          %parallel_loop3A_437 = arith.constant 48 : i32
          %parallel_loop3A_438 = vector.broadcast %parallel_loop3A_437 : i32 to vector<16xi32>
          %parallel_loop3A_439 = arith.addi %iota3A, %parallel_loop3A_438 : vector<16xi32>
          %parallel_loop3A_440 = arith.constant 1 : i32
          %parallel_loop3A_441 = arith.constant 0 : i32
          %parallel_loop3A_442 = arith.constant 0 : i32
          %parallel_loop3A_443 = tpu.memref_slice %arg5[%parallel_loop3A_440, %parallel_loop3A_441, %parallel_loop3A_442] : memref<4x128x33xf32, #tpu.memory_space<vmem>> -> memref<1x128x33xf32, #tpu.memory_space<vmem>>
          %parallel_loop3A_444 = tpu.memref_squeeze %parallel_loop3A_443 : memref<1x128x33xf32, #tpu.memory_space<vmem>> -> memref<128x33xf32, #tpu.memory_space<vmem>>
          tpu.vector_store_idx %parallel_loop3A_444[%parallel_loop3A_439, %parallel_loop3A_228], %parallel_loop3A_436 : memref<128x33xf32, #tpu.memory_space<vmem>>[vector<16xi32>, vector<16xi32>], vector<16xf32>,
          %parallel_loop3A_445 = arith.constant 8 : i32
          %parallel_loop3A_446 = arith.divsi %parallel_loop3A_224, %parallel_loop3A_445 : i32
          %parallel_loop3A_447 = arith.constant 0 : i32
          %parallel_loop3A_448 = arith.cmpi sgt, %parallel_loop3A_224, %parallel_loop3A_447 : i32
          %parallel_loop3A_449 = arith.extui %parallel_loop3A_448 : i1 to i32
          %parallel_loop3A_450 = arith.constant 0 : i32
          %parallel_loop3A_451 = arith.cmpi slt, %parallel_loop3A_224, %parallel_loop3A_450 : i32
          %parallel_loop3A_452 = arith.extui %parallel_loop3A_451 : i1 to i32
          %parallel_loop3A_453 = arith.subi %parallel_loop3A_449, %parallel_loop3A_452 : i32
          %parallel_loop3A_454 = arith.constant 0 : i32
          %parallel_loop3A_455 = arith.cmpi sgt, %parallel_loop3A_445, %parallel_loop3A_454 : i32
          %parallel_loop3A_456 = arith.extui %parallel_loop3A_455 : i1 to i32
          %parallel_loop3A_457 = arith.constant 0 : i32
          %parallel_loop3A_458 = arith.cmpi slt, %parallel_loop3A_445, %parallel_loop3A_457 : i32
          %parallel_loop3A_459 = arith.extui %parallel_loop3A_458 : i1 to i32
          %parallel_loop3A_460 = arith.subi %parallel_loop3A_456, %parallel_loop3A_459 : i32
          %parallel_loop3A_461 = arith.cmpi ne, %parallel_loop3A_453, %parallel_loop3A_460 : i32
          %parallel_loop3A_462 = arith.remsi %parallel_loop3A_224, %parallel_loop3A_445 : i32
          %parallel_loop3A_463 = arith.constant 0 : i32
          %parallel_loop3A_464 = arith.cmpi ne, %parallel_loop3A_462, %parallel_loop3A_463 : i32
          %parallel_loop3A_465 = arith.andi %parallel_loop3A_461, %parallel_loop3A_464 : i1
          %parallel_loop3A_466 = arith.constant 1 : i32
          %parallel_loop3A_467 = arith.subi %parallel_loop3A_446, %parallel_loop3A_466 : i32
          %parallel_loop3A_468 = arith.select %parallel_loop3A_465, %parallel_loop3A_467, %parallel_loop3A_446 : i32
          %parallel_loop3A_469 = arith.constant 8 : i32
          %parallel_loop3A_470 = arith.constant 0 : i32
          %parallel_loop3A_471 = arith.cmpi eq, %parallel_loop3A_469, %parallel_loop3A_470 : i32
          %parallel_loop3A_472 = arith.constant 1 : i32
          %parallel_loop3A_473 = arith.select %parallel_loop3A_471, %parallel_loop3A_472, %parallel_loop3A_469 : i32
          %parallel_loop3A_474 = arith.remsi %parallel_loop3A_224, %parallel_loop3A_473 : i32
          %parallel_loop3A_475 = arith.constant 0 : i32
          %parallel_loop3A_476 = arith.cmpi ne, %parallel_loop3A_474, %parallel_loop3A_475 : i32
          %parallel_loop3A_477 = arith.constant 0 : i32
          %parallel_loop3A_478 = arith.cmpi slt, %parallel_loop3A_474, %parallel_loop3A_477 : i32
          %parallel_loop3A_479 = arith.constant 0 : i32
          %parallel_loop3A_480 = arith.cmpi slt, %parallel_loop3A_473, %parallel_loop3A_479 : i32
          %parallel_loop3A_481 = arith.xori %parallel_loop3A_478, %parallel_loop3A_480 : i1
          %parallel_loop3A_482 = arith.andi %parallel_loop3A_481, %parallel_loop3A_476 : i1
          %parallel_loop3A_483 = arith.addi %parallel_loop3A_474, %parallel_loop3A_473 : i32
          %parallel_loop3A_484 = arith.select %parallel_loop3A_482, %parallel_loop3A_483, %parallel_loop3A_474 : i32
          %parallel_loop3A_485 = arith.constant 1 : i32
          %parallel_loop3A_486 = arith.index_cast %parallel_loop3A_485 : i32 to index
          %parallel_loop3A_487 = arith.index_cast %parallel_loop3A_468 : i32 to index
          %parallel_loop3A_488 = arith.index_cast %parallel_loop3A_484 : i32 to index
          %parallel_loop3A_489 = arith.constant 64 : index
          %parallel_loop3A_490 = tpu.vector_load %arg4[%parallel_loop3A_486, %parallel_loop3A_487, %parallel_loop3A_488, %parallel_loop3A_489] {strides = array<i32>} : memref<4x4x8x128xf32, #tpu.memory_space<vmem>>, vector<16xf32>,
          %parallel_loop3A_491 = arith.constant 64 : i32
          %parallel_loop3A_492 = vector.broadcast %parallel_loop3A_491 : i32 to vector<16xi32>
          %parallel_loop3A_493 = arith.addi %iota3A, %parallel_loop3A_492 : vector<16xi32>
          %parallel_loop3A_494 = arith.constant 1 : i32
          %parallel_loop3A_495 = arith.constant 0 : i32
          %parallel_loop3A_496 = arith.constant 0 : i32
          %parallel_loop3A_497 = tpu.memref_slice %arg5[%parallel_loop3A_494, %parallel_loop3A_495, %parallel_loop3A_496] : memref<4x128x33xf32, #tpu.memory_space<vmem>> -> memref<1x128x33xf32, #tpu.memory_space<vmem>>
          %parallel_loop3A_498 = tpu.memref_squeeze %parallel_loop3A_497 : memref<1x128x33xf32, #tpu.memory_space<vmem>> -> memref<128x33xf32, #tpu.memory_space<vmem>>
          tpu.vector_store_idx %parallel_loop3A_498[%parallel_loop3A_493, %parallel_loop3A_228], %parallel_loop3A_490 : memref<128x33xf32, #tpu.memory_space<vmem>>[vector<16xi32>, vector<16xi32>], vector<16xf32>,
          %parallel_loop3A_499 = arith.constant 8 : i32
          %parallel_loop3A_500 = arith.divsi %parallel_loop3A_224, %parallel_loop3A_499 : i32
          %parallel_loop3A_501 = arith.constant 0 : i32
          %parallel_loop3A_502 = arith.cmpi sgt, %parallel_loop3A_224, %parallel_loop3A_501 : i32
          %parallel_loop3A_503 = arith.extui %parallel_loop3A_502 : i1 to i32
          %parallel_loop3A_504 = arith.constant 0 : i32
          %parallel_loop3A_505 = arith.cmpi slt, %parallel_loop3A_224, %parallel_loop3A_504 : i32
          %parallel_loop3A_506 = arith.extui %parallel_loop3A_505 : i1 to i32
          %parallel_loop3A_507 = arith.subi %parallel_loop3A_503, %parallel_loop3A_506 : i32
          %parallel_loop3A_508 = arith.constant 0 : i32
          %parallel_loop3A_509 = arith.cmpi sgt, %parallel_loop3A_499, %parallel_loop3A_508 : i32
          %parallel_loop3A_510 = arith.extui %parallel_loop3A_509 : i1 to i32
          %parallel_loop3A_511 = arith.constant 0 : i32
          %parallel_loop3A_512 = arith.cmpi slt, %parallel_loop3A_499, %parallel_loop3A_511 : i32
          %parallel_loop3A_513 = arith.extui %parallel_loop3A_512 : i1 to i32
          %parallel_loop3A_514 = arith.subi %parallel_loop3A_510, %parallel_loop3A_513 : i32
          %parallel_loop3A_515 = arith.cmpi ne, %parallel_loop3A_507, %parallel_loop3A_514 : i32
          %parallel_loop3A_516 = arith.remsi %parallel_loop3A_224, %parallel_loop3A_499 : i32
          %parallel_loop3A_517 = arith.constant 0 : i32
          %parallel_loop3A_518 = arith.cmpi ne, %parallel_loop3A_516, %parallel_loop3A_517 : i32
          %parallel_loop3A_519 = arith.andi %parallel_loop3A_515, %parallel_loop3A_518 : i1
          %parallel_loop3A_520 = arith.constant 1 : i32
          %parallel_loop3A_521 = arith.subi %parallel_loop3A_500, %parallel_loop3A_520 : i32
          %parallel_loop3A_522 = arith.select %parallel_loop3A_519, %parallel_loop3A_521, %parallel_loop3A_500 : i32
          %parallel_loop3A_523 = arith.constant 8 : i32
          %parallel_loop3A_524 = arith.constant 0 : i32
          %parallel_loop3A_525 = arith.cmpi eq, %parallel_loop3A_523, %parallel_loop3A_524 : i32
          %parallel_loop3A_526 = arith.constant 1 : i32
          %parallel_loop3A_527 = arith.select %parallel_loop3A_525, %parallel_loop3A_526, %parallel_loop3A_523 : i32
          %parallel_loop3A_528 = arith.remsi %parallel_loop3A_224, %parallel_loop3A_527 : i32
          %parallel_loop3A_529 = arith.constant 0 : i32
          %parallel_loop3A_530 = arith.cmpi ne, %parallel_loop3A_528, %parallel_loop3A_529 : i32
          %parallel_loop3A_531 = arith.constant 0 : i32
          %parallel_loop3A_532 = arith.cmpi slt, %parallel_loop3A_528, %parallel_loop3A_531 : i32
          %parallel_loop3A_533 = arith.constant 0 : i32
          %parallel_loop3A_534 = arith.cmpi slt, %parallel_loop3A_527, %parallel_loop3A_533 : i32
          %parallel_loop3A_535 = arith.xori %parallel_loop3A_532, %parallel_loop3A_534 : i1
          %parallel_loop3A_536 = arith.andi %parallel_loop3A_535, %parallel_loop3A_530 : i1
          %parallel_loop3A_537 = arith.addi %parallel_loop3A_528, %parallel_loop3A_527 : i32
          %parallel_loop3A_538 = arith.select %parallel_loop3A_536, %parallel_loop3A_537, %parallel_loop3A_528 : i32
          %parallel_loop3A_539 = arith.constant 1 : i32
          %parallel_loop3A_540 = arith.index_cast %parallel_loop3A_539 : i32 to index
          %parallel_loop3A_541 = arith.index_cast %parallel_loop3A_522 : i32 to index
          %parallel_loop3A_542 = arith.index_cast %parallel_loop3A_538 : i32 to index
          %parallel_loop3A_543 = arith.constant 80 : index
          %parallel_loop3A_544 = tpu.vector_load %arg4[%parallel_loop3A_540, %parallel_loop3A_541, %parallel_loop3A_542, %parallel_loop3A_543] {strides = array<i32>} : memref<4x4x8x128xf32, #tpu.memory_space<vmem>>, vector<16xf32>,
          %parallel_loop3A_545 = arith.constant 80 : i32
          %parallel_loop3A_546 = vector.broadcast %parallel_loop3A_545 : i32 to vector<16xi32>
          %parallel_loop3A_547 = arith.addi %iota3A, %parallel_loop3A_546 : vector<16xi32>
          %parallel_loop3A_548 = arith.constant 1 : i32
          %parallel_loop3A_549 = arith.constant 0 : i32
          %parallel_loop3A_550 = arith.constant 0 : i32
          %parallel_loop3A_551 = tpu.memref_slice %arg5[%parallel_loop3A_548, %parallel_loop3A_549, %parallel_loop3A_550] : memref<4x128x33xf32, #tpu.memory_space<vmem>> -> memref<1x128x33xf32, #tpu.memory_space<vmem>>
          %parallel_loop3A_552 = tpu.memref_squeeze %parallel_loop3A_551 : memref<1x128x33xf32, #tpu.memory_space<vmem>> -> memref<128x33xf32, #tpu.memory_space<vmem>>
          tpu.vector_store_idx %parallel_loop3A_552[%parallel_loop3A_547, %parallel_loop3A_228], %parallel_loop3A_544 : memref<128x33xf32, #tpu.memory_space<vmem>>[vector<16xi32>, vector<16xi32>], vector<16xf32>,
          %parallel_loop3A_553 = arith.constant 8 : i32
          %parallel_loop3A_554 = arith.divsi %parallel_loop3A_224, %parallel_loop3A_553 : i32
          %parallel_loop3A_555 = arith.constant 0 : i32
          %parallel_loop3A_556 = arith.cmpi sgt, %parallel_loop3A_224, %parallel_loop3A_555 : i32
          %parallel_loop3A_557 = arith.extui %parallel_loop3A_556 : i1 to i32
          %parallel_loop3A_558 = arith.constant 0 : i32
          %parallel_loop3A_559 = arith.cmpi slt, %parallel_loop3A_224, %parallel_loop3A_558 : i32
          %parallel_loop3A_560 = arith.extui %parallel_loop3A_559 : i1 to i32
          %parallel_loop3A_561 = arith.subi %parallel_loop3A_557, %parallel_loop3A_560 : i32
          %parallel_loop3A_562 = arith.constant 0 : i32
          %parallel_loop3A_563 = arith.cmpi sgt, %parallel_loop3A_553, %parallel_loop3A_562 : i32
          %parallel_loop3A_564 = arith.extui %parallel_loop3A_563 : i1 to i32
          %parallel_loop3A_565 = arith.constant 0 : i32
          %parallel_loop3A_566 = arith.cmpi slt, %parallel_loop3A_553, %parallel_loop3A_565 : i32
          %parallel_loop3A_567 = arith.extui %parallel_loop3A_566 : i1 to i32
          %parallel_loop3A_568 = arith.subi %parallel_loop3A_564, %parallel_loop3A_567 : i32
          %parallel_loop3A_569 = arith.cmpi ne, %parallel_loop3A_561, %parallel_loop3A_568 : i32
          %parallel_loop3A_570 = arith.remsi %parallel_loop3A_224, %parallel_loop3A_553 : i32
          %parallel_loop3A_571 = arith.constant 0 : i32
          %parallel_loop3A_572 = arith.cmpi ne, %parallel_loop3A_570, %parallel_loop3A_571 : i32
          %parallel_loop3A_573 = arith.andi %parallel_loop3A_569, %parallel_loop3A_572 : i1
          %parallel_loop3A_574 = arith.constant 1 : i32
          %parallel_loop3A_575 = arith.subi %parallel_loop3A_554, %parallel_loop3A_574 : i32
          %parallel_loop3A_576 = arith.select %parallel_loop3A_573, %parallel_loop3A_575, %parallel_loop3A_554 : i32
          %parallel_loop3A_577 = arith.constant 8 : i32
          %parallel_loop3A_578 = arith.constant 0 : i32
          %parallel_loop3A_579 = arith.cmpi eq, %parallel_loop3A_577, %parallel_loop3A_578 : i32
          %parallel_loop3A_580 = arith.constant 1 : i32
          %parallel_loop3A_581 = arith.select %parallel_loop3A_579, %parallel_loop3A_580, %parallel_loop3A_577 : i32
          %parallel_loop3A_582 = arith.remsi %parallel_loop3A_224, %parallel_loop3A_581 : i32
          %parallel_loop3A_583 = arith.constant 0 : i32
          %parallel_loop3A_584 = arith.cmpi ne, %parallel_loop3A_582, %parallel_loop3A_583 : i32
          %parallel_loop3A_585 = arith.constant 0 : i32
          %parallel_loop3A_586 = arith.cmpi slt, %parallel_loop3A_582, %parallel_loop3A_585 : i32
          %parallel_loop3A_587 = arith.constant 0 : i32
          %parallel_loop3A_588 = arith.cmpi slt, %parallel_loop3A_581, %parallel_loop3A_587 : i32
          %parallel_loop3A_589 = arith.xori %parallel_loop3A_586, %parallel_loop3A_588 : i1
          %parallel_loop3A_590 = arith.andi %parallel_loop3A_589, %parallel_loop3A_584 : i1
          %parallel_loop3A_591 = arith.addi %parallel_loop3A_582, %parallel_loop3A_581 : i32
          %parallel_loop3A_592 = arith.select %parallel_loop3A_590, %parallel_loop3A_591, %parallel_loop3A_582 : i32
          %parallel_loop3A_593 = arith.constant 1 : i32
          %parallel_loop3A_594 = arith.index_cast %parallel_loop3A_593 : i32 to index
          %parallel_loop3A_595 = arith.index_cast %parallel_loop3A_576 : i32 to index
          %parallel_loop3A_596 = arith.index_cast %parallel_loop3A_592 : i32 to index
          %parallel_loop3A_597 = arith.constant 96 : index
          %parallel_loop3A_598 = tpu.vector_load %arg4[%parallel_loop3A_594, %parallel_loop3A_595, %parallel_loop3A_596, %parallel_loop3A_597] {strides = array<i32>} : memref<4x4x8x128xf32, #tpu.memory_space<vmem>>, vector<16xf32>,
          %parallel_loop3A_599 = arith.constant 96 : i32
          %parallel_loop3A_600 = vector.broadcast %parallel_loop3A_599 : i32 to vector<16xi32>
          %parallel_loop3A_601 = arith.addi %iota3A, %parallel_loop3A_600 : vector<16xi32>
          %parallel_loop3A_602 = arith.constant 1 : i32
          %parallel_loop3A_603 = arith.constant 0 : i32
          %parallel_loop3A_604 = arith.constant 0 : i32
          %parallel_loop3A_605 = tpu.memref_slice %arg5[%parallel_loop3A_602, %parallel_loop3A_603, %parallel_loop3A_604] : memref<4x128x33xf32, #tpu.memory_space<vmem>> -> memref<1x128x33xf32, #tpu.memory_space<vmem>>
          %parallel_loop3A_606 = tpu.memref_squeeze %parallel_loop3A_605 : memref<1x128x33xf32, #tpu.memory_space<vmem>> -> memref<128x33xf32, #tpu.memory_space<vmem>>
          tpu.vector_store_idx %parallel_loop3A_606[%parallel_loop3A_601, %parallel_loop3A_228], %parallel_loop3A_598 : memref<128x33xf32, #tpu.memory_space<vmem>>[vector<16xi32>, vector<16xi32>], vector<16xf32>,
          %parallel_loop3A_607 = arith.constant 8 : i32
          %parallel_loop3A_608 = arith.divsi %parallel_loop3A_224, %parallel_loop3A_607 : i32
          %parallel_loop3A_609 = arith.constant 0 : i32
          %parallel_loop3A_610 = arith.cmpi sgt, %parallel_loop3A_224, %parallel_loop3A_609 : i32
          %parallel_loop3A_611 = arith.extui %parallel_loop3A_610 : i1 to i32
          %parallel_loop3A_612 = arith.constant 0 : i32
          %parallel_loop3A_613 = arith.cmpi slt, %parallel_loop3A_224, %parallel_loop3A_612 : i32
          %parallel_loop3A_614 = arith.extui %parallel_loop3A_613 : i1 to i32
          %parallel_loop3A_615 = arith.subi %parallel_loop3A_611, %parallel_loop3A_614 : i32
          %parallel_loop3A_616 = arith.constant 0 : i32
          %parallel_loop3A_617 = arith.cmpi sgt, %parallel_loop3A_607, %parallel_loop3A_616 : i32
          %parallel_loop3A_618 = arith.extui %parallel_loop3A_617 : i1 to i32
          %parallel_loop3A_619 = arith.constant 0 : i32
          %parallel_loop3A_620 = arith.cmpi slt, %parallel_loop3A_607, %parallel_loop3A_619 : i32
          %parallel_loop3A_621 = arith.extui %parallel_loop3A_620 : i1 to i32
          %parallel_loop3A_622 = arith.subi %parallel_loop3A_618, %parallel_loop3A_621 : i32
          %parallel_loop3A_623 = arith.cmpi ne, %parallel_loop3A_615, %parallel_loop3A_622 : i32
          %parallel_loop3A_624 = arith.remsi %parallel_loop3A_224, %parallel_loop3A_607 : i32
          %parallel_loop3A_625 = arith.constant 0 : i32
          %parallel_loop3A_626 = arith.cmpi ne, %parallel_loop3A_624, %parallel_loop3A_625 : i32
          %parallel_loop3A_627 = arith.andi %parallel_loop3A_623, %parallel_loop3A_626 : i1
          %parallel_loop3A_628 = arith.constant 1 : i32
          %parallel_loop3A_629 = arith.subi %parallel_loop3A_608, %parallel_loop3A_628 : i32
          %parallel_loop3A_630 = arith.select %parallel_loop3A_627, %parallel_loop3A_629, %parallel_loop3A_608 : i32
          %parallel_loop3A_631 = arith.constant 8 : i32
          %parallel_loop3A_632 = arith.constant 0 : i32
          %parallel_loop3A_633 = arith.cmpi eq, %parallel_loop3A_631, %parallel_loop3A_632 : i32
          %parallel_loop3A_634 = arith.constant 1 : i32
          %parallel_loop3A_635 = arith.select %parallel_loop3A_633, %parallel_loop3A_634, %parallel_loop3A_631 : i32
          %parallel_loop3A_636 = arith.remsi %parallel_loop3A_224, %parallel_loop3A_635 : i32
          %parallel_loop3A_637 = arith.constant 0 : i32
          %parallel_loop3A_638 = arith.cmpi ne, %parallel_loop3A_636, %parallel_loop3A_637 : i32
          %parallel_loop3A_639 = arith.constant 0 : i32
          %parallel_loop3A_640 = arith.cmpi slt, %parallel_loop3A_636, %parallel_loop3A_639 : i32
          %parallel_loop3A_641 = arith.constant 0 : i32
          %parallel_loop3A_642 = arith.cmpi slt, %parallel_loop3A_635, %parallel_loop3A_641 : i32
          %parallel_loop3A_643 = arith.xori %parallel_loop3A_640, %parallel_loop3A_642 : i1
          %parallel_loop3A_644 = arith.andi %parallel_loop3A_643, %parallel_loop3A_638 : i1
          %parallel_loop3A_645 = arith.addi %parallel_loop3A_636, %parallel_loop3A_635 : i32
          %parallel_loop3A_646 = arith.select %parallel_loop3A_644, %parallel_loop3A_645, %parallel_loop3A_636 : i32
          %parallel_loop3A_647 = arith.constant 1 : i32
          %parallel_loop3A_648 = arith.index_cast %parallel_loop3A_647 : i32 to index
          %parallel_loop3A_649 = arith.index_cast %parallel_loop3A_630 : i32 to index
          %parallel_loop3A_650 = arith.index_cast %parallel_loop3A_646 : i32 to index
          %parallel_loop3A_651 = arith.constant 112 : index
          %parallel_loop3A_652 = tpu.vector_load %arg4[%parallel_loop3A_648, %parallel_loop3A_649, %parallel_loop3A_650, %parallel_loop3A_651] {strides = array<i32>} : memref<4x4x8x128xf32, #tpu.memory_space<vmem>>, vector<16xf32>,
          %parallel_loop3A_653 = arith.constant 112 : i32
          %parallel_loop3A_654 = vector.broadcast %parallel_loop3A_653 : i32 to vector<16xi32>
          %parallel_loop3A_655 = arith.addi %iota3A, %parallel_loop3A_654 : vector<16xi32>
          %parallel_loop3A_656 = arith.constant 1 : i32
          %parallel_loop3A_657 = arith.constant 0 : i32
          %parallel_loop3A_658 = arith.constant 0 : i32
          %parallel_loop3A_659 = tpu.memref_slice %arg5[%parallel_loop3A_656, %parallel_loop3A_657, %parallel_loop3A_658] : memref<4x128x33xf32, #tpu.memory_space<vmem>> -> memref<1x128x33xf32, #tpu.memory_space<vmem>>
          %parallel_loop3A_660 = tpu.memref_squeeze %parallel_loop3A_659 : memref<1x128x33xf32, #tpu.memory_space<vmem>> -> memref<128x33xf32, #tpu.memory_space<vmem>>
          tpu.vector_store_idx %parallel_loop3A_660[%parallel_loop3A_655, %parallel_loop3A_228], %parallel_loop3A_652 : memref<128x33xf32, #tpu.memory_space<vmem>>[vector<16xi32>, vector<16xi32>], vector<16xf32>,
        } {sc.loop_unroll_factor = 4 : i64, sc.parallel_access}
        %mul3A_207 = arith.constant 32 : i32
        %mul3A_208 = arith.muli %mul3A_207, %add3A_116 : i32
        %add3A_209 = arith.addi %add3A, %mul3A_208 : i32
        %mul3A_210 = arith.constant 128 : i32
        %mul3A_211 = arith.muli %add3A_209, %mul3A_210 : i32
        %dma_start3A = arith.constant 1 : i32
        %dma_start3A_212 = arith.constant 0 : i32
        %dma_start3A_213 = arith.constant 0 : i32
        %dma_start3A_214 = tpu.memref_slice %arg5[%dma_start3A, %dma_start3A_212, %dma_start3A_213] : memref<4x128x33xf32, #tpu.memory_space<vmem>> -> memref<1x128x32xf32, #tpu.memory_space<vmem>>
        %dma_start3A_215 = tpu.memref_squeeze %dma_start3A_214 : memref<1x128x32xf32, #tpu.memory_space<vmem>> -> memref<128x32xf32, #tpu.memory_space<vmem>>
        %dma_start3A_216 = arith.constant 0 : i32
        %dma_start3A_217 = tpu.memref_slice %arg3[%mul3A_211, %dma_start3A_216] : memref<1000064x32xf32, #tpu.memory_space<hbm>> -> memref<128x32xf32, #tpu.memory_space<hbm>>
        %dma_start3A_218 = arith.constant 0 : i32
        %dma_start3A_219 = tpu.memref_slice %arg3[%mul3A_211, %dma_start3A_218] : memref<1000064x32xf32, #tpu.memory_space<hbm>> -> memref<128x32xf32, #tpu.memory_space<hbm>>
        %dma_start3A_220 = arith.constant 0 : i32
        %dma_start3A_221 = arith.constant 0 : i32
        %dma_start3A_222 = tpu.memref_slice %arg5[%dma_start3A, %dma_start3A_220, %dma_start3A_221] : memref<4x128x33xf32, #tpu.memory_space<vmem>> -> memref<1x128x32xf32, #tpu.memory_space<vmem>>
        %dma_start3A_223 = tpu.memref_squeeze %dma_start3A_222 : memref<1x128x32xf32, #tpu.memory_space<vmem>> -> memref<128x32xf32, #tpu.memory_space<vmem>>
        tpu.enqueue_dma source(%dma_start3A_223 : memref<128x32xf32, #tpu.memory_space<vmem>>) target(%dma_start3A_219 : memref<128x32xf32, #tpu.memory_space<hbm>>) target_semaphore(%arg11 : memref<!tpu.dma_semaphore, #tpu.memory_space<semaphore_mem>>)
      } else {
      }
      %add3A_125 = arith.constant 4 : i32
      %add3A_126 = arith.addi %add3A_116, %add3A_125 : i32
      %mul3A_127 = arith.constant 32 : i32
      %mul3A_128 = arith.muli %mul3A_127, %add3A_126 : i32
      %add3A_129 = arith.addi %add3A, %mul3A_128 : i32
      %lt3A_130 = arith.constant 7813 : i32
      %lt3A_131 = arith.cmpi slt, %add3A_129, %lt3A_130 : i32
      %convert_element_type3A_132 = arith.extui %lt3A_131 : i1 to i32
      %cond3A_133 = arith.constant 0 : i32
      %cond3A_134 = arith.cmpi ne, %convert_element_type3A_132, %cond3A_133 : i32
      scf.if %cond3A_134 {
        %add3A_179 = arith.constant 4 : i32
        %add3A_180 = arith.addi %add3A_116, %add3A_179 : i32
        %mul3A_181 = arith.constant 32 : i32
        %mul3A_182 = arith.muli %mul3A_181, %add3A_180 : i32
        %add3A_183 = arith.addi %add3A, %mul3A_182 : i32
        %dma_start3A = arith.constant 1 : i32
        %dma_start3A_184 = arith.constant 0 : i32
        %dma_start3A_185 = arith.constant 0 : i32
        %dma_start3A_186 = arith.constant 0 : i32
        %dma_start3A_187 = tpu.memref_slice %arg4[%dma_start3A, %dma_start3A_184, %dma_start3A_185, %dma_start3A_186] : memref<4x4x8x128xf32, #tpu.memory_space<vmem>> -> memref<1x4x8x128xf32, #tpu.memory_space<vmem>>
        %dma_start3A_188 = tpu.memref_squeeze %dma_start3A_187 : memref<1x4x8x128xf32, #tpu.memory_space<vmem>> -> memref<4x8x128xf32, #tpu.memory_space<vmem>>
        %dma_start3A_189 = arith.constant 0 : i32
        %dma_start3A_190 = arith.constant 0 : i32
        %dma_start3A_191 = arith.constant 0 : i32
        %dma_start3A_192 = tpu.memref_slice %arg2[%dma_start3A_189, %add3A_183, %dma_start3A_190, %dma_start3A_191] : memref<4x7813x8x128xf32, #tpu.memory_space<hbm>> -> memref<4x1x8x128xf32, #tpu.memory_space<hbm>>
        %dma_start3A_193 = tpu.memref_squeeze %dma_start3A_192 : memref<4x1x8x128xf32, #tpu.memory_space<hbm>> -> memref<4x8x128xf32, #tpu.memory_space<hbm>>
        %dma_start3A_194 = arith.constant 0 : i32
        %dma_start3A_195 = arith.constant 0 : i32
        %dma_start3A_196 = arith.constant 0 : i32
        %dma_start3A_197 = tpu.memref_slice %arg4[%dma_start3A, %dma_start3A_194, %dma_start3A_195, %dma_start3A_196] : memref<4x4x8x128xf32, #tpu.memory_space<vmem>> -> memref<1x4x8x128xf32, #tpu.memory_space<vmem>>
        %dma_start3A_198 = tpu.memref_squeeze %dma_start3A_197 : memref<1x4x8x128xf32, #tpu.memory_space<vmem>> -> memref<4x8x128xf32, #tpu.memory_space<vmem>>
        %dma_start3A_199 = arith.constant 0 : i32
        %dma_start3A_200 = arith.constant 0 : i32
        %dma_start3A_201 = arith.constant 0 : i32
        %dma_start3A_202 = tpu.memref_slice %arg2[%dma_start3A_199, %add3A_183, %dma_start3A_200, %dma_start3A_201] : memref<4x7813x8x128xf32, #tpu.memory_space<hbm>> -> memref<4x1x8x128xf32, #tpu.memory_space<hbm>>
        %dma_start3A_203 = tpu.memref_squeeze %dma_start3A_202 : memref<4x1x8x128xf32, #tpu.memory_space<hbm>> -> memref<4x8x128xf32, #tpu.memory_space<hbm>>
        tpu.enqueue_dma source(%dma_start3A_203 : memref<4x8x128xf32, #tpu.memory_space<hbm>>) target(%dma_start3A_198 : memref<4x8x128xf32, #tpu.memory_space<vmem>>) target_semaphore(%arg7 : memref<!tpu.dma_semaphore, #tpu.memory_space<semaphore_mem>>)
      } else {
      }
      %mul3A_135 = arith.constant 4 : i32
      %mul3A_136 = arith.muli %mul3A_135, %scan3A_90 : i32
      %add3A_137 = arith.constant 2 : i32
      %add3A_138 = arith.addi %mul3A_136, %add3A_137 : i32
      %mul3A_139 = arith.constant 32 : i32
      %mul3A_140 = arith.muli %mul3A_139, %add3A_138 : i32
      %add3A_141 = arith.addi %add3A, %mul3A_140 : i32
      %lt3A_142 = arith.constant 7813 : i32
      %lt3A_143 = arith.cmpi slt, %add3A_141, %lt3A_142 : i32
      %convert_element_type3A_144 = arith.extui %lt3A_143 : i1 to i32
      %cond3A_145 = arith.constant 0 : i32
      %cond3A_146 = arith.cmpi ne, %convert_element_type3A_144, %cond3A_145 : i32
      scf.if %cond3A_146 {
        %dma_wait3A_179 = arith.constant 0 : i32
        %dma_wait3A_180 = arith.constant 2 : i32
        %dma_wait3A_181 = arith.constant 0 : i32
        %dma_wait3A_182 = arith.constant 0 : i32
        %dma_wait3A_183 = arith.constant 0 : i32
        %dma_wait3A_184 = tpu.memref_slice %arg4[%dma_wait3A_180, %dma_wait3A_181, %dma_wait3A_182, %dma_wait3A_183] : memref<4x4x8x128xf32, #tpu.memory_space<vmem>> -> memref<1x4x8x128xf32, #tpu.memory_space<vmem>>
        %dma_wait3A_185 = tpu.memref_squeeze %dma_wait3A_184 : memref<1x4x8x128xf32, #tpu.memory_space<vmem>> -> memref<4x8x128xf32, #tpu.memory_space<vmem>>
        %dma_wait3A_186 = arith.constant 0 : i32
        %dma_wait3A_187 = arith.constant 0 : i32
        %dma_wait3A_188 = arith.constant 0 : i32
        %dma_wait3A_189 = tpu.memref_slice %arg2[%dma_wait3A_186, %dma_wait3A_179, %dma_wait3A_187, %dma_wait3A_188] : memref<4x7813x8x128xf32, #tpu.memory_space<hbm>> -> memref<4x1x8x128xf32, #tpu.memory_space<hbm>>
        %dma_wait3A_190 = tpu.memref_squeeze %dma_wait3A_189 : memref<4x1x8x128xf32, #tpu.memory_space<hbm>> -> memref<4x8x128xf32, #tpu.memory_space<hbm>>
        %dma_wait3A_191 = arith.constant 0 : i32
        %dma_wait3A_192 = arith.constant 0 : i32
        %dma_wait3A_193 = arith.constant 0 : i32
        %dma_wait3A_194 = tpu.memref_slice %arg4[%dma_wait3A_180, %dma_wait3A_191, %dma_wait3A_192, %dma_wait3A_193] : memref<4x4x8x128xf32, #tpu.memory_space<vmem>> -> memref<1x4x8x128xf32, #tpu.memory_space<vmem>>
        %dma_wait3A_195 = tpu.memref_squeeze %dma_wait3A_194 : memref<1x4x8x128xf32, #tpu.memory_space<vmem>> -> memref<4x8x128xf32, #tpu.memory_space<vmem>>
        %dma_wait3A_196 = arith.constant 0 : i32
        %dma_wait3A_197 = arith.constant 0 : i32
        %dma_wait3A_198 = arith.constant 0 : i32
        %dma_wait3A_199 = tpu.memref_slice %arg2[%dma_wait3A_196, %dma_wait3A_179, %dma_wait3A_197, %dma_wait3A_198] : memref<4x7813x8x128xf32, #tpu.memory_space<hbm>> -> memref<4x1x8x128xf32, #tpu.memory_space<hbm>>
        %dma_wait3A_200 = tpu.memref_squeeze %dma_wait3A_199 : memref<4x1x8x128xf32, #tpu.memory_space<hbm>> -> memref<4x8x128xf32, #tpu.memory_space<hbm>>
        tpu.wait_dma2 semaphore(%arg8 : memref<!tpu.dma_semaphore, #tpu.memory_space<semaphore_mem>>) src(%dma_wait3A_200 : memref<4x8x128xf32, #tpu.memory_space<hbm>>) dst(%dma_wait3A_195 : memref<4x8x128xf32, #tpu.memory_space<vmem>>)
        %ge3A = arith.constant 4 : i32
        %ge3A_201 = arith.cmpi sge, %add3A_138, %ge3A : i32
        %convert_element_type3A_202 = arith.extui %ge3A_201 : i1 to i32
        %cond3A_203 = arith.constant 0 : i32
        %cond3A_204 = arith.cmpi ne, %convert_element_type3A_202, %cond3A_203 : i32
        scf.if %cond3A_204 {
          %dma_wait3A_224 = arith.constant 2 : i32
          %dma_wait3A_225 = arith.constant 0 : i32
          %dma_wait3A_226 = arith.constant 0 : i32
          %dma_wait3A_227 = tpu.memref_slice %arg5[%dma_wait3A_224, %dma_wait3A_225, %dma_wait3A_226] : memref<4x128x33xf32, #tpu.memory_space<vmem>> -> memref<1x128x32xf32, #tpu.memory_space<vmem>>
          %dma_wait3A_228 = tpu.memref_squeeze %dma_wait3A_227 : memref<1x128x32xf32, #tpu.memory_space<vmem>> -> memref<128x32xf32, #tpu.memory_space<vmem>>
          %dma_wait3A_229 = arith.constant 0 : i32
          %dma_wait3A_230 = arith.constant 0 : i32
          %dma_wait3A_231 = tpu.memref_slice %arg3[%dma_wait3A_229, %dma_wait3A_230] : memref<1000064x32xf32, #tpu.memory_space<hbm>> -> memref<128x32xf32, #tpu.memory_space<hbm>>
          %dma_wait3A_232 = arith.constant 0 : i32
          %dma_wait3A_233 = arith.constant 0 : i32
          %dma_wait3A_234 = tpu.memref_slice %arg3[%dma_wait3A_232, %dma_wait3A_233] : memref<1000064x32xf32, #tpu.memory_space<hbm>> -> memref<128x32xf32, #tpu.memory_space<hbm>>
          %dma_wait3A_235 = arith.constant 0 : i32
          %dma_wait3A_236 = arith.constant 0 : i32
          %dma_wait3A_237 = tpu.memref_slice %arg5[%dma_wait3A_224, %dma_wait3A_235, %dma_wait3A_236] : memref<4x128x33xf32, #tpu.memory_space<vmem>> -> memref<1x128x32xf32, #tpu.memory_space<vmem>>
          %dma_wait3A_238 = tpu.memref_squeeze %dma_wait3A_237 : memref<1x128x32xf32, #tpu.memory_space<vmem>> -> memref<128x32xf32, #tpu.memory_space<vmem>>
          tpu.wait_dma2 semaphore(%arg12 : memref<!tpu.dma_semaphore, #tpu.memory_space<semaphore_mem>>) src(%dma_wait3A_238 : memref<128x32xf32, #tpu.memory_space<vmem>>) dst(%dma_wait3A_234 : memref<128x32xf32, #tpu.memory_space<hbm>>)
        } else {
        }
        %parallel_loop3A = arith.constant 0 : i32
        %parallel_loop3A_205 = arith.constant 32 : i32
        %parallel_loop3A_206 = arith.constant 1 : i32
        scf.for %parallel_loop3A_224 = %parallel_loop3A to %parallel_loop3A_205 step %parallel_loop3A_206  : i32 {
          %parallel_loop3A_225 = arith.constant 1 : i32
          %parallel_loop3A_226 = vector.broadcast %parallel_loop3A_225 : i32 to vector<16xi32>
          %parallel_loop3A_227 = vector.broadcast %parallel_loop3A_224 : i32 to vector<16xi32>
          %parallel_loop3A_228 = arith.muli %parallel_loop3A_226, %parallel_loop3A_227 : vector<16xi32>
          %parallel_loop3A_229 = arith.constant 8 : i32
          %parallel_loop3A_230 = arith.divsi %parallel_loop3A_224, %parallel_loop3A_229 : i32
          %parallel_loop3A_231 = arith.constant 0 : i32
          %parallel_loop3A_232 = arith.cmpi sgt, %parallel_loop3A_224, %parallel_loop3A_231 : i32
          %parallel_loop3A_233 = arith.extui %parallel_loop3A_232 : i1 to i32
          %parallel_loop3A_234 = arith.constant 0 : i32
          %parallel_loop3A_235 = arith.cmpi slt, %parallel_loop3A_224, %parallel_loop3A_234 : i32
          %parallel_loop3A_236 = arith.extui %parallel_loop3A_235 : i1 to i32
          %parallel_loop3A_237 = arith.subi %parallel_loop3A_233, %parallel_loop3A_236 : i32
          %parallel_loop3A_238 = arith.constant 0 : i32
          %parallel_loop3A_239 = arith.cmpi sgt, %parallel_loop3A_229, %parallel_loop3A_238 : i32
          %parallel_loop3A_240 = arith.extui %parallel_loop3A_239 : i1 to i32
          %parallel_loop3A_241 = arith.constant 0 : i32
          %parallel_loop3A_242 = arith.cmpi slt, %parallel_loop3A_229, %parallel_loop3A_241 : i32
          %parallel_loop3A_243 = arith.extui %parallel_loop3A_242 : i1 to i32
          %parallel_loop3A_244 = arith.subi %parallel_loop3A_240, %parallel_loop3A_243 : i32
          %parallel_loop3A_245 = arith.cmpi ne, %parallel_loop3A_237, %parallel_loop3A_244 : i32
          %parallel_loop3A_246 = arith.remsi %parallel_loop3A_224, %parallel_loop3A_229 : i32
          %parallel_loop3A_247 = arith.constant 0 : i32
          %parallel_loop3A_248 = arith.cmpi ne, %parallel_loop3A_246, %parallel_loop3A_247 : i32
          %parallel_loop3A_249 = arith.andi %parallel_loop3A_245, %parallel_loop3A_248 : i1
          %parallel_loop3A_250 = arith.constant 1 : i32
          %parallel_loop3A_251 = arith.subi %parallel_loop3A_230, %parallel_loop3A_250 : i32
          %parallel_loop3A_252 = arith.select %parallel_loop3A_249, %parallel_loop3A_251, %parallel_loop3A_230 : i32
          %parallel_loop3A_253 = arith.constant 8 : i32
          %parallel_loop3A_254 = arith.constant 0 : i32
          %parallel_loop3A_255 = arith.cmpi eq, %parallel_loop3A_253, %parallel_loop3A_254 : i32
          %parallel_loop3A_256 = arith.constant 1 : i32
          %parallel_loop3A_257 = arith.select %parallel_loop3A_255, %parallel_loop3A_256, %parallel_loop3A_253 : i32
          %parallel_loop3A_258 = arith.remsi %parallel_loop3A_224, %parallel_loop3A_257 : i32
          %parallel_loop3A_259 = arith.constant 0 : i32
          %parallel_loop3A_260 = arith.cmpi ne, %parallel_loop3A_258, %parallel_loop3A_259 : i32
          %parallel_loop3A_261 = arith.constant 0 : i32
          %parallel_loop3A_262 = arith.cmpi slt, %parallel_loop3A_258, %parallel_loop3A_261 : i32
          %parallel_loop3A_263 = arith.constant 0 : i32
          %parallel_loop3A_264 = arith.cmpi slt, %parallel_loop3A_257, %parallel_loop3A_263 : i32
          %parallel_loop3A_265 = arith.xori %parallel_loop3A_262, %parallel_loop3A_264 : i1
          %parallel_loop3A_266 = arith.andi %parallel_loop3A_265, %parallel_loop3A_260 : i1
          %parallel_loop3A_267 = arith.addi %parallel_loop3A_258, %parallel_loop3A_257 : i32
          %parallel_loop3A_268 = arith.select %parallel_loop3A_266, %parallel_loop3A_267, %parallel_loop3A_258 : i32
          %parallel_loop3A_269 = arith.constant 2 : i32
          %parallel_loop3A_270 = arith.index_cast %parallel_loop3A_269 : i32 to index
          %parallel_loop3A_271 = arith.index_cast %parallel_loop3A_252 : i32 to index
          %parallel_loop3A_272 = arith.index_cast %parallel_loop3A_268 : i32 to index
          %parallel_loop3A_273 = arith.constant 0 : index
          %parallel_loop3A_274 = tpu.vector_load %arg4[%parallel_loop3A_270, %parallel_loop3A_271, %parallel_loop3A_272, %parallel_loop3A_273] {strides = array<i32>} : memref<4x4x8x128xf32, #tpu.memory_space<vmem>>, vector<16xf32>,
          %parallel_loop3A_275 = arith.constant 0 : i32
          %parallel_loop3A_276 = vector.broadcast %parallel_loop3A_275 : i32 to vector<16xi32>
          %parallel_loop3A_277 = arith.addi %iota3A, %parallel_loop3A_276 : vector<16xi32>
          %parallel_loop3A_278 = arith.constant 2 : i32
          %parallel_loop3A_279 = arith.constant 0 : i32
          %parallel_loop3A_280 = arith.constant 0 : i32
          %parallel_loop3A_281 = tpu.memref_slice %arg5[%parallel_loop3A_278, %parallel_loop3A_279, %parallel_loop3A_280] : memref<4x128x33xf32, #tpu.memory_space<vmem>> -> memref<1x128x33xf32, #tpu.memory_space<vmem>>
          %parallel_loop3A_282 = tpu.memref_squeeze %parallel_loop3A_281 : memref<1x128x33xf32, #tpu.memory_space<vmem>> -> memref<128x33xf32, #tpu.memory_space<vmem>>
          tpu.vector_store_idx %parallel_loop3A_282[%parallel_loop3A_277, %parallel_loop3A_228], %parallel_loop3A_274 : memref<128x33xf32, #tpu.memory_space<vmem>>[vector<16xi32>, vector<16xi32>], vector<16xf32>,
          %parallel_loop3A_283 = arith.constant 8 : i32
          %parallel_loop3A_284 = arith.divsi %parallel_loop3A_224, %parallel_loop3A_283 : i32
          %parallel_loop3A_285 = arith.constant 0 : i32
          %parallel_loop3A_286 = arith.cmpi sgt, %parallel_loop3A_224, %parallel_loop3A_285 : i32
          %parallel_loop3A_287 = arith.extui %parallel_loop3A_286 : i1 to i32
          %parallel_loop3A_288 = arith.constant 0 : i32
          %parallel_loop3A_289 = arith.cmpi slt, %parallel_loop3A_224, %parallel_loop3A_288 : i32
          %parallel_loop3A_290 = arith.extui %parallel_loop3A_289 : i1 to i32
          %parallel_loop3A_291 = arith.subi %parallel_loop3A_287, %parallel_loop3A_290 : i32
          %parallel_loop3A_292 = arith.constant 0 : i32
          %parallel_loop3A_293 = arith.cmpi sgt, %parallel_loop3A_283, %parallel_loop3A_292 : i32
          %parallel_loop3A_294 = arith.extui %parallel_loop3A_293 : i1 to i32
          %parallel_loop3A_295 = arith.constant 0 : i32
          %parallel_loop3A_296 = arith.cmpi slt, %parallel_loop3A_283, %parallel_loop3A_295 : i32
          %parallel_loop3A_297 = arith.extui %parallel_loop3A_296 : i1 to i32
          %parallel_loop3A_298 = arith.subi %parallel_loop3A_294, %parallel_loop3A_297 : i32
          %parallel_loop3A_299 = arith.cmpi ne, %parallel_loop3A_291, %parallel_loop3A_298 : i32
          %parallel_loop3A_300 = arith.remsi %parallel_loop3A_224, %parallel_loop3A_283 : i32
          %parallel_loop3A_301 = arith.constant 0 : i32
          %parallel_loop3A_302 = arith.cmpi ne, %parallel_loop3A_300, %parallel_loop3A_301 : i32
          %parallel_loop3A_303 = arith.andi %parallel_loop3A_299, %parallel_loop3A_302 : i1
          %parallel_loop3A_304 = arith.constant 1 : i32
          %parallel_loop3A_305 = arith.subi %parallel_loop3A_284, %parallel_loop3A_304 : i32
          %parallel_loop3A_306 = arith.select %parallel_loop3A_303, %parallel_loop3A_305, %parallel_loop3A_284 : i32
          %parallel_loop3A_307 = arith.constant 8 : i32
          %parallel_loop3A_308 = arith.constant 0 : i32
          %parallel_loop3A_309 = arith.cmpi eq, %parallel_loop3A_307, %parallel_loop3A_308 : i32
          %parallel_loop3A_310 = arith.constant 1 : i32
          %parallel_loop3A_311 = arith.select %parallel_loop3A_309, %parallel_loop3A_310, %parallel_loop3A_307 : i32
          %parallel_loop3A_312 = arith.remsi %parallel_loop3A_224, %parallel_loop3A_311 : i32
          %parallel_loop3A_313 = arith.constant 0 : i32
          %parallel_loop3A_314 = arith.cmpi ne, %parallel_loop3A_312, %parallel_loop3A_313 : i32
          %parallel_loop3A_315 = arith.constant 0 : i32
          %parallel_loop3A_316 = arith.cmpi slt, %parallel_loop3A_312, %parallel_loop3A_315 : i32
          %parallel_loop3A_317 = arith.constant 0 : i32
          %parallel_loop3A_318 = arith.cmpi slt, %parallel_loop3A_311, %parallel_loop3A_317 : i32
          %parallel_loop3A_319 = arith.xori %parallel_loop3A_316, %parallel_loop3A_318 : i1
          %parallel_loop3A_320 = arith.andi %parallel_loop3A_319, %parallel_loop3A_314 : i1
          %parallel_loop3A_321 = arith.addi %parallel_loop3A_312, %parallel_loop3A_311 : i32
          %parallel_loop3A_322 = arith.select %parallel_loop3A_320, %parallel_loop3A_321, %parallel_loop3A_312 : i32
          %parallel_loop3A_323 = arith.constant 2 : i32
          %parallel_loop3A_324 = arith.index_cast %parallel_loop3A_323 : i32 to index
          %parallel_loop3A_325 = arith.index_cast %parallel_loop3A_306 : i32 to index
          %parallel_loop3A_326 = arith.index_cast %parallel_loop3A_322 : i32 to index
          %parallel_loop3A_327 = arith.constant 16 : index
          %parallel_loop3A_328 = tpu.vector_load %arg4[%parallel_loop3A_324, %parallel_loop3A_325, %parallel_loop3A_326, %parallel_loop3A_327] {strides = array<i32>} : memref<4x4x8x128xf32, #tpu.memory_space<vmem>>, vector<16xf32>,
          %parallel_loop3A_329 = arith.constant 16 : i32
          %parallel_loop3A_330 = vector.broadcast %parallel_loop3A_329 : i32 to vector<16xi32>
          %parallel_loop3A_331 = arith.addi %iota3A, %parallel_loop3A_330 : vector<16xi32>
          %parallel_loop3A_332 = arith.constant 2 : i32
          %parallel_loop3A_333 = arith.constant 0 : i32
          %parallel_loop3A_334 = arith.constant 0 : i32
          %parallel_loop3A_335 = tpu.memref_slice %arg5[%parallel_loop3A_332, %parallel_loop3A_333, %parallel_loop3A_334] : memref<4x128x33xf32, #tpu.memory_space<vmem>> -> memref<1x128x33xf32, #tpu.memory_space<vmem>>
          %parallel_loop3A_336 = tpu.memref_squeeze %parallel_loop3A_335 : memref<1x128x33xf32, #tpu.memory_space<vmem>> -> memref<128x33xf32, #tpu.memory_space<vmem>>
          tpu.vector_store_idx %parallel_loop3A_336[%parallel_loop3A_331, %parallel_loop3A_228], %parallel_loop3A_328 : memref<128x33xf32, #tpu.memory_space<vmem>>[vector<16xi32>, vector<16xi32>], vector<16xf32>,
          %parallel_loop3A_337 = arith.constant 8 : i32
          %parallel_loop3A_338 = arith.divsi %parallel_loop3A_224, %parallel_loop3A_337 : i32
          %parallel_loop3A_339 = arith.constant 0 : i32
          %parallel_loop3A_340 = arith.cmpi sgt, %parallel_loop3A_224, %parallel_loop3A_339 : i32
          %parallel_loop3A_341 = arith.extui %parallel_loop3A_340 : i1 to i32
          %parallel_loop3A_342 = arith.constant 0 : i32
          %parallel_loop3A_343 = arith.cmpi slt, %parallel_loop3A_224, %parallel_loop3A_342 : i32
          %parallel_loop3A_344 = arith.extui %parallel_loop3A_343 : i1 to i32
          %parallel_loop3A_345 = arith.subi %parallel_loop3A_341, %parallel_loop3A_344 : i32
          %parallel_loop3A_346 = arith.constant 0 : i32
          %parallel_loop3A_347 = arith.cmpi sgt, %parallel_loop3A_337, %parallel_loop3A_346 : i32
          %parallel_loop3A_348 = arith.extui %parallel_loop3A_347 : i1 to i32
          %parallel_loop3A_349 = arith.constant 0 : i32
          %parallel_loop3A_350 = arith.cmpi slt, %parallel_loop3A_337, %parallel_loop3A_349 : i32
          %parallel_loop3A_351 = arith.extui %parallel_loop3A_350 : i1 to i32
          %parallel_loop3A_352 = arith.subi %parallel_loop3A_348, %parallel_loop3A_351 : i32
          %parallel_loop3A_353 = arith.cmpi ne, %parallel_loop3A_345, %parallel_loop3A_352 : i32
          %parallel_loop3A_354 = arith.remsi %parallel_loop3A_224, %parallel_loop3A_337 : i32
          %parallel_loop3A_355 = arith.constant 0 : i32
          %parallel_loop3A_356 = arith.cmpi ne, %parallel_loop3A_354, %parallel_loop3A_355 : i32
          %parallel_loop3A_357 = arith.andi %parallel_loop3A_353, %parallel_loop3A_356 : i1
          %parallel_loop3A_358 = arith.constant 1 : i32
          %parallel_loop3A_359 = arith.subi %parallel_loop3A_338, %parallel_loop3A_358 : i32
          %parallel_loop3A_360 = arith.select %parallel_loop3A_357, %parallel_loop3A_359, %parallel_loop3A_338 : i32
          %parallel_loop3A_361 = arith.constant 8 : i32
          %parallel_loop3A_362 = arith.constant 0 : i32
          %parallel_loop3A_363 = arith.cmpi eq, %parallel_loop3A_361, %parallel_loop3A_362 : i32
          %parallel_loop3A_364 = arith.constant 1 : i32
          %parallel_loop3A_365 = arith.select %parallel_loop3A_363, %parallel_loop3A_364, %parallel_loop3A_361 : i32
          %parallel_loop3A_366 = arith.remsi %parallel_loop3A_224, %parallel_loop3A_365 : i32
          %parallel_loop3A_367 = arith.constant 0 : i32
          %parallel_loop3A_368 = arith.cmpi ne, %parallel_loop3A_366, %parallel_loop3A_367 : i32
          %parallel_loop3A_369 = arith.constant 0 : i32
          %parallel_loop3A_370 = arith.cmpi slt, %parallel_loop3A_366, %parallel_loop3A_369 : i32
          %parallel_loop3A_371 = arith.constant 0 : i32
          %parallel_loop3A_372 = arith.cmpi slt, %parallel_loop3A_365, %parallel_loop3A_371 : i32
          %parallel_loop3A_373 = arith.xori %parallel_loop3A_370, %parallel_loop3A_372 : i1
          %parallel_loop3A_374 = arith.andi %parallel_loop3A_373, %parallel_loop3A_368 : i1
          %parallel_loop3A_375 = arith.addi %parallel_loop3A_366, %parallel_loop3A_365 : i32
          %parallel_loop3A_376 = arith.select %parallel_loop3A_374, %parallel_loop3A_375, %parallel_loop3A_366 : i32
          %parallel_loop3A_377 = arith.constant 2 : i32
          %parallel_loop3A_378 = arith.index_cast %parallel_loop3A_377 : i32 to index
          %parallel_loop3A_379 = arith.index_cast %parallel_loop3A_360 : i32 to index
          %parallel_loop3A_380 = arith.index_cast %parallel_loop3A_376 : i32 to index
          %parallel_loop3A_381 = arith.constant 32 : index
          %parallel_loop3A_382 = tpu.vector_load %arg4[%parallel_loop3A_378, %parallel_loop3A_379, %parallel_loop3A_380, %parallel_loop3A_381] {strides = array<i32>} : memref<4x4x8x128xf32, #tpu.memory_space<vmem>>, vector<16xf32>,
          %parallel_loop3A_383 = arith.constant 32 : i32
          %parallel_loop3A_384 = vector.broadcast %parallel_loop3A_383 : i32 to vector<16xi32>
          %parallel_loop3A_385 = arith.addi %iota3A, %parallel_loop3A_384 : vector<16xi32>
          %parallel_loop3A_386 = arith.constant 2 : i32
          %parallel_loop3A_387 = arith.constant 0 : i32
          %parallel_loop3A_388 = arith.constant 0 : i32
          %parallel_loop3A_389 = tpu.memref_slice %arg5[%parallel_loop3A_386, %parallel_loop3A_387, %parallel_loop3A_388] : memref<4x128x33xf32, #tpu.memory_space<vmem>> -> memref<1x128x33xf32, #tpu.memory_space<vmem>>
          %parallel_loop3A_390 = tpu.memref_squeeze %parallel_loop3A_389 : memref<1x128x33xf32, #tpu.memory_space<vmem>> -> memref<128x33xf32, #tpu.memory_space<vmem>>
          tpu.vector_store_idx %parallel_loop3A_390[%parallel_loop3A_385, %parallel_loop3A_228], %parallel_loop3A_382 : memref<128x33xf32, #tpu.memory_space<vmem>>[vector<16xi32>, vector<16xi32>], vector<16xf32>,
          %parallel_loop3A_391 = arith.constant 8 : i32
          %parallel_loop3A_392 = arith.divsi %parallel_loop3A_224, %parallel_loop3A_391 : i32
          %parallel_loop3A_393 = arith.constant 0 : i32
          %parallel_loop3A_394 = arith.cmpi sgt, %parallel_loop3A_224, %parallel_loop3A_393 : i32
          %parallel_loop3A_395 = arith.extui %parallel_loop3A_394 : i1 to i32
          %parallel_loop3A_396 = arith.constant 0 : i32
          %parallel_loop3A_397 = arith.cmpi slt, %parallel_loop3A_224, %parallel_loop3A_396 : i32
          %parallel_loop3A_398 = arith.extui %parallel_loop3A_397 : i1 to i32
          %parallel_loop3A_399 = arith.subi %parallel_loop3A_395, %parallel_loop3A_398 : i32
          %parallel_loop3A_400 = arith.constant 0 : i32
          %parallel_loop3A_401 = arith.cmpi sgt, %parallel_loop3A_391, %parallel_loop3A_400 : i32
          %parallel_loop3A_402 = arith.extui %parallel_loop3A_401 : i1 to i32
          %parallel_loop3A_403 = arith.constant 0 : i32
          %parallel_loop3A_404 = arith.cmpi slt, %parallel_loop3A_391, %parallel_loop3A_403 : i32
          %parallel_loop3A_405 = arith.extui %parallel_loop3A_404 : i1 to i32
          %parallel_loop3A_406 = arith.subi %parallel_loop3A_402, %parallel_loop3A_405 : i32
          %parallel_loop3A_407 = arith.cmpi ne, %parallel_loop3A_399, %parallel_loop3A_406 : i32
          %parallel_loop3A_408 = arith.remsi %parallel_loop3A_224, %parallel_loop3A_391 : i32
          %parallel_loop3A_409 = arith.constant 0 : i32
          %parallel_loop3A_410 = arith.cmpi ne, %parallel_loop3A_408, %parallel_loop3A_409 : i32
          %parallel_loop3A_411 = arith.andi %parallel_loop3A_407, %parallel_loop3A_410 : i1
          %parallel_loop3A_412 = arith.constant 1 : i32
          %parallel_loop3A_413 = arith.subi %parallel_loop3A_392, %parallel_loop3A_412 : i32
          %parallel_loop3A_414 = arith.select %parallel_loop3A_411, %parallel_loop3A_413, %parallel_loop3A_392 : i32
          %parallel_loop3A_415 = arith.constant 8 : i32
          %parallel_loop3A_416 = arith.constant 0 : i32
          %parallel_loop3A_417 = arith.cmpi eq, %parallel_loop3A_415, %parallel_loop3A_416 : i32
          %parallel_loop3A_418 = arith.constant 1 : i32
          %parallel_loop3A_419 = arith.select %parallel_loop3A_417, %parallel_loop3A_418, %parallel_loop3A_415 : i32
          %parallel_loop3A_420 = arith.remsi %parallel_loop3A_224, %parallel_loop3A_419 : i32
          %parallel_loop3A_421 = arith.constant 0 : i32
          %parallel_loop3A_422 = arith.cmpi ne, %parallel_loop3A_420, %parallel_loop3A_421 : i32
          %parallel_loop3A_423 = arith.constant 0 : i32
          %parallel_loop3A_424 = arith.cmpi slt, %parallel_loop3A_420, %parallel_loop3A_423 : i32
          %parallel_loop3A_425 = arith.constant 0 : i32
          %parallel_loop3A_426 = arith.cmpi slt, %parallel_loop3A_419, %parallel_loop3A_425 : i32
          %parallel_loop3A_427 = arith.xori %parallel_loop3A_424, %parallel_loop3A_426 : i1
          %parallel_loop3A_428 = arith.andi %parallel_loop3A_427, %parallel_loop3A_422 : i1
          %parallel_loop3A_429 = arith.addi %parallel_loop3A_420, %parallel_loop3A_419 : i32
          %parallel_loop3A_430 = arith.select %parallel_loop3A_428, %parallel_loop3A_429, %parallel_loop3A_420 : i32
          %parallel_loop3A_431 = arith.constant 2 : i32
          %parallel_loop3A_432 = arith.index_cast %parallel_loop3A_431 : i32 to index
          %parallel_loop3A_433 = arith.index_cast %parallel_loop3A_414 : i32 to index
          %parallel_loop3A_434 = arith.index_cast %parallel_loop3A_430 : i32 to index
          %parallel_loop3A_435 = arith.constant 48 : index
          %parallel_loop3A_436 = tpu.vector_load %arg4[%parallel_loop3A_432, %parallel_loop3A_433, %parallel_loop3A_434, %parallel_loop3A_435] {strides = array<i32>} : memref<4x4x8x128xf32, #tpu.memory_space<vmem>>, vector<16xf32>,
          %parallel_loop3A_437 = arith.constant 48 : i32
          %parallel_loop3A_438 = vector.broadcast %parallel_loop3A_437 : i32 to vector<16xi32>
          %parallel_loop3A_439 = arith.addi %iota3A, %parallel_loop3A_438 : vector<16xi32>
          %parallel_loop3A_440 = arith.constant 2 : i32
          %parallel_loop3A_441 = arith.constant 0 : i32
          %parallel_loop3A_442 = arith.constant 0 : i32
          %parallel_loop3A_443 = tpu.memref_slice %arg5[%parallel_loop3A_440, %parallel_loop3A_441, %parallel_loop3A_442] : memref<4x128x33xf32, #tpu.memory_space<vmem>> -> memref<1x128x33xf32, #tpu.memory_space<vmem>>
          %parallel_loop3A_444 = tpu.memref_squeeze %parallel_loop3A_443 : memref<1x128x33xf32, #tpu.memory_space<vmem>> -> memref<128x33xf32, #tpu.memory_space<vmem>>
          tpu.vector_store_idx %parallel_loop3A_444[%parallel_loop3A_439, %parallel_loop3A_228], %parallel_loop3A_436 : memref<128x33xf32, #tpu.memory_space<vmem>>[vector<16xi32>, vector<16xi32>], vector<16xf32>,
          %parallel_loop3A_445 = arith.constant 8 : i32
          %parallel_loop3A_446 = arith.divsi %parallel_loop3A_224, %parallel_loop3A_445 : i32
          %parallel_loop3A_447 = arith.constant 0 : i32
          %parallel_loop3A_448 = arith.cmpi sgt, %parallel_loop3A_224, %parallel_loop3A_447 : i32
          %parallel_loop3A_449 = arith.extui %parallel_loop3A_448 : i1 to i32
          %parallel_loop3A_450 = arith.constant 0 : i32
          %parallel_loop3A_451 = arith.cmpi slt, %parallel_loop3A_224, %parallel_loop3A_450 : i32
          %parallel_loop3A_452 = arith.extui %parallel_loop3A_451 : i1 to i32
          %parallel_loop3A_453 = arith.subi %parallel_loop3A_449, %parallel_loop3A_452 : i32
          %parallel_loop3A_454 = arith.constant 0 : i32
          %parallel_loop3A_455 = arith.cmpi sgt, %parallel_loop3A_445, %parallel_loop3A_454 : i32
          %parallel_loop3A_456 = arith.extui %parallel_loop3A_455 : i1 to i32
          %parallel_loop3A_457 = arith.constant 0 : i32
          %parallel_loop3A_458 = arith.cmpi slt, %parallel_loop3A_445, %parallel_loop3A_457 : i32
          %parallel_loop3A_459 = arith.extui %parallel_loop3A_458 : i1 to i32
          %parallel_loop3A_460 = arith.subi %parallel_loop3A_456, %parallel_loop3A_459 : i32
          %parallel_loop3A_461 = arith.cmpi ne, %parallel_loop3A_453, %parallel_loop3A_460 : i32
          %parallel_loop3A_462 = arith.remsi %parallel_loop3A_224, %parallel_loop3A_445 : i32
          %parallel_loop3A_463 = arith.constant 0 : i32
          %parallel_loop3A_464 = arith.cmpi ne, %parallel_loop3A_462, %parallel_loop3A_463 : i32
          %parallel_loop3A_465 = arith.andi %parallel_loop3A_461, %parallel_loop3A_464 : i1
          %parallel_loop3A_466 = arith.constant 1 : i32
          %parallel_loop3A_467 = arith.subi %parallel_loop3A_446, %parallel_loop3A_466 : i32
          %parallel_loop3A_468 = arith.select %parallel_loop3A_465, %parallel_loop3A_467, %parallel_loop3A_446 : i32
          %parallel_loop3A_469 = arith.constant 8 : i32
          %parallel_loop3A_470 = arith.constant 0 : i32
          %parallel_loop3A_471 = arith.cmpi eq, %parallel_loop3A_469, %parallel_loop3A_470 : i32
          %parallel_loop3A_472 = arith.constant 1 : i32
          %parallel_loop3A_473 = arith.select %parallel_loop3A_471, %parallel_loop3A_472, %parallel_loop3A_469 : i32
          %parallel_loop3A_474 = arith.remsi %parallel_loop3A_224, %parallel_loop3A_473 : i32
          %parallel_loop3A_475 = arith.constant 0 : i32
          %parallel_loop3A_476 = arith.cmpi ne, %parallel_loop3A_474, %parallel_loop3A_475 : i32
          %parallel_loop3A_477 = arith.constant 0 : i32
          %parallel_loop3A_478 = arith.cmpi slt, %parallel_loop3A_474, %parallel_loop3A_477 : i32
          %parallel_loop3A_479 = arith.constant 0 : i32
          %parallel_loop3A_480 = arith.cmpi slt, %parallel_loop3A_473, %parallel_loop3A_479 : i32
          %parallel_loop3A_481 = arith.xori %parallel_loop3A_478, %parallel_loop3A_480 : i1
          %parallel_loop3A_482 = arith.andi %parallel_loop3A_481, %parallel_loop3A_476 : i1
          %parallel_loop3A_483 = arith.addi %parallel_loop3A_474, %parallel_loop3A_473 : i32
          %parallel_loop3A_484 = arith.select %parallel_loop3A_482, %parallel_loop3A_483, %parallel_loop3A_474 : i32
          %parallel_loop3A_485 = arith.constant 2 : i32
          %parallel_loop3A_486 = arith.index_cast %parallel_loop3A_485 : i32 to index
          %parallel_loop3A_487 = arith.index_cast %parallel_loop3A_468 : i32 to index
          %parallel_loop3A_488 = arith.index_cast %parallel_loop3A_484 : i32 to index
          %parallel_loop3A_489 = arith.constant 64 : index
          %parallel_loop3A_490 = tpu.vector_load %arg4[%parallel_loop3A_486, %parallel_loop3A_487, %parallel_loop3A_488, %parallel_loop3A_489] {strides = array<i32>} : memref<4x4x8x128xf32, #tpu.memory_space<vmem>>, vector<16xf32>,
          %parallel_loop3A_491 = arith.constant 64 : i32
          %parallel_loop3A_492 = vector.broadcast %parallel_loop3A_491 : i32 to vector<16xi32>
          %parallel_loop3A_493 = arith.addi %iota3A, %parallel_loop3A_492 : vector<16xi32>
          %parallel_loop3A_494 = arith.constant 2 : i32
          %parallel_loop3A_495 = arith.constant 0 : i32
          %parallel_loop3A_496 = arith.constant 0 : i32
          %parallel_loop3A_497 = tpu.memref_slice %arg5[%parallel_loop3A_494, %parallel_loop3A_495, %parallel_loop3A_496] : memref<4x128x33xf32, #tpu.memory_space<vmem>> -> memref<1x128x33xf32, #tpu.memory_space<vmem>>
          %parallel_loop3A_498 = tpu.memref_squeeze %parallel_loop3A_497 : memref<1x128x33xf32, #tpu.memory_space<vmem>> -> memref<128x33xf32, #tpu.memory_space<vmem>>
          tpu.vector_store_idx %parallel_loop3A_498[%parallel_loop3A_493, %parallel_loop3A_228], %parallel_loop3A_490 : memref<128x33xf32, #tpu.memory_space<vmem>>[vector<16xi32>, vector<16xi32>], vector<16xf32>,
          %parallel_loop3A_499 = arith.constant 8 : i32
          %parallel_loop3A_500 = arith.divsi %parallel_loop3A_224, %parallel_loop3A_499 : i32
          %parallel_loop3A_501 = arith.constant 0 : i32
          %parallel_loop3A_502 = arith.cmpi sgt, %parallel_loop3A_224, %parallel_loop3A_501 : i32
          %parallel_loop3A_503 = arith.extui %parallel_loop3A_502 : i1 to i32
          %parallel_loop3A_504 = arith.constant 0 : i32
          %parallel_loop3A_505 = arith.cmpi slt, %parallel_loop3A_224, %parallel_loop3A_504 : i32
          %parallel_loop3A_506 = arith.extui %parallel_loop3A_505 : i1 to i32
          %parallel_loop3A_507 = arith.subi %parallel_loop3A_503, %parallel_loop3A_506 : i32
          %parallel_loop3A_508 = arith.constant 0 : i32
          %parallel_loop3A_509 = arith.cmpi sgt, %parallel_loop3A_499, %parallel_loop3A_508 : i32
          %parallel_loop3A_510 = arith.extui %parallel_loop3A_509 : i1 to i32
          %parallel_loop3A_511 = arith.constant 0 : i32
          %parallel_loop3A_512 = arith.cmpi slt, %parallel_loop3A_499, %parallel_loop3A_511 : i32
          %parallel_loop3A_513 = arith.extui %parallel_loop3A_512 : i1 to i32
          %parallel_loop3A_514 = arith.subi %parallel_loop3A_510, %parallel_loop3A_513 : i32
          %parallel_loop3A_515 = arith.cmpi ne, %parallel_loop3A_507, %parallel_loop3A_514 : i32
          %parallel_loop3A_516 = arith.remsi %parallel_loop3A_224, %parallel_loop3A_499 : i32
          %parallel_loop3A_517 = arith.constant 0 : i32
          %parallel_loop3A_518 = arith.cmpi ne, %parallel_loop3A_516, %parallel_loop3A_517 : i32
          %parallel_loop3A_519 = arith.andi %parallel_loop3A_515, %parallel_loop3A_518 : i1
          %parallel_loop3A_520 = arith.constant 1 : i32
          %parallel_loop3A_521 = arith.subi %parallel_loop3A_500, %parallel_loop3A_520 : i32
          %parallel_loop3A_522 = arith.select %parallel_loop3A_519, %parallel_loop3A_521, %parallel_loop3A_500 : i32
          %parallel_loop3A_523 = arith.constant 8 : i32
          %parallel_loop3A_524 = arith.constant 0 : i32
          %parallel_loop3A_525 = arith.cmpi eq, %parallel_loop3A_523, %parallel_loop3A_524 : i32
          %parallel_loop3A_526 = arith.constant 1 : i32
          %parallel_loop3A_527 = arith.select %parallel_loop3A_525, %parallel_loop3A_526, %parallel_loop3A_523 : i32
          %parallel_loop3A_528 = arith.remsi %parallel_loop3A_224, %parallel_loop3A_527 : i32
          %parallel_loop3A_529 = arith.constant 0 : i32
          %parallel_loop3A_530 = arith.cmpi ne, %parallel_loop3A_528, %parallel_loop3A_529 : i32
          %parallel_loop3A_531 = arith.constant 0 : i32
          %parallel_loop3A_532 = arith.cmpi slt, %parallel_loop3A_528, %parallel_loop3A_531 : i32
          %parallel_loop3A_533 = arith.constant 0 : i32
          %parallel_loop3A_534 = arith.cmpi slt, %parallel_loop3A_527, %parallel_loop3A_533 : i32
          %parallel_loop3A_535 = arith.xori %parallel_loop3A_532, %parallel_loop3A_534 : i1
          %parallel_loop3A_536 = arith.andi %parallel_loop3A_535, %parallel_loop3A_530 : i1
          %parallel_loop3A_537 = arith.addi %parallel_loop3A_528, %parallel_loop3A_527 : i32
          %parallel_loop3A_538 = arith.select %parallel_loop3A_536, %parallel_loop3A_537, %parallel_loop3A_528 : i32
          %parallel_loop3A_539 = arith.constant 2 : i32
          %parallel_loop3A_540 = arith.index_cast %parallel_loop3A_539 : i32 to index
          %parallel_loop3A_541 = arith.index_cast %parallel_loop3A_522 : i32 to index
          %parallel_loop3A_542 = arith.index_cast %parallel_loop3A_538 : i32 to index
          %parallel_loop3A_543 = arith.constant 80 : index
          %parallel_loop3A_544 = tpu.vector_load %arg4[%parallel_loop3A_540, %parallel_loop3A_541, %parallel_loop3A_542, %parallel_loop3A_543] {strides = array<i32>} : memref<4x4x8x128xf32, #tpu.memory_space<vmem>>, vector<16xf32>,
          %parallel_loop3A_545 = arith.constant 80 : i32
          %parallel_loop3A_546 = vector.broadcast %parallel_loop3A_545 : i32 to vector<16xi32>
          %parallel_loop3A_547 = arith.addi %iota3A, %parallel_loop3A_546 : vector<16xi32>
          %parallel_loop3A_548 = arith.constant 2 : i32
          %parallel_loop3A_549 = arith.constant 0 : i32
          %parallel_loop3A_550 = arith.constant 0 : i32
          %parallel_loop3A_551 = tpu.memref_slice %arg5[%parallel_loop3A_548, %parallel_loop3A_549, %parallel_loop3A_550] : memref<4x128x33xf32, #tpu.memory_space<vmem>> -> memref<1x128x33xf32, #tpu.memory_space<vmem>>
          %parallel_loop3A_552 = tpu.memref_squeeze %parallel_loop3A_551 : memref<1x128x33xf32, #tpu.memory_space<vmem>> -> memref<128x33xf32, #tpu.memory_space<vmem>>
          tpu.vector_store_idx %parallel_loop3A_552[%parallel_loop3A_547, %parallel_loop3A_228], %parallel_loop3A_544 : memref<128x33xf32, #tpu.memory_space<vmem>>[vector<16xi32>, vector<16xi32>], vector<16xf32>,
          %parallel_loop3A_553 = arith.constant 8 : i32
          %parallel_loop3A_554 = arith.divsi %parallel_loop3A_224, %parallel_loop3A_553 : i32
          %parallel_loop3A_555 = arith.constant 0 : i32
          %parallel_loop3A_556 = arith.cmpi sgt, %parallel_loop3A_224, %parallel_loop3A_555 : i32
          %parallel_loop3A_557 = arith.extui %parallel_loop3A_556 : i1 to i32
          %parallel_loop3A_558 = arith.constant 0 : i32
          %parallel_loop3A_559 = arith.cmpi slt, %parallel_loop3A_224, %parallel_loop3A_558 : i32
          %parallel_loop3A_560 = arith.extui %parallel_loop3A_559 : i1 to i32
          %parallel_loop3A_561 = arith.subi %parallel_loop3A_557, %parallel_loop3A_560 : i32
          %parallel_loop3A_562 = arith.constant 0 : i32
          %parallel_loop3A_563 = arith.cmpi sgt, %parallel_loop3A_553, %parallel_loop3A_562 : i32
          %parallel_loop3A_564 = arith.extui %parallel_loop3A_563 : i1 to i32
          %parallel_loop3A_565 = arith.constant 0 : i32
          %parallel_loop3A_566 = arith.cmpi slt, %parallel_loop3A_553, %parallel_loop3A_565 : i32
          %parallel_loop3A_567 = arith.extui %parallel_loop3A_566 : i1 to i32
          %parallel_loop3A_568 = arith.subi %parallel_loop3A_564, %parallel_loop3A_567 : i32
          %parallel_loop3A_569 = arith.cmpi ne, %parallel_loop3A_561, %parallel_loop3A_568 : i32
          %parallel_loop3A_570 = arith.remsi %parallel_loop3A_224, %parallel_loop3A_553 : i32
          %parallel_loop3A_571 = arith.constant 0 : i32
          %parallel_loop3A_572 = arith.cmpi ne, %parallel_loop3A_570, %parallel_loop3A_571 : i32
          %parallel_loop3A_573 = arith.andi %parallel_loop3A_569, %parallel_loop3A_572 : i1
          %parallel_loop3A_574 = arith.constant 1 : i32
          %parallel_loop3A_575 = arith.subi %parallel_loop3A_554, %parallel_loop3A_574 : i32
          %parallel_loop3A_576 = arith.select %parallel_loop3A_573, %parallel_loop3A_575, %parallel_loop3A_554 : i32
          %parallel_loop3A_577 = arith.constant 8 : i32
          %parallel_loop3A_578 = arith.constant 0 : i32
          %parallel_loop3A_579 = arith.cmpi eq, %parallel_loop3A_577, %parallel_loop3A_578 : i32
          %parallel_loop3A_580 = arith.constant 1 : i32
          %parallel_loop3A_581 = arith.select %parallel_loop3A_579, %parallel_loop3A_580, %parallel_loop3A_577 : i32
          %parallel_loop3A_582 = arith.remsi %parallel_loop3A_224, %parallel_loop3A_581 : i32
          %parallel_loop3A_583 = arith.constant 0 : i32
          %parallel_loop3A_584 = arith.cmpi ne, %parallel_loop3A_582, %parallel_loop3A_583 : i32
          %parallel_loop3A_585 = arith.constant 0 : i32
          %parallel_loop3A_586 = arith.cmpi slt, %parallel_loop3A_582, %parallel_loop3A_585 : i32
          %parallel_loop3A_587 = arith.constant 0 : i32
          %parallel_loop3A_588 = arith.cmpi slt, %parallel_loop3A_581, %parallel_loop3A_587 : i32
          %parallel_loop3A_589 = arith.xori %parallel_loop3A_586, %parallel_loop3A_588 : i1
          %parallel_loop3A_590 = arith.andi %parallel_loop3A_589, %parallel_loop3A_584 : i1
          %parallel_loop3A_591 = arith.addi %parallel_loop3A_582, %parallel_loop3A_581 : i32
          %parallel_loop3A_592 = arith.select %parallel_loop3A_590, %parallel_loop3A_591, %parallel_loop3A_582 : i32
          %parallel_loop3A_593 = arith.constant 2 : i32
          %parallel_loop3A_594 = arith.index_cast %parallel_loop3A_593 : i32 to index
          %parallel_loop3A_595 = arith.index_cast %parallel_loop3A_576 : i32 to index
          %parallel_loop3A_596 = arith.index_cast %parallel_loop3A_592 : i32 to index
          %parallel_loop3A_597 = arith.constant 96 : index
          %parallel_loop3A_598 = tpu.vector_load %arg4[%parallel_loop3A_594, %parallel_loop3A_595, %parallel_loop3A_596, %parallel_loop3A_597] {strides = array<i32>} : memref<4x4x8x128xf32, #tpu.memory_space<vmem>>, vector<16xf32>,
          %parallel_loop3A_599 = arith.constant 96 : i32
          %parallel_loop3A_600 = vector.broadcast %parallel_loop3A_599 : i32 to vector<16xi32>
          %parallel_loop3A_601 = arith.addi %iota3A, %parallel_loop3A_600 : vector<16xi32>
          %parallel_loop3A_602 = arith.constant 2 : i32
          %parallel_loop3A_603 = arith.constant 0 : i32
          %parallel_loop3A_604 = arith.constant 0 : i32
          %parallel_loop3A_605 = tpu.memref_slice %arg5[%parallel_loop3A_602, %parallel_loop3A_603, %parallel_loop3A_604] : memref<4x128x33xf32, #tpu.memory_space<vmem>> -> memref<1x128x33xf32, #tpu.memory_space<vmem>>
          %parallel_loop3A_606 = tpu.memref_squeeze %parallel_loop3A_605 : memref<1x128x33xf32, #tpu.memory_space<vmem>> -> memref<128x33xf32, #tpu.memory_space<vmem>>
          tpu.vector_store_idx %parallel_loop3A_606[%parallel_loop3A_601, %parallel_loop3A_228], %parallel_loop3A_598 : memref<128x33xf32, #tpu.memory_space<vmem>>[vector<16xi32>, vector<16xi32>], vector<16xf32>,
          %parallel_loop3A_607 = arith.constant 8 : i32
          %parallel_loop3A_608 = arith.divsi %parallel_loop3A_224, %parallel_loop3A_607 : i32
          %parallel_loop3A_609 = arith.constant 0 : i32
          %parallel_loop3A_610 = arith.cmpi sgt, %parallel_loop3A_224, %parallel_loop3A_609 : i32
          %parallel_loop3A_611 = arith.extui %parallel_loop3A_610 : i1 to i32
          %parallel_loop3A_612 = arith.constant 0 : i32
          %parallel_loop3A_613 = arith.cmpi slt, %parallel_loop3A_224, %parallel_loop3A_612 : i32
          %parallel_loop3A_614 = arith.extui %parallel_loop3A_613 : i1 to i32
          %parallel_loop3A_615 = arith.subi %parallel_loop3A_611, %parallel_loop3A_614 : i32
          %parallel_loop3A_616 = arith.constant 0 : i32
          %parallel_loop3A_617 = arith.cmpi sgt, %parallel_loop3A_607, %parallel_loop3A_616 : i32
          %parallel_loop3A_618 = arith.extui %parallel_loop3A_617 : i1 to i32
          %parallel_loop3A_619 = arith.constant 0 : i32
          %parallel_loop3A_620 = arith.cmpi slt, %parallel_loop3A_607, %parallel_loop3A_619 : i32
          %parallel_loop3A_621 = arith.extui %parallel_loop3A_620 : i1 to i32
          %parallel_loop3A_622 = arith.subi %parallel_loop3A_618, %parallel_loop3A_621 : i32
          %parallel_loop3A_623 = arith.cmpi ne, %parallel_loop3A_615, %parallel_loop3A_622 : i32
          %parallel_loop3A_624 = arith.remsi %parallel_loop3A_224, %parallel_loop3A_607 : i32
          %parallel_loop3A_625 = arith.constant 0 : i32
          %parallel_loop3A_626 = arith.cmpi ne, %parallel_loop3A_624, %parallel_loop3A_625 : i32
          %parallel_loop3A_627 = arith.andi %parallel_loop3A_623, %parallel_loop3A_626 : i1
          %parallel_loop3A_628 = arith.constant 1 : i32
          %parallel_loop3A_629 = arith.subi %parallel_loop3A_608, %parallel_loop3A_628 : i32
          %parallel_loop3A_630 = arith.select %parallel_loop3A_627, %parallel_loop3A_629, %parallel_loop3A_608 : i32
          %parallel_loop3A_631 = arith.constant 8 : i32
          %parallel_loop3A_632 = arith.constant 0 : i32
          %parallel_loop3A_633 = arith.cmpi eq, %parallel_loop3A_631, %parallel_loop3A_632 : i32
          %parallel_loop3A_634 = arith.constant 1 : i32
          %parallel_loop3A_635 = arith.select %parallel_loop3A_633, %parallel_loop3A_634, %parallel_loop3A_631 : i32
          %parallel_loop3A_636 = arith.remsi %parallel_loop3A_224, %parallel_loop3A_635 : i32
          %parallel_loop3A_637 = arith.constant 0 : i32
          %parallel_loop3A_638 = arith.cmpi ne, %parallel_loop3A_636, %parallel_loop3A_637 : i32
          %parallel_loop3A_639 = arith.constant 0 : i32
          %parallel_loop3A_640 = arith.cmpi slt, %parallel_loop3A_636, %parallel_loop3A_639 : i32
          %parallel_loop3A_641 = arith.constant 0 : i32
          %parallel_loop3A_642 = arith.cmpi slt, %parallel_loop3A_635, %parallel_loop3A_641 : i32
          %parallel_loop3A_643 = arith.xori %parallel_loop3A_640, %parallel_loop3A_642 : i1
          %parallel_loop3A_644 = arith.andi %parallel_loop3A_643, %parallel_loop3A_638 : i1
          %parallel_loop3A_645 = arith.addi %parallel_loop3A_636, %parallel_loop3A_635 : i32
          %parallel_loop3A_646 = arith.select %parallel_loop3A_644, %parallel_loop3A_645, %parallel_loop3A_636 : i32
          %parallel_loop3A_647 = arith.constant 2 : i32
          %parallel_loop3A_648 = arith.index_cast %parallel_loop3A_647 : i32 to index
          %parallel_loop3A_649 = arith.index_cast %parallel_loop3A_630 : i32 to index
          %parallel_loop3A_650 = arith.index_cast %parallel_loop3A_646 : i32 to index
          %parallel_loop3A_651 = arith.constant 112 : index
          %parallel_loop3A_652 = tpu.vector_load %arg4[%parallel_loop3A_648, %parallel_loop3A_649, %parallel_loop3A_650, %parallel_loop3A_651] {strides = array<i32>} : memref<4x4x8x128xf32, #tpu.memory_space<vmem>>, vector<16xf32>,
          %parallel_loop3A_653 = arith.constant 112 : i32
          %parallel_loop3A_654 = vector.broadcast %parallel_loop3A_653 : i32 to vector<16xi32>
          %parallel_loop3A_655 = arith.addi %iota3A, %parallel_loop3A_654 : vector<16xi32>
          %parallel_loop3A_656 = arith.constant 2 : i32
          %parallel_loop3A_657 = arith.constant 0 : i32
          %parallel_loop3A_658 = arith.constant 0 : i32
          %parallel_loop3A_659 = tpu.memref_slice %arg5[%parallel_loop3A_656, %parallel_loop3A_657, %parallel_loop3A_658] : memref<4x128x33xf32, #tpu.memory_space<vmem>> -> memref<1x128x33xf32, #tpu.memory_space<vmem>>
          %parallel_loop3A_660 = tpu.memref_squeeze %parallel_loop3A_659 : memref<1x128x33xf32, #tpu.memory_space<vmem>> -> memref<128x33xf32, #tpu.memory_space<vmem>>
          tpu.vector_store_idx %parallel_loop3A_660[%parallel_loop3A_655, %parallel_loop3A_228], %parallel_loop3A_652 : memref<128x33xf32, #tpu.memory_space<vmem>>[vector<16xi32>, vector<16xi32>], vector<16xf32>,
        } {sc.loop_unroll_factor = 4 : i64, sc.parallel_access}
        %mul3A_207 = arith.constant 32 : i32
        %mul3A_208 = arith.muli %mul3A_207, %add3A_138 : i32
        %add3A_209 = arith.addi %add3A, %mul3A_208 : i32
        %mul3A_210 = arith.constant 128 : i32
        %mul3A_211 = arith.muli %add3A_209, %mul3A_210 : i32
        %dma_start3A = arith.constant 2 : i32
        %dma_start3A_212 = arith.constant 0 : i32
        %dma_start3A_213 = arith.constant 0 : i32
        %dma_start3A_214 = tpu.memref_slice %arg5[%dma_start3A, %dma_start3A_212, %dma_start3A_213] : memref<4x128x33xf32, #tpu.memory_space<vmem>> -> memref<1x128x32xf32, #tpu.memory_space<vmem>>
        %dma_start3A_215 = tpu.memref_squeeze %dma_start3A_214 : memref<1x128x32xf32, #tpu.memory_space<vmem>> -> memref<128x32xf32, #tpu.memory_space<vmem>>
        %dma_start3A_216 = arith.constant 0 : i32
        %dma_start3A_217 = tpu.memref_slice %arg3[%mul3A_211, %dma_start3A_216] : memref<1000064x32xf32, #tpu.memory_space<hbm>> -> memref<128x32xf32, #tpu.memory_space<hbm>>
        %dma_start3A_218 = arith.constant 0 : i32
        %dma_start3A_219 = tpu.memref_slice %arg3[%mul3A_211, %dma_start3A_218] : memref<1000064x32xf32, #tpu.memory_space<hbm>> -> memref<128x32xf32, #tpu.memory_space<hbm>>
        %dma_start3A_220 = arith.constant 0 : i32
        %dma_start3A_221 = arith.constant 0 : i32
        %dma_start3A_222 = tpu.memref_slice %arg5[%dma_start3A, %dma_start3A_220, %dma_start3A_221] : memref<4x128x33xf32, #tpu.memory_space<vmem>> -> memref<1x128x32xf32, #tpu.memory_space<vmem>>
        %dma_start3A_223 = tpu.memref_squeeze %dma_start3A_222 : memref<1x128x32xf32, #tpu.memory_space<vmem>> -> memref<128x32xf32, #tpu.memory_space<vmem>>
        tpu.enqueue_dma source(%dma_start3A_223 : memref<128x32xf32, #tpu.memory_space<vmem>>) target(%dma_start3A_219 : memref<128x32xf32, #tpu.memory_space<hbm>>) target_semaphore(%arg12 : memref<!tpu.dma_semaphore, #tpu.memory_space<semaphore_mem>>)
      } else {
      }
      %add3A_147 = arith.constant 4 : i32
      %add3A_148 = arith.addi %add3A_138, %add3A_147 : i32
      %mul3A_149 = arith.constant 32 : i32
      %mul3A_150 = arith.muli %mul3A_149, %add3A_148 : i32
      %add3A_151 = arith.addi %add3A, %mul3A_150 : i32
      %lt3A_152 = arith.constant 7813 : i32
      %lt3A_153 = arith.cmpi slt, %add3A_151, %lt3A_152 : i32
      %convert_element_type3A_154 = arith.extui %lt3A_153 : i1 to i32
      %cond3A_155 = arith.constant 0 : i32
      %cond3A_156 = arith.cmpi ne, %convert_element_type3A_154, %cond3A_155 : i32
      scf.if %cond3A_156 {
        %add3A_179 = arith.constant 4 : i32
        %add3A_180 = arith.addi %add3A_138, %add3A_179 : i32
        %mul3A_181 = arith.constant 32 : i32
        %mul3A_182 = arith.muli %mul3A_181, %add3A_180 : i32
        %add3A_183 = arith.addi %add3A, %mul3A_182 : i32
        %dma_start3A = arith.constant 2 : i32
        %dma_start3A_184 = arith.constant 0 : i32
        %dma_start3A_185 = arith.constant 0 : i32
        %dma_start3A_186 = arith.constant 0 : i32
        %dma_start3A_187 = tpu.memref_slice %arg4[%dma_start3A, %dma_start3A_184, %dma_start3A_185, %dma_start3A_186] : memref<4x4x8x128xf32, #tpu.memory_space<vmem>> -> memref<1x4x8x128xf32, #tpu.memory_space<vmem>>
        %dma_start3A_188 = tpu.memref_squeeze %dma_start3A_187 : memref<1x4x8x128xf32, #tpu.memory_space<vmem>> -> memref<4x8x128xf32, #tpu.memory_space<vmem>>
        %dma_start3A_189 = arith.constant 0 : i32
        %dma_start3A_190 = arith.constant 0 : i32
        %dma_start3A_191 = arith.constant 0 : i32
        %dma_start3A_192 = tpu.memref_slice %arg2[%dma_start3A_189, %add3A_183, %dma_start3A_190, %dma_start3A_191] : memref<4x7813x8x128xf32, #tpu.memory_space<hbm>> -> memref<4x1x8x128xf32, #tpu.memory_space<hbm>>
        %dma_start3A_193 = tpu.memref_squeeze %dma_start3A_192 : memref<4x1x8x128xf32, #tpu.memory_space<hbm>> -> memref<4x8x128xf32, #tpu.memory_space<hbm>>
        %dma_start3A_194 = arith.constant 0 : i32
        %dma_start3A_195 = arith.constant 0 : i32
        %dma_start3A_196 = arith.constant 0 : i32
        %dma_start3A_197 = tpu.memref_slice %arg4[%dma_start3A, %dma_start3A_194, %dma_start3A_195, %dma_start3A_196] : memref<4x4x8x128xf32, #tpu.memory_space<vmem>> -> memref<1x4x8x128xf32, #tpu.memory_space<vmem>>
        %dma_start3A_198 = tpu.memref_squeeze %dma_start3A_197 : memref<1x4x8x128xf32, #tpu.memory_space<vmem>> -> memref<4x8x128xf32, #tpu.memory_space<vmem>>
        %dma_start3A_199 = arith.constant 0 : i32
        %dma_start3A_200 = arith.constant 0 : i32
        %dma_start3A_201 = arith.constant 0 : i32
        %dma_start3A_202 = tpu.memref_slice %arg2[%dma_start3A_199, %add3A_183, %dma_start3A_200, %dma_start3A_201] : memref<4x7813x8x128xf32, #tpu.memory_space<hbm>> -> memref<4x1x8x128xf32, #tpu.memory_space<hbm>>
        %dma_start3A_203 = tpu.memref_squeeze %dma_start3A_202 : memref<4x1x8x128xf32, #tpu.memory_space<hbm>> -> memref<4x8x128xf32, #tpu.memory_space<hbm>>
        tpu.enqueue_dma source(%dma_start3A_203 : memref<4x8x128xf32, #tpu.memory_space<hbm>>) target(%dma_start3A_198 : memref<4x8x128xf32, #tpu.memory_space<vmem>>) target_semaphore(%arg8 : memref<!tpu.dma_semaphore, #tpu.memory_space<semaphore_mem>>)
      } else {
      }
      %mul3A_157 = arith.constant 4 : i32
      %mul3A_158 = arith.muli %mul3A_157, %scan3A_90 : i32
      %add3A_159 = arith.constant 3 : i32
      %add3A_160 = arith.addi %mul3A_158, %add3A_159 : i32
      %mul3A_161 = arith.constant 32 : i32
      %mul3A_162 = arith.muli %mul3A_161, %add3A_160 : i32
      %add3A_163 = arith.addi %add3A, %mul3A_162 : i32
      %lt3A_164 = arith.constant 7813 : i32
      %lt3A_165 = arith.cmpi slt, %add3A_163, %lt3A_164 : i32
      %convert_element_type3A_166 = arith.extui %lt3A_165 : i1 to i32
      %cond3A_167 = arith.constant 0 : i32
      %cond3A_168 = arith.cmpi ne, %convert_element_type3A_166, %cond3A_167 : i32
      scf.if %cond3A_168 {
        %dma_wait3A_179 = arith.constant 0 : i32
        %dma_wait3A_180 = arith.constant 3 : i32
        %dma_wait3A_181 = arith.constant 0 : i32
        %dma_wait3A_182 = arith.constant 0 : i32
        %dma_wait3A_183 = arith.constant 0 : i32
        %dma_wait3A_184 = tpu.memref_slice %arg4[%dma_wait3A_180, %dma_wait3A_181, %dma_wait3A_182, %dma_wait3A_183] : memref<4x4x8x128xf32, #tpu.memory_space<vmem>> -> memref<1x4x8x128xf32, #tpu.memory_space<vmem>>
        %dma_wait3A_185 = tpu.memref_squeeze %dma_wait3A_184 : memref<1x4x8x128xf32, #tpu.memory_space<vmem>> -> memref<4x8x128xf32, #tpu.memory_space<vmem>>
        %dma_wait3A_186 = arith.constant 0 : i32
        %dma_wait3A_187 = arith.constant 0 : i32
        %dma_wait3A_188 = arith.constant 0 : i32
        %dma_wait3A_189 = tpu.memref_slice %arg2[%dma_wait3A_186, %dma_wait3A_179, %dma_wait3A_187, %dma_wait3A_188] : memref<4x7813x8x128xf32, #tpu.memory_space<hbm>> -> memref<4x1x8x128xf32, #tpu.memory_space<hbm>>
        %dma_wait3A_190 = tpu.memref_squeeze %dma_wait3A_189 : memref<4x1x8x128xf32, #tpu.memory_space<hbm>> -> memref<4x8x128xf32, #tpu.memory_space<hbm>>
        %dma_wait3A_191 = arith.constant 0 : i32
        %dma_wait3A_192 = arith.constant 0 : i32
        %dma_wait3A_193 = arith.constant 0 : i32
        %dma_wait3A_194 = tpu.memref_slice %arg4[%dma_wait3A_180, %dma_wait3A_191, %dma_wait3A_192, %dma_wait3A_193] : memref<4x4x8x128xf32, #tpu.memory_space<vmem>> -> memref<1x4x8x128xf32, #tpu.memory_space<vmem>>
        %dma_wait3A_195 = tpu.memref_squeeze %dma_wait3A_194 : memref<1x4x8x128xf32, #tpu.memory_space<vmem>> -> memref<4x8x128xf32, #tpu.memory_space<vmem>>
        %dma_wait3A_196 = arith.constant 0 : i32
        %dma_wait3A_197 = arith.constant 0 : i32
        %dma_wait3A_198 = arith.constant 0 : i32
        %dma_wait3A_199 = tpu.memref_slice %arg2[%dma_wait3A_196, %dma_wait3A_179, %dma_wait3A_197, %dma_wait3A_198] : memref<4x7813x8x128xf32, #tpu.memory_space<hbm>> -> memref<4x1x8x128xf32, #tpu.memory_space<hbm>>
        %dma_wait3A_200 = tpu.memref_squeeze %dma_wait3A_199 : memref<4x1x8x128xf32, #tpu.memory_space<hbm>> -> memref<4x8x128xf32, #tpu.memory_space<hbm>>
        tpu.wait_dma2 semaphore(%arg9 : memref<!tpu.dma_semaphore, #tpu.memory_space<semaphore_mem>>) src(%dma_wait3A_200 : memref<4x8x128xf32, #tpu.memory_space<hbm>>) dst(%dma_wait3A_195 : memref<4x8x128xf32, #tpu.memory_space<vmem>>)
        %ge3A = arith.constant 4 : i32
        %ge3A_201 = arith.cmpi sge, %add3A_160, %ge3A : i32
        %convert_element_type3A_202 = arith.extui %ge3A_201 : i1 to i32
        %cond3A_203 = arith.constant 0 : i32
        %cond3A_204 = arith.cmpi ne, %convert_element_type3A_202, %cond3A_203 : i32
        scf.if %cond3A_204 {
          %dma_wait3A_224 = arith.constant 3 : i32
          %dma_wait3A_225 = arith.constant 0 : i32
          %dma_wait3A_226 = arith.constant 0 : i32
          %dma_wait3A_227 = tpu.memref_slice %arg5[%dma_wait3A_224, %dma_wait3A_225, %dma_wait3A_226] : memref<4x128x33xf32, #tpu.memory_space<vmem>> -> memref<1x128x32xf32, #tpu.memory_space<vmem>>
          %dma_wait3A_228 = tpu.memref_squeeze %dma_wait3A_227 : memref<1x128x32xf32, #tpu.memory_space<vmem>> -> memref<128x32xf32, #tpu.memory_space<vmem>>
          %dma_wait3A_229 = arith.constant 0 : i32
          %dma_wait3A_230 = arith.constant 0 : i32
          %dma_wait3A_231 = tpu.memref_slice %arg3[%dma_wait3A_229, %dma_wait3A_230] : memref<1000064x32xf32, #tpu.memory_space<hbm>> -> memref<128x32xf32, #tpu.memory_space<hbm>>
          %dma_wait3A_232 = arith.constant 0 : i32
          %dma_wait3A_233 = arith.constant 0 : i32
          %dma_wait3A_234 = tpu.memref_slice %arg3[%dma_wait3A_232, %dma_wait3A_233] : memref<1000064x32xf32, #tpu.memory_space<hbm>> -> memref<128x32xf32, #tpu.memory_space<hbm>>
          %dma_wait3A_235 = arith.constant 0 : i32
          %dma_wait3A_236 = arith.constant 0 : i32
          %dma_wait3A_237 = tpu.memref_slice %arg5[%dma_wait3A_224, %dma_wait3A_235, %dma_wait3A_236] : memref<4x128x33xf32, #tpu.memory_space<vmem>> -> memref<1x128x32xf32, #tpu.memory_space<vmem>>
          %dma_wait3A_238 = tpu.memref_squeeze %dma_wait3A_237 : memref<1x128x32xf32, #tpu.memory_space<vmem>> -> memref<128x32xf32, #tpu.memory_space<vmem>>
          tpu.wait_dma2 semaphore(%arg13 : memref<!tpu.dma_semaphore, #tpu.memory_space<semaphore_mem>>) src(%dma_wait3A_238 : memref<128x32xf32, #tpu.memory_space<vmem>>) dst(%dma_wait3A_234 : memref<128x32xf32, #tpu.memory_space<hbm>>)
        } else {
        }
        %parallel_loop3A = arith.constant 0 : i32
        %parallel_loop3A_205 = arith.constant 32 : i32
        %parallel_loop3A_206 = arith.constant 1 : i32
        scf.for %parallel_loop3A_224 = %parallel_loop3A to %parallel_loop3A_205 step %parallel_loop3A_206  : i32 {
          %parallel_loop3A_225 = arith.constant 1 : i32
          %parallel_loop3A_226 = vector.broadcast %parallel_loop3A_225 : i32 to vector<16xi32>
          %parallel_loop3A_227 = vector.broadcast %parallel_loop3A_224 : i32 to vector<16xi32>
          %parallel_loop3A_228 = arith.muli %parallel_loop3A_226, %parallel_loop3A_227 : vector<16xi32>
          %parallel_loop3A_229 = arith.constant 8 : i32
          %parallel_loop3A_230 = arith.divsi %parallel_loop3A_224, %parallel_loop3A_229 : i32
          %parallel_loop3A_231 = arith.constant 0 : i32
          %parallel_loop3A_232 = arith.cmpi sgt, %parallel_loop3A_224, %parallel_loop3A_231 : i32
          %parallel_loop3A_233 = arith.extui %parallel_loop3A_232 : i1 to i32
          %parallel_loop3A_234 = arith.constant 0 : i32
          %parallel_loop3A_235 = arith.cmpi slt, %parallel_loop3A_224, %parallel_loop3A_234 : i32
          %parallel_loop3A_236 = arith.extui %parallel_loop3A_235 : i1 to i32
          %parallel_loop3A_237 = arith.subi %parallel_loop3A_233, %parallel_loop3A_236 : i32
          %parallel_loop3A_238 = arith.constant 0 : i32
          %parallel_loop3A_239 = arith.cmpi sgt, %parallel_loop3A_229, %parallel_loop3A_238 : i32
          %parallel_loop3A_240 = arith.extui %parallel_loop3A_239 : i1 to i32
          %parallel_loop3A_241 = arith.constant 0 : i32
          %parallel_loop3A_242 = arith.cmpi slt, %parallel_loop3A_229, %parallel_loop3A_241 : i32
          %parallel_loop3A_243 = arith.extui %parallel_loop3A_242 : i1 to i32
          %parallel_loop3A_244 = arith.subi %parallel_loop3A_240, %parallel_loop3A_243 : i32
          %parallel_loop3A_245 = arith.cmpi ne, %parallel_loop3A_237, %parallel_loop3A_244 : i32
          %parallel_loop3A_246 = arith.remsi %parallel_loop3A_224, %parallel_loop3A_229 : i32
          %parallel_loop3A_247 = arith.constant 0 : i32
          %parallel_loop3A_248 = arith.cmpi ne, %parallel_loop3A_246, %parallel_loop3A_247 : i32
          %parallel_loop3A_249 = arith.andi %parallel_loop3A_245, %parallel_loop3A_248 : i1
          %parallel_loop3A_250 = arith.constant 1 : i32
          %parallel_loop3A_251 = arith.subi %parallel_loop3A_230, %parallel_loop3A_250 : i32
          %parallel_loop3A_252 = arith.select %parallel_loop3A_249, %parallel_loop3A_251, %parallel_loop3A_230 : i32
          %parallel_loop3A_253 = arith.constant 8 : i32
          %parallel_loop3A_254 = arith.constant 0 : i32
          %parallel_loop3A_255 = arith.cmpi eq, %parallel_loop3A_253, %parallel_loop3A_254 : i32
          %parallel_loop3A_256 = arith.constant 1 : i32
          %parallel_loop3A_257 = arith.select %parallel_loop3A_255, %parallel_loop3A_256, %parallel_loop3A_253 : i32
          %parallel_loop3A_258 = arith.remsi %parallel_loop3A_224, %parallel_loop3A_257 : i32
          %parallel_loop3A_259 = arith.constant 0 : i32
          %parallel_loop3A_260 = arith.cmpi ne, %parallel_loop3A_258, %parallel_loop3A_259 : i32
          %parallel_loop3A_261 = arith.constant 0 : i32
          %parallel_loop3A_262 = arith.cmpi slt, %parallel_loop3A_258, %parallel_loop3A_261 : i32
          %parallel_loop3A_263 = arith.constant 0 : i32
          %parallel_loop3A_264 = arith.cmpi slt, %parallel_loop3A_257, %parallel_loop3A_263 : i32
          %parallel_loop3A_265 = arith.xori %parallel_loop3A_262, %parallel_loop3A_264 : i1
          %parallel_loop3A_266 = arith.andi %parallel_loop3A_265, %parallel_loop3A_260 : i1
          %parallel_loop3A_267 = arith.addi %parallel_loop3A_258, %parallel_loop3A_257 : i32
          %parallel_loop3A_268 = arith.select %parallel_loop3A_266, %parallel_loop3A_267, %parallel_loop3A_258 : i32
          %parallel_loop3A_269 = arith.constant 3 : i32
          %parallel_loop3A_270 = arith.index_cast %parallel_loop3A_269 : i32 to index
          %parallel_loop3A_271 = arith.index_cast %parallel_loop3A_252 : i32 to index
          %parallel_loop3A_272 = arith.index_cast %parallel_loop3A_268 : i32 to index
          %parallel_loop3A_273 = arith.constant 0 : index
          %parallel_loop3A_274 = tpu.vector_load %arg4[%parallel_loop3A_270, %parallel_loop3A_271, %parallel_loop3A_272, %parallel_loop3A_273] {strides = array<i32>} : memref<4x4x8x128xf32, #tpu.memory_space<vmem>>, vector<16xf32>,
          %parallel_loop3A_275 = arith.constant 0 : i32
          %parallel_loop3A_276 = vector.broadcast %parallel_loop3A_275 : i32 to vector<16xi32>
          %parallel_loop3A_277 = arith.addi %iota3A, %parallel_loop3A_276 : vector<16xi32>
          %parallel_loop3A_278 = arith.constant 3 : i32
          %parallel_loop3A_279 = arith.constant 0 : i32
          %parallel_loop3A_280 = arith.constant 0 : i32
          %parallel_loop3A_281 = tpu.memref_slice %arg5[%parallel_loop3A_278, %parallel_loop3A_279, %parallel_loop3A_280] : memref<4x128x33xf32, #tpu.memory_space<vmem>> -> memref<1x128x33xf32, #tpu.memory_space<vmem>>
          %parallel_loop3A_282 = tpu.memref_squeeze %parallel_loop3A_281 : memref<1x128x33xf32, #tpu.memory_space<vmem>> -> memref<128x33xf32, #tpu.memory_space<vmem>>
          tpu.vector_store_idx %parallel_loop3A_282[%parallel_loop3A_277, %parallel_loop3A_228], %parallel_loop3A_274 : memref<128x33xf32, #tpu.memory_space<vmem>>[vector<16xi32>, vector<16xi32>], vector<16xf32>,
          %parallel_loop3A_283 = arith.constant 8 : i32
          %parallel_loop3A_284 = arith.divsi %parallel_loop3A_224, %parallel_loop3A_283 : i32
          %parallel_loop3A_285 = arith.constant 0 : i32
          %parallel_loop3A_286 = arith.cmpi sgt, %parallel_loop3A_224, %parallel_loop3A_285 : i32
          %parallel_loop3A_287 = arith.extui %parallel_loop3A_286 : i1 to i32
          %parallel_loop3A_288 = arith.constant 0 : i32
          %parallel_loop3A_289 = arith.cmpi slt, %parallel_loop3A_224, %parallel_loop3A_288 : i32
          %parallel_loop3A_290 = arith.extui %parallel_loop3A_289 : i1 to i32
          %parallel_loop3A_291 = arith.subi %parallel_loop3A_287, %parallel_loop3A_290 : i32
          %parallel_loop3A_292 = arith.constant 0 : i32
          %parallel_loop3A_293 = arith.cmpi sgt, %parallel_loop3A_283, %parallel_loop3A_292 : i32
          %parallel_loop3A_294 = arith.extui %parallel_loop3A_293 : i1 to i32
          %parallel_loop3A_295 = arith.constant 0 : i32
          %parallel_loop3A_296 = arith.cmpi slt, %parallel_loop3A_283, %parallel_loop3A_295 : i32
          %parallel_loop3A_297 = arith.extui %parallel_loop3A_296 : i1 to i32
          %parallel_loop3A_298 = arith.subi %parallel_loop3A_294, %parallel_loop3A_297 : i32
          %parallel_loop3A_299 = arith.cmpi ne, %parallel_loop3A_291, %parallel_loop3A_298 : i32
          %parallel_loop3A_300 = arith.remsi %parallel_loop3A_224, %parallel_loop3A_283 : i32
          %parallel_loop3A_301 = arith.constant 0 : i32
          %parallel_loop3A_302 = arith.cmpi ne, %parallel_loop3A_300, %parallel_loop3A_301 : i32
          %parallel_loop3A_303 = arith.andi %parallel_loop3A_299, %parallel_loop3A_302 : i1
          %parallel_loop3A_304 = arith.constant 1 : i32
          %parallel_loop3A_305 = arith.subi %parallel_loop3A_284, %parallel_loop3A_304 : i32
          %parallel_loop3A_306 = arith.select %parallel_loop3A_303, %parallel_loop3A_305, %parallel_loop3A_284 : i32
          %parallel_loop3A_307 = arith.constant 8 : i32
          %parallel_loop3A_308 = arith.constant 0 : i32
          %parallel_loop3A_309 = arith.cmpi eq, %parallel_loop3A_307, %parallel_loop3A_308 : i32
          %parallel_loop3A_310 = arith.constant 1 : i32
          %parallel_loop3A_311 = arith.select %parallel_loop3A_309, %parallel_loop3A_310, %parallel_loop3A_307 : i32
          %parallel_loop3A_312 = arith.remsi %parallel_loop3A_224, %parallel_loop3A_311 : i32
          %parallel_loop3A_313 = arith.constant 0 : i32
          %parallel_loop3A_314 = arith.cmpi ne, %parallel_loop3A_312, %parallel_loop3A_313 : i32
          %parallel_loop3A_315 = arith.constant 0 : i32
          %parallel_loop3A_316 = arith.cmpi slt, %parallel_loop3A_312, %parallel_loop3A_315 : i32
          %parallel_loop3A_317 = arith.constant 0 : i32
          %parallel_loop3A_318 = arith.cmpi slt, %parallel_loop3A_311, %parallel_loop3A_317 : i32
          %parallel_loop3A_319 = arith.xori %parallel_loop3A_316, %parallel_loop3A_318 : i1
          %parallel_loop3A_320 = arith.andi %parallel_loop3A_319, %parallel_loop3A_314 : i1
          %parallel_loop3A_321 = arith.addi %parallel_loop3A_312, %parallel_loop3A_311 : i32
          %parallel_loop3A_322 = arith.select %parallel_loop3A_320, %parallel_loop3A_321, %parallel_loop3A_312 : i32
          %parallel_loop3A_323 = arith.constant 3 : i32
          %parallel_loop3A_324 = arith.index_cast %parallel_loop3A_323 : i32 to index
          %parallel_loop3A_325 = arith.index_cast %parallel_loop3A_306 : i32 to index
          %parallel_loop3A_326 = arith.index_cast %parallel_loop3A_322 : i32 to index
          %parallel_loop3A_327 = arith.constant 16 : index
          %parallel_loop3A_328 = tpu.vector_load %arg4[%parallel_loop3A_324, %parallel_loop3A_325, %parallel_loop3A_326, %parallel_loop3A_327] {strides = array<i32>} : memref<4x4x8x128xf32, #tpu.memory_space<vmem>>, vector<16xf32>,
          %parallel_loop3A_329 = arith.constant 16 : i32
          %parallel_loop3A_330 = vector.broadcast %parallel_loop3A_329 : i32 to vector<16xi32>
          %parallel_loop3A_331 = arith.addi %iota3A, %parallel_loop3A_330 : vector<16xi32>
          %parallel_loop3A_332 = arith.constant 3 : i32
          %parallel_loop3A_333 = arith.constant 0 : i32
          %parallel_loop3A_334 = arith.constant 0 : i32
          %parallel_loop3A_335 = tpu.memref_slice %arg5[%parallel_loop3A_332, %parallel_loop3A_333, %parallel_loop3A_334] : memref<4x128x33xf32, #tpu.memory_space<vmem>> -> memref<1x128x33xf32, #tpu.memory_space<vmem>>
          %parallel_loop3A_336 = tpu.memref_squeeze %parallel_loop3A_335 : memref<1x128x33xf32, #tpu.memory_space<vmem>> -> memref<128x33xf32, #tpu.memory_space<vmem>>
          tpu.vector_store_idx %parallel_loop3A_336[%parallel_loop3A_331, %parallel_loop3A_228], %parallel_loop3A_328 : memref<128x33xf32, #tpu.memory_space<vmem>>[vector<16xi32>, vector<16xi32>], vector<16xf32>,
          %parallel_loop3A_337 = arith.constant 8 : i32
          %parallel_loop3A_338 = arith.divsi %parallel_loop3A_224, %parallel_loop3A_337 : i32
          %parallel_loop3A_339 = arith.constant 0 : i32
          %parallel_loop3A_340 = arith.cmpi sgt, %parallel_loop3A_224, %parallel_loop3A_339 : i32
          %parallel_loop3A_341 = arith.extui %parallel_loop3A_340 : i1 to i32
          %parallel_loop3A_342 = arith.constant 0 : i32
          %parallel_loop3A_343 = arith.cmpi slt, %parallel_loop3A_224, %parallel_loop3A_342 : i32
          %parallel_loop3A_344 = arith.extui %parallel_loop3A_343 : i1 to i32
          %parallel_loop3A_345 = arith.subi %parallel_loop3A_341, %parallel_loop3A_344 : i32
          %parallel_loop3A_346 = arith.constant 0 : i32
          %parallel_loop3A_347 = arith.cmpi sgt, %parallel_loop3A_337, %parallel_loop3A_346 : i32
          %parallel_loop3A_348 = arith.extui %parallel_loop3A_347 : i1 to i32
          %parallel_loop3A_349 = arith.constant 0 : i32
          %parallel_loop3A_350 = arith.cmpi slt, %parallel_loop3A_337, %parallel_loop3A_349 : i32
          %parallel_loop3A_351 = arith.extui %parallel_loop3A_350 : i1 to i32
          %parallel_loop3A_352 = arith.subi %parallel_loop3A_348, %parallel_loop3A_351 : i32
          %parallel_loop3A_353 = arith.cmpi ne, %parallel_loop3A_345, %parallel_loop3A_352 : i32
          %parallel_loop3A_354 = arith.remsi %parallel_loop3A_224, %parallel_loop3A_337 : i32
          %parallel_loop3A_355 = arith.constant 0 : i32
          %parallel_loop3A_356 = arith.cmpi ne, %parallel_loop3A_354, %parallel_loop3A_355 : i32
          %parallel_loop3A_357 = arith.andi %parallel_loop3A_353, %parallel_loop3A_356 : i1
          %parallel_loop3A_358 = arith.constant 1 : i32
          %parallel_loop3A_359 = arith.subi %parallel_loop3A_338, %parallel_loop3A_358 : i32
          %parallel_loop3A_360 = arith.select %parallel_loop3A_357, %parallel_loop3A_359, %parallel_loop3A_338 : i32
          %parallel_loop3A_361 = arith.constant 8 : i32
          %parallel_loop3A_362 = arith.constant 0 : i32
          %parallel_loop3A_363 = arith.cmpi eq, %parallel_loop3A_361, %parallel_loop3A_362 : i32
          %parallel_loop3A_364 = arith.constant 1 : i32
          %parallel_loop3A_365 = arith.select %parallel_loop3A_363, %parallel_loop3A_364, %parallel_loop3A_361 : i32
          %parallel_loop3A_366 = arith.remsi %parallel_loop3A_224, %parallel_loop3A_365 : i32
          %parallel_loop3A_367 = arith.constant 0 : i32
          %parallel_loop3A_368 = arith.cmpi ne, %parallel_loop3A_366, %parallel_loop3A_367 : i32
          %parallel_loop3A_369 = arith.constant 0 : i32
          %parallel_loop3A_370 = arith.cmpi slt, %parallel_loop3A_366, %parallel_loop3A_369 : i32
          %parallel_loop3A_371 = arith.constant 0 : i32
          %parallel_loop3A_372 = arith.cmpi slt, %parallel_loop3A_365, %parallel_loop3A_371 : i32
          %parallel_loop3A_373 = arith.xori %parallel_loop3A_370, %parallel_loop3A_372 : i1
          %parallel_loop3A_374 = arith.andi %parallel_loop3A_373, %parallel_loop3A_368 : i1
          %parallel_loop3A_375 = arith.addi %parallel_loop3A_366, %parallel_loop3A_365 : i32
          %parallel_loop3A_376 = arith.select %parallel_loop3A_374, %parallel_loop3A_375, %parallel_loop3A_366 : i32
          %parallel_loop3A_377 = arith.constant 3 : i32
          %parallel_loop3A_378 = arith.index_cast %parallel_loop3A_377 : i32 to index
          %parallel_loop3A_379 = arith.index_cast %parallel_loop3A_360 : i32 to index
          %parallel_loop3A_380 = arith.index_cast %parallel_loop3A_376 : i32 to index
          %parallel_loop3A_381 = arith.constant 32 : index
          %parallel_loop3A_382 = tpu.vector_load %arg4[%parallel_loop3A_378, %parallel_loop3A_379, %parallel_loop3A_380, %parallel_loop3A_381] {strides = array<i32>} : memref<4x4x8x128xf32, #tpu.memory_space<vmem>>, vector<16xf32>,
          %parallel_loop3A_383 = arith.constant 32 : i32
          %parallel_loop3A_384 = vector.broadcast %parallel_loop3A_383 : i32 to vector<16xi32>
          %parallel_loop3A_385 = arith.addi %iota3A, %parallel_loop3A_384 : vector<16xi32>
          %parallel_loop3A_386 = arith.constant 3 : i32
          %parallel_loop3A_387 = arith.constant 0 : i32
          %parallel_loop3A_388 = arith.constant 0 : i32
          %parallel_loop3A_389 = tpu.memref_slice %arg5[%parallel_loop3A_386, %parallel_loop3A_387, %parallel_loop3A_388] : memref<4x128x33xf32, #tpu.memory_space<vmem>> -> memref<1x128x33xf32, #tpu.memory_space<vmem>>
          %parallel_loop3A_390 = tpu.memref_squeeze %parallel_loop3A_389 : memref<1x128x33xf32, #tpu.memory_space<vmem>> -> memref<128x33xf32, #tpu.memory_space<vmem>>
          tpu.vector_store_idx %parallel_loop3A_390[%parallel_loop3A_385, %parallel_loop3A_228], %parallel_loop3A_382 : memref<128x33xf32, #tpu.memory_space<vmem>>[vector<16xi32>, vector<16xi32>], vector<16xf32>,
          %parallel_loop3A_391 = arith.constant 8 : i32
          %parallel_loop3A_392 = arith.divsi %parallel_loop3A_224, %parallel_loop3A_391 : i32
          %parallel_loop3A_393 = arith.constant 0 : i32
          %parallel_loop3A_394 = arith.cmpi sgt, %parallel_loop3A_224, %parallel_loop3A_393 : i32
          %parallel_loop3A_395 = arith.extui %parallel_loop3A_394 : i1 to i32
          %parallel_loop3A_396 = arith.constant 0 : i32
          %parallel_loop3A_397 = arith.cmpi slt, %parallel_loop3A_224, %parallel_loop3A_396 : i32
          %parallel_loop3A_398 = arith.extui %parallel_loop3A_397 : i1 to i32
          %parallel_loop3A_399 = arith.subi %parallel_loop3A_395, %parallel_loop3A_398 : i32
          %parallel_loop3A_400 = arith.constant 0 : i32
          %parallel_loop3A_401 = arith.cmpi sgt, %parallel_loop3A_391, %parallel_loop3A_400 : i32
          %parallel_loop3A_402 = arith.extui %parallel_loop3A_401 : i1 to i32
          %parallel_loop3A_403 = arith.constant 0 : i32
          %parallel_loop3A_404 = arith.cmpi slt, %parallel_loop3A_391, %parallel_loop3A_403 : i32
          %parallel_loop3A_405 = arith.extui %parallel_loop3A_404 : i1 to i32
          %parallel_loop3A_406 = arith.subi %parallel_loop3A_402, %parallel_loop3A_405 : i32
          %parallel_loop3A_407 = arith.cmpi ne, %parallel_loop3A_399, %parallel_loop3A_406 : i32
          %parallel_loop3A_408 = arith.remsi %parallel_loop3A_224, %parallel_loop3A_391 : i32
          %parallel_loop3A_409 = arith.constant 0 : i32
          %parallel_loop3A_410 = arith.cmpi ne, %parallel_loop3A_408, %parallel_loop3A_409 : i32
          %parallel_loop3A_411 = arith.andi %parallel_loop3A_407, %parallel_loop3A_410 : i1
          %parallel_loop3A_412 = arith.constant 1 : i32
          %parallel_loop3A_413 = arith.subi %parallel_loop3A_392, %parallel_loop3A_412 : i32
          %parallel_loop3A_414 = arith.select %parallel_loop3A_411, %parallel_loop3A_413, %parallel_loop3A_392 : i32
          %parallel_loop3A_415 = arith.constant 8 : i32
          %parallel_loop3A_416 = arith.constant 0 : i32
          %parallel_loop3A_417 = arith.cmpi eq, %parallel_loop3A_415, %parallel_loop3A_416 : i32
          %parallel_loop3A_418 = arith.constant 1 : i32
          %parallel_loop3A_419 = arith.select %parallel_loop3A_417, %parallel_loop3A_418, %parallel_loop3A_415 : i32
          %parallel_loop3A_420 = arith.remsi %parallel_loop3A_224, %parallel_loop3A_419 : i32
          %parallel_loop3A_421 = arith.constant 0 : i32
          %parallel_loop3A_422 = arith.cmpi ne, %parallel_loop3A_420, %parallel_loop3A_421 : i32
          %parallel_loop3A_423 = arith.constant 0 : i32
          %parallel_loop3A_424 = arith.cmpi slt, %parallel_loop3A_420, %parallel_loop3A_423 : i32
          %parallel_loop3A_425 = arith.constant 0 : i32
          %parallel_loop3A_426 = arith.cmpi slt, %parallel_loop3A_419, %parallel_loop3A_425 : i32
          %parallel_loop3A_427 = arith.xori %parallel_loop3A_424, %parallel_loop3A_426 : i1
          %parallel_loop3A_428 = arith.andi %parallel_loop3A_427, %parallel_loop3A_422 : i1
          %parallel_loop3A_429 = arith.addi %parallel_loop3A_420, %parallel_loop3A_419 : i32
          %parallel_loop3A_430 = arith.select %parallel_loop3A_428, %parallel_loop3A_429, %parallel_loop3A_420 : i32
          %parallel_loop3A_431 = arith.constant 3 : i32
          %parallel_loop3A_432 = arith.index_cast %parallel_loop3A_431 : i32 to index
          %parallel_loop3A_433 = arith.index_cast %parallel_loop3A_414 : i32 to index
          %parallel_loop3A_434 = arith.index_cast %parallel_loop3A_430 : i32 to index
          %parallel_loop3A_435 = arith.constant 48 : index
          %parallel_loop3A_436 = tpu.vector_load %arg4[%parallel_loop3A_432, %parallel_loop3A_433, %parallel_loop3A_434, %parallel_loop3A_435] {strides = array<i32>} : memref<4x4x8x128xf32, #tpu.memory_space<vmem>>, vector<16xf32>,
          %parallel_loop3A_437 = arith.constant 48 : i32
          %parallel_loop3A_438 = vector.broadcast %parallel_loop3A_437 : i32 to vector<16xi32>
          %parallel_loop3A_439 = arith.addi %iota3A, %parallel_loop3A_438 : vector<16xi32>
          %parallel_loop3A_440 = arith.constant 3 : i32
          %parallel_loop3A_441 = arith.constant 0 : i32
          %parallel_loop3A_442 = arith.constant 0 : i32
          %parallel_loop3A_443 = tpu.memref_slice %arg5[%parallel_loop3A_440, %parallel_loop3A_441, %parallel_loop3A_442] : memref<4x128x33xf32, #tpu.memory_space<vmem>> -> memref<1x128x33xf32, #tpu.memory_space<vmem>>
          %parallel_loop3A_444 = tpu.memref_squeeze %parallel_loop3A_443 : memref<1x128x33xf32, #tpu.memory_space<vmem>> -> memref<128x33xf32, #tpu.memory_space<vmem>>
          tpu.vector_store_idx %parallel_loop3A_444[%parallel_loop3A_439, %parallel_loop3A_228], %parallel_loop3A_436 : memref<128x33xf32, #tpu.memory_space<vmem>>[vector<16xi32>, vector<16xi32>], vector<16xf32>,
          %parallel_loop3A_445 = arith.constant 8 : i32
          %parallel_loop3A_446 = arith.divsi %parallel_loop3A_224, %parallel_loop3A_445 : i32
          %parallel_loop3A_447 = arith.constant 0 : i32
          %parallel_loop3A_448 = arith.cmpi sgt, %parallel_loop3A_224, %parallel_loop3A_447 : i32
          %parallel_loop3A_449 = arith.extui %parallel_loop3A_448 : i1 to i32
          %parallel_loop3A_450 = arith.constant 0 : i32
          %parallel_loop3A_451 = arith.cmpi slt, %parallel_loop3A_224, %parallel_loop3A_450 : i32
          %parallel_loop3A_452 = arith.extui %parallel_loop3A_451 : i1 to i32
          %parallel_loop3A_453 = arith.subi %parallel_loop3A_449, %parallel_loop3A_452 : i32
          %parallel_loop3A_454 = arith.constant 0 : i32
          %parallel_loop3A_455 = arith.cmpi sgt, %parallel_loop3A_445, %parallel_loop3A_454 : i32
          %parallel_loop3A_456 = arith.extui %parallel_loop3A_455 : i1 to i32
          %parallel_loop3A_457 = arith.constant 0 : i32
          %parallel_loop3A_458 = arith.cmpi slt, %parallel_loop3A_445, %parallel_loop3A_457 : i32
          %parallel_loop3A_459 = arith.extui %parallel_loop3A_458 : i1 to i32
          %parallel_loop3A_460 = arith.subi %parallel_loop3A_456, %parallel_loop3A_459 : i32
          %parallel_loop3A_461 = arith.cmpi ne, %parallel_loop3A_453, %parallel_loop3A_460 : i32
          %parallel_loop3A_462 = arith.remsi %parallel_loop3A_224, %parallel_loop3A_445 : i32
          %parallel_loop3A_463 = arith.constant 0 : i32
          %parallel_loop3A_464 = arith.cmpi ne, %parallel_loop3A_462, %parallel_loop3A_463 : i32
          %parallel_loop3A_465 = arith.andi %parallel_loop3A_461, %parallel_loop3A_464 : i1
          %parallel_loop3A_466 = arith.constant 1 : i32
          %parallel_loop3A_467 = arith.subi %parallel_loop3A_446, %parallel_loop3A_466 : i32
          %parallel_loop3A_468 = arith.select %parallel_loop3A_465, %parallel_loop3A_467, %parallel_loop3A_446 : i32
          %parallel_loop3A_469 = arith.constant 8 : i32
          %parallel_loop3A_470 = arith.constant 0 : i32
          %parallel_loop3A_471 = arith.cmpi eq, %parallel_loop3A_469, %parallel_loop3A_470 : i32
          %parallel_loop3A_472 = arith.constant 1 : i32
          %parallel_loop3A_473 = arith.select %parallel_loop3A_471, %parallel_loop3A_472, %parallel_loop3A_469 : i32
          %parallel_loop3A_474 = arith.remsi %parallel_loop3A_224, %parallel_loop3A_473 : i32
          %parallel_loop3A_475 = arith.constant 0 : i32
          %parallel_loop3A_476 = arith.cmpi ne, %parallel_loop3A_474, %parallel_loop3A_475 : i32
          %parallel_loop3A_477 = arith.constant 0 : i32
          %parallel_loop3A_478 = arith.cmpi slt, %parallel_loop3A_474, %parallel_loop3A_477 : i32
          %parallel_loop3A_479 = arith.constant 0 : i32
          %parallel_loop3A_480 = arith.cmpi slt, %parallel_loop3A_473, %parallel_loop3A_479 : i32
          %parallel_loop3A_481 = arith.xori %parallel_loop3A_478, %parallel_loop3A_480 : i1
          %parallel_loop3A_482 = arith.andi %parallel_loop3A_481, %parallel_loop3A_476 : i1
          %parallel_loop3A_483 = arith.addi %parallel_loop3A_474, %parallel_loop3A_473 : i32
          %parallel_loop3A_484 = arith.select %parallel_loop3A_482, %parallel_loop3A_483, %parallel_loop3A_474 : i32
          %parallel_loop3A_485 = arith.constant 3 : i32
          %parallel_loop3A_486 = arith.index_cast %parallel_loop3A_485 : i32 to index
          %parallel_loop3A_487 = arith.index_cast %parallel_loop3A_468 : i32 to index
          %parallel_loop3A_488 = arith.index_cast %parallel_loop3A_484 : i32 to index
          %parallel_loop3A_489 = arith.constant 64 : index
          %parallel_loop3A_490 = tpu.vector_load %arg4[%parallel_loop3A_486, %parallel_loop3A_487, %parallel_loop3A_488, %parallel_loop3A_489] {strides = array<i32>} : memref<4x4x8x128xf32, #tpu.memory_space<vmem>>, vector<16xf32>,
          %parallel_loop3A_491 = arith.constant 64 : i32
          %parallel_loop3A_492 = vector.broadcast %parallel_loop3A_491 : i32 to vector<16xi32>
          %parallel_loop3A_493 = arith.addi %iota3A, %parallel_loop3A_492 : vector<16xi32>
          %parallel_loop3A_494 = arith.constant 3 : i32
          %parallel_loop3A_495 = arith.constant 0 : i32
          %parallel_loop3A_496 = arith.constant 0 : i32
          %parallel_loop3A_497 = tpu.memref_slice %arg5[%parallel_loop3A_494, %parallel_loop3A_495, %parallel_loop3A_496] : memref<4x128x33xf32, #tpu.memory_space<vmem>> -> memref<1x128x33xf32, #tpu.memory_space<vmem>>
          %parallel_loop3A_498 = tpu.memref_squeeze %parallel_loop3A_497 : memref<1x128x33xf32, #tpu.memory_space<vmem>> -> memref<128x33xf32, #tpu.memory_space<vmem>>
          tpu.vector_store_idx %parallel_loop3A_498[%parallel_loop3A_493, %parallel_loop3A_228], %parallel_loop3A_490 : memref<128x33xf32, #tpu.memory_space<vmem>>[vector<16xi32>, vector<16xi32>], vector<16xf32>,
          %parallel_loop3A_499 = arith.constant 8 : i32
          %parallel_loop3A_500 = arith.divsi %parallel_loop3A_224, %parallel_loop3A_499 : i32
          %parallel_loop3A_501 = arith.constant 0 : i32
          %parallel_loop3A_502 = arith.cmpi sgt, %parallel_loop3A_224, %parallel_loop3A_501 : i32
          %parallel_loop3A_503 = arith.extui %parallel_loop3A_502 : i1 to i32
          %parallel_loop3A_504 = arith.constant 0 : i32
          %parallel_loop3A_505 = arith.cmpi slt, %parallel_loop3A_224, %parallel_loop3A_504 : i32
          %parallel_loop3A_506 = arith.extui %parallel_loop3A_505 : i1 to i32
          %parallel_loop3A_507 = arith.subi %parallel_loop3A_503, %parallel_loop3A_506 : i32
          %parallel_loop3A_508 = arith.constant 0 : i32
          %parallel_loop3A_509 = arith.cmpi sgt, %parallel_loop3A_499, %parallel_loop3A_508 : i32
          %parallel_loop3A_510 = arith.extui %parallel_loop3A_509 : i1 to i32
          %parallel_loop3A_511 = arith.constant 0 : i32
          %parallel_loop3A_512 = arith.cmpi slt, %parallel_loop3A_499, %parallel_loop3A_511 : i32
          %parallel_loop3A_513 = arith.extui %parallel_loop3A_512 : i1 to i32
          %parallel_loop3A_514 = arith.subi %parallel_loop3A_510, %parallel_loop3A_513 : i32
          %parallel_loop3A_515 = arith.cmpi ne, %parallel_loop3A_507, %parallel_loop3A_514 : i32
          %parallel_loop3A_516 = arith.remsi %parallel_loop3A_224, %parallel_loop3A_499 : i32
          %parallel_loop3A_517 = arith.constant 0 : i32
          %parallel_loop3A_518 = arith.cmpi ne, %parallel_loop3A_516, %parallel_loop3A_517 : i32
          %parallel_loop3A_519 = arith.andi %parallel_loop3A_515, %parallel_loop3A_518 : i1
          %parallel_loop3A_520 = arith.constant 1 : i32
          %parallel_loop3A_521 = arith.subi %parallel_loop3A_500, %parallel_loop3A_520 : i32
          %parallel_loop3A_522 = arith.select %parallel_loop3A_519, %parallel_loop3A_521, %parallel_loop3A_500 : i32
          %parallel_loop3A_523 = arith.constant 8 : i32
          %parallel_loop3A_524 = arith.constant 0 : i32
          %parallel_loop3A_525 = arith.cmpi eq, %parallel_loop3A_523, %parallel_loop3A_524 : i32
          %parallel_loop3A_526 = arith.constant 1 : i32
          %parallel_loop3A_527 = arith.select %parallel_loop3A_525, %parallel_loop3A_526, %parallel_loop3A_523 : i32
          %parallel_loop3A_528 = arith.remsi %parallel_loop3A_224, %parallel_loop3A_527 : i32
          %parallel_loop3A_529 = arith.constant 0 : i32
          %parallel_loop3A_530 = arith.cmpi ne, %parallel_loop3A_528, %parallel_loop3A_529 : i32
          %parallel_loop3A_531 = arith.constant 0 : i32
          %parallel_loop3A_532 = arith.cmpi slt, %parallel_loop3A_528, %parallel_loop3A_531 : i32
          %parallel_loop3A_533 = arith.constant 0 : i32
          %parallel_loop3A_534 = arith.cmpi slt, %parallel_loop3A_527, %parallel_loop3A_533 : i32
          %parallel_loop3A_535 = arith.xori %parallel_loop3A_532, %parallel_loop3A_534 : i1
          %parallel_loop3A_536 = arith.andi %parallel_loop3A_535, %parallel_loop3A_530 : i1
          %parallel_loop3A_537 = arith.addi %parallel_loop3A_528, %parallel_loop3A_527 : i32
          %parallel_loop3A_538 = arith.select %parallel_loop3A_536, %parallel_loop3A_537, %parallel_loop3A_528 : i32
          %parallel_loop3A_539 = arith.constant 3 : i32
          %parallel_loop3A_540 = arith.index_cast %parallel_loop3A_539 : i32 to index
          %parallel_loop3A_541 = arith.index_cast %parallel_loop3A_522 : i32 to index
          %parallel_loop3A_542 = arith.index_cast %parallel_loop3A_538 : i32 to index
          %parallel_loop3A_543 = arith.constant 80 : index
          %parallel_loop3A_544 = tpu.vector_load %arg4[%parallel_loop3A_540, %parallel_loop3A_541, %parallel_loop3A_542, %parallel_loop3A_543] {strides = array<i32>} : memref<4x4x8x128xf32, #tpu.memory_space<vmem>>, vector<16xf32>,
          %parallel_loop3A_545 = arith.constant 80 : i32
          %parallel_loop3A_546 = vector.broadcast %parallel_loop3A_545 : i32 to vector<16xi32>
          %parallel_loop3A_547 = arith.addi %iota3A, %parallel_loop3A_546 : vector<16xi32>
          %parallel_loop3A_548 = arith.constant 3 : i32
          %parallel_loop3A_549 = arith.constant 0 : i32
          %parallel_loop3A_550 = arith.constant 0 : i32
          %parallel_loop3A_551 = tpu.memref_slice %arg5[%parallel_loop3A_548, %parallel_loop3A_549, %parallel_loop3A_550] : memref<4x128x33xf32, #tpu.memory_space<vmem>> -> memref<1x128x33xf32, #tpu.memory_space<vmem>>
          %parallel_loop3A_552 = tpu.memref_squeeze %parallel_loop3A_551 : memref<1x128x33xf32, #tpu.memory_space<vmem>> -> memref<128x33xf32, #tpu.memory_space<vmem>>
          tpu.vector_store_idx %parallel_loop3A_552[%parallel_loop3A_547, %parallel_loop3A_228], %parallel_loop3A_544 : memref<128x33xf32, #tpu.memory_space<vmem>>[vector<16xi32>, vector<16xi32>], vector<16xf32>,
          %parallel_loop3A_553 = arith.constant 8 : i32
          %parallel_loop3A_554 = arith.divsi %parallel_loop3A_224, %parallel_loop3A_553 : i32
          %parallel_loop3A_555 = arith.constant 0 : i32
          %parallel_loop3A_556 = arith.cmpi sgt, %parallel_loop3A_224, %parallel_loop3A_555 : i32
          %parallel_loop3A_557 = arith.extui %parallel_loop3A_556 : i1 to i32
          %parallel_loop3A_558 = arith.constant 0 : i32
          %parallel_loop3A_559 = arith.cmpi slt, %parallel_loop3A_224, %parallel_loop3A_558 : i32
          %parallel_loop3A_560 = arith.extui %parallel_loop3A_559 : i1 to i32
          %parallel_loop3A_561 = arith.subi %parallel_loop3A_557, %parallel_loop3A_560 : i32
          %parallel_loop3A_562 = arith.constant 0 : i32
          %parallel_loop3A_563 = arith.cmpi sgt, %parallel_loop3A_553, %parallel_loop3A_562 : i32
          %parallel_loop3A_564 = arith.extui %parallel_loop3A_563 : i1 to i32
          %parallel_loop3A_565 = arith.constant 0 : i32
          %parallel_loop3A_566 = arith.cmpi slt, %parallel_loop3A_553, %parallel_loop3A_565 : i32
          %parallel_loop3A_567 = arith.extui %parallel_loop3A_566 : i1 to i32
          %parallel_loop3A_568 = arith.subi %parallel_loop3A_564, %parallel_loop3A_567 : i32
          %parallel_loop3A_569 = arith.cmpi ne, %parallel_loop3A_561, %parallel_loop3A_568 : i32
          %parallel_loop3A_570 = arith.remsi %parallel_loop3A_224, %parallel_loop3A_553 : i32
          %parallel_loop3A_571 = arith.constant 0 : i32
          %parallel_loop3A_572 = arith.cmpi ne, %parallel_loop3A_570, %parallel_loop3A_571 : i32
          %parallel_loop3A_573 = arith.andi %parallel_loop3A_569, %parallel_loop3A_572 : i1
          %parallel_loop3A_574 = arith.constant 1 : i32
          %parallel_loop3A_575 = arith.subi %parallel_loop3A_554, %parallel_loop3A_574 : i32
          %parallel_loop3A_576 = arith.select %parallel_loop3A_573, %parallel_loop3A_575, %parallel_loop3A_554 : i32
          %parallel_loop3A_577 = arith.constant 8 : i32
          %parallel_loop3A_578 = arith.constant 0 : i32
          %parallel_loop3A_579 = arith.cmpi eq, %parallel_loop3A_577, %parallel_loop3A_578 : i32
          %parallel_loop3A_580 = arith.constant 1 : i32
          %parallel_loop3A_581 = arith.select %parallel_loop3A_579, %parallel_loop3A_580, %parallel_loop3A_577 : i32
          %parallel_loop3A_582 = arith.remsi %parallel_loop3A_224, %parallel_loop3A_581 : i32
          %parallel_loop3A_583 = arith.constant 0 : i32
          %parallel_loop3A_584 = arith.cmpi ne, %parallel_loop3A_582, %parallel_loop3A_583 : i32
          %parallel_loop3A_585 = arith.constant 0 : i32
          %parallel_loop3A_586 = arith.cmpi slt, %parallel_loop3A_582, %parallel_loop3A_585 : i32
          %parallel_loop3A_587 = arith.constant 0 : i32
          %parallel_loop3A_588 = arith.cmpi slt, %parallel_loop3A_581, %parallel_loop3A_587 : i32
          %parallel_loop3A_589 = arith.xori %parallel_loop3A_586, %parallel_loop3A_588 : i1
          %parallel_loop3A_590 = arith.andi %parallel_loop3A_589, %parallel_loop3A_584 : i1
          %parallel_loop3A_591 = arith.addi %parallel_loop3A_582, %parallel_loop3A_581 : i32
          %parallel_loop3A_592 = arith.select %parallel_loop3A_590, %parallel_loop3A_591, %parallel_loop3A_582 : i32
          %parallel_loop3A_593 = arith.constant 3 : i32
          %parallel_loop3A_594 = arith.index_cast %parallel_loop3A_593 : i32 to index
          %parallel_loop3A_595 = arith.index_cast %parallel_loop3A_576 : i32 to index
          %parallel_loop3A_596 = arith.index_cast %parallel_loop3A_592 : i32 to index
          %parallel_loop3A_597 = arith.constant 96 : index
          %parallel_loop3A_598 = tpu.vector_load %arg4[%parallel_loop3A_594, %parallel_loop3A_595, %parallel_loop3A_596, %parallel_loop3A_597] {strides = array<i32>} : memref<4x4x8x128xf32, #tpu.memory_space<vmem>>, vector<16xf32>,
          %parallel_loop3A_599 = arith.constant 96 : i32
          %parallel_loop3A_600 = vector.broadcast %parallel_loop3A_599 : i32 to vector<16xi32>
          %parallel_loop3A_601 = arith.addi %iota3A, %parallel_loop3A_600 : vector<16xi32>
          %parallel_loop3A_602 = arith.constant 3 : i32
          %parallel_loop3A_603 = arith.constant 0 : i32
          %parallel_loop3A_604 = arith.constant 0 : i32
          %parallel_loop3A_605 = tpu.memref_slice %arg5[%parallel_loop3A_602, %parallel_loop3A_603, %parallel_loop3A_604] : memref<4x128x33xf32, #tpu.memory_space<vmem>> -> memref<1x128x33xf32, #tpu.memory_space<vmem>>
          %parallel_loop3A_606 = tpu.memref_squeeze %parallel_loop3A_605 : memref<1x128x33xf32, #tpu.memory_space<vmem>> -> memref<128x33xf32, #tpu.memory_space<vmem>>
          tpu.vector_store_idx %parallel_loop3A_606[%parallel_loop3A_601, %parallel_loop3A_228], %parallel_loop3A_598 : memref<128x33xf32, #tpu.memory_space<vmem>>[vector<16xi32>, vector<16xi32>], vector<16xf32>,
          %parallel_loop3A_607 = arith.constant 8 : i32
          %parallel_loop3A_608 = arith.divsi %parallel_loop3A_224, %parallel_loop3A_607 : i32
          %parallel_loop3A_609 = arith.constant 0 : i32
          %parallel_loop3A_610 = arith.cmpi sgt, %parallel_loop3A_224, %parallel_loop3A_609 : i32
          %parallel_loop3A_611 = arith.extui %parallel_loop3A_610 : i1 to i32
          %parallel_loop3A_612 = arith.constant 0 : i32
          %parallel_loop3A_613 = arith.cmpi slt, %parallel_loop3A_224, %parallel_loop3A_612 : i32
          %parallel_loop3A_614 = arith.extui %parallel_loop3A_613 : i1 to i32
          %parallel_loop3A_615 = arith.subi %parallel_loop3A_611, %parallel_loop3A_614 : i32
          %parallel_loop3A_616 = arith.constant 0 : i32
          %parallel_loop3A_617 = arith.cmpi sgt, %parallel_loop3A_607, %parallel_loop3A_616 : i32
          %parallel_loop3A_618 = arith.extui %parallel_loop3A_617 : i1 to i32
          %parallel_loop3A_619 = arith.constant 0 : i32
          %parallel_loop3A_620 = arith.cmpi slt, %parallel_loop3A_607, %parallel_loop3A_619 : i32
          %parallel_loop3A_621 = arith.extui %parallel_loop3A_620 : i1 to i32
          %parallel_loop3A_622 = arith.subi %parallel_loop3A_618, %parallel_loop3A_621 : i32
          %parallel_loop3A_623 = arith.cmpi ne, %parallel_loop3A_615, %parallel_loop3A_622 : i32
          %parallel_loop3A_624 = arith.remsi %parallel_loop3A_224, %parallel_loop3A_607 : i32
          %parallel_loop3A_625 = arith.constant 0 : i32
          %parallel_loop3A_626 = arith.cmpi ne, %parallel_loop3A_624, %parallel_loop3A_625 : i32
          %parallel_loop3A_627 = arith.andi %parallel_loop3A_623, %parallel_loop3A_626 : i1
          %parallel_loop3A_628 = arith.constant 1 : i32
          %parallel_loop3A_629 = arith.subi %parallel_loop3A_608, %parallel_loop3A_628 : i32
          %parallel_loop3A_630 = arith.select %parallel_loop3A_627, %parallel_loop3A_629, %parallel_loop3A_608 : i32
          %parallel_loop3A_631 = arith.constant 8 : i32
          %parallel_loop3A_632 = arith.constant 0 : i32
          %parallel_loop3A_633 = arith.cmpi eq, %parallel_loop3A_631, %parallel_loop3A_632 : i32
          %parallel_loop3A_634 = arith.constant 1 : i32
          %parallel_loop3A_635 = arith.select %parallel_loop3A_633, %parallel_loop3A_634, %parallel_loop3A_631 : i32
          %parallel_loop3A_636 = arith.remsi %parallel_loop3A_224, %parallel_loop3A_635 : i32
          %parallel_loop3A_637 = arith.constant 0 : i32
          %parallel_loop3A_638 = arith.cmpi ne, %parallel_loop3A_636, %parallel_loop3A_637 : i32
          %parallel_loop3A_639 = arith.constant 0 : i32
          %parallel_loop3A_640 = arith.cmpi slt, %parallel_loop3A_636, %parallel_loop3A_639 : i32
          %parallel_loop3A_641 = arith.constant 0 : i32
          %parallel_loop3A_642 = arith.cmpi slt, %parallel_loop3A_635, %parallel_loop3A_641 : i32
          %parallel_loop3A_643 = arith.xori %parallel_loop3A_640, %parallel_loop3A_642 : i1
          %parallel_loop3A_644 = arith.andi %parallel_loop3A_643, %parallel_loop3A_638 : i1
          %parallel_loop3A_645 = arith.addi %parallel_loop3A_636, %parallel_loop3A_635 : i32
          %parallel_loop3A_646 = arith.select %parallel_loop3A_644, %parallel_loop3A_645, %parallel_loop3A_636 : i32
          %parallel_loop3A_647 = arith.constant 3 : i32
          %parallel_loop3A_648 = arith.index_cast %parallel_loop3A_647 : i32 to index
          %parallel_loop3A_649 = arith.index_cast %parallel_loop3A_630 : i32 to index
          %parallel_loop3A_650 = arith.index_cast %parallel_loop3A_646 : i32 to index
          %parallel_loop3A_651 = arith.constant 112 : index
          %parallel_loop3A_652 = tpu.vector_load %arg4[%parallel_loop3A_648, %parallel_loop3A_649, %parallel_loop3A_650, %parallel_loop3A_651] {strides = array<i32>} : memref<4x4x8x128xf32, #tpu.memory_space<vmem>>, vector<16xf32>,
          %parallel_loop3A_653 = arith.constant 112 : i32
          %parallel_loop3A_654 = vector.broadcast %parallel_loop3A_653 : i32 to vector<16xi32>
          %parallel_loop3A_655 = arith.addi %iota3A, %parallel_loop3A_654 : vector<16xi32>
          %parallel_loop3A_656 = arith.constant 3 : i32
          %parallel_loop3A_657 = arith.constant 0 : i32
          %parallel_loop3A_658 = arith.constant 0 : i32
          %parallel_loop3A_659 = tpu.memref_slice %arg5[%parallel_loop3A_656, %parallel_loop3A_657, %parallel_loop3A_658] : memref<4x128x33xf32, #tpu.memory_space<vmem>> -> memref<1x128x33xf32, #tpu.memory_space<vmem>>
          %parallel_loop3A_660 = tpu.memref_squeeze %parallel_loop3A_659 : memref<1x128x33xf32, #tpu.memory_space<vmem>> -> memref<128x33xf32, #tpu.memory_space<vmem>>
          tpu.vector_store_idx %parallel_loop3A_660[%parallel_loop3A_655, %parallel_loop3A_228], %parallel_loop3A_652 : memref<128x33xf32, #tpu.memory_space<vmem>>[vector<16xi32>, vector<16xi32>], vector<16xf32>,
        } {sc.loop_unroll_factor = 4 : i64, sc.parallel_access}
        %mul3A_207 = arith.constant 32 : i32
        %mul3A_208 = arith.muli %mul3A_207, %add3A_160 : i32
        %add3A_209 = arith.addi %add3A, %mul3A_208 : i32
        %mul3A_210 = arith.constant 128 : i32
        %mul3A_211 = arith.muli %add3A_209, %mul3A_210 : i32
        %dma_start3A = arith.constant 3 : i32
        %dma_start3A_212 = arith.constant 0 : i32
        %dma_start3A_213 = arith.constant 0 : i32
        %dma_start3A_214 = tpu.memref_slice %arg5[%dma_start3A, %dma_start3A_212, %dma_start3A_213] : memref<4x128x33xf32, #tpu.memory_space<vmem>> -> memref<1x128x32xf32, #tpu.memory_space<vmem>>
        %dma_start3A_215 = tpu.memref_squeeze %dma_start3A_214 : memref<1x128x32xf32, #tpu.memory_space<vmem>> -> memref<128x32xf32, #tpu.memory_space<vmem>>
        %dma_start3A_216 = arith.constant 0 : i32
        %dma_start3A_217 = tpu.memref_slice %arg3[%mul3A_211, %dma_start3A_216] : memref<1000064x32xf32, #tpu.memory_space<hbm>> -> memref<128x32xf32, #tpu.memory_space<hbm>>
        %dma_start3A_218 = arith.constant 0 : i32
        %dma_start3A_219 = tpu.memref_slice %arg3[%mul3A_211, %dma_start3A_218] : memref<1000064x32xf32, #tpu.memory_space<hbm>> -> memref<128x32xf32, #tpu.memory_space<hbm>>
        %dma_start3A_220 = arith.constant 0 : i32
        %dma_start3A_221 = arith.constant 0 : i32
        %dma_start3A_222 = tpu.memref_slice %arg5[%dma_start3A, %dma_start3A_220, %dma_start3A_221] : memref<4x128x33xf32, #tpu.memory_space<vmem>> -> memref<1x128x32xf32, #tpu.memory_space<vmem>>
        %dma_start3A_223 = tpu.memref_squeeze %dma_start3A_222 : memref<1x128x32xf32, #tpu.memory_space<vmem>> -> memref<128x32xf32, #tpu.memory_space<vmem>>
        tpu.enqueue_dma source(%dma_start3A_223 : memref<128x32xf32, #tpu.memory_space<vmem>>) target(%dma_start3A_219 : memref<128x32xf32, #tpu.memory_space<hbm>>) target_semaphore(%arg13 : memref<!tpu.dma_semaphore, #tpu.memory_space<semaphore_mem>>)
      } else {
      }
      %add3A_169 = arith.constant 4 : i32
      %add3A_170 = arith.addi %add3A_160, %add3A_169 : i32
      %mul3A_171 = arith.constant 32 : i32
      %mul3A_172 = arith.muli %mul3A_171, %add3A_170 : i32
      %add3A_173 = arith.addi %add3A, %mul3A_172 : i32
      %lt3A_174 = arith.constant 7813 : i32
      %lt3A_175 = arith.cmpi slt, %add3A_173, %lt3A_174 : i32
      %convert_element_type3A_176 = arith.extui %lt3A_175 : i1 to i32
      %cond3A_177 = arith.constant 0 : i32
      %cond3A_178 = arith.cmpi ne, %convert_element_type3A_176, %cond3A_177 : i32
      scf.if %cond3A_178 {
        %add3A_179 = arith.constant 4 : i32
        %add3A_180 = arith.addi %add3A_160, %add3A_179 : i32
        %mul3A_181 = arith.constant 32 : i32
        %mul3A_182 = arith.muli %mul3A_181, %add3A_180 : i32
        %add3A_183 = arith.addi %add3A, %mul3A_182 : i32
        %dma_start3A = arith.constant 3 : i32
        %dma_start3A_184 = arith.constant 0 : i32
        %dma_start3A_185 = arith.constant 0 : i32
        %dma_start3A_186 = arith.constant 0 : i32
        %dma_start3A_187 = tpu.memref_slice %arg4[%dma_start3A, %dma_start3A_184, %dma_start3A_185, %dma_start3A_186] : memref<4x4x8x128xf32, #tpu.memory_space<vmem>> -> memref<1x4x8x128xf32, #tpu.memory_space<vmem>>
        %dma_start3A_188 = tpu.memref_squeeze %dma_start3A_187 : memref<1x4x8x128xf32, #tpu.memory_space<vmem>> -> memref<4x8x128xf32, #tpu.memory_space<vmem>>
        %dma_start3A_189 = arith.constant 0 : i32
        %dma_start3A_190 = arith.constant 0 : i32
        %dma_start3A_191 = arith.constant 0 : i32
        %dma_start3A_192 = tpu.memref_slice %arg2[%dma_start3A_189, %add3A_183, %dma_start3A_190, %dma_start3A_191] : memref<4x7813x8x128xf32, #tpu.memory_space<hbm>> -> memref<4x1x8x128xf32, #tpu.memory_space<hbm>>
        %dma_start3A_193 = tpu.memref_squeeze %dma_start3A_192 : memref<4x1x8x128xf32, #tpu.memory_space<hbm>> -> memref<4x8x128xf32, #tpu.memory_space<hbm>>
        %dma_start3A_194 = arith.constant 0 : i32
        %dma_start3A_195 = arith.constant 0 : i32
        %dma_start3A_196 = arith.constant 0 : i32
        %dma_start3A_197 = tpu.memref_slice %arg4[%dma_start3A, %dma_start3A_194, %dma_start3A_195, %dma_start3A_196] : memref<4x4x8x128xf32, #tpu.memory_space<vmem>> -> memref<1x4x8x128xf32, #tpu.memory_space<vmem>>
        %dma_start3A_198 = tpu.memref_squeeze %dma_start3A_197 : memref<1x4x8x128xf32, #tpu.memory_space<vmem>> -> memref<4x8x128xf32, #tpu.memory_space<vmem>>
        %dma_start3A_199 = arith.constant 0 : i32
        %dma_start3A_200 = arith.constant 0 : i32
        %dma_start3A_201 = arith.constant 0 : i32
        %dma_start3A_202 = tpu.memref_slice %arg2[%dma_start3A_199, %add3A_183, %dma_start3A_200, %dma_start3A_201] : memref<4x7813x8x128xf32, #tpu.memory_space<hbm>> -> memref<4x1x8x128xf32, #tpu.memory_space<hbm>>
        %dma_start3A_203 = tpu.memref_squeeze %dma_start3A_202 : memref<4x1x8x128xf32, #tpu.memory_space<hbm>> -> memref<4x8x128xf32, #tpu.memory_space<hbm>>
        tpu.enqueue_dma source(%dma_start3A_203 : memref<4x8x128xf32, #tpu.memory_space<hbm>>) target(%dma_start3A_198 : memref<4x8x128xf32, #tpu.memory_space<vmem>>) target_semaphore(%arg9 : memref<!tpu.dma_semaphore, #tpu.memory_space<semaphore_mem>>)
      } else {
      }
    }
    %scan3A_30 = arith.constant 62 : i32
    %dma_wait3A = arith.constant 0 : i32
    %dma_wait3A_31 = arith.constant 0 : i32
    %dma_wait3A_32 = arith.constant 0 : i32
    %dma_wait3A_33 = tpu.memref_slice %arg5[%dma_wait3A, %dma_wait3A_31, %dma_wait3A_32] : memref<4x128x33xf32, #tpu.memory_space<vmem>> -> memref<1x128x32xf32, #tpu.memory_space<vmem>>
    %dma_wait3A_34 = tpu.memref_squeeze %dma_wait3A_33 : memref<1x128x32xf32, #tpu.memory_space<vmem>> -> memref<128x32xf32, #tpu.memory_space<vmem>>
    %dma_wait3A_35 = arith.constant 0 : i32
    %dma_wait3A_36 = arith.constant 0 : i32
    %dma_wait3A_37 = tpu.memref_slice %arg3[%dma_wait3A_35, %dma_wait3A_36] : memref<1000064x32xf32, #tpu.memory_space<hbm>> -> memref<128x32xf32, #tpu.memory_space<hbm>>
    %dma_wait3A_38 = arith.constant 0 : i32
    %dma_wait3A_39 = arith.constant 0 : i32
    %dma_wait3A_40 = tpu.memref_slice %arg3[%dma_wait3A_38, %dma_wait3A_39] : memref<1000064x32xf32, #tpu.memory_space<hbm>> -> memref<128x32xf32, #tpu.memory_space<hbm>>
    %dma_wait3A_41 = arith.constant 0 : i32
    %dma_wait3A_42 = arith.constant 0 : i32
    %dma_wait3A_43 = tpu.memref_slice %arg5[%dma_wait3A, %dma_wait3A_41, %dma_wait3A_42] : memref<4x128x33xf32, #tpu.memory_space<vmem>> -> memref<1x128x32xf32, #tpu.memory_space<vmem>>
    %dma_wait3A_44 = tpu.memref_squeeze %dma_wait3A_43 : memref<1x128x32xf32, #tpu.memory_space<vmem>> -> memref<128x32xf32, #tpu.memory_space<vmem>>
    tpu.wait_dma2 semaphore(%arg10 : memref<!tpu.dma_semaphore, #tpu.memory_space<semaphore_mem>>) src(%dma_wait3A_44 : memref<128x32xf32, #tpu.memory_space<vmem>>) dst(%dma_wait3A_40 : memref<128x32xf32, #tpu.memory_space<hbm>>)
    %dma_wait3A_45 = arith.constant 1 : i32
    %dma_wait3A_46 = arith.constant 0 : i32
    %dma_wait3A_47 = arith.constant 0 : i32
    %dma_wait3A_48 = tpu.memref_slice %arg5[%dma_wait3A_45, %dma_wait3A_46, %dma_wait3A_47] : memref<4x128x33xf32, #tpu.memory_space<vmem>> -> memref<1x128x32xf32, #tpu.memory_space<vmem>>
    %dma_wait3A_49 = tpu.memref_squeeze %dma_wait3A_48 : memref<1x128x32xf32, #tpu.memory_space<vmem>> -> memref<128x32xf32, #tpu.memory_space<vmem>>
    %dma_wait3A_50 = arith.constant 0 : i32
    %dma_wait3A_51 = arith.constant 0 : i32
    %dma_wait3A_52 = tpu.memref_slice %arg3[%dma_wait3A_50, %dma_wait3A_51] : memref<1000064x32xf32, #tpu.memory_space<hbm>> -> memref<128x32xf32, #tpu.memory_space<hbm>>
    %dma_wait3A_53 = arith.constant 0 : i32
    %dma_wait3A_54 = arith.constant 0 : i32
    %dma_wait3A_55 = tpu.memref_slice %arg3[%dma_wait3A_53, %dma_wait3A_54] : memref<1000064x32xf32, #tpu.memory_space<hbm>> -> memref<128x32xf32, #tpu.memory_space<hbm>>
    %dma_wait3A_56 = arith.constant 0 : i32
    %dma_wait3A_57 = arith.constant 0 : i32
    %dma_wait3A_58 = tpu.memref_slice %arg5[%dma_wait3A_45, %dma_wait3A_56, %dma_wait3A_57] : memref<4x128x33xf32, #tpu.memory_space<vmem>> -> memref<1x128x32xf32, #tpu.memory_space<vmem>>
    %dma_wait3A_59 = tpu.memref_squeeze %dma_wait3A_58 : memref<1x128x32xf32, #tpu.memory_space<vmem>> -> memref<128x32xf32, #tpu.memory_space<vmem>>
    tpu.wait_dma2 semaphore(%arg11 : memref<!tpu.dma_semaphore, #tpu.memory_space<semaphore_mem>>) src(%dma_wait3A_59 : memref<128x32xf32, #tpu.memory_space<vmem>>) dst(%dma_wait3A_55 : memref<128x32xf32, #tpu.memory_space<hbm>>)
    %dma_wait3A_60 = arith.constant 2 : i32
    %dma_wait3A_61 = arith.constant 0 : i32
    %dma_wait3A_62 = arith.constant 0 : i32
    %dma_wait3A_63 = tpu.memref_slice %arg5[%dma_wait3A_60, %dma_wait3A_61, %dma_wait3A_62] : memref<4x128x33xf32, #tpu.memory_space<vmem>> -> memref<1x128x32xf32, #tpu.memory_space<vmem>>
    %dma_wait3A_64 = tpu.memref_squeeze %dma_wait3A_63 : memref<1x128x32xf32, #tpu.memory_space<vmem>> -> memref<128x32xf32, #tpu.memory_space<vmem>>
    %dma_wait3A_65 = arith.constant 0 : i32
    %dma_wait3A_66 = arith.constant 0 : i32
    %dma_wait3A_67 = tpu.memref_slice %arg3[%dma_wait3A_65, %dma_wait3A_66] : memref<1000064x32xf32, #tpu.memory_space<hbm>> -> memref<128x32xf32, #tpu.memory_space<hbm>>
    %dma_wait3A_68 = arith.constant 0 : i32
    %dma_wait3A_69 = arith.constant 0 : i32
    %dma_wait3A_70 = tpu.memref_slice %arg3[%dma_wait3A_68, %dma_wait3A_69] : memref<1000064x32xf32, #tpu.memory_space<hbm>> -> memref<128x32xf32, #tpu.memory_space<hbm>>
    %dma_wait3A_71 = arith.constant 0 : i32
    %dma_wait3A_72 = arith.constant 0 : i32
    %dma_wait3A_73 = tpu.memref_slice %arg5[%dma_wait3A_60, %dma_wait3A_71, %dma_wait3A_72] : memref<4x128x33xf32, #tpu.memory_space<vmem>> -> memref<1x128x32xf32, #tpu.memory_space<vmem>>
    %dma_wait3A_74 = tpu.memref_squeeze %dma_wait3A_73 : memref<1x128x32xf32, #tpu.memory_space<vmem>> -> memref<128x32xf32, #tpu.memory_space<vmem>>
    tpu.wait_dma2 semaphore(%arg12 : memref<!tpu.dma_semaphore, #tpu.memory_space<semaphore_mem>>) src(%dma_wait3A_74 : memref<128x32xf32, #tpu.memory_space<vmem>>) dst(%dma_wait3A_70 : memref<128x32xf32, #tpu.memory_space<hbm>>)
    %dma_wait3A_75 = arith.constant 3 : i32
    %dma_wait3A_76 = arith.constant 0 : i32
    %dma_wait3A_77 = arith.constant 0 : i32
    %dma_wait3A_78 = tpu.memref_slice %arg5[%dma_wait3A_75, %dma_wait3A_76, %dma_wait3A_77] : memref<4x128x33xf32, #tpu.memory_space<vmem>> -> memref<1x128x32xf32, #tpu.memory_space<vmem>>
    %dma_wait3A_79 = tpu.memref_squeeze %dma_wait3A_78 : memref<1x128x32xf32, #tpu.memory_space<vmem>> -> memref<128x32xf32, #tpu.memory_space<vmem>>
    %dma_wait3A_80 = arith.constant 0 : i32
    %dma_wait3A_81 = arith.constant 0 : i32
    %dma_wait3A_82 = tpu.memref_slice %arg3[%dma_wait3A_80, %dma_wait3A_81] : memref<1000064x32xf32, #tpu.memory_space<hbm>> -> memref<128x32xf32, #tpu.memory_space<hbm>>
    %dma_wait3A_83 = arith.constant 0 : i32
    %dma_wait3A_84 = arith.constant 0 : i32
    %dma_wait3A_85 = tpu.memref_slice %arg3[%dma_wait3A_83, %dma_wait3A_84] : memref<1000064x32xf32, #tpu.memory_space<hbm>> -> memref<128x32xf32, #tpu.memory_space<hbm>>
    %dma_wait3A_86 = arith.constant 0 : i32
    %dma_wait3A_87 = arith.constant 0 : i32
    %dma_wait3A_88 = tpu.memref_slice %arg5[%dma_wait3A_75, %dma_wait3A_86, %dma_wait3A_87] : memref<4x128x33xf32, #tpu.memory_space<vmem>> -> memref<1x128x32xf32, #tpu.memory_space<vmem>>
    %dma_wait3A_89 = tpu.memref_squeeze %dma_wait3A_88 : memref<1x128x32xf32, #tpu.memory_space<vmem>> -> memref<128x32xf32, #tpu.memory_space<vmem>>
    tpu.wait_dma2 semaphore(%arg13 : memref<!tpu.dma_semaphore, #tpu.memory_space<semaphore_mem>>) src(%dma_wait3A_89 : memref<128x32xf32, #tpu.memory_space<vmem>>) dst(%dma_wait3A_85 : memref<128x32xf32, #tpu.memory_space<hbm>>)
    return
  }
}

#map = affine_map<(d0, d1) -> (0, 0, 0, 0)>
#map1 = affine_map<(d0, d1) -> (0, 0)>
#map2 = affine_map<(d0, d1) -> (0, 0, 0, 0, 0)>
module attributes {stable_mosaic.version = 14 : i64} {
  func.func @_emb_lookup(%arg0: i32, %arg1: i32, %arg2: memref<25x32x8x128xi32, #tpu.memory_space<hbm>>, %arg3: memref<1000064x32xf32, #tpu.memory_space<hbm>>, %arg4: memref<200x4x32x8x128xf32, #tpu.memory_space<hbm>>, %arg5: memref<4x128xi32, #tpu.memory_space<vmem>>, %arg6: memref<4x128x32xf32, #tpu.memory_space<vmem>>, %arg7: memref<4x4x8x129xf32, #tpu.memory_space<vmem>>, %arg8: memref<!tpu.dma_semaphore, #tpu.memory_space<semaphore_mem>>, %arg9: memref<!tpu.dma_semaphore, #tpu.memory_space<semaphore_mem>>, %arg10: memref<!tpu.dma_semaphore, #tpu.memory_space<semaphore_mem>>, %arg11: memref<!tpu.dma_semaphore, #tpu.memory_space<semaphore_mem>>, %arg12: memref<!tpu.dma_semaphore, #tpu.memory_space<semaphore_mem>>, %arg13: memref<!tpu.dma_semaphore, #tpu.memory_space<semaphore_mem>>, %arg14: memref<!tpu.dma_semaphore, #tpu.memory_space<semaphore_mem>>, %arg15: memref<!tpu.dma_semaphore, #tpu.memory_space<semaphore_mem>>, %arg16: memref<!tpu.dma_semaphore, #tpu.memory_space<semaphore_mem>>, %arg17: memref<!tpu.dma_semaphore, #tpu.memory_space<semaphore_mem>>, %arg18: memref<!tpu.dma_semaphore, #tpu.memory_space<semaphore_mem>>, %arg19: memref<!tpu.dma_semaphore, #tpu.memory_space<semaphore_mem>>) attributes {dimension_semantics = [#tpu.dimension_semantics<core_parallel>, #tpu.dimension_semantics<subcore_parallel>], iteration_bounds = array<i64: 2, 16>, scalar_prefetch = 0 : i64, scratch_operands = 15 : i64, tpu.core_type = #tpu.core_type<sc_vector_subcore>, window_params = [{transform_indices = #map}, {transform_indices = #map1}, {transform_indices = #map2}]} {
    %mul3A = arith.constant 2 : i32
    %mul3A_0 = arith.muli %arg1, %mul3A : i32
    %add3A = arith.addi %mul3A_0, %arg0 : i32
    %mul3A_1 = arith.constant 200 : i32
    %mul3A_2 = arith.muli %add3A, %mul3A_1 : i32
    %iota3A = tpu.iota {dimensions = array<i32: 0>} : vector<16xi32>
    %jit3A = arith.constant 8 : i32
    %div3A = vector.broadcast %jit3A : i32 to vector<16xi32>
    %div3A_3 = arith.divsi %iota3A, %div3A : vector<16xi32>
    %sign3A = arith.constant 0 : i32
    %sign3A_4 = vector.broadcast %sign3A : i32 to vector<16xi32>
    %sign3A_5 = arith.cmpi sgt, %iota3A, %sign3A_4 : vector<16xi32>
    %sign3A_6 = arith.extui %sign3A_5 : vector<16xi1> to vector<16xi32>
    %sign3A_7 = arith.constant 0 : i32
    %sign3A_8 = vector.broadcast %sign3A_7 : i32 to vector<16xi32>
    %sign3A_9 = arith.cmpi slt, %iota3A, %sign3A_8 : vector<16xi32>
    %sign3A_10 = arith.extui %sign3A_9 : vector<16xi1> to vector<16xi32>
    %sign3A_11 = arith.subi %sign3A_6, %sign3A_10 : vector<16xi32>
    %sign3A_12 = arith.constant 0 : i32
    %sign3A_13 = arith.cmpi sgt, %jit3A, %sign3A_12 : i32
    %sign3A_14 = arith.extui %sign3A_13 : i1 to i32
    %sign3A_15 = arith.constant 0 : i32
    %sign3A_16 = arith.cmpi slt, %jit3A, %sign3A_15 : i32
    %sign3A_17 = arith.extui %sign3A_16 : i1 to i32
    %sign3A_18 = arith.subi %sign3A_14, %sign3A_17 : i32
    %ne3A = vector.broadcast %sign3A_18 : i32 to vector<16xi32>
    %ne3A_19 = arith.cmpi ne, %sign3A_11, %ne3A : vector<16xi32>
    %rem3A = vector.broadcast %jit3A : i32 to vector<16xi32>
    %rem3A_20 = arith.remsi %iota3A, %rem3A : vector<16xi32>
    %ne3A_21 = arith.constant 0 : i32
    %ne3A_22 = vector.broadcast %ne3A_21 : i32 to vector<16xi32>
    %ne3A_23 = arith.cmpi ne, %rem3A_20, %ne3A_22 : vector<16xi32>
    %and3A = arith.andi %ne3A_19, %ne3A_23 : vector<16xi1>
    %sub3A = arith.constant 1 : i32
    %sub3A_24 = vector.broadcast %sub3A : i32 to vector<16xi32>
    %sub3A_25 = arith.subi %div3A_3, %sub3A_24 : vector<16xi32>
    %select_n3A = arith.select %and3A, %sub3A_25, %div3A_3 : vector<16xi1>, vector<16xi32>
    %jit3A_26 = arith.constant 8 : i32
    %eq3A = arith.constant 0 : i32
    %eq3A_27 = arith.cmpi eq, %jit3A_26, %eq3A : i32
    %jit3A_28 = arith.constant 1 : i32
    %select_n3A_29 = arith.select %eq3A_27, %jit3A_28, %jit3A_26 : i32
    %rem3A_30 = vector.broadcast %select_n3A_29 : i32 to vector<16xi32>
    %rem3A_31 = arith.remsi %iota3A, %rem3A_30 : vector<16xi32>
    %ne3A_32 = arith.constant 0 : i32
    %ne3A_33 = vector.broadcast %ne3A_32 : i32 to vector<16xi32>
    %ne3A_34 = arith.cmpi ne, %rem3A_31, %ne3A_33 : vector<16xi32>
    %lt3A = arith.constant 0 : i32
    %lt3A_35 = vector.broadcast %lt3A : i32 to vector<16xi32>
    %lt3A_36 = arith.cmpi slt, %rem3A_31, %lt3A_35 : vector<16xi32>
    %lt3A_37 = arith.constant 0 : i32
    %lt3A_38 = arith.cmpi slt, %select_n3A_29, %lt3A_37 : i32
    %ne3A_39 = vector.broadcast %lt3A_38 : i1 to vector<16xi1>
    %ne3A_40 = vector.broadcast %ne3A_39 : vector<16xi1> to vector<16xi1>
    %ne3A_41 = arith.xori %lt3A_36, %ne3A_40 : vector<16xi1>
    %and3A_42 = arith.andi %ne3A_41, %ne3A_34 : vector<16xi1>
    %add3A_43 = vector.broadcast %select_n3A_29 : i32 to vector<16xi32>
    %add3A_44 = arith.addi %rem3A_31, %add3A_43 : vector<16xi32>
    %select_n3A_45 = arith.select %and3A_42, %add3A_44, %rem3A_31 : vector<16xi1>, vector<16xi32>
    %add3A_46 = arith.constant 2 : i32
    %add3A_47 = vector.broadcast %add3A_46 : i32 to vector<16xi32>
    %add3A_48 = arith.addi %select_n3A, %add3A_47 : vector<16xi32>
    %add3A_49 = arith.constant 0 : i32
    %add3A_50 = arith.addi %mul3A_2, %add3A_49 : i32
    %jit3A_51 = arith.constant 32 : i32
    %div3A_52 = arith.divsi %add3A_50, %jit3A_51 : i32
    %sign3A_53 = arith.constant 0 : i32
    %sign3A_54 = arith.cmpi sgt, %add3A_50, %sign3A_53 : i32
    %sign3A_55 = arith.extui %sign3A_54 : i1 to i32
    %sign3A_56 = arith.constant 0 : i32
    %sign3A_57 = arith.cmpi slt, %add3A_50, %sign3A_56 : i32
    %sign3A_58 = arith.extui %sign3A_57 : i1 to i32
    %sign3A_59 = arith.subi %sign3A_55, %sign3A_58 : i32
    %sign3A_60 = arith.constant 0 : i32
    %sign3A_61 = arith.cmpi sgt, %jit3A_51, %sign3A_60 : i32
    %sign3A_62 = arith.extui %sign3A_61 : i1 to i32
    %sign3A_63 = arith.constant 0 : i32
    %sign3A_64 = arith.cmpi slt, %jit3A_51, %sign3A_63 : i32
    %sign3A_65 = arith.extui %sign3A_64 : i1 to i32
    %sign3A_66 = arith.subi %sign3A_62, %sign3A_65 : i32
    %ne3A_67 = arith.cmpi ne, %sign3A_59, %sign3A_66 : i32
    %rem3A_68 = arith.remsi %add3A_50, %jit3A_51 : i32
    %ne3A_69 = arith.constant 0 : i32
    %ne3A_70 = arith.cmpi ne, %rem3A_68, %ne3A_69 : i32
    %and3A_71 = arith.andi %ne3A_67, %ne3A_70 : i1
    %sub3A_72 = arith.constant 1 : i32
    %sub3A_73 = arith.subi %div3A_52, %sub3A_72 : i32
    %select_n3A_74 = arith.select %and3A_71, %sub3A_73, %div3A_52 : i32
    %jit3A_75 = arith.constant 32 : i32
    %eq3A_76 = arith.constant 0 : i32
    %eq3A_77 = arith.cmpi eq, %jit3A_75, %eq3A_76 : i32
    %jit3A_78 = arith.constant 1 : i32
    %select_n3A_79 = arith.select %eq3A_77, %jit3A_78, %jit3A_75 : i32
    %rem3A_80 = arith.remsi %add3A_50, %select_n3A_79 : i32
    %ne3A_81 = arith.constant 0 : i32
    %ne3A_82 = arith.cmpi ne, %rem3A_80, %ne3A_81 : i32
    %lt3A_83 = arith.constant 0 : i32
    %lt3A_84 = arith.cmpi slt, %rem3A_80, %lt3A_83 : i32
    %lt3A_85 = arith.constant 0 : i32
    %lt3A_86 = arith.cmpi slt, %select_n3A_79, %lt3A_85 : i32
    %ne3A_87 = arith.xori %lt3A_84, %lt3A_86 : i1
    %and3A_88 = arith.andi %ne3A_87, %ne3A_82 : i1
    %add3A_89 = arith.addi %rem3A_80, %select_n3A_79 : i32
    %select_n3A_90 = arith.select %and3A_88, %add3A_89, %rem3A_80 : i32
    %jit3A_91 = arith.constant 8 : i32
    %div3A_92 = arith.divsi %select_n3A_74, %jit3A_91 : i32
    %sign3A_93 = arith.constant 0 : i32
    %sign3A_94 = arith.cmpi sgt, %select_n3A_74, %sign3A_93 : i32
    %sign3A_95 = arith.extui %sign3A_94 : i1 to i32
    %sign3A_96 = arith.constant 0 : i32
    %sign3A_97 = arith.cmpi slt, %select_n3A_74, %sign3A_96 : i32
    %sign3A_98 = arith.extui %sign3A_97 : i1 to i32
    %sign3A_99 = arith.subi %sign3A_95, %sign3A_98 : i32
    %sign3A_100 = arith.constant 0 : i32
    %sign3A_101 = arith.cmpi sgt, %jit3A_91, %sign3A_100 : i32
    %sign3A_102 = arith.extui %sign3A_101 : i1 to i32
    %sign3A_103 = arith.constant 0 : i32
    %sign3A_104 = arith.cmpi slt, %jit3A_91, %sign3A_103 : i32
    %sign3A_105 = arith.extui %sign3A_104 : i1 to i32
    %sign3A_106 = arith.subi %sign3A_102, %sign3A_105 : i32
    %ne3A_107 = arith.cmpi ne, %sign3A_99, %sign3A_106 : i32
    %rem3A_108 = arith.remsi %select_n3A_74, %jit3A_91 : i32
    %ne3A_109 = arith.constant 0 : i32
    %ne3A_110 = arith.cmpi ne, %rem3A_108, %ne3A_109 : i32
    %and3A_111 = arith.andi %ne3A_107, %ne3A_110 : i1
    %sub3A_112 = arith.constant 1 : i32
    %sub3A_113 = arith.subi %div3A_92, %sub3A_112 : i32
    %select_n3A_114 = arith.select %and3A_111, %sub3A_113, %div3A_92 : i32
    %jit3A_115 = arith.constant 8 : i32
    %eq3A_116 = arith.constant 0 : i32
    %eq3A_117 = arith.cmpi eq, %jit3A_115, %eq3A_116 : i32
    %jit3A_118 = arith.constant 1 : i32
    %select_n3A_119 = arith.select %eq3A_117, %jit3A_118, %jit3A_115 : i32
    %rem3A_120 = arith.remsi %select_n3A_74, %select_n3A_119 : i32
    %ne3A_121 = arith.constant 0 : i32
    %ne3A_122 = arith.cmpi ne, %rem3A_120, %ne3A_121 : i32
    %lt3A_123 = arith.constant 0 : i32
    %lt3A_124 = arith.cmpi slt, %rem3A_120, %lt3A_123 : i32
    %lt3A_125 = arith.constant 0 : i32
    %lt3A_126 = arith.cmpi slt, %select_n3A_119, %lt3A_125 : i32
    %ne3A_127 = arith.xori %lt3A_124, %lt3A_126 : i1
    %and3A_128 = arith.andi %ne3A_127, %ne3A_122 : i1
    %add3A_129 = arith.addi %rem3A_120, %select_n3A_119 : i32
    %select_n3A_130 = arith.select %and3A_128, %add3A_129, %rem3A_120 : i32
    %dma_start3A = arith.constant 0 : i32
    %dma_start3A_131 = arith.constant 0 : i32
    %dma_start3A_132 = tpu.memref_slice %arg5[%dma_start3A, %dma_start3A_131] : memref<4x128xi32, #tpu.memory_space<vmem>> -> memref<1x128xi32, #tpu.memory_space<vmem>>
    %dma_start3A_133 = tpu.memref_squeeze %dma_start3A_132 : memref<1x128xi32, #tpu.memory_space<vmem>> -> memref<128xi32, #tpu.memory_space<vmem>>
    %dma_start3A_134 = arith.constant 0 : i32
    %dma_start3A_135 = tpu.memref_slice %arg2[%select_n3A_114, %select_n3A_90, %select_n3A_130, %dma_start3A_134] : memref<25x32x8x128xi32, #tpu.memory_space<hbm>> -> memref<1x1x1x128xi32, #tpu.memory_space<hbm>>
    %dma_start3A_136 = tpu.memref_squeeze %dma_start3A_135 : memref<1x1x1x128xi32, #tpu.memory_space<hbm>> -> memref<128xi32, #tpu.memory_space<hbm>>
    %dma_start3A_137 = arith.constant 0 : i32
    %dma_start3A_138 = tpu.memref_slice %arg5[%dma_start3A, %dma_start3A_137] : memref<4x128xi32, #tpu.memory_space<vmem>> -> memref<1x128xi32, #tpu.memory_space<vmem>>
    %dma_start3A_139 = tpu.memref_squeeze %dma_start3A_138 : memref<1x128xi32, #tpu.memory_space<vmem>> -> memref<128xi32, #tpu.memory_space<vmem>>
    %dma_start3A_140 = arith.constant 0 : i32
    %dma_start3A_141 = tpu.memref_slice %arg2[%select_n3A_114, %select_n3A_90, %select_n3A_130, %dma_start3A_140] : memref<25x32x8x128xi32, #tpu.memory_space<hbm>> -> memref<1x1x1x128xi32, #tpu.memory_space<hbm>>
    %dma_start3A_142 = tpu.memref_squeeze %dma_start3A_141 : memref<1x1x1x128xi32, #tpu.memory_space<hbm>> -> memref<128xi32, #tpu.memory_space<hbm>>
    tpu.enqueue_dma source(%dma_start3A_142 : memref<128xi32, #tpu.memory_space<hbm>>) target(%dma_start3A_139 : memref<128xi32, #tpu.memory_space<vmem>>) target_semaphore(%arg8 : memref<!tpu.dma_semaphore, #tpu.memory_space<semaphore_mem>>)
    %add3A_143 = arith.constant 1 : i32
    %add3A_144 = arith.addi %mul3A_2, %add3A_143 : i32
    %jit3A_145 = arith.constant 32 : i32
    %div3A_146 = arith.divsi %add3A_144, %jit3A_145 : i32
    %sign3A_147 = arith.constant 0 : i32
    %sign3A_148 = arith.cmpi sgt, %add3A_144, %sign3A_147 : i32
    %sign3A_149 = arith.extui %sign3A_148 : i1 to i32
    %sign3A_150 = arith.constant 0 : i32
    %sign3A_151 = arith.cmpi slt, %add3A_144, %sign3A_150 : i32
    %sign3A_152 = arith.extui %sign3A_151 : i1 to i32
    %sign3A_153 = arith.subi %sign3A_149, %sign3A_152 : i32
    %sign3A_154 = arith.constant 0 : i32
    %sign3A_155 = arith.cmpi sgt, %jit3A_145, %sign3A_154 : i32
    %sign3A_156 = arith.extui %sign3A_155 : i1 to i32
    %sign3A_157 = arith.constant 0 : i32
    %sign3A_158 = arith.cmpi slt, %jit3A_145, %sign3A_157 : i32
    %sign3A_159 = arith.extui %sign3A_158 : i1 to i32
    %sign3A_160 = arith.subi %sign3A_156, %sign3A_159 : i32
    %ne3A_161 = arith.cmpi ne, %sign3A_153, %sign3A_160 : i32
    %rem3A_162 = arith.remsi %add3A_144, %jit3A_145 : i32
    %ne3A_163 = arith.constant 0 : i32
    %ne3A_164 = arith.cmpi ne, %rem3A_162, %ne3A_163 : i32
    %and3A_165 = arith.andi %ne3A_161, %ne3A_164 : i1
    %sub3A_166 = arith.constant 1 : i32
    %sub3A_167 = arith.subi %div3A_146, %sub3A_166 : i32
    %select_n3A_168 = arith.select %and3A_165, %sub3A_167, %div3A_146 : i32
    %jit3A_169 = arith.constant 32 : i32
    %eq3A_170 = arith.constant 0 : i32
    %eq3A_171 = arith.cmpi eq, %jit3A_169, %eq3A_170 : i32
    %jit3A_172 = arith.constant 1 : i32
    %select_n3A_173 = arith.select %eq3A_171, %jit3A_172, %jit3A_169 : i32
    %rem3A_174 = arith.remsi %add3A_144, %select_n3A_173 : i32
    %ne3A_175 = arith.constant 0 : i32
    %ne3A_176 = arith.cmpi ne, %rem3A_174, %ne3A_175 : i32
    %lt3A_177 = arith.constant 0 : i32
    %lt3A_178 = arith.cmpi slt, %rem3A_174, %lt3A_177 : i32
    %lt3A_179 = arith.constant 0 : i32
    %lt3A_180 = arith.cmpi slt, %select_n3A_173, %lt3A_179 : i32
    %ne3A_181 = arith.xori %lt3A_178, %lt3A_180 : i1
    %and3A_182 = arith.andi %ne3A_181, %ne3A_176 : i1
    %add3A_183 = arith.addi %rem3A_174, %select_n3A_173 : i32
    %select_n3A_184 = arith.select %and3A_182, %add3A_183, %rem3A_174 : i32
    %jit3A_185 = arith.constant 8 : i32
    %div3A_186 = arith.divsi %select_n3A_168, %jit3A_185 : i32
    %sign3A_187 = arith.constant 0 : i32
    %sign3A_188 = arith.cmpi sgt, %select_n3A_168, %sign3A_187 : i32
    %sign3A_189 = arith.extui %sign3A_188 : i1 to i32
    %sign3A_190 = arith.constant 0 : i32
    %sign3A_191 = arith.cmpi slt, %select_n3A_168, %sign3A_190 : i32
    %sign3A_192 = arith.extui %sign3A_191 : i1 to i32
    %sign3A_193 = arith.subi %sign3A_189, %sign3A_192 : i32
    %sign3A_194 = arith.constant 0 : i32
    %sign3A_195 = arith.cmpi sgt, %jit3A_185, %sign3A_194 : i32
    %sign3A_196 = arith.extui %sign3A_195 : i1 to i32
    %sign3A_197 = arith.constant 0 : i32
    %sign3A_198 = arith.cmpi slt, %jit3A_185, %sign3A_197 : i32
    %sign3A_199 = arith.extui %sign3A_198 : i1 to i32
    %sign3A_200 = arith.subi %sign3A_196, %sign3A_199 : i32
    %ne3A_201 = arith.cmpi ne, %sign3A_193, %sign3A_200 : i32
    %rem3A_202 = arith.remsi %select_n3A_168, %jit3A_185 : i32
    %ne3A_203 = arith.constant 0 : i32
    %ne3A_204 = arith.cmpi ne, %rem3A_202, %ne3A_203 : i32
    %and3A_205 = arith.andi %ne3A_201, %ne3A_204 : i1
    %sub3A_206 = arith.constant 1 : i32
    %sub3A_207 = arith.subi %div3A_186, %sub3A_206 : i32
    %select_n3A_208 = arith.select %and3A_205, %sub3A_207, %div3A_186 : i32
    %jit3A_209 = arith.constant 8 : i32
    %eq3A_210 = arith.constant 0 : i32
    %eq3A_211 = arith.cmpi eq, %jit3A_209, %eq3A_210 : i32
    %jit3A_212 = arith.constant 1 : i32
    %select_n3A_213 = arith.select %eq3A_211, %jit3A_212, %jit3A_209 : i32
    %rem3A_214 = arith.remsi %select_n3A_168, %select_n3A_213 : i32
    %ne3A_215 = arith.constant 0 : i32
    %ne3A_216 = arith.cmpi ne, %rem3A_214, %ne3A_215 : i32
    %lt3A_217 = arith.constant 0 : i32
    %lt3A_218 = arith.cmpi slt, %rem3A_214, %lt3A_217 : i32
    %lt3A_219 = arith.constant 0 : i32
    %lt3A_220 = arith.cmpi slt, %select_n3A_213, %lt3A_219 : i32
    %ne3A_221 = arith.xori %lt3A_218, %lt3A_220 : i1
    %and3A_222 = arith.andi %ne3A_221, %ne3A_216 : i1
    %add3A_223 = arith.addi %rem3A_214, %select_n3A_213 : i32
    %select_n3A_224 = arith.select %and3A_222, %add3A_223, %rem3A_214 : i32
    %dma_start3A_225 = arith.constant 1 : i32
    %dma_start3A_226 = arith.constant 0 : i32
    %dma_start3A_227 = tpu.memref_slice %arg5[%dma_start3A_225, %dma_start3A_226] : memref<4x128xi32, #tpu.memory_space<vmem>> -> memref<1x128xi32, #tpu.memory_space<vmem>>
    %dma_start3A_228 = tpu.memref_squeeze %dma_start3A_227 : memref<1x128xi32, #tpu.memory_space<vmem>> -> memref<128xi32, #tpu.memory_space<vmem>>
    %dma_start3A_229 = arith.constant 0 : i32
    %dma_start3A_230 = tpu.memref_slice %arg2[%select_n3A_208, %select_n3A_184, %select_n3A_224, %dma_start3A_229] : memref<25x32x8x128xi32, #tpu.memory_space<hbm>> -> memref<1x1x1x128xi32, #tpu.memory_space<hbm>>
    %dma_start3A_231 = tpu.memref_squeeze %dma_start3A_230 : memref<1x1x1x128xi32, #tpu.memory_space<hbm>> -> memref<128xi32, #tpu.memory_space<hbm>>
    %dma_start3A_232 = arith.constant 0 : i32
    %dma_start3A_233 = tpu.memref_slice %arg5[%dma_start3A_225, %dma_start3A_232] : memref<4x128xi32, #tpu.memory_space<vmem>> -> memref<1x128xi32, #tpu.memory_space<vmem>>
    %dma_start3A_234 = tpu.memref_squeeze %dma_start3A_233 : memref<1x128xi32, #tpu.memory_space<vmem>> -> memref<128xi32, #tpu.memory_space<vmem>>
    %dma_start3A_235 = arith.constant 0 : i32
    %dma_start3A_236 = tpu.memref_slice %arg2[%select_n3A_208, %select_n3A_184, %select_n3A_224, %dma_start3A_235] : memref<25x32x8x128xi32, #tpu.memory_space<hbm>> -> memref<1x1x1x128xi32, #tpu.memory_space<hbm>>
    %dma_start3A_237 = tpu.memref_squeeze %dma_start3A_236 : memref<1x1x1x128xi32, #tpu.memory_space<hbm>> -> memref<128xi32, #tpu.memory_space<hbm>>
    tpu.enqueue_dma source(%dma_start3A_237 : memref<128xi32, #tpu.memory_space<hbm>>) target(%dma_start3A_234 : memref<128xi32, #tpu.memory_space<vmem>>) target_semaphore(%arg9 : memref<!tpu.dma_semaphore, #tpu.memory_space<semaphore_mem>>)
    %add3A_238 = arith.constant 2 : i32
    %add3A_239 = arith.addi %mul3A_2, %add3A_238 : i32
    %jit3A_240 = arith.constant 32 : i32
    %div3A_241 = arith.divsi %add3A_239, %jit3A_240 : i32
    %sign3A_242 = arith.constant 0 : i32
    %sign3A_243 = arith.cmpi sgt, %add3A_239, %sign3A_242 : i32
    %sign3A_244 = arith.extui %sign3A_243 : i1 to i32
    %sign3A_245 = arith.constant 0 : i32
    %sign3A_246 = arith.cmpi slt, %add3A_239, %sign3A_245 : i32
    %sign3A_247 = arith.extui %sign3A_246 : i1 to i32
    %sign3A_248 = arith.subi %sign3A_244, %sign3A_247 : i32
    %sign3A_249 = arith.constant 0 : i32
    %sign3A_250 = arith.cmpi sgt, %jit3A_240, %sign3A_249 : i32
    %sign3A_251 = arith.extui %sign3A_250 : i1 to i32
    %sign3A_252 = arith.constant 0 : i32
    %sign3A_253 = arith.cmpi slt, %jit3A_240, %sign3A_252 : i32
    %sign3A_254 = arith.extui %sign3A_253 : i1 to i32
    %sign3A_255 = arith.subi %sign3A_251, %sign3A_254 : i32
    %ne3A_256 = arith.cmpi ne, %sign3A_248, %sign3A_255 : i32
    %rem3A_257 = arith.remsi %add3A_239, %jit3A_240 : i32
    %ne3A_258 = arith.constant 0 : i32
    %ne3A_259 = arith.cmpi ne, %rem3A_257, %ne3A_258 : i32
    %and3A_260 = arith.andi %ne3A_256, %ne3A_259 : i1
    %sub3A_261 = arith.constant 1 : i32
    %sub3A_262 = arith.subi %div3A_241, %sub3A_261 : i32
    %select_n3A_263 = arith.select %and3A_260, %sub3A_262, %div3A_241 : i32
    %jit3A_264 = arith.constant 32 : i32
    %eq3A_265 = arith.constant 0 : i32
    %eq3A_266 = arith.cmpi eq, %jit3A_264, %eq3A_265 : i32
    %jit3A_267 = arith.constant 1 : i32
    %select_n3A_268 = arith.select %eq3A_266, %jit3A_267, %jit3A_264 : i32
    %rem3A_269 = arith.remsi %add3A_239, %select_n3A_268 : i32
    %ne3A_270 = arith.constant 0 : i32
    %ne3A_271 = arith.cmpi ne, %rem3A_269, %ne3A_270 : i32
    %lt3A_272 = arith.constant 0 : i32
    %lt3A_273 = arith.cmpi slt, %rem3A_269, %lt3A_272 : i32
    %lt3A_274 = arith.constant 0 : i32
    %lt3A_275 = arith.cmpi slt, %select_n3A_268, %lt3A_274 : i32
    %ne3A_276 = arith.xori %lt3A_273, %lt3A_275 : i1
    %and3A_277 = arith.andi %ne3A_276, %ne3A_271 : i1
    %add3A_278 = arith.addi %rem3A_269, %select_n3A_268 : i32
    %select_n3A_279 = arith.select %and3A_277, %add3A_278, %rem3A_269 : i32
    %jit3A_280 = arith.constant 8 : i32
    %div3A_281 = arith.divsi %select_n3A_263, %jit3A_280 : i32
    %sign3A_282 = arith.constant 0 : i32
    %sign3A_283 = arith.cmpi sgt, %select_n3A_263, %sign3A_282 : i32
    %sign3A_284 = arith.extui %sign3A_283 : i1 to i32
    %sign3A_285 = arith.constant 0 : i32
    %sign3A_286 = arith.cmpi slt, %select_n3A_263, %sign3A_285 : i32
    %sign3A_287 = arith.extui %sign3A_286 : i1 to i32
    %sign3A_288 = arith.subi %sign3A_284, %sign3A_287 : i32
    %sign3A_289 = arith.constant 0 : i32
    %sign3A_290 = arith.cmpi sgt, %jit3A_280, %sign3A_289 : i32
    %sign3A_291 = arith.extui %sign3A_290 : i1 to i32
    %sign3A_292 = arith.constant 0 : i32
    %sign3A_293 = arith.cmpi slt, %jit3A_280, %sign3A_292 : i32
    %sign3A_294 = arith.extui %sign3A_293 : i1 to i32
    %sign3A_295 = arith.subi %sign3A_291, %sign3A_294 : i32
    %ne3A_296 = arith.cmpi ne, %sign3A_288, %sign3A_295 : i32
    %rem3A_297 = arith.remsi %select_n3A_263, %jit3A_280 : i32
    %ne3A_298 = arith.constant 0 : i32
    %ne3A_299 = arith.cmpi ne, %rem3A_297, %ne3A_298 : i32
    %and3A_300 = arith.andi %ne3A_296, %ne3A_299 : i1
    %sub3A_301 = arith.constant 1 : i32
    %sub3A_302 = arith.subi %div3A_281, %sub3A_301 : i32
    %select_n3A_303 = arith.select %and3A_300, %sub3A_302, %div3A_281 : i32
    %jit3A_304 = arith.constant 8 : i32
    %eq3A_305 = arith.constant 0 : i32
    %eq3A_306 = arith.cmpi eq, %jit3A_304, %eq3A_305 : i32
    %jit3A_307 = arith.constant 1 : i32
    %select_n3A_308 = arith.select %eq3A_306, %jit3A_307, %jit3A_304 : i32
    %rem3A_309 = arith.remsi %select_n3A_263, %select_n3A_308 : i32
    %ne3A_310 = arith.constant 0 : i32
    %ne3A_311 = arith.cmpi ne, %rem3A_309, %ne3A_310 : i32
    %lt3A_312 = arith.constant 0 : i32
    %lt3A_313 = arith.cmpi slt, %rem3A_309, %lt3A_312 : i32
    %lt3A_314 = arith.constant 0 : i32
    %lt3A_315 = arith.cmpi slt, %select_n3A_308, %lt3A_314 : i32
    %ne3A_316 = arith.xori %lt3A_313, %lt3A_315 : i1
    %and3A_317 = arith.andi %ne3A_316, %ne3A_311 : i1
    %add3A_318 = arith.addi %rem3A_309, %select_n3A_308 : i32
    %select_n3A_319 = arith.select %and3A_317, %add3A_318, %rem3A_309 : i32
    %dma_start3A_320 = arith.constant 2 : i32
    %dma_start3A_321 = arith.constant 0 : i32
    %dma_start3A_322 = tpu.memref_slice %arg5[%dma_start3A_320, %dma_start3A_321] : memref<4x128xi32, #tpu.memory_space<vmem>> -> memref<1x128xi32, #tpu.memory_space<vmem>>
    %dma_start3A_323 = tpu.memref_squeeze %dma_start3A_322 : memref<1x128xi32, #tpu.memory_space<vmem>> -> memref<128xi32, #tpu.memory_space<vmem>>
    %dma_start3A_324 = arith.constant 0 : i32
    %dma_start3A_325 = tpu.memref_slice %arg2[%select_n3A_303, %select_n3A_279, %select_n3A_319, %dma_start3A_324] : memref<25x32x8x128xi32, #tpu.memory_space<hbm>> -> memref<1x1x1x128xi32, #tpu.memory_space<hbm>>
    %dma_start3A_326 = tpu.memref_squeeze %dma_start3A_325 : memref<1x1x1x128xi32, #tpu.memory_space<hbm>> -> memref<128xi32, #tpu.memory_space<hbm>>
    %dma_start3A_327 = arith.constant 0 : i32
    %dma_start3A_328 = tpu.memref_slice %arg5[%dma_start3A_320, %dma_start3A_327] : memref<4x128xi32, #tpu.memory_space<vmem>> -> memref<1x128xi32, #tpu.memory_space<vmem>>
    %dma_start3A_329 = tpu.memref_squeeze %dma_start3A_328 : memref<1x128xi32, #tpu.memory_space<vmem>> -> memref<128xi32, #tpu.memory_space<vmem>>
    %dma_start3A_330 = arith.constant 0 : i32
    %dma_start3A_331 = tpu.memref_slice %arg2[%select_n3A_303, %select_n3A_279, %select_n3A_319, %dma_start3A_330] : memref<25x32x8x128xi32, #tpu.memory_space<hbm>> -> memref<1x1x1x128xi32, #tpu.memory_space<hbm>>
    %dma_start3A_332 = tpu.memref_squeeze %dma_start3A_331 : memref<1x1x1x128xi32, #tpu.memory_space<hbm>> -> memref<128xi32, #tpu.memory_space<hbm>>
    tpu.enqueue_dma source(%dma_start3A_332 : memref<128xi32, #tpu.memory_space<hbm>>) target(%dma_start3A_329 : memref<128xi32, #tpu.memory_space<vmem>>) target_semaphore(%arg10 : memref<!tpu.dma_semaphore, #tpu.memory_space<semaphore_mem>>)
    %add3A_333 = arith.constant 3 : i32
    %add3A_334 = arith.addi %mul3A_2, %add3A_333 : i32
    %jit3A_335 = arith.constant 32 : i32
    %div3A_336 = arith.divsi %add3A_334, %jit3A_335 : i32
    %sign3A_337 = arith.constant 0 : i32
    %sign3A_338 = arith.cmpi sgt, %add3A_334, %sign3A_337 : i32
    %sign3A_339 = arith.extui %sign3A_338 : i1 to i32
    %sign3A_340 = arith.constant 0 : i32
    %sign3A_341 = arith.cmpi slt, %add3A_334, %sign3A_340 : i32
    %sign3A_342 = arith.extui %sign3A_341 : i1 to i32
    %sign3A_343 = arith.subi %sign3A_339, %sign3A_342 : i32
    %sign3A_344 = arith.constant 0 : i32
    %sign3A_345 = arith.cmpi sgt, %jit3A_335, %sign3A_344 : i32
    %sign3A_346 = arith.extui %sign3A_345 : i1 to i32
    %sign3A_347 = arith.constant 0 : i32
    %sign3A_348 = arith.cmpi slt, %jit3A_335, %sign3A_347 : i32
    %sign3A_349 = arith.extui %sign3A_348 : i1 to i32
    %sign3A_350 = arith.subi %sign3A_346, %sign3A_349 : i32
    %ne3A_351 = arith.cmpi ne, %sign3A_343, %sign3A_350 : i32
    %rem3A_352 = arith.remsi %add3A_334, %jit3A_335 : i32
    %ne3A_353 = arith.constant 0 : i32
    %ne3A_354 = arith.cmpi ne, %rem3A_352, %ne3A_353 : i32
    %and3A_355 = arith.andi %ne3A_351, %ne3A_354 : i1
    %sub3A_356 = arith.constant 1 : i32
    %sub3A_357 = arith.subi %div3A_336, %sub3A_356 : i32
    %select_n3A_358 = arith.select %and3A_355, %sub3A_357, %div3A_336 : i32
    %jit3A_359 = arith.constant 32 : i32
    %eq3A_360 = arith.constant 0 : i32
    %eq3A_361 = arith.cmpi eq, %jit3A_359, %eq3A_360 : i32
    %jit3A_362 = arith.constant 1 : i32
    %select_n3A_363 = arith.select %eq3A_361, %jit3A_362, %jit3A_359 : i32
    %rem3A_364 = arith.remsi %add3A_334, %select_n3A_363 : i32
    %ne3A_365 = arith.constant 0 : i32
    %ne3A_366 = arith.cmpi ne, %rem3A_364, %ne3A_365 : i32
    %lt3A_367 = arith.constant 0 : i32
    %lt3A_368 = arith.cmpi slt, %rem3A_364, %lt3A_367 : i32
    %lt3A_369 = arith.constant 0 : i32
    %lt3A_370 = arith.cmpi slt, %select_n3A_363, %lt3A_369 : i32
    %ne3A_371 = arith.xori %lt3A_368, %lt3A_370 : i1
    %and3A_372 = arith.andi %ne3A_371, %ne3A_366 : i1
    %add3A_373 = arith.addi %rem3A_364, %select_n3A_363 : i32
    %select_n3A_374 = arith.select %and3A_372, %add3A_373, %rem3A_364 : i32
    %jit3A_375 = arith.constant 8 : i32
    %div3A_376 = arith.divsi %select_n3A_358, %jit3A_375 : i32
    %sign3A_377 = arith.constant 0 : i32
    %sign3A_378 = arith.cmpi sgt, %select_n3A_358, %sign3A_377 : i32
    %sign3A_379 = arith.extui %sign3A_378 : i1 to i32
    %sign3A_380 = arith.constant 0 : i32
    %sign3A_381 = arith.cmpi slt, %select_n3A_358, %sign3A_380 : i32
    %sign3A_382 = arith.extui %sign3A_381 : i1 to i32
    %sign3A_383 = arith.subi %sign3A_379, %sign3A_382 : i32
    %sign3A_384 = arith.constant 0 : i32
    %sign3A_385 = arith.cmpi sgt, %jit3A_375, %sign3A_384 : i32
    %sign3A_386 = arith.extui %sign3A_385 : i1 to i32
    %sign3A_387 = arith.constant 0 : i32
    %sign3A_388 = arith.cmpi slt, %jit3A_375, %sign3A_387 : i32
    %sign3A_389 = arith.extui %sign3A_388 : i1 to i32
    %sign3A_390 = arith.subi %sign3A_386, %sign3A_389 : i32
    %ne3A_391 = arith.cmpi ne, %sign3A_383, %sign3A_390 : i32
    %rem3A_392 = arith.remsi %select_n3A_358, %jit3A_375 : i32
    %ne3A_393 = arith.constant 0 : i32
    %ne3A_394 = arith.cmpi ne, %rem3A_392, %ne3A_393 : i32
    %and3A_395 = arith.andi %ne3A_391, %ne3A_394 : i1
    %sub3A_396 = arith.constant 1 : i32
    %sub3A_397 = arith.subi %div3A_376, %sub3A_396 : i32
    %select_n3A_398 = arith.select %and3A_395, %sub3A_397, %div3A_376 : i32
    %jit3A_399 = arith.constant 8 : i32
    %eq3A_400 = arith.constant 0 : i32
    %eq3A_401 = arith.cmpi eq, %jit3A_399, %eq3A_400 : i32
    %jit3A_402 = arith.constant 1 : i32
    %select_n3A_403 = arith.select %eq3A_401, %jit3A_402, %jit3A_399 : i32
    %rem3A_404 = arith.remsi %select_n3A_358, %select_n3A_403 : i32
    %ne3A_405 = arith.constant 0 : i32
    %ne3A_406 = arith.cmpi ne, %rem3A_404, %ne3A_405 : i32
    %lt3A_407 = arith.constant 0 : i32
    %lt3A_408 = arith.cmpi slt, %rem3A_404, %lt3A_407 : i32
    %lt3A_409 = arith.constant 0 : i32
    %lt3A_410 = arith.cmpi slt, %select_n3A_403, %lt3A_409 : i32
    %ne3A_411 = arith.xori %lt3A_408, %lt3A_410 : i1
    %and3A_412 = arith.andi %ne3A_411, %ne3A_406 : i1
    %add3A_413 = arith.addi %rem3A_404, %select_n3A_403 : i32
    %select_n3A_414 = arith.select %and3A_412, %add3A_413, %rem3A_404 : i32
    %dma_start3A_415 = arith.constant 3 : i32
    %dma_start3A_416 = arith.constant 0 : i32
    %dma_start3A_417 = tpu.memref_slice %arg5[%dma_start3A_415, %dma_start3A_416] : memref<4x128xi32, #tpu.memory_space<vmem>> -> memref<1x128xi32, #tpu.memory_space<vmem>>
    %dma_start3A_418 = tpu.memref_squeeze %dma_start3A_417 : memref<1x128xi32, #tpu.memory_space<vmem>> -> memref<128xi32, #tpu.memory_space<vmem>>
    %dma_start3A_419 = arith.constant 0 : i32
    %dma_start3A_420 = tpu.memref_slice %arg2[%select_n3A_398, %select_n3A_374, %select_n3A_414, %dma_start3A_419] : memref<25x32x8x128xi32, #tpu.memory_space<hbm>> -> memref<1x1x1x128xi32, #tpu.memory_space<hbm>>
    %dma_start3A_421 = tpu.memref_squeeze %dma_start3A_420 : memref<1x1x1x128xi32, #tpu.memory_space<hbm>> -> memref<128xi32, #tpu.memory_space<hbm>>
    %dma_start3A_422 = arith.constant 0 : i32
    %dma_start3A_423 = tpu.memref_slice %arg5[%dma_start3A_415, %dma_start3A_422] : memref<4x128xi32, #tpu.memory_space<vmem>> -> memref<1x128xi32, #tpu.memory_space<vmem>>
    %dma_start3A_424 = tpu.memref_squeeze %dma_start3A_423 : memref<1x128xi32, #tpu.memory_space<vmem>> -> memref<128xi32, #tpu.memory_space<vmem>>
    %dma_start3A_425 = arith.constant 0 : i32
    %dma_start3A_426 = tpu.memref_slice %arg2[%select_n3A_398, %select_n3A_374, %select_n3A_414, %dma_start3A_425] : memref<25x32x8x128xi32, #tpu.memory_space<hbm>> -> memref<1x1x1x128xi32, #tpu.memory_space<hbm>>
    %dma_start3A_427 = tpu.memref_squeeze %dma_start3A_426 : memref<1x1x1x128xi32, #tpu.memory_space<hbm>> -> memref<128xi32, #tpu.memory_space<hbm>>
    tpu.enqueue_dma source(%dma_start3A_427 : memref<128xi32, #tpu.memory_space<hbm>>) target(%dma_start3A_424 : memref<128xi32, #tpu.memory_space<vmem>>) target_semaphore(%arg11 : memref<!tpu.dma_semaphore, #tpu.memory_space<semaphore_mem>>)
    %dma_wait3A = arith.constant 0 : i32
    %dma_wait3A_428 = arith.constant 0 : i32
    %dma_wait3A_429 = arith.constant 0 : i32
    %dma_wait3A_430 = arith.constant 0 : i32
    %dma_wait3A_431 = arith.constant 0 : i32
    %dma_wait3A_432 = tpu.memref_slice %arg5[%dma_wait3A_430, %dma_wait3A_431] : memref<4x128xi32, #tpu.memory_space<vmem>> -> memref<1x128xi32, #tpu.memory_space<vmem>>
    %dma_wait3A_433 = tpu.memref_squeeze %dma_wait3A_432 : memref<1x128xi32, #tpu.memory_space<vmem>> -> memref<128xi32, #tpu.memory_space<vmem>>
    %dma_wait3A_434 = arith.constant 0 : i32
    %dma_wait3A_435 = tpu.memref_slice %arg2[%dma_wait3A, %dma_wait3A_428, %dma_wait3A_429, %dma_wait3A_434] : memref<25x32x8x128xi32, #tpu.memory_space<hbm>> -> memref<1x1x1x128xi32, #tpu.memory_space<hbm>>
    %dma_wait3A_436 = tpu.memref_squeeze %dma_wait3A_435 : memref<1x1x1x128xi32, #tpu.memory_space<hbm>> -> memref<128xi32, #tpu.memory_space<hbm>>
    %dma_wait3A_437 = arith.constant 0 : i32
    %dma_wait3A_438 = tpu.memref_slice %arg5[%dma_wait3A_430, %dma_wait3A_437] : memref<4x128xi32, #tpu.memory_space<vmem>> -> memref<1x128xi32, #tpu.memory_space<vmem>>
    %dma_wait3A_439 = tpu.memref_squeeze %dma_wait3A_438 : memref<1x128xi32, #tpu.memory_space<vmem>> -> memref<128xi32, #tpu.memory_space<vmem>>
    %dma_wait3A_440 = arith.constant 0 : i32
    %dma_wait3A_441 = tpu.memref_slice %arg2[%dma_wait3A, %dma_wait3A_428, %dma_wait3A_429, %dma_wait3A_440] : memref<25x32x8x128xi32, #tpu.memory_space<hbm>> -> memref<1x1x1x128xi32, #tpu.memory_space<hbm>>
    %dma_wait3A_442 = tpu.memref_squeeze %dma_wait3A_441 : memref<1x1x1x128xi32, #tpu.memory_space<hbm>> -> memref<128xi32, #tpu.memory_space<hbm>>
    tpu.wait_dma2 semaphore(%arg8 : memref<!tpu.dma_semaphore, #tpu.memory_space<semaphore_mem>>) src(%dma_wait3A_442 : memref<128xi32, #tpu.memory_space<hbm>>) dst(%dma_wait3A_439 : memref<128xi32, #tpu.memory_space<vmem>>)
    %dma_start3A_443 = arith.constant 0 : i32
    %dma_start3A_444 = arith.constant 0 : i32
    %dma_start3A_445 = arith.constant 0 : i32
    %dma_start3A_446 = arith.constant 0 : i32
    %dma_start3A_447 = tpu.memref_slice %arg6[%dma_start3A_444, %dma_start3A_445, %dma_start3A_446] : memref<4x128x32xf32, #tpu.memory_space<vmem>> -> memref<1x128x32xf32, #tpu.memory_space<vmem>>
    %dma_start3A_448 = tpu.memref_squeeze %dma_start3A_447 : memref<1x128x32xf32, #tpu.memory_space<vmem>> -> memref<128x32xf32, #tpu.memory_space<vmem>>
    %dma_start3A_449 = arith.constant 0 : i32
    %dma_start3A_450 = tpu.memref_slice %arg5[%dma_start3A_443, %dma_start3A_449] : memref<4x128xi32, #tpu.memory_space<vmem>> -> memref<1x128xi32, #tpu.memory_space<vmem>>
    %dma_start3A_451 = tpu.memref_squeeze %dma_start3A_450 : memref<1x128xi32, #tpu.memory_space<vmem>> -> memref<128xi32, #tpu.memory_space<vmem>>
    %dma_start3A_452 = arith.constant 0 : i32
    %dma_start3A_453 = arith.constant 0 : i32
    %dma_start3A_454 = tpu.memref_slice %arg3[%dma_start3A_452, %dma_start3A_453] : memref<1000064x32xf32, #tpu.memory_space<hbm>> -> memref<1000064x32xf32, #tpu.memory_space<hbm>>
    tpu.enqueue_indirect_dma source(%dma_start3A_454 : memref<1000064x32xf32, #tpu.memory_space<hbm>>) target(%dma_start3A_448 : memref<128x32xf32, #tpu.memory_space<vmem>>) offsets(%dma_start3A_451 : memref<128xi32, #tpu.memory_space<vmem>>) semaphore(%arg12 : memref<!tpu.dma_semaphore, #tpu.memory_space<semaphore_mem>>)
    %dma_wait3A_455 = arith.constant 0 : i32
    %dma_wait3A_456 = arith.constant 0 : i32
    %dma_wait3A_457 = arith.constant 0 : i32
    %dma_wait3A_458 = arith.constant 1 : i32
    %dma_wait3A_459 = arith.constant 0 : i32
    %dma_wait3A_460 = tpu.memref_slice %arg5[%dma_wait3A_458, %dma_wait3A_459] : memref<4x128xi32, #tpu.memory_space<vmem>> -> memref<1x128xi32, #tpu.memory_space<vmem>>
    %dma_wait3A_461 = tpu.memref_squeeze %dma_wait3A_460 : memref<1x128xi32, #tpu.memory_space<vmem>> -> memref<128xi32, #tpu.memory_space<vmem>>
    %dma_wait3A_462 = arith.constant 0 : i32
    %dma_wait3A_463 = tpu.memref_slice %arg2[%dma_wait3A_455, %dma_wait3A_456, %dma_wait3A_457, %dma_wait3A_462] : memref<25x32x8x128xi32, #tpu.memory_space<hbm>> -> memref<1x1x1x128xi32, #tpu.memory_space<hbm>>
    %dma_wait3A_464 = tpu.memref_squeeze %dma_wait3A_463 : memref<1x1x1x128xi32, #tpu.memory_space<hbm>> -> memref<128xi32, #tpu.memory_space<hbm>>
    %dma_wait3A_465 = arith.constant 0 : i32
    %dma_wait3A_466 = tpu.memref_slice %arg5[%dma_wait3A_458, %dma_wait3A_465] : memref<4x128xi32, #tpu.memory_space<vmem>> -> memref<1x128xi32, #tpu.memory_space<vmem>>
    %dma_wait3A_467 = tpu.memref_squeeze %dma_wait3A_466 : memref<1x128xi32, #tpu.memory_space<vmem>> -> memref<128xi32, #tpu.memory_space<vmem>>
    %dma_wait3A_468 = arith.constant 0 : i32
    %dma_wait3A_469 = tpu.memref_slice %arg2[%dma_wait3A_455, %dma_wait3A_456, %dma_wait3A_457, %dma_wait3A_468] : memref<25x32x8x128xi32, #tpu.memory_space<hbm>> -> memref<1x1x1x128xi32, #tpu.memory_space<hbm>>
    %dma_wait3A_470 = tpu.memref_squeeze %dma_wait3A_469 : memref<1x1x1x128xi32, #tpu.memory_space<hbm>> -> memref<128xi32, #tpu.memory_space<hbm>>
    tpu.wait_dma2 semaphore(%arg9 : memref<!tpu.dma_semaphore, #tpu.memory_space<semaphore_mem>>) src(%dma_wait3A_470 : memref<128xi32, #tpu.memory_space<hbm>>) dst(%dma_wait3A_467 : memref<128xi32, #tpu.memory_space<vmem>>)
    %dma_start3A_471 = arith.constant 1 : i32
    %dma_start3A_472 = arith.constant 1 : i32
    %dma_start3A_473 = arith.constant 0 : i32
    %dma_start3A_474 = arith.constant 0 : i32
    %dma_start3A_475 = tpu.memref_slice %arg6[%dma_start3A_472, %dma_start3A_473, %dma_start3A_474] : memref<4x128x32xf32, #tpu.memory_space<vmem>> -> memref<1x128x32xf32, #tpu.memory_space<vmem>>
    %dma_start3A_476 = tpu.memref_squeeze %dma_start3A_475 : memref<1x128x32xf32, #tpu.memory_space<vmem>> -> memref<128x32xf32, #tpu.memory_space<vmem>>
    %dma_start3A_477 = arith.constant 0 : i32
    %dma_start3A_478 = tpu.memref_slice %arg5[%dma_start3A_471, %dma_start3A_477] : memref<4x128xi32, #tpu.memory_space<vmem>> -> memref<1x128xi32, #tpu.memory_space<vmem>>
    %dma_start3A_479 = tpu.memref_squeeze %dma_start3A_478 : memref<1x128xi32, #tpu.memory_space<vmem>> -> memref<128xi32, #tpu.memory_space<vmem>>
    %dma_start3A_480 = arith.constant 0 : i32
    %dma_start3A_481 = arith.constant 0 : i32
    %dma_start3A_482 = tpu.memref_slice %arg3[%dma_start3A_480, %dma_start3A_481] : memref<1000064x32xf32, #tpu.memory_space<hbm>> -> memref<1000064x32xf32, #tpu.memory_space<hbm>>
    tpu.enqueue_indirect_dma source(%dma_start3A_482 : memref<1000064x32xf32, #tpu.memory_space<hbm>>) target(%dma_start3A_476 : memref<128x32xf32, #tpu.memory_space<vmem>>) offsets(%dma_start3A_479 : memref<128xi32, #tpu.memory_space<vmem>>) semaphore(%arg13 : memref<!tpu.dma_semaphore, #tpu.memory_space<semaphore_mem>>)
    %scan3A = arith.constant 0 : i32
    %scan3A_483 = arith.constant 0 : i32
    %scan3A_484 = arith.constant 50 : i32
    %scan3A_485 = arith.addi %scan3A_483, %scan3A_484 : i32
    %scan3A_486 = arith.constant 1 : i32
    scf.for %scan3A_580 = %scan3A_483 to %scan3A_485 step %scan3A_486  : i32 {
      %mul3A_581 = arith.constant 4 : i32
      %mul3A_582 = arith.muli %mul3A_581, %scan3A_580 : i32
      %add3A_583 = arith.constant 0 : i32
      %add3A_584 = arith.addi %mul3A_582, %add3A_583 : i32
      %dma_wait3A_585 = arith.constant 0 : i32
      %dma_wait3A_586 = arith.constant 0 : i32
      %dma_wait3A_587 = arith.constant 0 : i32
      %dma_wait3A_588 = arith.constant 0 : i32
      %dma_wait3A_589 = tpu.memref_slice %arg6[%dma_wait3A_586, %dma_wait3A_587, %dma_wait3A_588] : memref<4x128x32xf32, #tpu.memory_space<vmem>> -> memref<1x128x32xf32, #tpu.memory_space<vmem>>
      %dma_wait3A_590 = tpu.memref_squeeze %dma_wait3A_589 : memref<1x128x32xf32, #tpu.memory_space<vmem>> -> memref<128x32xf32, #tpu.memory_space<vmem>>
      %dma_wait3A_591 = arith.constant 0 : i32
      %dma_wait3A_592 = tpu.memref_slice %arg5[%dma_wait3A_585, %dma_wait3A_591] : memref<4x128xi32, #tpu.memory_space<vmem>> -> memref<1x128xi32, #tpu.memory_space<vmem>>
      %dma_wait3A_593 = tpu.memref_squeeze %dma_wait3A_592 : memref<1x128xi32, #tpu.memory_space<vmem>> -> memref<128xi32, #tpu.memory_space<vmem>>
      %dma_wait3A_594 = arith.constant 0 : i32
      %dma_wait3A_595 = arith.constant 0 : i32
      %dma_wait3A_596 = tpu.memref_slice %arg3[%dma_wait3A_594, %dma_wait3A_595] : memref<1000064x32xf32, #tpu.memory_space<hbm>> -> memref<1000064x32xf32, #tpu.memory_space<hbm>>
      tpu.wait_indirect_dma semaphore(%arg12 : memref<!tpu.dma_semaphore, #tpu.memory_space<semaphore_mem>>) src(%dma_wait3A_596 : memref<1000064x32xf32, #tpu.memory_space<hbm>>) dst(%dma_wait3A_590 : memref<128x32xf32, #tpu.memory_space<vmem>>)
      %add3A_597 = arith.constant 4 : i32
      %add3A_598 = arith.addi %add3A_584, %add3A_597 : i32
      %lt3A_599 = arith.constant 200 : i32
      %lt3A_600 = arith.cmpi slt, %add3A_598, %lt3A_599 : i32
      %convert_element_type3A = arith.extui %lt3A_600 : i1 to i32
      %cond3A = arith.constant 0 : i32
      %cond3A_601 = arith.cmpi ne, %convert_element_type3A, %cond3A : i32
      scf.if %cond3A_601 {
        %add3A_977 = arith.constant 4 : i32
        %add3A_978 = arith.addi %add3A_584, %add3A_977 : i32
        %add3A_979 = arith.addi %mul3A_2, %add3A_978 : i32
        %jit3A_980 = arith.constant 32 : i32
        %div3A_981 = arith.divsi %add3A_979, %jit3A_980 : i32
        %sign3A_982 = arith.constant 0 : i32
        %sign3A_983 = arith.cmpi sgt, %add3A_979, %sign3A_982 : i32
        %sign3A_984 = arith.extui %sign3A_983 : i1 to i32
        %sign3A_985 = arith.constant 0 : i32
        %sign3A_986 = arith.cmpi slt, %add3A_979, %sign3A_985 : i32
        %sign3A_987 = arith.extui %sign3A_986 : i1 to i32
        %sign3A_988 = arith.subi %sign3A_984, %sign3A_987 : i32
        %sign3A_989 = arith.constant 0 : i32
        %sign3A_990 = arith.cmpi sgt, %jit3A_980, %sign3A_989 : i32
        %sign3A_991 = arith.extui %sign3A_990 : i1 to i32
        %sign3A_992 = arith.constant 0 : i32
        %sign3A_993 = arith.cmpi slt, %jit3A_980, %sign3A_992 : i32
        %sign3A_994 = arith.extui %sign3A_993 : i1 to i32
        %sign3A_995 = arith.subi %sign3A_991, %sign3A_994 : i32
        %ne3A_996 = arith.cmpi ne, %sign3A_988, %sign3A_995 : i32
        %rem3A_997 = arith.remsi %add3A_979, %jit3A_980 : i32
        %ne3A_998 = arith.constant 0 : i32
        %ne3A_999 = arith.cmpi ne, %rem3A_997, %ne3A_998 : i32
        %and3A_1000 = arith.andi %ne3A_996, %ne3A_999 : i1
        %sub3A_1001 = arith.constant 1 : i32
        %sub3A_1002 = arith.subi %div3A_981, %sub3A_1001 : i32
        %select_n3A_1003 = arith.select %and3A_1000, %sub3A_1002, %div3A_981 : i32
        %jit3A_1004 = arith.constant 32 : i32
        %eq3A_1005 = arith.constant 0 : i32
        %eq3A_1006 = arith.cmpi eq, %jit3A_1004, %eq3A_1005 : i32
        %jit3A_1007 = arith.constant 1 : i32
        %select_n3A_1008 = arith.select %eq3A_1006, %jit3A_1007, %jit3A_1004 : i32
        %rem3A_1009 = arith.remsi %add3A_979, %select_n3A_1008 : i32
        %ne3A_1010 = arith.constant 0 : i32
        %ne3A_1011 = arith.cmpi ne, %rem3A_1009, %ne3A_1010 : i32
        %lt3A_1012 = arith.constant 0 : i32
        %lt3A_1013 = arith.cmpi slt, %rem3A_1009, %lt3A_1012 : i32
        %lt3A_1014 = arith.constant 0 : i32
        %lt3A_1015 = arith.cmpi slt, %select_n3A_1008, %lt3A_1014 : i32
        %ne3A_1016 = arith.xori %lt3A_1013, %lt3A_1015 : i1
        %and3A_1017 = arith.andi %ne3A_1016, %ne3A_1011 : i1
        %add3A_1018 = arith.addi %rem3A_1009, %select_n3A_1008 : i32
        %select_n3A_1019 = arith.select %and3A_1017, %add3A_1018, %rem3A_1009 : i32
        %jit3A_1020 = arith.constant 8 : i32
        %div3A_1021 = arith.divsi %select_n3A_1003, %jit3A_1020 : i32
        %sign3A_1022 = arith.constant 0 : i32
        %sign3A_1023 = arith.cmpi sgt, %select_n3A_1003, %sign3A_1022 : i32
        %sign3A_1024 = arith.extui %sign3A_1023 : i1 to i32
        %sign3A_1025 = arith.constant 0 : i32
        %sign3A_1026 = arith.cmpi slt, %select_n3A_1003, %sign3A_1025 : i32
        %sign3A_1027 = arith.extui %sign3A_1026 : i1 to i32
        %sign3A_1028 = arith.subi %sign3A_1024, %sign3A_1027 : i32
        %sign3A_1029 = arith.constant 0 : i32
        %sign3A_1030 = arith.cmpi sgt, %jit3A_1020, %sign3A_1029 : i32
        %sign3A_1031 = arith.extui %sign3A_1030 : i1 to i32
        %sign3A_1032 = arith.constant 0 : i32
        %sign3A_1033 = arith.cmpi slt, %jit3A_1020, %sign3A_1032 : i32
        %sign3A_1034 = arith.extui %sign3A_1033 : i1 to i32
        %sign3A_1035 = arith.subi %sign3A_1031, %sign3A_1034 : i32
        %ne3A_1036 = arith.cmpi ne, %sign3A_1028, %sign3A_1035 : i32
        %rem3A_1037 = arith.remsi %select_n3A_1003, %jit3A_1020 : i32
        %ne3A_1038 = arith.constant 0 : i32
        %ne3A_1039 = arith.cmpi ne, %rem3A_1037, %ne3A_1038 : i32
        %and3A_1040 = arith.andi %ne3A_1036, %ne3A_1039 : i1
        %sub3A_1041 = arith.constant 1 : i32
        %sub3A_1042 = arith.subi %div3A_1021, %sub3A_1041 : i32
        %select_n3A_1043 = arith.select %and3A_1040, %sub3A_1042, %div3A_1021 : i32
        %jit3A_1044 = arith.constant 8 : i32
        %eq3A_1045 = arith.constant 0 : i32
        %eq3A_1046 = arith.cmpi eq, %jit3A_1044, %eq3A_1045 : i32
        %jit3A_1047 = arith.constant 1 : i32
        %select_n3A_1048 = arith.select %eq3A_1046, %jit3A_1047, %jit3A_1044 : i32
        %rem3A_1049 = arith.remsi %select_n3A_1003, %select_n3A_1048 : i32
        %ne3A_1050 = arith.constant 0 : i32
        %ne3A_1051 = arith.cmpi ne, %rem3A_1049, %ne3A_1050 : i32
        %lt3A_1052 = arith.constant 0 : i32
        %lt3A_1053 = arith.cmpi slt, %rem3A_1049, %lt3A_1052 : i32
        %lt3A_1054 = arith.constant 0 : i32
        %lt3A_1055 = arith.cmpi slt, %select_n3A_1048, %lt3A_1054 : i32
        %ne3A_1056 = arith.xori %lt3A_1053, %lt3A_1055 : i1
        %and3A_1057 = arith.andi %ne3A_1056, %ne3A_1051 : i1
        %add3A_1058 = arith.addi %rem3A_1049, %select_n3A_1048 : i32
        %select_n3A_1059 = arith.select %and3A_1057, %add3A_1058, %rem3A_1049 : i32
        %dma_start3A_1060 = arith.constant 0 : i32
        %dma_start3A_1061 = arith.constant 0 : i32
        %dma_start3A_1062 = tpu.memref_slice %arg5[%dma_start3A_1060, %dma_start3A_1061] : memref<4x128xi32, #tpu.memory_space<vmem>> -> memref<1x128xi32, #tpu.memory_space<vmem>>
        %dma_start3A_1063 = tpu.memref_squeeze %dma_start3A_1062 : memref<1x128xi32, #tpu.memory_space<vmem>> -> memref<128xi32, #tpu.memory_space<vmem>>
        %dma_start3A_1064 = arith.constant 0 : i32
        %dma_start3A_1065 = tpu.memref_slice %arg2[%select_n3A_1043, %select_n3A_1019, %select_n3A_1059, %dma_start3A_1064] : memref<25x32x8x128xi32, #tpu.memory_space<hbm>> -> memref<1x1x1x128xi32, #tpu.memory_space<hbm>>
        %dma_start3A_1066 = tpu.memref_squeeze %dma_start3A_1065 : memref<1x1x1x128xi32, #tpu.memory_space<hbm>> -> memref<128xi32, #tpu.memory_space<hbm>>
        %dma_start3A_1067 = arith.constant 0 : i32
        %dma_start3A_1068 = tpu.memref_slice %arg5[%dma_start3A_1060, %dma_start3A_1067] : memref<4x128xi32, #tpu.memory_space<vmem>> -> memref<1x128xi32, #tpu.memory_space<vmem>>
        %dma_start3A_1069 = tpu.memref_squeeze %dma_start3A_1068 : memref<1x128xi32, #tpu.memory_space<vmem>> -> memref<128xi32, #tpu.memory_space<vmem>>
        %dma_start3A_1070 = arith.constant 0 : i32
        %dma_start3A_1071 = tpu.memref_slice %arg2[%select_n3A_1043, %select_n3A_1019, %select_n3A_1059, %dma_start3A_1070] : memref<25x32x8x128xi32, #tpu.memory_space<hbm>> -> memref<1x1x1x128xi32, #tpu.memory_space<hbm>>
        %dma_start3A_1072 = tpu.memref_squeeze %dma_start3A_1071 : memref<1x1x1x128xi32, #tpu.memory_space<hbm>> -> memref<128xi32, #tpu.memory_space<hbm>>
        tpu.enqueue_dma source(%dma_start3A_1072 : memref<128xi32, #tpu.memory_space<hbm>>) target(%dma_start3A_1069 : memref<128xi32, #tpu.memory_space<vmem>>) target_semaphore(%arg8 : memref<!tpu.dma_semaphore, #tpu.memory_space<semaphore_mem>>)
      } else {
      }
      %ge3A = arith.constant 4 : i32
      %ge3A_602 = arith.cmpi sge, %add3A_584, %ge3A : i32
      %convert_element_type3A_603 = arith.extui %ge3A_602 : i1 to i32
      %cond3A_604 = arith.constant 0 : i32
      %cond3A_605 = arith.cmpi ne, %convert_element_type3A_603, %cond3A_604 : i32
      scf.if %cond3A_605 {
        %dma_wait3A_977 = arith.constant 0 : i32
        %dma_wait3A_978 = arith.constant 0 : i32
        %dma_wait3A_979 = arith.constant 0 : i32
        %dma_wait3A_980 = arith.constant 0 : i32
        %dma_wait3A_981 = arith.constant 0 : i32
        %dma_wait3A_982 = arith.constant 0 : i32
        %dma_wait3A_983 = tpu.memref_slice %arg7[%dma_wait3A_977, %dma_wait3A_980, %dma_wait3A_981, %dma_wait3A_982] : memref<4x4x8x129xf32, #tpu.memory_space<vmem>> -> memref<1x4x8x128xf32, #tpu.memory_space<vmem>>
        %dma_wait3A_984 = tpu.memref_squeeze %dma_wait3A_983 : memref<1x4x8x128xf32, #tpu.memory_space<vmem>> -> memref<4x8x128xf32, #tpu.memory_space<vmem>>
        %dma_wait3A_985 = arith.constant 0 : i32
        %dma_wait3A_986 = arith.constant 0 : i32
        %dma_wait3A_987 = arith.constant 0 : i32
        %dma_wait3A_988 = tpu.memref_slice %arg4[%dma_wait3A_978, %dma_wait3A_985, %dma_wait3A_979, %dma_wait3A_986, %dma_wait3A_987] : memref<200x4x32x8x128xf32, #tpu.memory_space<hbm>> -> memref<1x4x1x8x128xf32, #tpu.memory_space<hbm>>
        %dma_wait3A_989 = tpu.memref_squeeze %dma_wait3A_988 : memref<1x4x1x8x128xf32, #tpu.memory_space<hbm>> -> memref<4x8x128xf32, #tpu.memory_space<hbm>>
        %dma_wait3A_990 = arith.constant 0 : i32
        %dma_wait3A_991 = arith.constant 0 : i32
        %dma_wait3A_992 = arith.constant 0 : i32
        %dma_wait3A_993 = tpu.memref_slice %arg4[%dma_wait3A_978, %dma_wait3A_990, %dma_wait3A_979, %dma_wait3A_991, %dma_wait3A_992] : memref<200x4x32x8x128xf32, #tpu.memory_space<hbm>> -> memref<1x4x1x8x128xf32, #tpu.memory_space<hbm>>
        %dma_wait3A_994 = tpu.memref_squeeze %dma_wait3A_993 : memref<1x4x1x8x128xf32, #tpu.memory_space<hbm>> -> memref<4x8x128xf32, #tpu.memory_space<hbm>>
        %dma_wait3A_995 = arith.constant 0 : i32
        %dma_wait3A_996 = arith.constant 0 : i32
        %dma_wait3A_997 = arith.constant 0 : i32
        %dma_wait3A_998 = tpu.memref_slice %arg7[%dma_wait3A_977, %dma_wait3A_995, %dma_wait3A_996, %dma_wait3A_997] : memref<4x4x8x129xf32, #tpu.memory_space<vmem>> -> memref<1x4x8x128xf32, #tpu.memory_space<vmem>>
        %dma_wait3A_999 = tpu.memref_squeeze %dma_wait3A_998 : memref<1x4x8x128xf32, #tpu.memory_space<vmem>> -> memref<4x8x128xf32, #tpu.memory_space<vmem>>
        tpu.wait_dma2 semaphore(%arg16 : memref<!tpu.dma_semaphore, #tpu.memory_space<semaphore_mem>>) src(%dma_wait3A_999 : memref<4x8x128xf32, #tpu.memory_space<vmem>>) dst(%dma_wait3A_994 : memref<4x8x128xf32, #tpu.memory_space<hbm>>)
      } else {
      }
      %parallel_loop3A = arith.constant 0 : i32
      %parallel_loop3A_606 = arith.constant 128 : i32
      %parallel_loop3A_607 = arith.constant 1 : i32
      scf.for %parallel_loop3A_977 = %parallel_loop3A to %parallel_loop3A_606 step %parallel_loop3A_607  : i32 {
        %parallel_loop3A_978 = arith.constant 1 : i32
        %parallel_loop3A_979 = vector.broadcast %parallel_loop3A_978 : i32 to vector<16xi32>
        %parallel_loop3A_980 = vector.broadcast %parallel_loop3A_977 : i32 to vector<16xi32>
        %parallel_loop3A_981 = arith.muli %parallel_loop3A_979, %parallel_loop3A_980 : vector<16xi32>
        %parallel_loop3A_982 = arith.constant 0 : i32
        %parallel_loop3A_983 = arith.index_cast %parallel_loop3A_982 : i32 to index
        %parallel_loop3A_984 = arith.index_cast %parallel_loop3A_977 : i32 to index
        %parallel_loop3A_985 = arith.constant 0 : index
        %parallel_loop3A_986 = tpu.vector_load %arg6[%parallel_loop3A_983, %parallel_loop3A_984, %parallel_loop3A_985] {strides = array<i32>} : memref<4x128x32xf32, #tpu.memory_space<vmem>>, vector<16xf32>,
        %parallel_loop3A_987 = arith.constant 0 : i32
        %parallel_loop3A_988 = arith.index_cast %parallel_loop3A_987 : i32 to index
        %parallel_loop3A_989 = arith.index_cast %parallel_loop3A_977 : i32 to index
        %parallel_loop3A_990 = arith.constant 16 : index
        %parallel_loop3A_991 = tpu.vector_load %arg6[%parallel_loop3A_988, %parallel_loop3A_989, %parallel_loop3A_990] {strides = array<i32>} : memref<4x128x32xf32, #tpu.memory_space<vmem>>, vector<16xf32>,
        %parallel_loop3A_992 = arith.constant 0 : i32
        %parallel_loop3A_993 = arith.constant 0 : i32
        %parallel_loop3A_994 = arith.constant 0 : i32
        %parallel_loop3A_995 = arith.constant 0 : i32
        %parallel_loop3A_996 = tpu.memref_slice %arg7[%parallel_loop3A_992, %parallel_loop3A_993, %parallel_loop3A_994, %parallel_loop3A_995] : memref<4x4x8x129xf32, #tpu.memory_space<vmem>> -> memref<1x4x8x129xf32, #tpu.memory_space<vmem>>
        %parallel_loop3A_997 = tpu.memref_squeeze %parallel_loop3A_996 : memref<1x4x8x129xf32, #tpu.memory_space<vmem>> -> memref<4x8x129xf32, #tpu.memory_space<vmem>>
        tpu.vector_store_idx %parallel_loop3A_997[%select_n3A, %select_n3A_45, %parallel_loop3A_981], %parallel_loop3A_986 : memref<4x8x129xf32, #tpu.memory_space<vmem>>[vector<16xi32>, vector<16xi32>, vector<16xi32>], vector<16xf32>,
        %parallel_loop3A_998 = arith.constant 0 : i32
        %parallel_loop3A_999 = arith.constant 0 : i32
        %parallel_loop3A_1000 = arith.constant 0 : i32
        %parallel_loop3A_1001 = arith.constant 0 : i32
        %parallel_loop3A_1002 = tpu.memref_slice %arg7[%parallel_loop3A_998, %parallel_loop3A_999, %parallel_loop3A_1000, %parallel_loop3A_1001] : memref<4x4x8x129xf32, #tpu.memory_space<vmem>> -> memref<1x4x8x129xf32, #tpu.memory_space<vmem>>
        %parallel_loop3A_1003 = tpu.memref_squeeze %parallel_loop3A_1002 : memref<1x4x8x129xf32, #tpu.memory_space<vmem>> -> memref<4x8x129xf32, #tpu.memory_space<vmem>>
        tpu.vector_store_idx %parallel_loop3A_1003[%add3A_48, %select_n3A_45, %parallel_loop3A_981], %parallel_loop3A_991 : memref<4x8x129xf32, #tpu.memory_space<vmem>>[vector<16xi32>, vector<16xi32>, vector<16xi32>], vector<16xf32>,
      } {sc.loop_unroll_factor = 4 : i64, sc.parallel_access}
      %add3A_608 = arith.addi %mul3A_2, %add3A_584 : i32
      %jit3A_609 = arith.constant 32 : i32
      %div3A_610 = arith.divsi %add3A_608, %jit3A_609 : i32
      %sign3A_611 = arith.constant 0 : i32
      %sign3A_612 = arith.cmpi sgt, %add3A_608, %sign3A_611 : i32
      %sign3A_613 = arith.extui %sign3A_612 : i1 to i32
      %sign3A_614 = arith.constant 0 : i32
      %sign3A_615 = arith.cmpi slt, %add3A_608, %sign3A_614 : i32
      %sign3A_616 = arith.extui %sign3A_615 : i1 to i32
      %sign3A_617 = arith.subi %sign3A_613, %sign3A_616 : i32
      %sign3A_618 = arith.constant 0 : i32
      %sign3A_619 = arith.cmpi sgt, %jit3A_609, %sign3A_618 : i32
      %sign3A_620 = arith.extui %sign3A_619 : i1 to i32
      %sign3A_621 = arith.constant 0 : i32
      %sign3A_622 = arith.cmpi slt, %jit3A_609, %sign3A_621 : i32
      %sign3A_623 = arith.extui %sign3A_622 : i1 to i32
      %sign3A_624 = arith.subi %sign3A_620, %sign3A_623 : i32
      %ne3A_625 = arith.cmpi ne, %sign3A_617, %sign3A_624 : i32
      %rem3A_626 = arith.remsi %add3A_608, %jit3A_609 : i32
      %ne3A_627 = arith.constant 0 : i32
      %ne3A_628 = arith.cmpi ne, %rem3A_626, %ne3A_627 : i32
      %and3A_629 = arith.andi %ne3A_625, %ne3A_628 : i1
      %sub3A_630 = arith.constant 1 : i32
      %sub3A_631 = arith.subi %div3A_610, %sub3A_630 : i32
      %select_n3A_632 = arith.select %and3A_629, %sub3A_631, %div3A_610 : i32
      %jit3A_633 = arith.constant 32 : i32
      %eq3A_634 = arith.constant 0 : i32
      %eq3A_635 = arith.cmpi eq, %jit3A_633, %eq3A_634 : i32
      %jit3A_636 = arith.constant 1 : i32
      %select_n3A_637 = arith.select %eq3A_635, %jit3A_636, %jit3A_633 : i32
      %rem3A_638 = arith.remsi %add3A_608, %select_n3A_637 : i32
      %ne3A_639 = arith.constant 0 : i32
      %ne3A_640 = arith.cmpi ne, %rem3A_638, %ne3A_639 : i32
      %lt3A_641 = arith.constant 0 : i32
      %lt3A_642 = arith.cmpi slt, %rem3A_638, %lt3A_641 : i32
      %lt3A_643 = arith.constant 0 : i32
      %lt3A_644 = arith.cmpi slt, %select_n3A_637, %lt3A_643 : i32
      %ne3A_645 = arith.xori %lt3A_642, %lt3A_644 : i1
      %and3A_646 = arith.andi %ne3A_645, %ne3A_640 : i1
      %add3A_647 = arith.addi %rem3A_638, %select_n3A_637 : i32
      %select_n3A_648 = arith.select %and3A_646, %add3A_647, %rem3A_638 : i32
      %dma_start3A_649 = arith.constant 0 : i32
      %dma_start3A_650 = arith.constant 0 : i32
      %dma_start3A_651 = arith.constant 0 : i32
      %dma_start3A_652 = arith.constant 0 : i32
      %dma_start3A_653 = tpu.memref_slice %arg7[%dma_start3A_649, %dma_start3A_650, %dma_start3A_651, %dma_start3A_652] : memref<4x4x8x129xf32, #tpu.memory_space<vmem>> -> memref<1x4x8x128xf32, #tpu.memory_space<vmem>>
      %dma_start3A_654 = tpu.memref_squeeze %dma_start3A_653 : memref<1x4x8x128xf32, #tpu.memory_space<vmem>> -> memref<4x8x128xf32, #tpu.memory_space<vmem>>
      %dma_start3A_655 = arith.constant 0 : i32
      %dma_start3A_656 = arith.constant 0 : i32
      %dma_start3A_657 = arith.constant 0 : i32
      %dma_start3A_658 = tpu.memref_slice %arg4[%select_n3A_632, %dma_start3A_655, %select_n3A_648, %dma_start3A_656, %dma_start3A_657] : memref<200x4x32x8x128xf32, #tpu.memory_space<hbm>> -> memref<1x4x1x8x128xf32, #tpu.memory_space<hbm>>
      %dma_start3A_659 = tpu.memref_squeeze %dma_start3A_658 : memref<1x4x1x8x128xf32, #tpu.memory_space<hbm>> -> memref<4x8x128xf32, #tpu.memory_space<hbm>>
      %dma_start3A_660 = arith.constant 0 : i32
      %dma_start3A_661 = arith.constant 0 : i32
      %dma_start3A_662 = arith.constant 0 : i32
      %dma_start3A_663 = tpu.memref_slice %arg4[%select_n3A_632, %dma_start3A_660, %select_n3A_648, %dma_start3A_661, %dma_start3A_662] : memref<200x4x32x8x128xf32, #tpu.memory_space<hbm>> -> memref<1x4x1x8x128xf32, #tpu.memory_space<hbm>>
      %dma_start3A_664 = tpu.memref_squeeze %dma_start3A_663 : memref<1x4x1x8x128xf32, #tpu.memory_space<hbm>> -> memref<4x8x128xf32, #tpu.memory_space<hbm>>
      %dma_start3A_665 = arith.constant 0 : i32
      %dma_start3A_666 = arith.constant 0 : i32
      %dma_start3A_667 = arith.constant 0 : i32
      %dma_start3A_668 = tpu.memref_slice %arg7[%dma_start3A_649, %dma_start3A_665, %dma_start3A_666, %dma_start3A_667] : memref<4x4x8x129xf32, #tpu.memory_space<vmem>> -> memref<1x4x8x128xf32, #tpu.memory_space<vmem>>
      %dma_start3A_669 = tpu.memref_squeeze %dma_start3A_668 : memref<1x4x8x128xf32, #tpu.memory_space<vmem>> -> memref<4x8x128xf32, #tpu.memory_space<vmem>>
      tpu.enqueue_dma source(%dma_start3A_669 : memref<4x8x128xf32, #tpu.memory_space<vmem>>) target(%dma_start3A_664 : memref<4x8x128xf32, #tpu.memory_space<hbm>>) target_semaphore(%arg16 : memref<!tpu.dma_semaphore, #tpu.memory_space<semaphore_mem>>)
      %add3A_670 = arith.constant 2 : i32
      %add3A_671 = arith.addi %add3A_584, %add3A_670 : i32
      %lt3A_672 = arith.constant 200 : i32
      %lt3A_673 = arith.cmpi slt, %add3A_671, %lt3A_672 : i32
      %convert_element_type3A_674 = arith.extui %lt3A_673 : i1 to i32
      %cond3A_675 = arith.constant 0 : i32
      %cond3A_676 = arith.cmpi ne, %convert_element_type3A_674, %cond3A_675 : i32
      scf.if %cond3A_676 {
        %dma_wait3A_977 = arith.constant 0 : i32
        %dma_wait3A_978 = arith.constant 0 : i32
        %dma_wait3A_979 = arith.constant 0 : i32
        %dma_wait3A_980 = arith.constant 2 : i32
        %dma_wait3A_981 = arith.constant 0 : i32
        %dma_wait3A_982 = tpu.memref_slice %arg5[%dma_wait3A_980, %dma_wait3A_981] : memref<4x128xi32, #tpu.memory_space<vmem>> -> memref<1x128xi32, #tpu.memory_space<vmem>>
        %dma_wait3A_983 = tpu.memref_squeeze %dma_wait3A_982 : memref<1x128xi32, #tpu.memory_space<vmem>> -> memref<128xi32, #tpu.memory_space<vmem>>
        %dma_wait3A_984 = arith.constant 0 : i32
        %dma_wait3A_985 = tpu.memref_slice %arg2[%dma_wait3A_977, %dma_wait3A_978, %dma_wait3A_979, %dma_wait3A_984] : memref<25x32x8x128xi32, #tpu.memory_space<hbm>> -> memref<1x1x1x128xi32, #tpu.memory_space<hbm>>
        %dma_wait3A_986 = tpu.memref_squeeze %dma_wait3A_985 : memref<1x1x1x128xi32, #tpu.memory_space<hbm>> -> memref<128xi32, #tpu.memory_space<hbm>>
        %dma_wait3A_987 = arith.constant 0 : i32
        %dma_wait3A_988 = tpu.memref_slice %arg5[%dma_wait3A_980, %dma_wait3A_987] : memref<4x128xi32, #tpu.memory_space<vmem>> -> memref<1x128xi32, #tpu.memory_space<vmem>>
        %dma_wait3A_989 = tpu.memref_squeeze %dma_wait3A_988 : memref<1x128xi32, #tpu.memory_space<vmem>> -> memref<128xi32, #tpu.memory_space<vmem>>
        %dma_wait3A_990 = arith.constant 0 : i32
        %dma_wait3A_991 = tpu.memref_slice %arg2[%dma_wait3A_977, %dma_wait3A_978, %dma_wait3A_979, %dma_wait3A_990] : memref<25x32x8x128xi32, #tpu.memory_space<hbm>> -> memref<1x1x1x128xi32, #tpu.memory_space<hbm>>
        %dma_wait3A_992 = tpu.memref_squeeze %dma_wait3A_991 : memref<1x1x1x128xi32, #tpu.memory_space<hbm>> -> memref<128xi32, #tpu.memory_space<hbm>>
        tpu.wait_dma2 semaphore(%arg10 : memref<!tpu.dma_semaphore, #tpu.memory_space<semaphore_mem>>) src(%dma_wait3A_992 : memref<128xi32, #tpu.memory_space<hbm>>) dst(%dma_wait3A_989 : memref<128xi32, #tpu.memory_space<vmem>>)
        %dma_start3A_993 = arith.constant 2 : i32
        %dma_start3A_994 = arith.constant 2 : i32
        %dma_start3A_995 = arith.constant 0 : i32
        %dma_start3A_996 = arith.constant 0 : i32
        %dma_start3A_997 = tpu.memref_slice %arg6[%dma_start3A_994, %dma_start3A_995, %dma_start3A_996] : memref<4x128x32xf32, #tpu.memory_space<vmem>> -> memref<1x128x32xf32, #tpu.memory_space<vmem>>
        %dma_start3A_998 = tpu.memref_squeeze %dma_start3A_997 : memref<1x128x32xf32, #tpu.memory_space<vmem>> -> memref<128x32xf32, #tpu.memory_space<vmem>>
        %dma_start3A_999 = arith.constant 0 : i32
        %dma_start3A_1000 = tpu.memref_slice %arg5[%dma_start3A_993, %dma_start3A_999] : memref<4x128xi32, #tpu.memory_space<vmem>> -> memref<1x128xi32, #tpu.memory_space<vmem>>
        %dma_start3A_1001 = tpu.memref_squeeze %dma_start3A_1000 : memref<1x128xi32, #tpu.memory_space<vmem>> -> memref<128xi32, #tpu.memory_space<vmem>>
        %dma_start3A_1002 = arith.constant 0 : i32
        %dma_start3A_1003 = arith.constant 0 : i32
        %dma_start3A_1004 = tpu.memref_slice %arg3[%dma_start3A_1002, %dma_start3A_1003] : memref<1000064x32xf32, #tpu.memory_space<hbm>> -> memref<1000064x32xf32, #tpu.memory_space<hbm>>
        tpu.enqueue_indirect_dma source(%dma_start3A_1004 : memref<1000064x32xf32, #tpu.memory_space<hbm>>) target(%dma_start3A_998 : memref<128x32xf32, #tpu.memory_space<vmem>>) offsets(%dma_start3A_1001 : memref<128xi32, #tpu.memory_space<vmem>>) semaphore(%arg14 : memref<!tpu.dma_semaphore, #tpu.memory_space<semaphore_mem>>)
      } else {
      }
      %mul3A_677 = arith.constant 4 : i32
      %mul3A_678 = arith.muli %mul3A_677, %scan3A_580 : i32
      %add3A_679 = arith.constant 1 : i32
      %add3A_680 = arith.addi %mul3A_678, %add3A_679 : i32
      %dma_wait3A_681 = arith.constant 1 : i32
      %dma_wait3A_682 = arith.constant 1 : i32
      %dma_wait3A_683 = arith.constant 0 : i32
      %dma_wait3A_684 = arith.constant 0 : i32
      %dma_wait3A_685 = tpu.memref_slice %arg6[%dma_wait3A_682, %dma_wait3A_683, %dma_wait3A_684] : memref<4x128x32xf32, #tpu.memory_space<vmem>> -> memref<1x128x32xf32, #tpu.memory_space<vmem>>
      %dma_wait3A_686 = tpu.memref_squeeze %dma_wait3A_685 : memref<1x128x32xf32, #tpu.memory_space<vmem>> -> memref<128x32xf32, #tpu.memory_space<vmem>>
      %dma_wait3A_687 = arith.constant 0 : i32
      %dma_wait3A_688 = tpu.memref_slice %arg5[%dma_wait3A_681, %dma_wait3A_687] : memref<4x128xi32, #tpu.memory_space<vmem>> -> memref<1x128xi32, #tpu.memory_space<vmem>>
      %dma_wait3A_689 = tpu.memref_squeeze %dma_wait3A_688 : memref<1x128xi32, #tpu.memory_space<vmem>> -> memref<128xi32, #tpu.memory_space<vmem>>
      %dma_wait3A_690 = arith.constant 0 : i32
      %dma_wait3A_691 = arith.constant 0 : i32
      %dma_wait3A_692 = tpu.memref_slice %arg3[%dma_wait3A_690, %dma_wait3A_691] : memref<1000064x32xf32, #tpu.memory_space<hbm>> -> memref<1000064x32xf32, #tpu.memory_space<hbm>>
      tpu.wait_indirect_dma semaphore(%arg13 : memref<!tpu.dma_semaphore, #tpu.memory_space<semaphore_mem>>) src(%dma_wait3A_692 : memref<1000064x32xf32, #tpu.memory_space<hbm>>) dst(%dma_wait3A_686 : memref<128x32xf32, #tpu.memory_space<vmem>>)
      %add3A_693 = arith.constant 4 : i32
      %add3A_694 = arith.addi %add3A_680, %add3A_693 : i32
      %lt3A_695 = arith.constant 200 : i32
      %lt3A_696 = arith.cmpi slt, %add3A_694, %lt3A_695 : i32
      %convert_element_type3A_697 = arith.extui %lt3A_696 : i1 to i32
      %cond3A_698 = arith.constant 0 : i32
      %cond3A_699 = arith.cmpi ne, %convert_element_type3A_697, %cond3A_698 : i32
      scf.if %cond3A_699 {
        %add3A_977 = arith.constant 4 : i32
        %add3A_978 = arith.addi %add3A_680, %add3A_977 : i32
        %add3A_979 = arith.addi %mul3A_2, %add3A_978 : i32
        %jit3A_980 = arith.constant 32 : i32
        %div3A_981 = arith.divsi %add3A_979, %jit3A_980 : i32
        %sign3A_982 = arith.constant 0 : i32
        %sign3A_983 = arith.cmpi sgt, %add3A_979, %sign3A_982 : i32
        %sign3A_984 = arith.extui %sign3A_983 : i1 to i32
        %sign3A_985 = arith.constant 0 : i32
        %sign3A_986 = arith.cmpi slt, %add3A_979, %sign3A_985 : i32
        %sign3A_987 = arith.extui %sign3A_986 : i1 to i32
        %sign3A_988 = arith.subi %sign3A_984, %sign3A_987 : i32
        %sign3A_989 = arith.constant 0 : i32
        %sign3A_990 = arith.cmpi sgt, %jit3A_980, %sign3A_989 : i32
        %sign3A_991 = arith.extui %sign3A_990 : i1 to i32
        %sign3A_992 = arith.constant 0 : i32
        %sign3A_993 = arith.cmpi slt, %jit3A_980, %sign3A_992 : i32
        %sign3A_994 = arith.extui %sign3A_993 : i1 to i32
        %sign3A_995 = arith.subi %sign3A_991, %sign3A_994 : i32
        %ne3A_996 = arith.cmpi ne, %sign3A_988, %sign3A_995 : i32
        %rem3A_997 = arith.remsi %add3A_979, %jit3A_980 : i32
        %ne3A_998 = arith.constant 0 : i32
        %ne3A_999 = arith.cmpi ne, %rem3A_997, %ne3A_998 : i32
        %and3A_1000 = arith.andi %ne3A_996, %ne3A_999 : i1
        %sub3A_1001 = arith.constant 1 : i32
        %sub3A_1002 = arith.subi %div3A_981, %sub3A_1001 : i32
        %select_n3A_1003 = arith.select %and3A_1000, %sub3A_1002, %div3A_981 : i32
        %jit3A_1004 = arith.constant 32 : i32
        %eq3A_1005 = arith.constant 0 : i32
        %eq3A_1006 = arith.cmpi eq, %jit3A_1004, %eq3A_1005 : i32
        %jit3A_1007 = arith.constant 1 : i32
        %select_n3A_1008 = arith.select %eq3A_1006, %jit3A_1007, %jit3A_1004 : i32
        %rem3A_1009 = arith.remsi %add3A_979, %select_n3A_1008 : i32
        %ne3A_1010 = arith.constant 0 : i32
        %ne3A_1011 = arith.cmpi ne, %rem3A_1009, %ne3A_1010 : i32
        %lt3A_1012 = arith.constant 0 : i32
        %lt3A_1013 = arith.cmpi slt, %rem3A_1009, %lt3A_1012 : i32
        %lt3A_1014 = arith.constant 0 : i32
        %lt3A_1015 = arith.cmpi slt, %select_n3A_1008, %lt3A_1014 : i32
        %ne3A_1016 = arith.xori %lt3A_1013, %lt3A_1015 : i1
        %and3A_1017 = arith.andi %ne3A_1016, %ne3A_1011 : i1
        %add3A_1018 = arith.addi %rem3A_1009, %select_n3A_1008 : i32
        %select_n3A_1019 = arith.select %and3A_1017, %add3A_1018, %rem3A_1009 : i32
        %jit3A_1020 = arith.constant 8 : i32
        %div3A_1021 = arith.divsi %select_n3A_1003, %jit3A_1020 : i32
        %sign3A_1022 = arith.constant 0 : i32
        %sign3A_1023 = arith.cmpi sgt, %select_n3A_1003, %sign3A_1022 : i32
        %sign3A_1024 = arith.extui %sign3A_1023 : i1 to i32
        %sign3A_1025 = arith.constant 0 : i32
        %sign3A_1026 = arith.cmpi slt, %select_n3A_1003, %sign3A_1025 : i32
        %sign3A_1027 = arith.extui %sign3A_1026 : i1 to i32
        %sign3A_1028 = arith.subi %sign3A_1024, %sign3A_1027 : i32
        %sign3A_1029 = arith.constant 0 : i32
        %sign3A_1030 = arith.cmpi sgt, %jit3A_1020, %sign3A_1029 : i32
        %sign3A_1031 = arith.extui %sign3A_1030 : i1 to i32
        %sign3A_1032 = arith.constant 0 : i32
        %sign3A_1033 = arith.cmpi slt, %jit3A_1020, %sign3A_1032 : i32
        %sign3A_1034 = arith.extui %sign3A_1033 : i1 to i32
        %sign3A_1035 = arith.subi %sign3A_1031, %sign3A_1034 : i32
        %ne3A_1036 = arith.cmpi ne, %sign3A_1028, %sign3A_1035 : i32
        %rem3A_1037 = arith.remsi %select_n3A_1003, %jit3A_1020 : i32
        %ne3A_1038 = arith.constant 0 : i32
        %ne3A_1039 = arith.cmpi ne, %rem3A_1037, %ne3A_1038 : i32
        %and3A_1040 = arith.andi %ne3A_1036, %ne3A_1039 : i1
        %sub3A_1041 = arith.constant 1 : i32
        %sub3A_1042 = arith.subi %div3A_1021, %sub3A_1041 : i32
        %select_n3A_1043 = arith.select %and3A_1040, %sub3A_1042, %div3A_1021 : i32
        %jit3A_1044 = arith.constant 8 : i32
        %eq3A_1045 = arith.constant 0 : i32
        %eq3A_1046 = arith.cmpi eq, %jit3A_1044, %eq3A_1045 : i32
        %jit3A_1047 = arith.constant 1 : i32
        %select_n3A_1048 = arith.select %eq3A_1046, %jit3A_1047, %jit3A_1044 : i32
        %rem3A_1049 = arith.remsi %select_n3A_1003, %select_n3A_1048 : i32
        %ne3A_1050 = arith.constant 0 : i32
        %ne3A_1051 = arith.cmpi ne, %rem3A_1049, %ne3A_1050 : i32
        %lt3A_1052 = arith.constant 0 : i32
        %lt3A_1053 = arith.cmpi slt, %rem3A_1049, %lt3A_1052 : i32
        %lt3A_1054 = arith.constant 0 : i32
        %lt3A_1055 = arith.cmpi slt, %select_n3A_1048, %lt3A_1054 : i32
        %ne3A_1056 = arith.xori %lt3A_1053, %lt3A_1055 : i1
        %and3A_1057 = arith.andi %ne3A_1056, %ne3A_1051 : i1
        %add3A_1058 = arith.addi %rem3A_1049, %select_n3A_1048 : i32
        %select_n3A_1059 = arith.select %and3A_1057, %add3A_1058, %rem3A_1049 : i32
        %dma_start3A_1060 = arith.constant 1 : i32
        %dma_start3A_1061 = arith.constant 0 : i32
        %dma_start3A_1062 = tpu.memref_slice %arg5[%dma_start3A_1060, %dma_start3A_1061] : memref<4x128xi32, #tpu.memory_space<vmem>> -> memref<1x128xi32, #tpu.memory_space<vmem>>
        %dma_start3A_1063 = tpu.memref_squeeze %dma_start3A_1062 : memref<1x128xi32, #tpu.memory_space<vmem>> -> memref<128xi32, #tpu.memory_space<vmem>>
        %dma_start3A_1064 = arith.constant 0 : i32
        %dma_start3A_1065 = tpu.memref_slice %arg2[%select_n3A_1043, %select_n3A_1019, %select_n3A_1059, %dma_start3A_1064] : memref<25x32x8x128xi32, #tpu.memory_space<hbm>> -> memref<1x1x1x128xi32, #tpu.memory_space<hbm>>
        %dma_start3A_1066 = tpu.memref_squeeze %dma_start3A_1065 : memref<1x1x1x128xi32, #tpu.memory_space<hbm>> -> memref<128xi32, #tpu.memory_space<hbm>>
        %dma_start3A_1067 = arith.constant 0 : i32
        %dma_start3A_1068 = tpu.memref_slice %arg5[%dma_start3A_1060, %dma_start3A_1067] : memref<4x128xi32, #tpu.memory_space<vmem>> -> memref<1x128xi32, #tpu.memory_space<vmem>>
        %dma_start3A_1069 = tpu.memref_squeeze %dma_start3A_1068 : memref<1x128xi32, #tpu.memory_space<vmem>> -> memref<128xi32, #tpu.memory_space<vmem>>
        %dma_start3A_1070 = arith.constant 0 : i32
        %dma_start3A_1071 = tpu.memref_slice %arg2[%select_n3A_1043, %select_n3A_1019, %select_n3A_1059, %dma_start3A_1070] : memref<25x32x8x128xi32, #tpu.memory_space<hbm>> -> memref<1x1x1x128xi32, #tpu.memory_space<hbm>>
        %dma_start3A_1072 = tpu.memref_squeeze %dma_start3A_1071 : memref<1x1x1x128xi32, #tpu.memory_space<hbm>> -> memref<128xi32, #tpu.memory_space<hbm>>
        tpu.enqueue_dma source(%dma_start3A_1072 : memref<128xi32, #tpu.memory_space<hbm>>) target(%dma_start3A_1069 : memref<128xi32, #tpu.memory_space<vmem>>) target_semaphore(%arg9 : memref<!tpu.dma_semaphore, #tpu.memory_space<semaphore_mem>>)
      } else {
      }
      %ge3A_700 = arith.constant 4 : i32
      %ge3A_701 = arith.cmpi sge, %add3A_680, %ge3A_700 : i32
      %convert_element_type3A_702 = arith.extui %ge3A_701 : i1 to i32
      %cond3A_703 = arith.constant 0 : i32
      %cond3A_704 = arith.cmpi ne, %convert_element_type3A_702, %cond3A_703 : i32
      scf.if %cond3A_704 {
        %dma_wait3A_977 = arith.constant 1 : i32
        %dma_wait3A_978 = arith.constant 0 : i32
        %dma_wait3A_979 = arith.constant 0 : i32
        %dma_wait3A_980 = arith.constant 0 : i32
        %dma_wait3A_981 = arith.constant 0 : i32
        %dma_wait3A_982 = arith.constant 0 : i32
        %dma_wait3A_983 = tpu.memref_slice %arg7[%dma_wait3A_977, %dma_wait3A_980, %dma_wait3A_981, %dma_wait3A_982] : memref<4x4x8x129xf32, #tpu.memory_space<vmem>> -> memref<1x4x8x128xf32, #tpu.memory_space<vmem>>
        %dma_wait3A_984 = tpu.memref_squeeze %dma_wait3A_983 : memref<1x4x8x128xf32, #tpu.memory_space<vmem>> -> memref<4x8x128xf32, #tpu.memory_space<vmem>>
        %dma_wait3A_985 = arith.constant 0 : i32
        %dma_wait3A_986 = arith.constant 0 : i32
        %dma_wait3A_987 = arith.constant 0 : i32
        %dma_wait3A_988 = tpu.memref_slice %arg4[%dma_wait3A_978, %dma_wait3A_985, %dma_wait3A_979, %dma_wait3A_986, %dma_wait3A_987] : memref<200x4x32x8x128xf32, #tpu.memory_space<hbm>> -> memref<1x4x1x8x128xf32, #tpu.memory_space<hbm>>
        %dma_wait3A_989 = tpu.memref_squeeze %dma_wait3A_988 : memref<1x4x1x8x128xf32, #tpu.memory_space<hbm>> -> memref<4x8x128xf32, #tpu.memory_space<hbm>>
        %dma_wait3A_990 = arith.constant 0 : i32
        %dma_wait3A_991 = arith.constant 0 : i32
        %dma_wait3A_992 = arith.constant 0 : i32
        %dma_wait3A_993 = tpu.memref_slice %arg4[%dma_wait3A_978, %dma_wait3A_990, %dma_wait3A_979, %dma_wait3A_991, %dma_wait3A_992] : memref<200x4x32x8x128xf32, #tpu.memory_space<hbm>> -> memref<1x4x1x8x128xf32, #tpu.memory_space<hbm>>
        %dma_wait3A_994 = tpu.memref_squeeze %dma_wait3A_993 : memref<1x4x1x8x128xf32, #tpu.memory_space<hbm>> -> memref<4x8x128xf32, #tpu.memory_space<hbm>>
        %dma_wait3A_995 = arith.constant 0 : i32
        %dma_wait3A_996 = arith.constant 0 : i32
        %dma_wait3A_997 = arith.constant 0 : i32
        %dma_wait3A_998 = tpu.memref_slice %arg7[%dma_wait3A_977, %dma_wait3A_995, %dma_wait3A_996, %dma_wait3A_997] : memref<4x4x8x129xf32, #tpu.memory_space<vmem>> -> memref<1x4x8x128xf32, #tpu.memory_space<vmem>>
        %dma_wait3A_999 = tpu.memref_squeeze %dma_wait3A_998 : memref<1x4x8x128xf32, #tpu.memory_space<vmem>> -> memref<4x8x128xf32, #tpu.memory_space<vmem>>
        tpu.wait_dma2 semaphore(%arg17 : memref<!tpu.dma_semaphore, #tpu.memory_space<semaphore_mem>>) src(%dma_wait3A_999 : memref<4x8x128xf32, #tpu.memory_space<vmem>>) dst(%dma_wait3A_994 : memref<4x8x128xf32, #tpu.memory_space<hbm>>)
      } else {
      }
      %parallel_loop3A_705 = arith.constant 0 : i32
      %parallel_loop3A_706 = arith.constant 128 : i32
      %parallel_loop3A_707 = arith.constant 1 : i32
      scf.for %parallel_loop3A_977 = %parallel_loop3A_705 to %parallel_loop3A_706 step %parallel_loop3A_707  : i32 {
        %parallel_loop3A_978 = arith.constant 1 : i32
        %parallel_loop3A_979 = vector.broadcast %parallel_loop3A_978 : i32 to vector<16xi32>
        %parallel_loop3A_980 = vector.broadcast %parallel_loop3A_977 : i32 to vector<16xi32>
        %parallel_loop3A_981 = arith.muli %parallel_loop3A_979, %parallel_loop3A_980 : vector<16xi32>
        %parallel_loop3A_982 = arith.constant 1 : i32
        %parallel_loop3A_983 = arith.index_cast %parallel_loop3A_982 : i32 to index
        %parallel_loop3A_984 = arith.index_cast %parallel_loop3A_977 : i32 to index
        %parallel_loop3A_985 = arith.constant 0 : index
        %parallel_loop3A_986 = tpu.vector_load %arg6[%parallel_loop3A_983, %parallel_loop3A_984, %parallel_loop3A_985] {strides = array<i32>} : memref<4x128x32xf32, #tpu.memory_space<vmem>>, vector<16xf32>,
        %parallel_loop3A_987 = arith.constant 1 : i32
        %parallel_loop3A_988 = arith.index_cast %parallel_loop3A_987 : i32 to index
        %parallel_loop3A_989 = arith.index_cast %parallel_loop3A_977 : i32 to index
        %parallel_loop3A_990 = arith.constant 16 : index
        %parallel_loop3A_991 = tpu.vector_load %arg6[%parallel_loop3A_988, %parallel_loop3A_989, %parallel_loop3A_990] {strides = array<i32>} : memref<4x128x32xf32, #tpu.memory_space<vmem>>, vector<16xf32>,
        %parallel_loop3A_992 = arith.constant 1 : i32
        %parallel_loop3A_993 = arith.constant 0 : i32
        %parallel_loop3A_994 = arith.constant 0 : i32
        %parallel_loop3A_995 = arith.constant 0 : i32
        %parallel_loop3A_996 = tpu.memref_slice %arg7[%parallel_loop3A_992, %parallel_loop3A_993, %parallel_loop3A_994, %parallel_loop3A_995] : memref<4x4x8x129xf32, #tpu.memory_space<vmem>> -> memref<1x4x8x129xf32, #tpu.memory_space<vmem>>
        %parallel_loop3A_997 = tpu.memref_squeeze %parallel_loop3A_996 : memref<1x4x8x129xf32, #tpu.memory_space<vmem>> -> memref<4x8x129xf32, #tpu.memory_space<vmem>>
        tpu.vector_store_idx %parallel_loop3A_997[%select_n3A, %select_n3A_45, %parallel_loop3A_981], %parallel_loop3A_986 : memref<4x8x129xf32, #tpu.memory_space<vmem>>[vector<16xi32>, vector<16xi32>, vector<16xi32>], vector<16xf32>,
        %parallel_loop3A_998 = arith.constant 1 : i32
        %parallel_loop3A_999 = arith.constant 0 : i32
        %parallel_loop3A_1000 = arith.constant 0 : i32
        %parallel_loop3A_1001 = arith.constant 0 : i32
        %parallel_loop3A_1002 = tpu.memref_slice %arg7[%parallel_loop3A_998, %parallel_loop3A_999, %parallel_loop3A_1000, %parallel_loop3A_1001] : memref<4x4x8x129xf32, #tpu.memory_space<vmem>> -> memref<1x4x8x129xf32, #tpu.memory_space<vmem>>
        %parallel_loop3A_1003 = tpu.memref_squeeze %parallel_loop3A_1002 : memref<1x4x8x129xf32, #tpu.memory_space<vmem>> -> memref<4x8x129xf32, #tpu.memory_space<vmem>>
        tpu.vector_store_idx %parallel_loop3A_1003[%add3A_48, %select_n3A_45, %parallel_loop3A_981], %parallel_loop3A_991 : memref<4x8x129xf32, #tpu.memory_space<vmem>>[vector<16xi32>, vector<16xi32>, vector<16xi32>], vector<16xf32>,
      } {sc.loop_unroll_factor = 4 : i64, sc.parallel_access}
      %add3A_708 = arith.addi %mul3A_2, %add3A_680 : i32
      %jit3A_709 = arith.constant 32 : i32
      %div3A_710 = arith.divsi %add3A_708, %jit3A_709 : i32
      %sign3A_711 = arith.constant 0 : i32
      %sign3A_712 = arith.cmpi sgt, %add3A_708, %sign3A_711 : i32
      %sign3A_713 = arith.extui %sign3A_712 : i1 to i32
      %sign3A_714 = arith.constant 0 : i32
      %sign3A_715 = arith.cmpi slt, %add3A_708, %sign3A_714 : i32
      %sign3A_716 = arith.extui %sign3A_715 : i1 to i32
      %sign3A_717 = arith.subi %sign3A_713, %sign3A_716 : i32
      %sign3A_718 = arith.constant 0 : i32
      %sign3A_719 = arith.cmpi sgt, %jit3A_709, %sign3A_718 : i32
      %sign3A_720 = arith.extui %sign3A_719 : i1 to i32
      %sign3A_721 = arith.constant 0 : i32
      %sign3A_722 = arith.cmpi slt, %jit3A_709, %sign3A_721 : i32
      %sign3A_723 = arith.extui %sign3A_722 : i1 to i32
      %sign3A_724 = arith.subi %sign3A_720, %sign3A_723 : i32
      %ne3A_725 = arith.cmpi ne, %sign3A_717, %sign3A_724 : i32
      %rem3A_726 = arith.remsi %add3A_708, %jit3A_709 : i32
      %ne3A_727 = arith.constant 0 : i32
      %ne3A_728 = arith.cmpi ne, %rem3A_726, %ne3A_727 : i32
      %and3A_729 = arith.andi %ne3A_725, %ne3A_728 : i1
      %sub3A_730 = arith.constant 1 : i32
      %sub3A_731 = arith.subi %div3A_710, %sub3A_730 : i32
      %select_n3A_732 = arith.select %and3A_729, %sub3A_731, %div3A_710 : i32
      %jit3A_733 = arith.constant 32 : i32
      %eq3A_734 = arith.constant 0 : i32
      %eq3A_735 = arith.cmpi eq, %jit3A_733, %eq3A_734 : i32
      %jit3A_736 = arith.constant 1 : i32
      %select_n3A_737 = arith.select %eq3A_735, %jit3A_736, %jit3A_733 : i32
      %rem3A_738 = arith.remsi %add3A_708, %select_n3A_737 : i32
      %ne3A_739 = arith.constant 0 : i32
      %ne3A_740 = arith.cmpi ne, %rem3A_738, %ne3A_739 : i32
      %lt3A_741 = arith.constant 0 : i32
      %lt3A_742 = arith.cmpi slt, %rem3A_738, %lt3A_741 : i32
      %lt3A_743 = arith.constant 0 : i32
      %lt3A_744 = arith.cmpi slt, %select_n3A_737, %lt3A_743 : i32
      %ne3A_745 = arith.xori %lt3A_742, %lt3A_744 : i1
      %and3A_746 = arith.andi %ne3A_745, %ne3A_740 : i1
      %add3A_747 = arith.addi %rem3A_738, %select_n3A_737 : i32
      %select_n3A_748 = arith.select %and3A_746, %add3A_747, %rem3A_738 : i32
      %dma_start3A_749 = arith.constant 1 : i32
      %dma_start3A_750 = arith.constant 0 : i32
      %dma_start3A_751 = arith.constant 0 : i32
      %dma_start3A_752 = arith.constant 0 : i32
      %dma_start3A_753 = tpu.memref_slice %arg7[%dma_start3A_749, %dma_start3A_750, %dma_start3A_751, %dma_start3A_752] : memref<4x4x8x129xf32, #tpu.memory_space<vmem>> -> memref<1x4x8x128xf32, #tpu.memory_space<vmem>>
      %dma_start3A_754 = tpu.memref_squeeze %dma_start3A_753 : memref<1x4x8x128xf32, #tpu.memory_space<vmem>> -> memref<4x8x128xf32, #tpu.memory_space<vmem>>
      %dma_start3A_755 = arith.constant 0 : i32
      %dma_start3A_756 = arith.constant 0 : i32
      %dma_start3A_757 = arith.constant 0 : i32
      %dma_start3A_758 = tpu.memref_slice %arg4[%select_n3A_732, %dma_start3A_755, %select_n3A_748, %dma_start3A_756, %dma_start3A_757] : memref<200x4x32x8x128xf32, #tpu.memory_space<hbm>> -> memref<1x4x1x8x128xf32, #tpu.memory_space<hbm>>
      %dma_start3A_759 = tpu.memref_squeeze %dma_start3A_758 : memref<1x4x1x8x128xf32, #tpu.memory_space<hbm>> -> memref<4x8x128xf32, #tpu.memory_space<hbm>>
      %dma_start3A_760 = arith.constant 0 : i32
      %dma_start3A_761 = arith.constant 0 : i32
      %dma_start3A_762 = arith.constant 0 : i32
      %dma_start3A_763 = tpu.memref_slice %arg4[%select_n3A_732, %dma_start3A_760, %select_n3A_748, %dma_start3A_761, %dma_start3A_762] : memref<200x4x32x8x128xf32, #tpu.memory_space<hbm>> -> memref<1x4x1x8x128xf32, #tpu.memory_space<hbm>>
      %dma_start3A_764 = tpu.memref_squeeze %dma_start3A_763 : memref<1x4x1x8x128xf32, #tpu.memory_space<hbm>> -> memref<4x8x128xf32, #tpu.memory_space<hbm>>
      %dma_start3A_765 = arith.constant 0 : i32
      %dma_start3A_766 = arith.constant 0 : i32
      %dma_start3A_767 = arith.constant 0 : i32
      %dma_start3A_768 = tpu.memref_slice %arg7[%dma_start3A_749, %dma_start3A_765, %dma_start3A_766, %dma_start3A_767] : memref<4x4x8x129xf32, #tpu.memory_space<vmem>> -> memref<1x4x8x128xf32, #tpu.memory_space<vmem>>
      %dma_start3A_769 = tpu.memref_squeeze %dma_start3A_768 : memref<1x4x8x128xf32, #tpu.memory_space<vmem>> -> memref<4x8x128xf32, #tpu.memory_space<vmem>>
      tpu.enqueue_dma source(%dma_start3A_769 : memref<4x8x128xf32, #tpu.memory_space<vmem>>) target(%dma_start3A_764 : memref<4x8x128xf32, #tpu.memory_space<hbm>>) target_semaphore(%arg17 : memref<!tpu.dma_semaphore, #tpu.memory_space<semaphore_mem>>)
      %add3A_770 = arith.constant 2 : i32
      %add3A_771 = arith.addi %add3A_680, %add3A_770 : i32
      %lt3A_772 = arith.constant 200 : i32
      %lt3A_773 = arith.cmpi slt, %add3A_771, %lt3A_772 : i32
      %convert_element_type3A_774 = arith.extui %lt3A_773 : i1 to i32
      %cond3A_775 = arith.constant 0 : i32
      %cond3A_776 = arith.cmpi ne, %convert_element_type3A_774, %cond3A_775 : i32
      scf.if %cond3A_776 {
        %dma_wait3A_977 = arith.constant 0 : i32
        %dma_wait3A_978 = arith.constant 0 : i32
        %dma_wait3A_979 = arith.constant 0 : i32
        %dma_wait3A_980 = arith.constant 3 : i32
        %dma_wait3A_981 = arith.constant 0 : i32
        %dma_wait3A_982 = tpu.memref_slice %arg5[%dma_wait3A_980, %dma_wait3A_981] : memref<4x128xi32, #tpu.memory_space<vmem>> -> memref<1x128xi32, #tpu.memory_space<vmem>>
        %dma_wait3A_983 = tpu.memref_squeeze %dma_wait3A_982 : memref<1x128xi32, #tpu.memory_space<vmem>> -> memref<128xi32, #tpu.memory_space<vmem>>
        %dma_wait3A_984 = arith.constant 0 : i32
        %dma_wait3A_985 = tpu.memref_slice %arg2[%dma_wait3A_977, %dma_wait3A_978, %dma_wait3A_979, %dma_wait3A_984] : memref<25x32x8x128xi32, #tpu.memory_space<hbm>> -> memref<1x1x1x128xi32, #tpu.memory_space<hbm>>
        %dma_wait3A_986 = tpu.memref_squeeze %dma_wait3A_985 : memref<1x1x1x128xi32, #tpu.memory_space<hbm>> -> memref<128xi32, #tpu.memory_space<hbm>>
        %dma_wait3A_987 = arith.constant 0 : i32
        %dma_wait3A_988 = tpu.memref_slice %arg5[%dma_wait3A_980, %dma_wait3A_987] : memref<4x128xi32, #tpu.memory_space<vmem>> -> memref<1x128xi32, #tpu.memory_space<vmem>>
        %dma_wait3A_989 = tpu.memref_squeeze %dma_wait3A_988 : memref<1x128xi32, #tpu.memory_space<vmem>> -> memref<128xi32, #tpu.memory_space<vmem>>
        %dma_wait3A_990 = arith.constant 0 : i32
        %dma_wait3A_991 = tpu.memref_slice %arg2[%dma_wait3A_977, %dma_wait3A_978, %dma_wait3A_979, %dma_wait3A_990] : memref<25x32x8x128xi32, #tpu.memory_space<hbm>> -> memref<1x1x1x128xi32, #tpu.memory_space<hbm>>
        %dma_wait3A_992 = tpu.memref_squeeze %dma_wait3A_991 : memref<1x1x1x128xi32, #tpu.memory_space<hbm>> -> memref<128xi32, #tpu.memory_space<hbm>>
        tpu.wait_dma2 semaphore(%arg11 : memref<!tpu.dma_semaphore, #tpu.memory_space<semaphore_mem>>) src(%dma_wait3A_992 : memref<128xi32, #tpu.memory_space<hbm>>) dst(%dma_wait3A_989 : memref<128xi32, #tpu.memory_space<vmem>>)
        %dma_start3A_993 = arith.constant 3 : i32
        %dma_start3A_994 = arith.constant 3 : i32
        %dma_start3A_995 = arith.constant 0 : i32
        %dma_start3A_996 = arith.constant 0 : i32
        %dma_start3A_997 = tpu.memref_slice %arg6[%dma_start3A_994, %dma_start3A_995, %dma_start3A_996] : memref<4x128x32xf32, #tpu.memory_space<vmem>> -> memref<1x128x32xf32, #tpu.memory_space<vmem>>
        %dma_start3A_998 = tpu.memref_squeeze %dma_start3A_997 : memref<1x128x32xf32, #tpu.memory_space<vmem>> -> memref<128x32xf32, #tpu.memory_space<vmem>>
        %dma_start3A_999 = arith.constant 0 : i32
        %dma_start3A_1000 = tpu.memref_slice %arg5[%dma_start3A_993, %dma_start3A_999] : memref<4x128xi32, #tpu.memory_space<vmem>> -> memref<1x128xi32, #tpu.memory_space<vmem>>
        %dma_start3A_1001 = tpu.memref_squeeze %dma_start3A_1000 : memref<1x128xi32, #tpu.memory_space<vmem>> -> memref<128xi32, #tpu.memory_space<vmem>>
        %dma_start3A_1002 = arith.constant 0 : i32
        %dma_start3A_1003 = arith.constant 0 : i32
        %dma_start3A_1004 = tpu.memref_slice %arg3[%dma_start3A_1002, %dma_start3A_1003] : memref<1000064x32xf32, #tpu.memory_space<hbm>> -> memref<1000064x32xf32, #tpu.memory_space<hbm>>
        tpu.enqueue_indirect_dma source(%dma_start3A_1004 : memref<1000064x32xf32, #tpu.memory_space<hbm>>) target(%dma_start3A_998 : memref<128x32xf32, #tpu.memory_space<vmem>>) offsets(%dma_start3A_1001 : memref<128xi32, #tpu.memory_space<vmem>>) semaphore(%arg15 : memref<!tpu.dma_semaphore, #tpu.memory_space<semaphore_mem>>)
      } else {
      }
      %mul3A_777 = arith.constant 4 : i32
      %mul3A_778 = arith.muli %mul3A_777, %scan3A_580 : i32
      %add3A_779 = arith.constant 2 : i32
      %add3A_780 = arith.addi %mul3A_778, %add3A_779 : i32
      %dma_wait3A_781 = arith.constant 2 : i32
      %dma_wait3A_782 = arith.constant 2 : i32
      %dma_wait3A_783 = arith.constant 0 : i32
      %dma_wait3A_784 = arith.constant 0 : i32
      %dma_wait3A_785 = tpu.memref_slice %arg6[%dma_wait3A_782, %dma_wait3A_783, %dma_wait3A_784] : memref<4x128x32xf32, #tpu.memory_space<vmem>> -> memref<1x128x32xf32, #tpu.memory_space<vmem>>
      %dma_wait3A_786 = tpu.memref_squeeze %dma_wait3A_785 : memref<1x128x32xf32, #tpu.memory_space<vmem>> -> memref<128x32xf32, #tpu.memory_space<vmem>>
      %dma_wait3A_787 = arith.constant 0 : i32
      %dma_wait3A_788 = tpu.memref_slice %arg5[%dma_wait3A_781, %dma_wait3A_787] : memref<4x128xi32, #tpu.memory_space<vmem>> -> memref<1x128xi32, #tpu.memory_space<vmem>>
      %dma_wait3A_789 = tpu.memref_squeeze %dma_wait3A_788 : memref<1x128xi32, #tpu.memory_space<vmem>> -> memref<128xi32, #tpu.memory_space<vmem>>
      %dma_wait3A_790 = arith.constant 0 : i32
      %dma_wait3A_791 = arith.constant 0 : i32
      %dma_wait3A_792 = tpu.memref_slice %arg3[%dma_wait3A_790, %dma_wait3A_791] : memref<1000064x32xf32, #tpu.memory_space<hbm>> -> memref<1000064x32xf32, #tpu.memory_space<hbm>>
      tpu.wait_indirect_dma semaphore(%arg14 : memref<!tpu.dma_semaphore, #tpu.memory_space<semaphore_mem>>) src(%dma_wait3A_792 : memref<1000064x32xf32, #tpu.memory_space<hbm>>) dst(%dma_wait3A_786 : memref<128x32xf32, #tpu.memory_space<vmem>>)
      %add3A_793 = arith.constant 4 : i32
      %add3A_794 = arith.addi %add3A_780, %add3A_793 : i32
      %lt3A_795 = arith.constant 200 : i32
      %lt3A_796 = arith.cmpi slt, %add3A_794, %lt3A_795 : i32
      %convert_element_type3A_797 = arith.extui %lt3A_796 : i1 to i32
      %cond3A_798 = arith.constant 0 : i32
      %cond3A_799 = arith.cmpi ne, %convert_element_type3A_797, %cond3A_798 : i32
      scf.if %cond3A_799 {
        %add3A_977 = arith.constant 4 : i32
        %add3A_978 = arith.addi %add3A_780, %add3A_977 : i32
        %add3A_979 = arith.addi %mul3A_2, %add3A_978 : i32
        %jit3A_980 = arith.constant 32 : i32
        %div3A_981 = arith.divsi %add3A_979, %jit3A_980 : i32
        %sign3A_982 = arith.constant 0 : i32
        %sign3A_983 = arith.cmpi sgt, %add3A_979, %sign3A_982 : i32
        %sign3A_984 = arith.extui %sign3A_983 : i1 to i32
        %sign3A_985 = arith.constant 0 : i32
        %sign3A_986 = arith.cmpi slt, %add3A_979, %sign3A_985 : i32
        %sign3A_987 = arith.extui %sign3A_986 : i1 to i32
        %sign3A_988 = arith.subi %sign3A_984, %sign3A_987 : i32
        %sign3A_989 = arith.constant 0 : i32
        %sign3A_990 = arith.cmpi sgt, %jit3A_980, %sign3A_989 : i32
        %sign3A_991 = arith.extui %sign3A_990 : i1 to i32
        %sign3A_992 = arith.constant 0 : i32
        %sign3A_993 = arith.cmpi slt, %jit3A_980, %sign3A_992 : i32
        %sign3A_994 = arith.extui %sign3A_993 : i1 to i32
        %sign3A_995 = arith.subi %sign3A_991, %sign3A_994 : i32
        %ne3A_996 = arith.cmpi ne, %sign3A_988, %sign3A_995 : i32
        %rem3A_997 = arith.remsi %add3A_979, %jit3A_980 : i32
        %ne3A_998 = arith.constant 0 : i32
        %ne3A_999 = arith.cmpi ne, %rem3A_997, %ne3A_998 : i32
        %and3A_1000 = arith.andi %ne3A_996, %ne3A_999 : i1
        %sub3A_1001 = arith.constant 1 : i32
        %sub3A_1002 = arith.subi %div3A_981, %sub3A_1001 : i32
        %select_n3A_1003 = arith.select %and3A_1000, %sub3A_1002, %div3A_981 : i32
        %jit3A_1004 = arith.constant 32 : i32
        %eq3A_1005 = arith.constant 0 : i32
        %eq3A_1006 = arith.cmpi eq, %jit3A_1004, %eq3A_1005 : i32
        %jit3A_1007 = arith.constant 1 : i32
        %select_n3A_1008 = arith.select %eq3A_1006, %jit3A_1007, %jit3A_1004 : i32
        %rem3A_1009 = arith.remsi %add3A_979, %select_n3A_1008 : i32
        %ne3A_1010 = arith.constant 0 : i32
        %ne3A_1011 = arith.cmpi ne, %rem3A_1009, %ne3A_1010 : i32
        %lt3A_1012 = arith.constant 0 : i32
        %lt3A_1013 = arith.cmpi slt, %rem3A_1009, %lt3A_1012 : i32
        %lt3A_1014 = arith.constant 0 : i32
        %lt3A_1015 = arith.cmpi slt, %select_n3A_1008, %lt3A_1014 : i32
        %ne3A_1016 = arith.xori %lt3A_1013, %lt3A_1015 : i1
        %and3A_1017 = arith.andi %ne3A_1016, %ne3A_1011 : i1
        %add3A_1018 = arith.addi %rem3A_1009, %select_n3A_1008 : i32
        %select_n3A_1019 = arith.select %and3A_1017, %add3A_1018, %rem3A_1009 : i32
        %jit3A_1020 = arith.constant 8 : i32
        %div3A_1021 = arith.divsi %select_n3A_1003, %jit3A_1020 : i32
        %sign3A_1022 = arith.constant 0 : i32
        %sign3A_1023 = arith.cmpi sgt, %select_n3A_1003, %sign3A_1022 : i32
        %sign3A_1024 = arith.extui %sign3A_1023 : i1 to i32
        %sign3A_1025 = arith.constant 0 : i32
        %sign3A_1026 = arith.cmpi slt, %select_n3A_1003, %sign3A_1025 : i32
        %sign3A_1027 = arith.extui %sign3A_1026 : i1 to i32
        %sign3A_1028 = arith.subi %sign3A_1024, %sign3A_1027 : i32
        %sign3A_1029 = arith.constant 0 : i32
        %sign3A_1030 = arith.cmpi sgt, %jit3A_1020, %sign3A_1029 : i32
        %sign3A_1031 = arith.extui %sign3A_1030 : i1 to i32
        %sign3A_1032 = arith.constant 0 : i32
        %sign3A_1033 = arith.cmpi slt, %jit3A_1020, %sign3A_1032 : i32
        %sign3A_1034 = arith.extui %sign3A_1033 : i1 to i32
        %sign3A_1035 = arith.subi %sign3A_1031, %sign3A_1034 : i32
        %ne3A_1036 = arith.cmpi ne, %sign3A_1028, %sign3A_1035 : i32
        %rem3A_1037 = arith.remsi %select_n3A_1003, %jit3A_1020 : i32
        %ne3A_1038 = arith.constant 0 : i32
        %ne3A_1039 = arith.cmpi ne, %rem3A_1037, %ne3A_1038 : i32
        %and3A_1040 = arith.andi %ne3A_1036, %ne3A_1039 : i1
        %sub3A_1041 = arith.constant 1 : i32
        %sub3A_1042 = arith.subi %div3A_1021, %sub3A_1041 : i32
        %select_n3A_1043 = arith.select %and3A_1040, %sub3A_1042, %div3A_1021 : i32
        %jit3A_1044 = arith.constant 8 : i32
        %eq3A_1045 = arith.constant 0 : i32
        %eq3A_1046 = arith.cmpi eq, %jit3A_1044, %eq3A_1045 : i32
        %jit3A_1047 = arith.constant 1 : i32
        %select_n3A_1048 = arith.select %eq3A_1046, %jit3A_1047, %jit3A_1044 : i32
        %rem3A_1049 = arith.remsi %select_n3A_1003, %select_n3A_1048 : i32
        %ne3A_1050 = arith.constant 0 : i32
        %ne3A_1051 = arith.cmpi ne, %rem3A_1049, %ne3A_1050 : i32
        %lt3A_1052 = arith.constant 0 : i32
        %lt3A_1053 = arith.cmpi slt, %rem3A_1049, %lt3A_1052 : i32
        %lt3A_1054 = arith.constant 0 : i32
        %lt3A_1055 = arith.cmpi slt, %select_n3A_1048, %lt3A_1054 : i32
        %ne3A_1056 = arith.xori %lt3A_1053, %lt3A_1055 : i1
        %and3A_1057 = arith.andi %ne3A_1056, %ne3A_1051 : i1
        %add3A_1058 = arith.addi %rem3A_1049, %select_n3A_1048 : i32
        %select_n3A_1059 = arith.select %and3A_1057, %add3A_1058, %rem3A_1049 : i32
        %dma_start3A_1060 = arith.constant 2 : i32
        %dma_start3A_1061 = arith.constant 0 : i32
        %dma_start3A_1062 = tpu.memref_slice %arg5[%dma_start3A_1060, %dma_start3A_1061] : memref<4x128xi32, #tpu.memory_space<vmem>> -> memref<1x128xi32, #tpu.memory_space<vmem>>
        %dma_start3A_1063 = tpu.memref_squeeze %dma_start3A_1062 : memref<1x128xi32, #tpu.memory_space<vmem>> -> memref<128xi32, #tpu.memory_space<vmem>>
        %dma_start3A_1064 = arith.constant 0 : i32
        %dma_start3A_1065 = tpu.memref_slice %arg2[%select_n3A_1043, %select_n3A_1019, %select_n3A_1059, %dma_start3A_1064] : memref<25x32x8x128xi32, #tpu.memory_space<hbm>> -> memref<1x1x1x128xi32, #tpu.memory_space<hbm>>
        %dma_start3A_1066 = tpu.memref_squeeze %dma_start3A_1065 : memref<1x1x1x128xi32, #tpu.memory_space<hbm>> -> memref<128xi32, #tpu.memory_space<hbm>>
        %dma_start3A_1067 = arith.constant 0 : i32
        %dma_start3A_1068 = tpu.memref_slice %arg5[%dma_start3A_1060, %dma_start3A_1067] : memref<4x128xi32, #tpu.memory_space<vmem>> -> memref<1x128xi32, #tpu.memory_space<vmem>>
        %dma_start3A_1069 = tpu.memref_squeeze %dma_start3A_1068 : memref<1x128xi32, #tpu.memory_space<vmem>> -> memref<128xi32, #tpu.memory_space<vmem>>
        %dma_start3A_1070 = arith.constant 0 : i32
        %dma_start3A_1071 = tpu.memref_slice %arg2[%select_n3A_1043, %select_n3A_1019, %select_n3A_1059, %dma_start3A_1070] : memref<25x32x8x128xi32, #tpu.memory_space<hbm>> -> memref<1x1x1x128xi32, #tpu.memory_space<hbm>>
        %dma_start3A_1072 = tpu.memref_squeeze %dma_start3A_1071 : memref<1x1x1x128xi32, #tpu.memory_space<hbm>> -> memref<128xi32, #tpu.memory_space<hbm>>
        tpu.enqueue_dma source(%dma_start3A_1072 : memref<128xi32, #tpu.memory_space<hbm>>) target(%dma_start3A_1069 : memref<128xi32, #tpu.memory_space<vmem>>) target_semaphore(%arg10 : memref<!tpu.dma_semaphore, #tpu.memory_space<semaphore_mem>>)
      } else {
      }
      %ge3A_800 = arith.constant 4 : i32
      %ge3A_801 = arith.cmpi sge, %add3A_780, %ge3A_800 : i32
      %convert_element_type3A_802 = arith.extui %ge3A_801 : i1 to i32
      %cond3A_803 = arith.constant 0 : i32
      %cond3A_804 = arith.cmpi ne, %convert_element_type3A_802, %cond3A_803 : i32
      scf.if %cond3A_804 {
        %dma_wait3A_977 = arith.constant 2 : i32
        %dma_wait3A_978 = arith.constant 0 : i32
        %dma_wait3A_979 = arith.constant 0 : i32
        %dma_wait3A_980 = arith.constant 0 : i32
        %dma_wait3A_981 = arith.constant 0 : i32
        %dma_wait3A_982 = arith.constant 0 : i32
        %dma_wait3A_983 = tpu.memref_slice %arg7[%dma_wait3A_977, %dma_wait3A_980, %dma_wait3A_981, %dma_wait3A_982] : memref<4x4x8x129xf32, #tpu.memory_space<vmem>> -> memref<1x4x8x128xf32, #tpu.memory_space<vmem>>
        %dma_wait3A_984 = tpu.memref_squeeze %dma_wait3A_983 : memref<1x4x8x128xf32, #tpu.memory_space<vmem>> -> memref<4x8x128xf32, #tpu.memory_space<vmem>>
        %dma_wait3A_985 = arith.constant 0 : i32
        %dma_wait3A_986 = arith.constant 0 : i32
        %dma_wait3A_987 = arith.constant 0 : i32
        %dma_wait3A_988 = tpu.memref_slice %arg4[%dma_wait3A_978, %dma_wait3A_985, %dma_wait3A_979, %dma_wait3A_986, %dma_wait3A_987] : memref<200x4x32x8x128xf32, #tpu.memory_space<hbm>> -> memref<1x4x1x8x128xf32, #tpu.memory_space<hbm>>
        %dma_wait3A_989 = tpu.memref_squeeze %dma_wait3A_988 : memref<1x4x1x8x128xf32, #tpu.memory_space<hbm>> -> memref<4x8x128xf32, #tpu.memory_space<hbm>>
        %dma_wait3A_990 = arith.constant 0 : i32
        %dma_wait3A_991 = arith.constant 0 : i32
        %dma_wait3A_992 = arith.constant 0 : i32
        %dma_wait3A_993 = tpu.memref_slice %arg4[%dma_wait3A_978, %dma_wait3A_990, %dma_wait3A_979, %dma_wait3A_991, %dma_wait3A_992] : memref<200x4x32x8x128xf32, #tpu.memory_space<hbm>> -> memref<1x4x1x8x128xf32, #tpu.memory_space<hbm>>
        %dma_wait3A_994 = tpu.memref_squeeze %dma_wait3A_993 : memref<1x4x1x8x128xf32, #tpu.memory_space<hbm>> -> memref<4x8x128xf32, #tpu.memory_space<hbm>>
        %dma_wait3A_995 = arith.constant 0 : i32
        %dma_wait3A_996 = arith.constant 0 : i32
        %dma_wait3A_997 = arith.constant 0 : i32
        %dma_wait3A_998 = tpu.memref_slice %arg7[%dma_wait3A_977, %dma_wait3A_995, %dma_wait3A_996, %dma_wait3A_997] : memref<4x4x8x129xf32, #tpu.memory_space<vmem>> -> memref<1x4x8x128xf32, #tpu.memory_space<vmem>>
        %dma_wait3A_999 = tpu.memref_squeeze %dma_wait3A_998 : memref<1x4x8x128xf32, #tpu.memory_space<vmem>> -> memref<4x8x128xf32, #tpu.memory_space<vmem>>
        tpu.wait_dma2 semaphore(%arg18 : memref<!tpu.dma_semaphore, #tpu.memory_space<semaphore_mem>>) src(%dma_wait3A_999 : memref<4x8x128xf32, #tpu.memory_space<vmem>>) dst(%dma_wait3A_994 : memref<4x8x128xf32, #tpu.memory_space<hbm>>)
      } else {
      }
      %parallel_loop3A_805 = arith.constant 0 : i32
      %parallel_loop3A_806 = arith.constant 128 : i32
      %parallel_loop3A_807 = arith.constant 1 : i32
      scf.for %parallel_loop3A_977 = %parallel_loop3A_805 to %parallel_loop3A_806 step %parallel_loop3A_807  : i32 {
        %parallel_loop3A_978 = arith.constant 1 : i32
        %parallel_loop3A_979 = vector.broadcast %parallel_loop3A_978 : i32 to vector<16xi32>
        %parallel_loop3A_980 = vector.broadcast %parallel_loop3A_977 : i32 to vector<16xi32>
        %parallel_loop3A_981 = arith.muli %parallel_loop3A_979, %parallel_loop3A_980 : vector<16xi32>
        %parallel_loop3A_982 = arith.constant 2 : i32
        %parallel_loop3A_983 = arith.index_cast %parallel_loop3A_982 : i32 to index
        %parallel_loop3A_984 = arith.index_cast %parallel_loop3A_977 : i32 to index
        %parallel_loop3A_985 = arith.constant 0 : index
        %parallel_loop3A_986 = tpu.vector_load %arg6[%parallel_loop3A_983, %parallel_loop3A_984, %parallel_loop3A_985] {strides = array<i32>} : memref<4x128x32xf32, #tpu.memory_space<vmem>>, vector<16xf32>,
        %parallel_loop3A_987 = arith.constant 2 : i32
        %parallel_loop3A_988 = arith.index_cast %parallel_loop3A_987 : i32 to index
        %parallel_loop3A_989 = arith.index_cast %parallel_loop3A_977 : i32 to index
        %parallel_loop3A_990 = arith.constant 16 : index
        %parallel_loop3A_991 = tpu.vector_load %arg6[%parallel_loop3A_988, %parallel_loop3A_989, %parallel_loop3A_990] {strides = array<i32>} : memref<4x128x32xf32, #tpu.memory_space<vmem>>, vector<16xf32>,
        %parallel_loop3A_992 = arith.constant 2 : i32
        %parallel_loop3A_993 = arith.constant 0 : i32
        %parallel_loop3A_994 = arith.constant 0 : i32
        %parallel_loop3A_995 = arith.constant 0 : i32
        %parallel_loop3A_996 = tpu.memref_slice %arg7[%parallel_loop3A_992, %parallel_loop3A_993, %parallel_loop3A_994, %parallel_loop3A_995] : memref<4x4x8x129xf32, #tpu.memory_space<vmem>> -> memref<1x4x8x129xf32, #tpu.memory_space<vmem>>
        %parallel_loop3A_997 = tpu.memref_squeeze %parallel_loop3A_996 : memref<1x4x8x129xf32, #tpu.memory_space<vmem>> -> memref<4x8x129xf32, #tpu.memory_space<vmem>>
        tpu.vector_store_idx %parallel_loop3A_997[%select_n3A, %select_n3A_45, %parallel_loop3A_981], %parallel_loop3A_986 : memref<4x8x129xf32, #tpu.memory_space<vmem>>[vector<16xi32>, vector<16xi32>, vector<16xi32>], vector<16xf32>,
        %parallel_loop3A_998 = arith.constant 2 : i32
        %parallel_loop3A_999 = arith.constant 0 : i32
        %parallel_loop3A_1000 = arith.constant 0 : i32
        %parallel_loop3A_1001 = arith.constant 0 : i32
        %parallel_loop3A_1002 = tpu.memref_slice %arg7[%parallel_loop3A_998, %parallel_loop3A_999, %parallel_loop3A_1000, %parallel_loop3A_1001] : memref<4x4x8x129xf32, #tpu.memory_space<vmem>> -> memref<1x4x8x129xf32, #tpu.memory_space<vmem>>
        %parallel_loop3A_1003 = tpu.memref_squeeze %parallel_loop3A_1002 : memref<1x4x8x129xf32, #tpu.memory_space<vmem>> -> memref<4x8x129xf32, #tpu.memory_space<vmem>>
        tpu.vector_store_idx %parallel_loop3A_1003[%add3A_48, %select_n3A_45, %parallel_loop3A_981], %parallel_loop3A_991 : memref<4x8x129xf32, #tpu.memory_space<vmem>>[vector<16xi32>, vector<16xi32>, vector<16xi32>], vector<16xf32>,
      } {sc.loop_unroll_factor = 4 : i64, sc.parallel_access}
      %add3A_808 = arith.addi %mul3A_2, %add3A_780 : i32
      %jit3A_809 = arith.constant 32 : i32
      %div3A_810 = arith.divsi %add3A_808, %jit3A_809 : i32
      %sign3A_811 = arith.constant 0 : i32
      %sign3A_812 = arith.cmpi sgt, %add3A_808, %sign3A_811 : i32
      %sign3A_813 = arith.extui %sign3A_812 : i1 to i32
      %sign3A_814 = arith.constant 0 : i32
      %sign3A_815 = arith.cmpi slt, %add3A_808, %sign3A_814 : i32
      %sign3A_816 = arith.extui %sign3A_815 : i1 to i32
      %sign3A_817 = arith.subi %sign3A_813, %sign3A_816 : i32
      %sign3A_818 = arith.constant 0 : i32
      %sign3A_819 = arith.cmpi sgt, %jit3A_809, %sign3A_818 : i32
      %sign3A_820 = arith.extui %sign3A_819 : i1 to i32
      %sign3A_821 = arith.constant 0 : i32
      %sign3A_822 = arith.cmpi slt, %jit3A_809, %sign3A_821 : i32
      %sign3A_823 = arith.extui %sign3A_822 : i1 to i32
      %sign3A_824 = arith.subi %sign3A_820, %sign3A_823 : i32
      %ne3A_825 = arith.cmpi ne, %sign3A_817, %sign3A_824 : i32
      %rem3A_826 = arith.remsi %add3A_808, %jit3A_809 : i32
      %ne3A_827 = arith.constant 0 : i32
      %ne3A_828 = arith.cmpi ne, %rem3A_826, %ne3A_827 : i32
      %and3A_829 = arith.andi %ne3A_825, %ne3A_828 : i1
      %sub3A_830 = arith.constant 1 : i32
      %sub3A_831 = arith.subi %div3A_810, %sub3A_830 : i32
      %select_n3A_832 = arith.select %and3A_829, %sub3A_831, %div3A_810 : i32
      %jit3A_833 = arith.constant 32 : i32
      %eq3A_834 = arith.constant 0 : i32
      %eq3A_835 = arith.cmpi eq, %jit3A_833, %eq3A_834 : i32
      %jit3A_836 = arith.constant 1 : i32
      %select_n3A_837 = arith.select %eq3A_835, %jit3A_836, %jit3A_833 : i32
      %rem3A_838 = arith.remsi %add3A_808, %select_n3A_837 : i32
      %ne3A_839 = arith.constant 0 : i32
      %ne3A_840 = arith.cmpi ne, %rem3A_838, %ne3A_839 : i32
      %lt3A_841 = arith.constant 0 : i32
      %lt3A_842 = arith.cmpi slt, %rem3A_838, %lt3A_841 : i32
      %lt3A_843 = arith.constant 0 : i32
      %lt3A_844 = arith.cmpi slt, %select_n3A_837, %lt3A_843 : i32
      %ne3A_845 = arith.xori %lt3A_842, %lt3A_844 : i1
      %and3A_846 = arith.andi %ne3A_845, %ne3A_840 : i1
      %add3A_847 = arith.addi %rem3A_838, %select_n3A_837 : i32
      %select_n3A_848 = arith.select %and3A_846, %add3A_847, %rem3A_838 : i32
      %dma_start3A_849 = arith.constant 2 : i32
      %dma_start3A_850 = arith.constant 0 : i32
      %dma_start3A_851 = arith.constant 0 : i32
      %dma_start3A_852 = arith.constant 0 : i32
      %dma_start3A_853 = tpu.memref_slice %arg7[%dma_start3A_849, %dma_start3A_850, %dma_start3A_851, %dma_start3A_852] : memref<4x4x8x129xf32, #tpu.memory_space<vmem>> -> memref<1x4x8x128xf32, #tpu.memory_space<vmem>>
      %dma_start3A_854 = tpu.memref_squeeze %dma_start3A_853 : memref<1x4x8x128xf32, #tpu.memory_space<vmem>> -> memref<4x8x128xf32, #tpu.memory_space<vmem>>
      %dma_start3A_855 = arith.constant 0 : i32
      %dma_start3A_856 = arith.constant 0 : i32
      %dma_start3A_857 = arith.constant 0 : i32
      %dma_start3A_858 = tpu.memref_slice %arg4[%select_n3A_832, %dma_start3A_855, %select_n3A_848, %dma_start3A_856, %dma_start3A_857] : memref<200x4x32x8x128xf32, #tpu.memory_space<hbm>> -> memref<1x4x1x8x128xf32, #tpu.memory_space<hbm>>
      %dma_start3A_859 = tpu.memref_squeeze %dma_start3A_858 : memref<1x4x1x8x128xf32, #tpu.memory_space<hbm>> -> memref<4x8x128xf32, #tpu.memory_space<hbm>>
      %dma_start3A_860 = arith.constant 0 : i32
      %dma_start3A_861 = arith.constant 0 : i32
      %dma_start3A_862 = arith.constant 0 : i32
      %dma_start3A_863 = tpu.memref_slice %arg4[%select_n3A_832, %dma_start3A_860, %select_n3A_848, %dma_start3A_861, %dma_start3A_862] : memref<200x4x32x8x128xf32, #tpu.memory_space<hbm>> -> memref<1x4x1x8x128xf32, #tpu.memory_space<hbm>>
      %dma_start3A_864 = tpu.memref_squeeze %dma_start3A_863 : memref<1x4x1x8x128xf32, #tpu.memory_space<hbm>> -> memref<4x8x128xf32, #tpu.memory_space<hbm>>
      %dma_start3A_865 = arith.constant 0 : i32
      %dma_start3A_866 = arith.constant 0 : i32
      %dma_start3A_867 = arith.constant 0 : i32
      %dma_start3A_868 = tpu.memref_slice %arg7[%dma_start3A_849, %dma_start3A_865, %dma_start3A_866, %dma_start3A_867] : memref<4x4x8x129xf32, #tpu.memory_space<vmem>> -> memref<1x4x8x128xf32, #tpu.memory_space<vmem>>
      %dma_start3A_869 = tpu.memref_squeeze %dma_start3A_868 : memref<1x4x8x128xf32, #tpu.memory_space<vmem>> -> memref<4x8x128xf32, #tpu.memory_space<vmem>>
      tpu.enqueue_dma source(%dma_start3A_869 : memref<4x8x128xf32, #tpu.memory_space<vmem>>) target(%dma_start3A_864 : memref<4x8x128xf32, #tpu.memory_space<hbm>>) target_semaphore(%arg18 : memref<!tpu.dma_semaphore, #tpu.memory_space<semaphore_mem>>)
      %add3A_870 = arith.constant 2 : i32
      %add3A_871 = arith.addi %add3A_780, %add3A_870 : i32
      %lt3A_872 = arith.constant 200 : i32
      %lt3A_873 = arith.cmpi slt, %add3A_871, %lt3A_872 : i32
      %convert_element_type3A_874 = arith.extui %lt3A_873 : i1 to i32
      %cond3A_875 = arith.constant 0 : i32
      %cond3A_876 = arith.cmpi ne, %convert_element_type3A_874, %cond3A_875 : i32
      scf.if %cond3A_876 {
        %dma_wait3A_977 = arith.constant 0 : i32
        %dma_wait3A_978 = arith.constant 0 : i32
        %dma_wait3A_979 = arith.constant 0 : i32
        %dma_wait3A_980 = arith.constant 0 : i32
        %dma_wait3A_981 = arith.constant 0 : i32
        %dma_wait3A_982 = tpu.memref_slice %arg5[%dma_wait3A_980, %dma_wait3A_981] : memref<4x128xi32, #tpu.memory_space<vmem>> -> memref<1x128xi32, #tpu.memory_space<vmem>>
        %dma_wait3A_983 = tpu.memref_squeeze %dma_wait3A_982 : memref<1x128xi32, #tpu.memory_space<vmem>> -> memref<128xi32, #tpu.memory_space<vmem>>
        %dma_wait3A_984 = arith.constant 0 : i32
        %dma_wait3A_985 = tpu.memref_slice %arg2[%dma_wait3A_977, %dma_wait3A_978, %dma_wait3A_979, %dma_wait3A_984] : memref<25x32x8x128xi32, #tpu.memory_space<hbm>> -> memref<1x1x1x128xi32, #tpu.memory_space<hbm>>
        %dma_wait3A_986 = tpu.memref_squeeze %dma_wait3A_985 : memref<1x1x1x128xi32, #tpu.memory_space<hbm>> -> memref<128xi32, #tpu.memory_space<hbm>>
        %dma_wait3A_987 = arith.constant 0 : i32
        %dma_wait3A_988 = tpu.memref_slice %arg5[%dma_wait3A_980, %dma_wait3A_987] : memref<4x128xi32, #tpu.memory_space<vmem>> -> memref<1x128xi32, #tpu.memory_space<vmem>>
        %dma_wait3A_989 = tpu.memref_squeeze %dma_wait3A_988 : memref<1x128xi32, #tpu.memory_space<vmem>> -> memref<128xi32, #tpu.memory_space<vmem>>
        %dma_wait3A_990 = arith.constant 0 : i32
        %dma_wait3A_991 = tpu.memref_slice %arg2[%dma_wait3A_977, %dma_wait3A_978, %dma_wait3A_979, %dma_wait3A_990] : memref<25x32x8x128xi32, #tpu.memory_space<hbm>> -> memref<1x1x1x128xi32, #tpu.memory_space<hbm>>
        %dma_wait3A_992 = tpu.memref_squeeze %dma_wait3A_991 : memref<1x1x1x128xi32, #tpu.memory_space<hbm>> -> memref<128xi32, #tpu.memory_space<hbm>>
        tpu.wait_dma2 semaphore(%arg8 : memref<!tpu.dma_semaphore, #tpu.memory_space<semaphore_mem>>) src(%dma_wait3A_992 : memref<128xi32, #tpu.memory_space<hbm>>) dst(%dma_wait3A_989 : memref<128xi32, #tpu.memory_space<vmem>>)
        %dma_start3A_993 = arith.constant 0 : i32
        %dma_start3A_994 = arith.constant 0 : i32
        %dma_start3A_995 = arith.constant 0 : i32
        %dma_start3A_996 = arith.constant 0 : i32
        %dma_start3A_997 = tpu.memref_slice %arg6[%dma_start3A_994, %dma_start3A_995, %dma_start3A_996] : memref<4x128x32xf32, #tpu.memory_space<vmem>> -> memref<1x128x32xf32, #tpu.memory_space<vmem>>
        %dma_start3A_998 = tpu.memref_squeeze %dma_start3A_997 : memref<1x128x32xf32, #tpu.memory_space<vmem>> -> memref<128x32xf32, #tpu.memory_space<vmem>>
        %dma_start3A_999 = arith.constant 0 : i32
        %dma_start3A_1000 = tpu.memref_slice %arg5[%dma_start3A_993, %dma_start3A_999] : memref<4x128xi32, #tpu.memory_space<vmem>> -> memref<1x128xi32, #tpu.memory_space<vmem>>
        %dma_start3A_1001 = tpu.memref_squeeze %dma_start3A_1000 : memref<1x128xi32, #tpu.memory_space<vmem>> -> memref<128xi32, #tpu.memory_space<vmem>>
        %dma_start3A_1002 = arith.constant 0 : i32
        %dma_start3A_1003 = arith.constant 0 : i32
        %dma_start3A_1004 = tpu.memref_slice %arg3[%dma_start3A_1002, %dma_start3A_1003] : memref<1000064x32xf32, #tpu.memory_space<hbm>> -> memref<1000064x32xf32, #tpu.memory_space<hbm>>
        tpu.enqueue_indirect_dma source(%dma_start3A_1004 : memref<1000064x32xf32, #tpu.memory_space<hbm>>) target(%dma_start3A_998 : memref<128x32xf32, #tpu.memory_space<vmem>>) offsets(%dma_start3A_1001 : memref<128xi32, #tpu.memory_space<vmem>>) semaphore(%arg12 : memref<!tpu.dma_semaphore, #tpu.memory_space<semaphore_mem>>)
      } else {
      }
      %mul3A_877 = arith.constant 4 : i32
      %mul3A_878 = arith.muli %mul3A_877, %scan3A_580 : i32
      %add3A_879 = arith.constant 3 : i32
      %add3A_880 = arith.addi %mul3A_878, %add3A_879 : i32
      %dma_wait3A_881 = arith.constant 3 : i32
      %dma_wait3A_882 = arith.constant 3 : i32
      %dma_wait3A_883 = arith.constant 0 : i32
      %dma_wait3A_884 = arith.constant 0 : i32
      %dma_wait3A_885 = tpu.memref_slice %arg6[%dma_wait3A_882, %dma_wait3A_883, %dma_wait3A_884] : memref<4x128x32xf32, #tpu.memory_space<vmem>> -> memref<1x128x32xf32, #tpu.memory_space<vmem>>
      %dma_wait3A_886 = tpu.memref_squeeze %dma_wait3A_885 : memref<1x128x32xf32, #tpu.memory_space<vmem>> -> memref<128x32xf32, #tpu.memory_space<vmem>>
      %dma_wait3A_887 = arith.constant 0 : i32
      %dma_wait3A_888 = tpu.memref_slice %arg5[%dma_wait3A_881, %dma_wait3A_887] : memref<4x128xi32, #tpu.memory_space<vmem>> -> memref<1x128xi32, #tpu.memory_space<vmem>>
      %dma_wait3A_889 = tpu.memref_squeeze %dma_wait3A_888 : memref<1x128xi32, #tpu.memory_space<vmem>> -> memref<128xi32, #tpu.memory_space<vmem>>
      %dma_wait3A_890 = arith.constant 0 : i32
      %dma_wait3A_891 = arith.constant 0 : i32
      %dma_wait3A_892 = tpu.memref_slice %arg3[%dma_wait3A_890, %dma_wait3A_891] : memref<1000064x32xf32, #tpu.memory_space<hbm>> -> memref<1000064x32xf32, #tpu.memory_space<hbm>>
      tpu.wait_indirect_dma semaphore(%arg15 : memref<!tpu.dma_semaphore, #tpu.memory_space<semaphore_mem>>) src(%dma_wait3A_892 : memref<1000064x32xf32, #tpu.memory_space<hbm>>) dst(%dma_wait3A_886 : memref<128x32xf32, #tpu.memory_space<vmem>>)
      %add3A_893 = arith.constant 4 : i32
      %add3A_894 = arith.addi %add3A_880, %add3A_893 : i32
      %lt3A_895 = arith.constant 200 : i32
      %lt3A_896 = arith.cmpi slt, %add3A_894, %lt3A_895 : i32
      %convert_element_type3A_897 = arith.extui %lt3A_896 : i1 to i32
      %cond3A_898 = arith.constant 0 : i32
      %cond3A_899 = arith.cmpi ne, %convert_element_type3A_897, %cond3A_898 : i32
      scf.if %cond3A_899 {
        %add3A_977 = arith.constant 4 : i32
        %add3A_978 = arith.addi %add3A_880, %add3A_977 : i32
        %add3A_979 = arith.addi %mul3A_2, %add3A_978 : i32
        %jit3A_980 = arith.constant 32 : i32
        %div3A_981 = arith.divsi %add3A_979, %jit3A_980 : i32
        %sign3A_982 = arith.constant 0 : i32
        %sign3A_983 = arith.cmpi sgt, %add3A_979, %sign3A_982 : i32
        %sign3A_984 = arith.extui %sign3A_983 : i1 to i32
        %sign3A_985 = arith.constant 0 : i32
        %sign3A_986 = arith.cmpi slt, %add3A_979, %sign3A_985 : i32
        %sign3A_987 = arith.extui %sign3A_986 : i1 to i32
        %sign3A_988 = arith.subi %sign3A_984, %sign3A_987 : i32
        %sign3A_989 = arith.constant 0 : i32
        %sign3A_990 = arith.cmpi sgt, %jit3A_980, %sign3A_989 : i32
        %sign3A_991 = arith.extui %sign3A_990 : i1 to i32
        %sign3A_992 = arith.constant 0 : i32
        %sign3A_993 = arith.cmpi slt, %jit3A_980, %sign3A_992 : i32
        %sign3A_994 = arith.extui %sign3A_993 : i1 to i32
        %sign3A_995 = arith.subi %sign3A_991, %sign3A_994 : i32
        %ne3A_996 = arith.cmpi ne, %sign3A_988, %sign3A_995 : i32
        %rem3A_997 = arith.remsi %add3A_979, %jit3A_980 : i32
        %ne3A_998 = arith.constant 0 : i32
        %ne3A_999 = arith.cmpi ne, %rem3A_997, %ne3A_998 : i32
        %and3A_1000 = arith.andi %ne3A_996, %ne3A_999 : i1
        %sub3A_1001 = arith.constant 1 : i32
        %sub3A_1002 = arith.subi %div3A_981, %sub3A_1001 : i32
        %select_n3A_1003 = arith.select %and3A_1000, %sub3A_1002, %div3A_981 : i32
        %jit3A_1004 = arith.constant 32 : i32
        %eq3A_1005 = arith.constant 0 : i32
        %eq3A_1006 = arith.cmpi eq, %jit3A_1004, %eq3A_1005 : i32
        %jit3A_1007 = arith.constant 1 : i32
        %select_n3A_1008 = arith.select %eq3A_1006, %jit3A_1007, %jit3A_1004 : i32
        %rem3A_1009 = arith.remsi %add3A_979, %select_n3A_1008 : i32
        %ne3A_1010 = arith.constant 0 : i32
        %ne3A_1011 = arith.cmpi ne, %rem3A_1009, %ne3A_1010 : i32
        %lt3A_1012 = arith.constant 0 : i32
        %lt3A_1013 = arith.cmpi slt, %rem3A_1009, %lt3A_1012 : i32
        %lt3A_1014 = arith.constant 0 : i32
        %lt3A_1015 = arith.cmpi slt, %select_n3A_1008, %lt3A_1014 : i32
        %ne3A_1016 = arith.xori %lt3A_1013, %lt3A_1015 : i1
        %and3A_1017 = arith.andi %ne3A_1016, %ne3A_1011 : i1
        %add3A_1018 = arith.addi %rem3A_1009, %select_n3A_1008 : i32
        %select_n3A_1019 = arith.select %and3A_1017, %add3A_1018, %rem3A_1009 : i32
        %jit3A_1020 = arith.constant 8 : i32
        %div3A_1021 = arith.divsi %select_n3A_1003, %jit3A_1020 : i32
        %sign3A_1022 = arith.constant 0 : i32
        %sign3A_1023 = arith.cmpi sgt, %select_n3A_1003, %sign3A_1022 : i32
        %sign3A_1024 = arith.extui %sign3A_1023 : i1 to i32
        %sign3A_1025 = arith.constant 0 : i32
        %sign3A_1026 = arith.cmpi slt, %select_n3A_1003, %sign3A_1025 : i32
        %sign3A_1027 = arith.extui %sign3A_1026 : i1 to i32
        %sign3A_1028 = arith.subi %sign3A_1024, %sign3A_1027 : i32
        %sign3A_1029 = arith.constant 0 : i32
        %sign3A_1030 = arith.cmpi sgt, %jit3A_1020, %sign3A_1029 : i32
        %sign3A_1031 = arith.extui %sign3A_1030 : i1 to i32
        %sign3A_1032 = arith.constant 0 : i32
        %sign3A_1033 = arith.cmpi slt, %jit3A_1020, %sign3A_1032 : i32
        %sign3A_1034 = arith.extui %sign3A_1033 : i1 to i32
        %sign3A_1035 = arith.subi %sign3A_1031, %sign3A_1034 : i32
        %ne3A_1036 = arith.cmpi ne, %sign3A_1028, %sign3A_1035 : i32
        %rem3A_1037 = arith.remsi %select_n3A_1003, %jit3A_1020 : i32
        %ne3A_1038 = arith.constant 0 : i32
        %ne3A_1039 = arith.cmpi ne, %rem3A_1037, %ne3A_1038 : i32
        %and3A_1040 = arith.andi %ne3A_1036, %ne3A_1039 : i1
        %sub3A_1041 = arith.constant 1 : i32
        %sub3A_1042 = arith.subi %div3A_1021, %sub3A_1041 : i32
        %select_n3A_1043 = arith.select %and3A_1040, %sub3A_1042, %div3A_1021 : i32
        %jit3A_1044 = arith.constant 8 : i32
        %eq3A_1045 = arith.constant 0 : i32
        %eq3A_1046 = arith.cmpi eq, %jit3A_1044, %eq3A_1045 : i32
        %jit3A_1047 = arith.constant 1 : i32
        %select_n3A_1048 = arith.select %eq3A_1046, %jit3A_1047, %jit3A_1044 : i32
        %rem3A_1049 = arith.remsi %select_n3A_1003, %select_n3A_1048 : i32
        %ne3A_1050 = arith.constant 0 : i32
        %ne3A_1051 = arith.cmpi ne, %rem3A_1049, %ne3A_1050 : i32
        %lt3A_1052 = arith.constant 0 : i32
        %lt3A_1053 = arith.cmpi slt, %rem3A_1049, %lt3A_1052 : i32
        %lt3A_1054 = arith.constant 0 : i32
        %lt3A_1055 = arith.cmpi slt, %select_n3A_1048, %lt3A_1054 : i32
        %ne3A_1056 = arith.xori %lt3A_1053, %lt3A_1055 : i1
        %and3A_1057 = arith.andi %ne3A_1056, %ne3A_1051 : i1
        %add3A_1058 = arith.addi %rem3A_1049, %select_n3A_1048 : i32
        %select_n3A_1059 = arith.select %and3A_1057, %add3A_1058, %rem3A_1049 : i32
        %dma_start3A_1060 = arith.constant 3 : i32
        %dma_start3A_1061 = arith.constant 0 : i32
        %dma_start3A_1062 = tpu.memref_slice %arg5[%dma_start3A_1060, %dma_start3A_1061] : memref<4x128xi32, #tpu.memory_space<vmem>> -> memref<1x128xi32, #tpu.memory_space<vmem>>
        %dma_start3A_1063 = tpu.memref_squeeze %dma_start3A_1062 : memref<1x128xi32, #tpu.memory_space<vmem>> -> memref<128xi32, #tpu.memory_space<vmem>>
        %dma_start3A_1064 = arith.constant 0 : i32
        %dma_start3A_1065 = tpu.memref_slice %arg2[%select_n3A_1043, %select_n3A_1019, %select_n3A_1059, %dma_start3A_1064] : memref<25x32x8x128xi32, #tpu.memory_space<hbm>> -> memref<1x1x1x128xi32, #tpu.memory_space<hbm>>
        %dma_start3A_1066 = tpu.memref_squeeze %dma_start3A_1065 : memref<1x1x1x128xi32, #tpu.memory_space<hbm>> -> memref<128xi32, #tpu.memory_space<hbm>>
        %dma_start3A_1067 = arith.constant 0 : i32
        %dma_start3A_1068 = tpu.memref_slice %arg5[%dma_start3A_1060, %dma_start3A_1067] : memref<4x128xi32, #tpu.memory_space<vmem>> -> memref<1x128xi32, #tpu.memory_space<vmem>>
        %dma_start3A_1069 = tpu.memref_squeeze %dma_start3A_1068 : memref<1x128xi32, #tpu.memory_space<vmem>> -> memref<128xi32, #tpu.memory_space<vmem>>
        %dma_start3A_1070 = arith.constant 0 : i32
        %dma_start3A_1071 = tpu.memref_slice %arg2[%select_n3A_1043, %select_n3A_1019, %select_n3A_1059, %dma_start3A_1070] : memref<25x32x8x128xi32, #tpu.memory_space<hbm>> -> memref<1x1x1x128xi32, #tpu.memory_space<hbm>>
        %dma_start3A_1072 = tpu.memref_squeeze %dma_start3A_1071 : memref<1x1x1x128xi32, #tpu.memory_space<hbm>> -> memref<128xi32, #tpu.memory_space<hbm>>
        tpu.enqueue_dma source(%dma_start3A_1072 : memref<128xi32, #tpu.memory_space<hbm>>) target(%dma_start3A_1069 : memref<128xi32, #tpu.memory_space<vmem>>) target_semaphore(%arg11 : memref<!tpu.dma_semaphore, #tpu.memory_space<semaphore_mem>>)
      } else {
      }
      %ge3A_900 = arith.constant 4 : i32
      %ge3A_901 = arith.cmpi sge, %add3A_880, %ge3A_900 : i32
      %convert_element_type3A_902 = arith.extui %ge3A_901 : i1 to i32
      %cond3A_903 = arith.constant 0 : i32
      %cond3A_904 = arith.cmpi ne, %convert_element_type3A_902, %cond3A_903 : i32
      scf.if %cond3A_904 {
        %dma_wait3A_977 = arith.constant 3 : i32
        %dma_wait3A_978 = arith.constant 0 : i32
        %dma_wait3A_979 = arith.constant 0 : i32
        %dma_wait3A_980 = arith.constant 0 : i32
        %dma_wait3A_981 = arith.constant 0 : i32
        %dma_wait3A_982 = arith.constant 0 : i32
        %dma_wait3A_983 = tpu.memref_slice %arg7[%dma_wait3A_977, %dma_wait3A_980, %dma_wait3A_981, %dma_wait3A_982] : memref<4x4x8x129xf32, #tpu.memory_space<vmem>> -> memref<1x4x8x128xf32, #tpu.memory_space<vmem>>
        %dma_wait3A_984 = tpu.memref_squeeze %dma_wait3A_983 : memref<1x4x8x128xf32, #tpu.memory_space<vmem>> -> memref<4x8x128xf32, #tpu.memory_space<vmem>>
        %dma_wait3A_985 = arith.constant 0 : i32
        %dma_wait3A_986 = arith.constant 0 : i32
        %dma_wait3A_987 = arith.constant 0 : i32
        %dma_wait3A_988 = tpu.memref_slice %arg4[%dma_wait3A_978, %dma_wait3A_985, %dma_wait3A_979, %dma_wait3A_986, %dma_wait3A_987] : memref<200x4x32x8x128xf32, #tpu.memory_space<hbm>> -> memref<1x4x1x8x128xf32, #tpu.memory_space<hbm>>
        %dma_wait3A_989 = tpu.memref_squeeze %dma_wait3A_988 : memref<1x4x1x8x128xf32, #tpu.memory_space<hbm>> -> memref<4x8x128xf32, #tpu.memory_space<hbm>>
        %dma_wait3A_990 = arith.constant 0 : i32
        %dma_wait3A_991 = arith.constant 0 : i32
        %dma_wait3A_992 = arith.constant 0 : i32
        %dma_wait3A_993 = tpu.memref_slice %arg4[%dma_wait3A_978, %dma_wait3A_990, %dma_wait3A_979, %dma_wait3A_991, %dma_wait3A_992] : memref<200x4x32x8x128xf32, #tpu.memory_space<hbm>> -> memref<1x4x1x8x128xf32, #tpu.memory_space<hbm>>
        %dma_wait3A_994 = tpu.memref_squeeze %dma_wait3A_993 : memref<1x4x1x8x128xf32, #tpu.memory_space<hbm>> -> memref<4x8x128xf32, #tpu.memory_space<hbm>>
        %dma_wait3A_995 = arith.constant 0 : i32
        %dma_wait3A_996 = arith.constant 0 : i32
        %dma_wait3A_997 = arith.constant 0 : i32
        %dma_wait3A_998 = tpu.memref_slice %arg7[%dma_wait3A_977, %dma_wait3A_995, %dma_wait3A_996, %dma_wait3A_997] : memref<4x4x8x129xf32, #tpu.memory_space<vmem>> -> memref<1x4x8x128xf32, #tpu.memory_space<vmem>>
        %dma_wait3A_999 = tpu.memref_squeeze %dma_wait3A_998 : memref<1x4x8x128xf32, #tpu.memory_space<vmem>> -> memref<4x8x128xf32, #tpu.memory_space<vmem>>
        tpu.wait_dma2 semaphore(%arg19 : memref<!tpu.dma_semaphore, #tpu.memory_space<semaphore_mem>>) src(%dma_wait3A_999 : memref<4x8x128xf32, #tpu.memory_space<vmem>>) dst(%dma_wait3A_994 : memref<4x8x128xf32, #tpu.memory_space<hbm>>)
      } else {
      }
      %parallel_loop3A_905 = arith.constant 0 : i32
      %parallel_loop3A_906 = arith.constant 128 : i32
      %parallel_loop3A_907 = arith.constant 1 : i32
      scf.for %parallel_loop3A_977 = %parallel_loop3A_905 to %parallel_loop3A_906 step %parallel_loop3A_907  : i32 {
        %parallel_loop3A_978 = arith.constant 1 : i32
        %parallel_loop3A_979 = vector.broadcast %parallel_loop3A_978 : i32 to vector<16xi32>
        %parallel_loop3A_980 = vector.broadcast %parallel_loop3A_977 : i32 to vector<16xi32>
        %parallel_loop3A_981 = arith.muli %parallel_loop3A_979, %parallel_loop3A_980 : vector<16xi32>
        %parallel_loop3A_982 = arith.constant 3 : i32
        %parallel_loop3A_983 = arith.index_cast %parallel_loop3A_982 : i32 to index
        %parallel_loop3A_984 = arith.index_cast %parallel_loop3A_977 : i32 to index
        %parallel_loop3A_985 = arith.constant 0 : index
        %parallel_loop3A_986 = tpu.vector_load %arg6[%parallel_loop3A_983, %parallel_loop3A_984, %parallel_loop3A_985] {strides = array<i32>} : memref<4x128x32xf32, #tpu.memory_space<vmem>>, vector<16xf32>,
        %parallel_loop3A_987 = arith.constant 3 : i32
        %parallel_loop3A_988 = arith.index_cast %parallel_loop3A_987 : i32 to index
        %parallel_loop3A_989 = arith.index_cast %parallel_loop3A_977 : i32 to index
        %parallel_loop3A_990 = arith.constant 16 : index
        %parallel_loop3A_991 = tpu.vector_load %arg6[%parallel_loop3A_988, %parallel_loop3A_989, %parallel_loop3A_990] {strides = array<i32>} : memref<4x128x32xf32, #tpu.memory_space<vmem>>, vector<16xf32>,
        %parallel_loop3A_992 = arith.constant 3 : i32
        %parallel_loop3A_993 = arith.constant 0 : i32
        %parallel_loop3A_994 = arith.constant 0 : i32
        %parallel_loop3A_995 = arith.constant 0 : i32
        %parallel_loop3A_996 = tpu.memref_slice %arg7[%parallel_loop3A_992, %parallel_loop3A_993, %parallel_loop3A_994, %parallel_loop3A_995] : memref<4x4x8x129xf32, #tpu.memory_space<vmem>> -> memref<1x4x8x129xf32, #tpu.memory_space<vmem>>
        %parallel_loop3A_997 = tpu.memref_squeeze %parallel_loop3A_996 : memref<1x4x8x129xf32, #tpu.memory_space<vmem>> -> memref<4x8x129xf32, #tpu.memory_space<vmem>>
        tpu.vector_store_idx %parallel_loop3A_997[%select_n3A, %select_n3A_45, %parallel_loop3A_981], %parallel_loop3A_986 : memref<4x8x129xf32, #tpu.memory_space<vmem>>[vector<16xi32>, vector<16xi32>, vector<16xi32>], vector<16xf32>,
        %parallel_loop3A_998 = arith.constant 3 : i32
        %parallel_loop3A_999 = arith.constant 0 : i32
        %parallel_loop3A_1000 = arith.constant 0 : i32
        %parallel_loop3A_1001 = arith.constant 0 : i32
        %parallel_loop3A_1002 = tpu.memref_slice %arg7[%parallel_loop3A_998, %parallel_loop3A_999, %parallel_loop3A_1000, %parallel_loop3A_1001] : memref<4x4x8x129xf32, #tpu.memory_space<vmem>> -> memref<1x4x8x129xf32, #tpu.memory_space<vmem>>
        %parallel_loop3A_1003 = tpu.memref_squeeze %parallel_loop3A_1002 : memref<1x4x8x129xf32, #tpu.memory_space<vmem>> -> memref<4x8x129xf32, #tpu.memory_space<vmem>>
        tpu.vector_store_idx %parallel_loop3A_1003[%add3A_48, %select_n3A_45, %parallel_loop3A_981], %parallel_loop3A_991 : memref<4x8x129xf32, #tpu.memory_space<vmem>>[vector<16xi32>, vector<16xi32>, vector<16xi32>], vector<16xf32>,
      } {sc.loop_unroll_factor = 4 : i64, sc.parallel_access}
      %add3A_908 = arith.addi %mul3A_2, %add3A_880 : i32
      %jit3A_909 = arith.constant 32 : i32
      %div3A_910 = arith.divsi %add3A_908, %jit3A_909 : i32
      %sign3A_911 = arith.constant 0 : i32
      %sign3A_912 = arith.cmpi sgt, %add3A_908, %sign3A_911 : i32
      %sign3A_913 = arith.extui %sign3A_912 : i1 to i32
      %sign3A_914 = arith.constant 0 : i32
      %sign3A_915 = arith.cmpi slt, %add3A_908, %sign3A_914 : i32
      %sign3A_916 = arith.extui %sign3A_915 : i1 to i32
      %sign3A_917 = arith.subi %sign3A_913, %sign3A_916 : i32
      %sign3A_918 = arith.constant 0 : i32
      %sign3A_919 = arith.cmpi sgt, %jit3A_909, %sign3A_918 : i32
      %sign3A_920 = arith.extui %sign3A_919 : i1 to i32
      %sign3A_921 = arith.constant 0 : i32
      %sign3A_922 = arith.cmpi slt, %jit3A_909, %sign3A_921 : i32
      %sign3A_923 = arith.extui %sign3A_922 : i1 to i32
      %sign3A_924 = arith.subi %sign3A_920, %sign3A_923 : i32
      %ne3A_925 = arith.cmpi ne, %sign3A_917, %sign3A_924 : i32
      %rem3A_926 = arith.remsi %add3A_908, %jit3A_909 : i32
      %ne3A_927 = arith.constant 0 : i32
      %ne3A_928 = arith.cmpi ne, %rem3A_926, %ne3A_927 : i32
      %and3A_929 = arith.andi %ne3A_925, %ne3A_928 : i1
      %sub3A_930 = arith.constant 1 : i32
      %sub3A_931 = arith.subi %div3A_910, %sub3A_930 : i32
      %select_n3A_932 = arith.select %and3A_929, %sub3A_931, %div3A_910 : i32
      %jit3A_933 = arith.constant 32 : i32
      %eq3A_934 = arith.constant 0 : i32
      %eq3A_935 = arith.cmpi eq, %jit3A_933, %eq3A_934 : i32
      %jit3A_936 = arith.constant 1 : i32
      %select_n3A_937 = arith.select %eq3A_935, %jit3A_936, %jit3A_933 : i32
      %rem3A_938 = arith.remsi %add3A_908, %select_n3A_937 : i32
      %ne3A_939 = arith.constant 0 : i32
      %ne3A_940 = arith.cmpi ne, %rem3A_938, %ne3A_939 : i32
      %lt3A_941 = arith.constant 0 : i32
      %lt3A_942 = arith.cmpi slt, %rem3A_938, %lt3A_941 : i32
      %lt3A_943 = arith.constant 0 : i32
      %lt3A_944 = arith.cmpi slt, %select_n3A_937, %lt3A_943 : i32
      %ne3A_945 = arith.xori %lt3A_942, %lt3A_944 : i1
      %and3A_946 = arith.andi %ne3A_945, %ne3A_940 : i1
      %add3A_947 = arith.addi %rem3A_938, %select_n3A_937 : i32
      %select_n3A_948 = arith.select %and3A_946, %add3A_947, %rem3A_938 : i32
      %dma_start3A_949 = arith.constant 3 : i32
      %dma_start3A_950 = arith.constant 0 : i32
      %dma_start3A_951 = arith.constant 0 : i32
      %dma_start3A_952 = arith.constant 0 : i32
      %dma_start3A_953 = tpu.memref_slice %arg7[%dma_start3A_949, %dma_start3A_950, %dma_start3A_951, %dma_start3A_952] : memref<4x4x8x129xf32, #tpu.memory_space<vmem>> -> memref<1x4x8x128xf32, #tpu.memory_space<vmem>>
      %dma_start3A_954 = tpu.memref_squeeze %dma_start3A_953 : memref<1x4x8x128xf32, #tpu.memory_space<vmem>> -> memref<4x8x128xf32, #tpu.memory_space<vmem>>
      %dma_start3A_955 = arith.constant 0 : i32
      %dma_start3A_956 = arith.constant 0 : i32
      %dma_start3A_957 = arith.constant 0 : i32
      %dma_start3A_958 = tpu.memref_slice %arg4[%select_n3A_932, %dma_start3A_955, %select_n3A_948, %dma_start3A_956, %dma_start3A_957] : memref<200x4x32x8x128xf32, #tpu.memory_space<hbm>> -> memref<1x4x1x8x128xf32, #tpu.memory_space<hbm>>
      %dma_start3A_959 = tpu.memref_squeeze %dma_start3A_958 : memref<1x4x1x8x128xf32, #tpu.memory_space<hbm>> -> memref<4x8x128xf32, #tpu.memory_space<hbm>>
      %dma_start3A_960 = arith.constant 0 : i32
      %dma_start3A_961 = arith.constant 0 : i32
      %dma_start3A_962 = arith.constant 0 : i32
      %dma_start3A_963 = tpu.memref_slice %arg4[%select_n3A_932, %dma_start3A_960, %select_n3A_948, %dma_start3A_961, %dma_start3A_962] : memref<200x4x32x8x128xf32, #tpu.memory_space<hbm>> -> memref<1x4x1x8x128xf32, #tpu.memory_space<hbm>>
      %dma_start3A_964 = tpu.memref_squeeze %dma_start3A_963 : memref<1x4x1x8x128xf32, #tpu.memory_space<hbm>> -> memref<4x8x128xf32, #tpu.memory_space<hbm>>
      %dma_start3A_965 = arith.constant 0 : i32
      %dma_start3A_966 = arith.constant 0 : i32
      %dma_start3A_967 = arith.constant 0 : i32
      %dma_start3A_968 = tpu.memref_slice %arg7[%dma_start3A_949, %dma_start3A_965, %dma_start3A_966, %dma_start3A_967] : memref<4x4x8x129xf32, #tpu.memory_space<vmem>> -> memref<1x4x8x128xf32, #tpu.memory_space<vmem>>
      %dma_start3A_969 = tpu.memref_squeeze %dma_start3A_968 : memref<1x4x8x128xf32, #tpu.memory_space<vmem>> -> memref<4x8x128xf32, #tpu.memory_space<vmem>>
      tpu.enqueue_dma source(%dma_start3A_969 : memref<4x8x128xf32, #tpu.memory_space<vmem>>) target(%dma_start3A_964 : memref<4x8x128xf32, #tpu.memory_space<hbm>>) target_semaphore(%arg19 : memref<!tpu.dma_semaphore, #tpu.memory_space<semaphore_mem>>)
      %add3A_970 = arith.constant 2 : i32
      %add3A_971 = arith.addi %add3A_880, %add3A_970 : i32
      %lt3A_972 = arith.constant 200 : i32
      %lt3A_973 = arith.cmpi slt, %add3A_971, %lt3A_972 : i32
      %convert_element_type3A_974 = arith.extui %lt3A_973 : i1 to i32
      %cond3A_975 = arith.constant 0 : i32
      %cond3A_976 = arith.cmpi ne, %convert_element_type3A_974, %cond3A_975 : i32
      scf.if %cond3A_976 {
        %dma_wait3A_977 = arith.constant 0 : i32
        %dma_wait3A_978 = arith.constant 0 : i32
        %dma_wait3A_979 = arith.constant 0 : i32
        %dma_wait3A_980 = arith.constant 1 : i32
        %dma_wait3A_981 = arith.constant 0 : i32
        %dma_wait3A_982 = tpu.memref_slice %arg5[%dma_wait3A_980, %dma_wait3A_981] : memref<4x128xi32, #tpu.memory_space<vmem>> -> memref<1x128xi32, #tpu.memory_space<vmem>>
        %dma_wait3A_983 = tpu.memref_squeeze %dma_wait3A_982 : memref<1x128xi32, #tpu.memory_space<vmem>> -> memref<128xi32, #tpu.memory_space<vmem>>
        %dma_wait3A_984 = arith.constant 0 : i32
        %dma_wait3A_985 = tpu.memref_slice %arg2[%dma_wait3A_977, %dma_wait3A_978, %dma_wait3A_979, %dma_wait3A_984] : memref<25x32x8x128xi32, #tpu.memory_space<hbm>> -> memref<1x1x1x128xi32, #tpu.memory_space<hbm>>
        %dma_wait3A_986 = tpu.memref_squeeze %dma_wait3A_985 : memref<1x1x1x128xi32, #tpu.memory_space<hbm>> -> memref<128xi32, #tpu.memory_space<hbm>>
        %dma_wait3A_987 = arith.constant 0 : i32
        %dma_wait3A_988 = tpu.memref_slice %arg5[%dma_wait3A_980, %dma_wait3A_987] : memref<4x128xi32, #tpu.memory_space<vmem>> -> memref<1x128xi32, #tpu.memory_space<vmem>>
        %dma_wait3A_989 = tpu.memref_squeeze %dma_wait3A_988 : memref<1x128xi32, #tpu.memory_space<vmem>> -> memref<128xi32, #tpu.memory_space<vmem>>
        %dma_wait3A_990 = arith.constant 0 : i32
        %dma_wait3A_991 = tpu.memref_slice %arg2[%dma_wait3A_977, %dma_wait3A_978, %dma_wait3A_979, %dma_wait3A_990] : memref<25x32x8x128xi32, #tpu.memory_space<hbm>> -> memref<1x1x1x128xi32, #tpu.memory_space<hbm>>
        %dma_wait3A_992 = tpu.memref_squeeze %dma_wait3A_991 : memref<1x1x1x128xi32, #tpu.memory_space<hbm>> -> memref<128xi32, #tpu.memory_space<hbm>>
        tpu.wait_dma2 semaphore(%arg9 : memref<!tpu.dma_semaphore, #tpu.memory_space<semaphore_mem>>) src(%dma_wait3A_992 : memref<128xi32, #tpu.memory_space<hbm>>) dst(%dma_wait3A_989 : memref<128xi32, #tpu.memory_space<vmem>>)
        %dma_start3A_993 = arith.constant 1 : i32
        %dma_start3A_994 = arith.constant 1 : i32
        %dma_start3A_995 = arith.constant 0 : i32
        %dma_start3A_996 = arith.constant 0 : i32
        %dma_start3A_997 = tpu.memref_slice %arg6[%dma_start3A_994, %dma_start3A_995, %dma_start3A_996] : memref<4x128x32xf32, #tpu.memory_space<vmem>> -> memref<1x128x32xf32, #tpu.memory_space<vmem>>
        %dma_start3A_998 = tpu.memref_squeeze %dma_start3A_997 : memref<1x128x32xf32, #tpu.memory_space<vmem>> -> memref<128x32xf32, #tpu.memory_space<vmem>>
        %dma_start3A_999 = arith.constant 0 : i32
        %dma_start3A_1000 = tpu.memref_slice %arg5[%dma_start3A_993, %dma_start3A_999] : memref<4x128xi32, #tpu.memory_space<vmem>> -> memref<1x128xi32, #tpu.memory_space<vmem>>
        %dma_start3A_1001 = tpu.memref_squeeze %dma_start3A_1000 : memref<1x128xi32, #tpu.memory_space<vmem>> -> memref<128xi32, #tpu.memory_space<vmem>>
        %dma_start3A_1002 = arith.constant 0 : i32
        %dma_start3A_1003 = arith.constant 0 : i32
        %dma_start3A_1004 = tpu.memref_slice %arg3[%dma_start3A_1002, %dma_start3A_1003] : memref<1000064x32xf32, #tpu.memory_space<hbm>> -> memref<1000064x32xf32, #tpu.memory_space<hbm>>
        tpu.enqueue_indirect_dma source(%dma_start3A_1004 : memref<1000064x32xf32, #tpu.memory_space<hbm>>) target(%dma_start3A_998 : memref<128x32xf32, #tpu.memory_space<vmem>>) offsets(%dma_start3A_1001 : memref<128xi32, #tpu.memory_space<vmem>>) semaphore(%arg13 : memref<!tpu.dma_semaphore, #tpu.memory_space<semaphore_mem>>)
      } else {
      }
    }
    %scan3A_487 = arith.constant 50 : i32
    %dma_wait3A_488 = arith.constant 0 : i32
    %dma_wait3A_489 = arith.constant 0 : i32
    %dma_wait3A_490 = arith.constant 0 : i32
    %dma_wait3A_491 = arith.constant 0 : i32
    %dma_wait3A_492 = arith.constant 0 : i32
    %dma_wait3A_493 = arith.constant 0 : i32
    %dma_wait3A_494 = tpu.memref_slice %arg7[%dma_wait3A_488, %dma_wait3A_491, %dma_wait3A_492, %dma_wait3A_493] : memref<4x4x8x129xf32, #tpu.memory_space<vmem>> -> memref<1x4x8x128xf32, #tpu.memory_space<vmem>>
    %dma_wait3A_495 = tpu.memref_squeeze %dma_wait3A_494 : memref<1x4x8x128xf32, #tpu.memory_space<vmem>> -> memref<4x8x128xf32, #tpu.memory_space<vmem>>
    %dma_wait3A_496 = arith.constant 0 : i32
    %dma_wait3A_497 = arith.constant 0 : i32
    %dma_wait3A_498 = arith.constant 0 : i32
    %dma_wait3A_499 = tpu.memref_slice %arg4[%dma_wait3A_489, %dma_wait3A_496, %dma_wait3A_490, %dma_wait3A_497, %dma_wait3A_498] : memref<200x4x32x8x128xf32, #tpu.memory_space<hbm>> -> memref<1x4x1x8x128xf32, #tpu.memory_space<hbm>>
    %dma_wait3A_500 = tpu.memref_squeeze %dma_wait3A_499 : memref<1x4x1x8x128xf32, #tpu.memory_space<hbm>> -> memref<4x8x128xf32, #tpu.memory_space<hbm>>
    %dma_wait3A_501 = arith.constant 0 : i32
    %dma_wait3A_502 = arith.constant 0 : i32
    %dma_wait3A_503 = arith.constant 0 : i32
    %dma_wait3A_504 = tpu.memref_slice %arg4[%dma_wait3A_489, %dma_wait3A_501, %dma_wait3A_490, %dma_wait3A_502, %dma_wait3A_503] : memref<200x4x32x8x128xf32, #tpu.memory_space<hbm>> -> memref<1x4x1x8x128xf32, #tpu.memory_space<hbm>>
    %dma_wait3A_505 = tpu.memref_squeeze %dma_wait3A_504 : memref<1x4x1x8x128xf32, #tpu.memory_space<hbm>> -> memref<4x8x128xf32, #tpu.memory_space<hbm>>
    %dma_wait3A_506 = arith.constant 0 : i32
    %dma_wait3A_507 = arith.constant 0 : i32
    %dma_wait3A_508 = arith.constant 0 : i32
    %dma_wait3A_509 = tpu.memref_slice %arg7[%dma_wait3A_488, %dma_wait3A_506, %dma_wait3A_507, %dma_wait3A_508] : memref<4x4x8x129xf32, #tpu.memory_space<vmem>> -> memref<1x4x8x128xf32, #tpu.memory_space<vmem>>
    %dma_wait3A_510 = tpu.memref_squeeze %dma_wait3A_509 : memref<1x4x8x128xf32, #tpu.memory_space<vmem>> -> memref<4x8x128xf32, #tpu.memory_space<vmem>>
    tpu.wait_dma2 semaphore(%arg16 : memref<!tpu.dma_semaphore, #tpu.memory_space<semaphore_mem>>) src(%dma_wait3A_510 : memref<4x8x128xf32, #tpu.memory_space<vmem>>) dst(%dma_wait3A_505 : memref<4x8x128xf32, #tpu.memory_space<hbm>>)
    %dma_wait3A_511 = arith.constant 1 : i32
    %dma_wait3A_512 = arith.constant 0 : i32
    %dma_wait3A_513 = arith.constant 0 : i32
    %dma_wait3A_514 = arith.constant 0 : i32
    %dma_wait3A_515 = arith.constant 0 : i32
    %dma_wait3A_516 = arith.constant 0 : i32
    %dma_wait3A_517 = tpu.memref_slice %arg7[%dma_wait3A_511, %dma_wait3A_514, %dma_wait3A_515, %dma_wait3A_516] : memref<4x4x8x129xf32, #tpu.memory_space<vmem>> -> memref<1x4x8x128xf32, #tpu.memory_space<vmem>>
    %dma_wait3A_518 = tpu.memref_squeeze %dma_wait3A_517 : memref<1x4x8x128xf32, #tpu.memory_space<vmem>> -> memref<4x8x128xf32, #tpu.memory_space<vmem>>
    %dma_wait3A_519 = arith.constant 0 : i32
    %dma_wait3A_520 = arith.constant 0 : i32
    %dma_wait3A_521 = arith.constant 0 : i32
    %dma_wait3A_522 = tpu.memref_slice %arg4[%dma_wait3A_512, %dma_wait3A_519, %dma_wait3A_513, %dma_wait3A_520, %dma_wait3A_521] : memref<200x4x32x8x128xf32, #tpu.memory_space<hbm>> -> memref<1x4x1x8x128xf32, #tpu.memory_space<hbm>>
    %dma_wait3A_523 = tpu.memref_squeeze %dma_wait3A_522 : memref<1x4x1x8x128xf32, #tpu.memory_space<hbm>> -> memref<4x8x128xf32, #tpu.memory_space<hbm>>
    %dma_wait3A_524 = arith.constant 0 : i32
    %dma_wait3A_525 = arith.constant 0 : i32
    %dma_wait3A_526 = arith.constant 0 : i32
    %dma_wait3A_527 = tpu.memref_slice %arg4[%dma_wait3A_512, %dma_wait3A_524, %dma_wait3A_513, %dma_wait3A_525, %dma_wait3A_526] : memref<200x4x32x8x128xf32, #tpu.memory_space<hbm>> -> memref<1x4x1x8x128xf32, #tpu.memory_space<hbm>>
    %dma_wait3A_528 = tpu.memref_squeeze %dma_wait3A_527 : memref<1x4x1x8x128xf32, #tpu.memory_space<hbm>> -> memref<4x8x128xf32, #tpu.memory_space<hbm>>
    %dma_wait3A_529 = arith.constant 0 : i32
    %dma_wait3A_530 = arith.constant 0 : i32
    %dma_wait3A_531 = arith.constant 0 : i32
    %dma_wait3A_532 = tpu.memref_slice %arg7[%dma_wait3A_511, %dma_wait3A_529, %dma_wait3A_530, %dma_wait3A_531] : memref<4x4x8x129xf32, #tpu.memory_space<vmem>> -> memref<1x4x8x128xf32, #tpu.memory_space<vmem>>
    %dma_wait3A_533 = tpu.memref_squeeze %dma_wait3A_532 : memref<1x4x8x128xf32, #tpu.memory_space<vmem>> -> memref<4x8x128xf32, #tpu.memory_space<vmem>>
    tpu.wait_dma2 semaphore(%arg17 : memref<!tpu.dma_semaphore, #tpu.memory_space<semaphore_mem>>) src(%dma_wait3A_533 : memref<4x8x128xf32, #tpu.memory_space<vmem>>) dst(%dma_wait3A_528 : memref<4x8x128xf32, #tpu.memory_space<hbm>>)
    %dma_wait3A_534 = arith.constant 2 : i32
    %dma_wait3A_535 = arith.constant 0 : i32
    %dma_wait3A_536 = arith.constant 0 : i32
    %dma_wait3A_537 = arith.constant 0 : i32
    %dma_wait3A_538 = arith.constant 0 : i32
    %dma_wait3A_539 = arith.constant 0 : i32
    %dma_wait3A_540 = tpu.memref_slice %arg7[%dma_wait3A_534, %dma_wait3A_537, %dma_wait3A_538, %dma_wait3A_539] : memref<4x4x8x129xf32, #tpu.memory_space<vmem>> -> memref<1x4x8x128xf32, #tpu.memory_space<vmem>>
    %dma_wait3A_541 = tpu.memref_squeeze %dma_wait3A_540 : memref<1x4x8x128xf32, #tpu.memory_space<vmem>> -> memref<4x8x128xf32, #tpu.memory_space<vmem>>
    %dma_wait3A_542 = arith.constant 0 : i32
    %dma_wait3A_543 = arith.constant 0 : i32
    %dma_wait3A_544 = arith.constant 0 : i32
    %dma_wait3A_545 = tpu.memref_slice %arg4[%dma_wait3A_535, %dma_wait3A_542, %dma_wait3A_536, %dma_wait3A_543, %dma_wait3A_544] : memref<200x4x32x8x128xf32, #tpu.memory_space<hbm>> -> memref<1x4x1x8x128xf32, #tpu.memory_space<hbm>>
    %dma_wait3A_546 = tpu.memref_squeeze %dma_wait3A_545 : memref<1x4x1x8x128xf32, #tpu.memory_space<hbm>> -> memref<4x8x128xf32, #tpu.memory_space<hbm>>
    %dma_wait3A_547 = arith.constant 0 : i32
    %dma_wait3A_548 = arith.constant 0 : i32
    %dma_wait3A_549 = arith.constant 0 : i32
    %dma_wait3A_550 = tpu.memref_slice %arg4[%dma_wait3A_535, %dma_wait3A_547, %dma_wait3A_536, %dma_wait3A_548, %dma_wait3A_549] : memref<200x4x32x8x128xf32, #tpu.memory_space<hbm>> -> memref<1x4x1x8x128xf32, #tpu.memory_space<hbm>>
    %dma_wait3A_551 = tpu.memref_squeeze %dma_wait3A_550 : memref<1x4x1x8x128xf32, #tpu.memory_space<hbm>> -> memref<4x8x128xf32, #tpu.memory_space<hbm>>
    %dma_wait3A_552 = arith.constant 0 : i32
    %dma_wait3A_553 = arith.constant 0 : i32
    %dma_wait3A_554 = arith.constant 0 : i32
    %dma_wait3A_555 = tpu.memref_slice %arg7[%dma_wait3A_534, %dma_wait3A_552, %dma_wait3A_553, %dma_wait3A_554] : memref<4x4x8x129xf32, #tpu.memory_space<vmem>> -> memref<1x4x8x128xf32, #tpu.memory_space<vmem>>
    %dma_wait3A_556 = tpu.memref_squeeze %dma_wait3A_555 : memref<1x4x8x128xf32, #tpu.memory_space<vmem>> -> memref<4x8x128xf32, #tpu.memory_space<vmem>>
    tpu.wait_dma2 semaphore(%arg18 : memref<!tpu.dma_semaphore, #tpu.memory_space<semaphore_mem>>) src(%dma_wait3A_556 : memref<4x8x128xf32, #tpu.memory_space<vmem>>) dst(%dma_wait3A_551 : memref<4x8x128xf32, #tpu.memory_space<hbm>>)
    %dma_wait3A_557 = arith.constant 3 : i32
    %dma_wait3A_558 = arith.constant 0 : i32
    %dma_wait3A_559 = arith.constant 0 : i32
    %dma_wait3A_560 = arith.constant 0 : i32
    %dma_wait3A_561 = arith.constant 0 : i32
    %dma_wait3A_562 = arith.constant 0 : i32
    %dma_wait3A_563 = tpu.memref_slice %arg7[%dma_wait3A_557, %dma_wait3A_560, %dma_wait3A_561, %dma_wait3A_562] : memref<4x4x8x129xf32, #tpu.memory_space<vmem>> -> memref<1x4x8x128xf32, #tpu.memory_space<vmem>>
    %dma_wait3A_564 = tpu.memref_squeeze %dma_wait3A_563 : memref<1x4x8x128xf32, #tpu.memory_space<vmem>> -> memref<4x8x128xf32, #tpu.memory_space<vmem>>
    %dma_wait3A_565 = arith.constant 0 : i32
    %dma_wait3A_566 = arith.constant 0 : i32
    %dma_wait3A_567 = arith.constant 0 : i32
    %dma_wait3A_568 = tpu.memref_slice %arg4[%dma_wait3A_558, %dma_wait3A_565, %dma_wait3A_559, %dma_wait3A_566, %dma_wait3A_567] : memref<200x4x32x8x128xf32, #tpu.memory_space<hbm>> -> memref<1x4x1x8x128xf32, #tpu.memory_space<hbm>>
    %dma_wait3A_569 = tpu.memref_squeeze %dma_wait3A_568 : memref<1x4x1x8x128xf32, #tpu.memory_space<hbm>> -> memref<4x8x128xf32, #tpu.memory_space<hbm>>
    %dma_wait3A_570 = arith.constant 0 : i32
    %dma_wait3A_571 = arith.constant 0 : i32
    %dma_wait3A_572 = arith.constant 0 : i32
    %dma_wait3A_573 = tpu.memref_slice %arg4[%dma_wait3A_558, %dma_wait3A_570, %dma_wait3A_559, %dma_wait3A_571, %dma_wait3A_572] : memref<200x4x32x8x128xf32, #tpu.memory_space<hbm>> -> memref<1x4x1x8x128xf32, #tpu.memory_space<hbm>>
    %dma_wait3A_574 = tpu.memref_squeeze %dma_wait3A_573 : memref<1x4x1x8x128xf32, #tpu.memory_space<hbm>> -> memref<4x8x128xf32, #tpu.memory_space<hbm>>
    %dma_wait3A_575 = arith.constant 0 : i32
    %dma_wait3A_576 = arith.constant 0 : i32
    %dma_wait3A_577 = arith.constant 0 : i32
    %dma_wait3A_578 = tpu.memref_slice %arg7[%dma_wait3A_557, %dma_wait3A_575, %dma_wait3A_576, %dma_wait3A_577] : memref<4x4x8x129xf32, #tpu.memory_space<vmem>> -> memref<1x4x8x128xf32, #tpu.memory_space<vmem>>
    %dma_wait3A_579 = tpu.memref_squeeze %dma_wait3A_578 : memref<1x4x8x128xf32, #tpu.memory_space<vmem>> -> memref<4x8x128xf32, #tpu.memory_space<vmem>>
    tpu.wait_dma2 semaphore(%arg19 : memref<!tpu.dma_semaphore, #tpu.memory_space<semaphore_mem>>) src(%dma_wait3A_579 : memref<4x8x128xf32, #tpu.memory_space<vmem>>) dst(%dma_wait3A_574 : memref<4x8x128xf32, #tpu.memory_space<hbm>>)
    return
  }
}

</mosaic_0001>

<sc_bundles>
// kernel: kernel.4.cloned.1.call-start
scs
__scs_entry_jumppad:
0x0: {  	(pc) =	sbr.rel $0x88, $3  }
0x1: {  	(tag) =	ssettag $0x0;
	lr =	simm.s32 $0x1  }
0x2: {  	[smem:$0x3F9F] =	sst lr;
	_ =	strace $0xD0000000  }
0x3: {  	_ = 	snop  }
0x4: {  	_ = 	snop  }
0x5: {  	_ = 	snop  }
0x6: {  	_ = 	snop  }
0x7: {  	_ = 	snop  }
__scs_overlays_trampoline_lowered:
0x8: {  	[smem:$0x3FAE] =	sst s0  }
0x9: {  	[smem:$0x3FAF] =	sst s1  }
0xa: {  	[smem:$0x3FB0] =	sst s2  }
0xb: {  	[smem:$0x3FB1] =	sst s3  }
0xc: {  	[smem:$0x3FB2] =	sst s4  }
0xd: {  	[smem:$0x3FB3] =	sst s5  }
0xe: {  	[smem:$0x3FB4] =	sst s6  }
0xf: {  	[smem:$0x3FB5] =	sst s7  }
0x10: {  	[smem:$0x3FB6] =	sst s8  }
0x11: {  	[smem:$0x3FB7] =	sst s9;
	s0 =	simm.s32 @!p0 $0x0  }
0x12: {  	s1 =	sld [smem:$0x3F9D];
	s0 =	simm.s32 @p0 $0x1  }
0x13: {  	[smem:$0x3FB8] =	sst s0;
	s0 =	simm.s32 @!p1 $0x0  }
0x14: {  	s2 =	sld [smem:$0x3F9C];
	s0 =	simm.s32 @p1 $0x1  }
0x15: {  	[smem:$0x3FB9] =	sst s0;
	s0 =	simm.s32 @!p2 $0x0  }
0x16: {  	s3 =	sld [smem:$0x3FDB];
	s0 =	simm.s32 @p2 $0x1  }
0x17: {  	s4 =	simm.s32 $0x1BF5;
	[smem:$0x3FBB] =	sst s0  }
0x18: {  	s0 =	sld [smem:$0x3F9E];
	_ =	swait.ge [sflag:s4], $0x0  }
0x19: {  	s7 =	sld [smem:$0x3F9F]  }
0x1a: {  	s8 =	sadd.s32 $0xFFFFE003, lr  }
0x1b: {  	s9 =	sadd.s32 $0xFFFFFEF7, lr;
	s5 =	simm.s32 $0xFFFFFFFF;
	p2 =	slt.u32 s8, $0xFFFFF086  }
0x1c: {  	p1 =	slt.u32 s9, $0xF7A;
	s5 =	simm.s32 @!p2 $0x0  }
0x1d: {  	s5 =	simm.s32 @p1 $0x1;
	p0 =	seq.s32 s7, s2  }
0x1e: {  	s7 =	smul.u32 @!p0 $0xF7A, s2;
	p2 =	seq.s32 @!p0 s5, $0x0  }
0x1f: {  	s9 =	smul.u32 $0xF7A, s1;
	s8 =	simm.s32 @!p0 $0x1BF5;
	p2 =	por !p2, p0  }
0x20: {  	[sflag:s8] =	ssyncset.s32 @!p0 $0xFFFFF086;
	s6 =	sadd.s32 @!p0 s3, s7;
	s7 =	simm.s32 @!p0 $0x108  }
0x21: {  	s3 =	sadd.s32 s3, s9;
	s6 =	sadd.s32 @!p0 $0x88, s6;
	s7 =	simm.s32 @p2 $0x1082  }
0x22: {  	[simem:s7], [sflag:s8] =	dma.local @!p0 [hbm:s6], $0xF7A  }
0x23: {  	s9 =	sor.u32 $0xD0000000, s2;
	s6 =	simm.s32 $0x108;
	_ =	swait.ge @!p0 [sflag:s8], $0x0  }
0x24: {  	s3 =	sadd.s32 $0x88, s3;
	s6 =	simm.s32 @!p1 $0x1082;
	[sflag:s4] =	ssyncset.s32 $0xFFFFF086  }
0x25: {  	[simem:s6], [sflag:s4] =	dma.local [hbm:s3], $0xF7A  }
0x26: {  	[smem:$0x3F9F] =	sst s1;
	(tag) =	ssettag s2;
	_ =	strace s9  }
0x27: {  	s1 =	sld [smem:$0x3FAF]  }
0x28: {  	s2 =	sld [smem:$0x3FB0]  }
0x29: {  	s4 =	sld [smem:$0x3FB2]  }
0x2a: {  	p0 =	seq.s32 s5, $0x0;
	s5 =	sld [smem:$0x3FB3]  }
0x2b: {  	s6 =	sld [smem:$0x3FB4]  }
0x2c: {  	s7 =	sld [smem:$0x3FB5]  }
0x2d: {  	s3 =	simm.s32 $0x108;
	s8 =	sld [smem:$0x3FB6]  }
0x2e: {  	s3 =	simm.s32 @!p0 $0x1082;
	s9 =	sld [smem:$0x3FB7]  }
0x2f: {  	lr =	sadd.s32 s0, s3;
	s0 =	sld [smem:$0x3FAE]  }
0x30: {  	s3 =	sld [smem:$0x3FB1]  }
0x31: {  	[smem:$0x3FBA] =	sst s10  }
0x32: {  	s10 =	sld [smem:$0x3FB8];
	_ =	sdelay $0x3  }
0x33: {  	p0 =	seq.s32 s10, $0x1;
	s10 =	sld [smem:$0x3FBA];
	_ =	sdelay $0x3  }
0x34: {  	[smem:$0x3FBA] =	sst s10  }
0x35: {  	s10 =	sld [smem:$0x3FB9];
	_ =	sdelay $0x3  }
0x36: {  	p1 =	seq.s32 s10, $0x1;
	s10 =	sld [smem:$0x3FBA];
	_ =	sdelay $0x3  }
0x37: {  	[smem:$0x3FBA] =	sst s10  }
0x38: {  	s10 =	sld [smem:$0x3FBB]  }
0x39: {  	_ = 	snop;
	(pc) =	sbr.ind lr, $3  }
0x3a: {  	_ = 	snop  }
0x3b: {  	_ = 	snop  }
0x3c: {  	p2 =	seq.s32 s10, $0x1;
	s10 =	sld [smem:$0x3FBA]  }
0x3d: {  	_ =	shalt  }
0x3e: {  	_ =	shalt  }
0x3f: {  	_ =	shalt  }
0x40: {  	_ =	shalt  }
0x41: {  	_ =	shalt  }
0x42: {  	_ =	shalt  }
0x43: {  	_ =	shalt  }
0x44: {  	_ =	shalt  }
0x45: {  	_ =	shalt  }
0x46: {  	_ =	shalt  }
0x47: {  	_ =	shalt  }
0x48: {  	_ =	shalt  }
0x49: {  	_ =	shalt  }
0x4a: {  	_ =	shalt  }
0x4b: {  	_ =	shalt  }
0x4c: {  	_ =	shalt  }
0x4d: {  	_ =	shalt  }
0x4e: {  	_ =	shalt  }
0x4f: {  	_ =	shalt  }
0x50: {  	_ =	shalt  }
0x51: {  	_ =	shalt  }
0x52: {  	_ =	shalt  }
0x53: {  	_ =	shalt  }
0x54: {  	_ =	shalt  }
0x55: {  	_ =	shalt  }
0x56: {  	_ =	shalt  }
0x57: {  	_ =	shalt  }
0x58: {  	_ =	shalt  }
0x59: {  	_ =	shalt  }
0x5a: {  	_ =	shalt  }
0x5b: {  	_ =	shalt  }
0x5c: {  	_ =	shalt  }
0x5d: {  	_ =	shalt  }
0x5e: {  	_ =	shalt  }
0x5f: {  	_ =	shalt  }
0x60: {  	_ =	shalt  }
0x61: {  	_ =	shalt  }
0x62: {  	_ =	shalt  }
0x63: {  	_ =	shalt  }
0x64: {  	_ =	shalt  }
0x65: {  	_ =	shalt  }
0x66: {  	_ =	shalt  }
0x67: {  	_ =	shalt  }
0x68: {  	_ =	shalt  }
0x69: {  	_ =	shalt  }
0x6a: {  	_ =	shalt  }
0x6b: {  	_ =	shalt  }
0x6c: {  	_ =	shalt  }
0x6d: {  	_ =	shalt  }
0x6e: {  	_ =	shalt  }
0x6f: {  	_ =	shalt  }
0x70: {  	_ =	shalt  }
0x71: {  	_ =	shalt  }
0x72: {  	_ =	shalt  }
0x73: {  	_ =	shalt  }
0x74: {  	_ =	shalt  }
0x75: {  	_ =	shalt  }
0x76: {  	_ =	shalt  }
0x77: {  	_ =	shalt  }
0x78: {  	_ =	shalt  }
0x79: {  	_ =	shalt  }
0x7a: {  	_ =	shalt  }
0x7b: {  	_ =	shalt  }
0x7c: {  	_ =	shalt  }
0x7d: {  	_ =	shalt  }
0x7e: {  	_ =	shalt  }
0x7f: {  	_ =	shalt  }
0x80: {  	_ =	shalt  }
0x81: {  	_ =	shalt  }
0x82: {  	_ =	shalt  }
0x83: {  	_ =	shalt  }
0x84: {  	_ =	shalt  }
0x85: {  	_ =	shalt  }
0x86: {  	_ =	shalt  }
0x87: {  	_ =	shalt  }
.Lfunc_end0:
.L_simem_size_0:
called_computation_lowered:
.L_overlay_start_0:
0x88: {  	s2 =	sld [smem:$0x3FD9]  }
0x89: {  	s3 =	sld [smem:$0x3FFE];
	_ =	sdelay $0x1  }
0x8a: {  	s1 =	srdreg.scid  }
0x8b: {  	s0 =	sand.u32 $0x1, s1  }
0x8c: {  	s16 =	sshll.u32 s0, $0xA;
	s2 =	sadd.s32 s3, s2  }
0x8d: {  	s2 =	sadd.s32 s2, s16  }
0x8e: {  	[smem:$0x3FC6] =	sst s2  }
0x8f: {  	_ = 	snop  }
0x90: {  	(tm) =	ssettm $0x1  }
0x91: {  	s17 =	sld [smem:$0x3FFB];
	_ =	sdelay $0x3  }
0x92: {  	_ =	strace s17  }
0x93: {  	s2 =	sld [smem:$0x3FFC];
	_ =	sdelay $0x3  }
0x94: {  	_ =	strace s2  }
0x95: {  	s2 =	sld [smem:$0x3FFD];
	_ =	sdelay $0x3  }
0x96: {  	_ =	strace s2  }
0x97: {  	_ =	strace $0x8FFFFFFF  }
0x98: {  	s18 =	sld [smem:$0x3FDB];
	_ =	sdelay $0x1  }
0x99: {  	s19 =	simm.s32 $_scs_section_size  }
0x9a: {  	s4 =	simm.s32 $_size__tile_overlayer_lowered;
	s5 =	simm.s32 $_tile_overlayer_lowered  }
0x9b: {  	s22 =	simm.s32 $0x1BFF;
	s21 =	sshll.u32 s5, $0x1;
	s2 =	sadd.s32 s19, s18  }
0x9c: {  	s6 =	simm.s32 $0x0;
	s20 =	sshll.u32 s4, $0x1;
	s4 =	sadd.s32 s21, s2  }
0x9d: {  	[timem:s6], [sflag:s22] =	dma.local [hbm:s4], s20  }
0x9e: {  	_ =	swait.ge [sflag:s22], s20  }
0x9f: {  	s3 =	ssub.s32 $0x0, s20;
	[sflag:s22] =	ssyncset.done $0x0  }
0xa0: {  	[sflag:s22] =	ssyncadd.s32 s3;
	_ =	sdelay $0x1  }
0xa1: {  	s23 =	simm.s32 $0x1B8B  }
0xa2: {  	_ =	swait.ge [sflag:s23], $0x1  }
0xa3: {  	[sflag:s23] =	ssyncset.done $0x0  }
0xa4: {  	s25 =	simm.s32 $0x1B8E;
	s24 =	sld [smem:$0x3FFE];
	[sflag:s23] =	ssyncadd.s32 $0xFFFFFFFF  }
0xa5: {  	s26 =	simm.s32 $execute0_lowered;
	[smem:$0x3FD2] =	sst s25  }
0xa6: {  	s4 =	sshll.u32 s26, $0x1;
	_ =	strace $0x80000046;
	[dreg:$0x1] =	wrdreg $0xFFFFFFFF  }
0xa7: {  	s28 =	simm.s32 $_size_execute0_lowered;
	s2 =	sadd.s32 s2, s4;
	[dreg:$0x0] =	wrdreg $0x0  }
0xa8: {  	s4 =	sshll.u32 s28, $0x1;
	[dreg:$0x2] =	wrdreg s2  }
0xa9: {  	[dreg:$0x3] =	wrdreg s4  }
0xaa: {  	[dreg:$0x4] =	wrdreg $0xC0  }
0xab: {  	_ =	task [dreg:s6], $0x5FFFF  }
0xac: {  	[dreg:$0x1] =	wrdreg $0xFFFFFFFF  }
0xad: {  	[dreg:$0x0] =	wrdreg $0x60  }
0xae: {  	[dreg:$0x2] =	wrdreg s24  }
0xaf: {  	[dreg:$0x3] =	wrdreg $0x9  }
0xb0: {  	_ =	task.clear_ibuf [dreg:s6], $0x4FFFF;
	_ =	strace $0x90000046  }
0xb1: {  	s29 =	simm.s32 $0x9;
	_ =	strace $0x80000048  }
0xb2: {  	_ =	swait.ge [sflag:s29], $0x1  }
0xb3: {  	[sflag:s29] =	ssyncadd.s32 $0xFFFFFFFF  }
0xb4: {  	_ =	strace $0x90000048  }
0xb5: {  	_ =	sfence  }
0xb6: {  	s30 =	sld [smem:$0x0];
	_ =	sdelay $0x2  }
0xb7: {  	s31 =	sshll.u32 s1, $0xD;
	s1 =	sshrl.u32 s1, $0x2  }
0xb8: {  	s3 =	sand.u32 $0x4000, s31;
	s1 =	sadd.s32 s1, s30  }
0xb9: {  	s0 =	sor.u32 s3, s0;
	s1 =	sshll.u32 s1, $0x11  }
0xba: {  	s0 =	sor.u32 s1, s0  }
0xbb: {  	s0 =	sadd.s32 $0x8F2B, s0  }
0xbc: {  	[sflag:s0] =	ssyncadd.remote.s32 $0x1  }
0xbd: {  	_ =	sfence.sel $0xFFFF  }
0xbe: {  	[dreg:$0x0] =	wrdreg $0xFFFFFFFF;
	(pc) =	sbr.abs _section_cstart, $3  }
0xbf: {  	[dreg:$0x1] =	wrdreg $0xFFFFFFFF  }
0xc0: {  	_ =	task.clear_ibuf [dreg:s6], $0x2FFFF;
	_ =	strace $0x9FFFFFFF  }
0xc1: {  	(tm) =	ssettm $0x7FFFFFFF  }
tec
execute0_lowered:
.L_overlay_start_1:
0x0: {  	(tag) =	ssettag $0x1  }
0x1: {  	s0 =	rddreg [dreg:$0x0];
	s2 =	simm.s32 $0x0;
	s1 =	srdreg.scid  }
0x2: {  	s3 =	stileid.u32;
	s21 =	simm.s32 $0x4000;
	s23 =	simm.s32 $0x5400  }
0x3: {  	s25 =	simm.s32 $0x6800;
	s28 =	simm.s32 $0x7C00;
	[smem:$0x7FF] =	sst s2  }
0x4: {  	s1 =	sand.u32 $0x1, s1;
	s3 =	sshll.u32 s3, $0x1;
	s4 =	sadd.s32 $0x800, s0  }
0x5: {  	s5 =	sadd.s32 $0x3D1200, s0;
	s3 =	sor.u32 s1, s3;
	s1 =	ssub.s32 $0x2, s1  }
0x6: {  	_ =	strace $0x80000047;
	s6 =	sshll.u32 s3, $0x7;
	s26 =	sshrl.u32 s1, $0x1  }
0x7: {  	v0 =	vlaneseq.u32;
	s10 =	sor.u32 $0x80, s3;
	s11 =	sor.u32 $0xA0, s3;
	s6 =	sadd.s32 s4, s6  }
.Ltmp0:
0x8: {  	v0 =	vmul.u32 $0x28, v0;
	s29 =	sadd.s32 $0x1000, s6;
	[dreg:$0x2] =	wrdreg s6;
	(pc) =	sbr.rel .LBB2_1-.Ltmp0, $4  }
0x9: {  	s12 =	sor.u32 $0xC0, s3;
	s30 =	sadd.s32 $0x2000, s6;
	[dreg:$0x3] =	wrdreg s29  }
0xa: {  	v1 =	vadd.s32 $0x280, v0;
	s0 =	ssub.s32 s1, s26;
	s31 =	sadd.s32 $0x3000, s6;
	[dreg:$0x4] =	wrdreg s30  }
0xb: {  	s13 =	sor.u32 $0xE0, s3;
	v2 =	vadd.s32 $0x500, v0;
	v3 =	vadd.s32 $0x780, v0;
	v4 =	vadd.s32 $0xA00, v0;
	s0 =	smax.u32 s0, $0x1;
	[dreg:$0x5] =	wrdreg s31  }
0xc: {  	v5 =	vadd.s32 $0xC80, v0;
	v6 =	vadd.s32 $0xF00, v0;
	v7 =	vadd.s32 $0x1180, v0;
	s26 =	simm.s32 $0x4;
	s6 =	simm.s32 $0x0;
	[dreg:$0x6] =	wrdreg s0  }
.LBB2_27:
0xd: {  	s0 =	simm.s32 $0x5  }
0xe: {  	_ =	swait.ge [sflag:s0], $0x1000  }
0xf: {  	[sflag:s0] =	ssyncset.done $0x0  }
0x10: {  	s29 =	simm.s32 $0x6;
	[sflag:s0] =	ssyncadd.s32 $0xFFFFF000  }
0x11: {  	_ =	swait.ge [sflag:s29], $0x1000  }
0x12: {  	[sflag:s29] =	ssyncset.done $0x0  }
0x13: {  	s30 =	simm.s32 $0x7;
	[sflag:s29] =	ssyncadd.s32 $0xFFFFF000  }
0x14: {  	_ =	swait.ge [sflag:s30], $0x1000  }
0x15: {  	[sflag:s30] =	ssyncset.done $0x0  }
0x16: {  	s1 =	simm.s32 $0x8;
	[sflag:s30] =	ssyncadd.s32 $0xFFFFF000  }
0x17: {  	_ =	swait.ge [sflag:s1], $0x1000  }
0x18: {  	s6 =	rddreg [dreg:$0x7]  }
0x19: {  	s31 =	rddreg [dreg:$0x6];
	s6 =	sadd.s32 $0x1, s6  }
0x1a: {  	p0 =	sne.s32 s6, s31  }
.Ltmp1:
0x1b: {  	_ = 	snop;
	(pc) =	sbr.rel @!p0 .LBB2_28-.Ltmp1, $3  }
0x1c: {  	_ =	sdelay $0x1  }
0x1d: {  	[sflag:s1] =	ssyncset.done $0x0  }
0x1e: {  	[sflag:s1] =	ssyncadd.s32 $0xFFFFF000  }
.LBB2_1:
0x1f: {  	s0 =	rddreg [dreg:$0x2];
	s1 =	simm.s32 $0x400;
	s20 =	simm.s32 $0x7A1400  }
0x20: {  	[tilespmem:s2], [sflag:$0x1] =	stream.strided.gather [hbm4b:s0+s1], $0x1000, s20, s1, $0x38;
	[tilespmem:$0x9000] =	vst v63  }
0x21: {  	s22 =	rddreg [dreg:$0x3];
	s7 =	simm.s32 $0x1000  }
0x22: {  	[tilespmem:s7], [sflag:$0x2] =	stream.strided.gather [hbm4b:s22+s1], $0x1000, s20, s1, $0x38;
	[tilespmem:$0x9000] =	vst v63  }
.Ltmp2:
0x23: {  	[dreg:$0x7] =	wrdreg s6;
	(pc) =	sbr.rel .LBB2_2-.Ltmp2, $4  }
0x24: {  	s24 =	rddreg [dreg:$0x4];
	s29 =	simm.s32 $0x2000  }
0x25: {  	[tilespmem:s29], [sflag:$0x3] =	stream.strided.gather [hbm4b:s24+s1], $0x1000, s20, s1, $0x38;
	[tilespmem:$0x9000] =	vst v63  }
0x26: {  	s30 =	rddreg [dreg:$0x5];
	s31 =	simm.s32 $0x3000;
	s17 =	simm.s32 $0x0  }
0x27: {  	[tilespmem:s31], [sflag:$0x4] =	stream.strided.gather [hbm4b:s30+s1], $0x1000, s20, s1, $0x38;
	[tilespmem:$0x9000] =	vst v63  }
.LBB2_26:
0x28: {  	s0 =	sadd.s32 s13, s18  }
0x29: {  	p0 =	sgt.u32 s0, $0x1E84  }
0x2a: {  	s17 =	sadd.s32 $0x1, s17;
	s0 =	sshll.u32 @!p0 s0, $0x7;
	s1 =	simm.s32 @!p0 $0x400  }
0x2b: {  	s6 =	simm.s32 @!p0 $0x7A1400;
	s7 =	simm.s32 @!p0 $0x3000;
	s0 =	sadd.s32 @!p0 s4, s0  }
0x2c: {  	[tilespmem:s7], [sflag:$0x4] =	stream.strided.gather @!p0 [hbm4b:s0+s1], $0x1000, s6, s1, $0x38;
	[tilespmem:$0x9000] =	vst v63  }
0x2d: {  	p0 =	sne.s32 s17, $0x3E  }
.Ltmp3:
0x2e: {  	_ = 	snop;
	(pc) =	sbr.rel @!p0 .LBB2_27-.Ltmp3, $1  }
0x2f: {  	_ =	sdelay $0x3  }
.LBB2_2:
0x30: {  	s18 =	sshll.u32 s17, $0x7  }
0x31: {  	s19 =	sor.u32 s3, s18  }
0x32: {  	p1 =	sgt.u32 s19, $0x1E84  }
.Ltmp4:
0x33: {  	_ = 	snop;
	(pc) =	sbr.rel @p1 .LBB2_8-.Ltmp4, $2  }
0x34: {  	_ =	sdelay $0x2  }
0x35: {  	p0 =	seq.s32 s17, $0x0  }
0x36: {  	s0 =	simm.s32 $0x1  }
0x37: {  	_ =	swait.ge [sflag:s0], $0x1000  }
0x38: {  	s6 =	simm.s32 $0x0;
	[sflag:s0] =	ssyncset.done $0x0  }
0x39: {  	s7 =	simm.s32 $0x2;
	[sflag:s0] =	ssyncadd.s32 $0xFFFFF000;
	s0 =	simm.s32 @!p0 $0x5  }
0x3a: {  	s8 =	simm.s32 $0x100;
	s9 =	simm.s32 $0x0;
	_ =	swait.ge @!p0 [sflag:s0], $0x1000  }
0x3b: {  	s6 =	sand.u32 $0xC00, s6;
	v8 =	vmov s7;
	s8 =	sand.u32 $0x300, s8;
	[sflag:s0] =	ssyncset.done @!p0 $0x0  }
0x3c: {  	v9 =	vmov s9;
	v17 =	vand.u32 $0x1E, v8;
	[sflag:s0] =	ssyncadd.s32 @!p0 $0xFFFFF000;
	s0 =	sor.u32 s8, s6  }
0x3d: {  	s30 =	simm.s32 $0x40;
	v8 =	vand.u32 $0x1C, v9;
	v10 =	vadd.s32 v0, v17;
	v9 =	vld [tilespmem:s0+$0x0]  }
0x3e: {  	s14 =	simm.s32 $0x3;
	s9 =	simm.s32 $0x180;
	v13 =	vadd.s32 v0, v8;
	v11 =	vld [tilespmem:s30+$0xFFFFFFC0]  }
0x3f: {  	v12 =	vmov s14;
	s7 =	sand.u32 $0x380, s9  }
0x40: {  	v19 =	vand.u32 $0x1F, v12;
	s7 =	sor.u32 s7, s6  }
0x41: {  	v12 =	vadd.s32 v0, v19;
	v14 =	vld [tilespmem:s7+$0x0]  }
0x42: {  	[tilespmem:v10+s21+$0x0] =	vst.idx.msk $0xffff, v9  }
0x43: {  	[tilespmem:v13+s21+$0x0] =	vst.idx.msk $0xffff, v11;
	v11 =	vadd.s32 v1, v17;
	v10 =	vld [tilespmem:s0+$0x10]  }
0x44: {  	v13 =	vadd.s32 v1, v8;
	v15 =	vld [tilespmem:s30+$0xFFFFFFD0]  }
0x45: {  	s15 =	simm.s32 $0x1;
	s16 =	simm.s32 $0x80  }
0x46: {  	s20 =	sand.u32 $0x280, s16;
	[tilespmem:v12+s21+$0x0] =	vst.idx.msk $0xffff, v14;
	v9 =	vmov s15  }
0x47: {  	s8 =	sor.u32 s20, s6;
	v14 =	vadd.s32 v1, v19;
	v12 =	vld [tilespmem:s7+$0x10];
	v9 =	vand.u32 $0x1D, v9  }
0x48: {  	v18 =	vld [tilespmem:s8+$0x0];
	v16 =	vadd.s32 v0, v9;
	[tilespmem:v11+s21+$0x0] =	vst.idx.msk $0xffff, v10  }
0x49: {  	[tilespmem:v13+s21+$0x0] =	vst.idx.msk $0xffff, v15;
	v11 =	vadd.s32 v2, v17;
	v10 =	vld [tilespmem:s0+$0x20]  }
0x4a: {  	v15 =	vadd.s32 v2, v8;
	v13 =	vld [tilespmem:s30+$0xFFFFFFE0];
	_ =	sdelay $0x1  }
0x4b: {  	[tilespmem:v14+s21+$0x0] =	vst.idx.msk $0xffff, v12  }
0x4c: {  	v14 =	vadd.s32 v2, v19;
	v12 =	vld [tilespmem:s7+$0x20];
	[tilespmem:v16+s21+$0x0] =	vst.idx.msk $0xffff, v18  }
0x4d: {  	v16 =	vadd.s32 v1, v9;
	v18 =	vld [tilespmem:s8+$0x10];
	[tilespmem:v11+s21+$0x0] =	vst.idx.msk $0xffff, v10  }
0x4e: {  	[tilespmem:v15+s21+$0x0] =	vst.idx.msk $0xffff, v13;
	v11 =	vadd.s32 v3, v17;
	v10 =	vld [tilespmem:s0+$0x30]  }
0x4f: {  	v15 =	vadd.s32 v3, v8;
	v13 =	vld [tilespmem:s30+$0xFFFFFFF0];
	_ =	sdelay $0x1  }
0x50: {  	[tilespmem:v14+s21+$0x0] =	vst.idx.msk $0xffff, v12  }
0x51: {  	v14 =	vadd.s32 v3, v19;
	v12 =	vld [tilespmem:s7+$0x30];
	[tilespmem:v16+s21+$0x0] =	vst.idx.msk $0xffff, v18  }
0x52: {  	s22 =	simm.s32 $0x4;
	[tilespmem:v11+s21+$0x0] =	vst.idx.msk $0xffff, v10  }
0x53: {  	s24 =	simm.s32 $0x200;
	s29 =	simm.s32 $0x280;
	s1 =	simm.s32 $0x6;
	v18 =	vadd.s32 v2, v9;
	v16 =	vld [tilespmem:s8+$0x20];
	[tilespmem:v15+s21+$0x0] =	vst.idx.msk $0xffff, v13;
	v10 =	vmov s22  }
0x54: {  	s14 =	simm.s32 $0x380;
	s9 =	simm.s32 $0x240;
	v20 =	vadd.s32 v4, v8;
	s15 =	simm.s32 $0x5;
	v21 =	vld [tilespmem:s30+$0x0];
	v10 =	vand.u32 $0x1C, v10  }
0x55: {  	s16 =	simm.s32 $0x7;
	s31 =	sand.u32 $0xC00, s24;
	s20 =	sand.u32 $0x280, s29;
	v22 =	vld [tilespmem:s9+$0xFFFFFFC0];
	v11 =	vmov s15;
	v23 =	vadd.s32 v0, v10  }
0x56: {  	s14 =	sand.u32 $0x380, s14;
	s6 =	sor.u32 s20, s31;
	[tilespmem:v14+s21+$0x0] =	vst.idx.msk $0xffff, v12;
	v14 =	vadd.s32 v4, v17;
	v12 =	vmov s16;
	s22 =	simm.s32 $0x300;
	v15 =	vld [tilespmem:s0+$0x40];
	v11 =	vand.u32 $0x1D, v11  }
0x57: {  	s14 =	sor.u32 s14, s31;
	v26 =	vld [tilespmem:s6+$0x0];
	v13 =	vand.u32 $0x1F, v12;
	v12 =	vmov s1;
	s24 =	sand.u32 $0x300, s22;
	v25 =	vadd.s32 v0, v11  }
0x58: {  	[tilespmem:v18+s21+$0x0] =	vst.idx.msk $0xffff, v16;
	v18 =	vld [tilespmem:s14+$0x0];
	v12 =	vand.u32 $0x1E, v12;
	v16 =	vadd.s32 v0, v13;
	s29 =	sor.u32 s24, s31  }
0x59: {  	[tilespmem:v20+s21+$0x0] =	vst.idx.msk $0xffff, v21;
	v20 =	vld [tilespmem:s29+$0x0];
	v21 =	vadd.s32 v0, v12  }
0x5a: {  	v24 =	vld [tilespmem:s7+$0x40];
	[tilespmem:v23+s21+$0x0] =	vst.idx.msk $0xffff, v22;
	v23 =	vadd.s32 v4, v19  }
0x5b: {  	[tilespmem:v14+s21+$0x0] =	vst.idx.msk $0xffff, v15;
	v14 =	vadd.s32 v1, v10;
	v15 =	vld [tilespmem:s9+$0xFFFFFFD0]  }
0x5c: {  	[tilespmem:v25+s21+$0x0] =	vst.idx.msk $0xffff, v26;
	v25 =	vld [tilespmem:s8+$0x30];
	v26 =	vadd.s32 v3, v9  }
0x5d: {  	v27 =	vadd.s32 v1, v11;
	[tilespmem:v16+s21+$0x0] =	vst.idx.msk $0xffff, v18;
	v28 =	vld [tilespmem:s6+$0x10]  }
0x5e: {  	v18 =	vadd.s32 v1, v13;
	v16 =	vld [tilespmem:s14+$0x10];
	[tilespmem:v21+s21+$0x0] =	vst.idx.msk $0xffff, v20  }
0x5f: {  	v21 =	vadd.s32 v1, v12;
	v20 =	vld [tilespmem:s29+$0x10];
	[tilespmem:v23+s21+$0x0] =	vst.idx.msk $0xffff, v24  }
0x60: {  	v22 =	vld [tilespmem:s30+$0x10];
	[tilespmem:v14+s21+$0x0] =	vst.idx.msk $0xffff, v15;
	v14 =	vadd.s32 v5, v8  }
0x61: {  	[tilespmem:v26+s21+$0x0] =	vst.idx.msk $0xffff, v25;
	v24 =	vadd.s32 v5, v17;
	v15 =	vld [tilespmem:s0+$0x50]  }
0x62: {  	v26 =	vadd.s32 v4, v9;
	[tilespmem:v27+s21+$0x0] =	vst.idx.msk $0xffff, v28;
	v25 =	vld [tilespmem:s8+$0x40]  }
0x63: {  	v27 =	vadd.s32 v2, v10;
	[tilespmem:v18+s21+$0x0] =	vst.idx.msk $0xffff, v16;
	v23 =	vld [tilespmem:s9+$0xFFFFFFE0]  }
0x64: {  	v29 =	vadd.s32 v5, v19;
	v30 =	vld [tilespmem:s7+$0x50];
	[tilespmem:v21+s21+$0x0] =	vst.idx.msk $0xffff, v20  }
0x65: {  	v18 =	vadd.s32 v2, v13;
	v16 =	vld [tilespmem:s14+$0x20];
	[tilespmem:v14+s21+$0x0] =	vst.idx.msk $0xffff, v22  }
0x66: {  	v21 =	vadd.s32 v2, v12;
	v20 =	vld [tilespmem:s29+$0x20];
	[tilespmem:v24+s21+$0x0] =	vst.idx.msk $0xffff, v15  }
0x67: {  	v22 =	vadd.s32 v6, v8;
	[tilespmem:v26+s21+$0x0] =	vst.idx.msk $0xffff, v25;
	v14 =	vld [tilespmem:s30+$0x20]  }
0x68: {  	v25 =	vadd.s32 v5, v9;
	[tilespmem:v27+s21+$0x0] =	vst.idx.msk $0xffff, v23;
	v23 =	vld [tilespmem:s8+$0x50]  }
0x69: {  	v24 =	vadd.s32 v6, v17;
	[tilespmem:v29+s21+$0x0] =	vst.idx.msk $0xffff, v30;
	v15 =	vld [tilespmem:s0+$0x60]  }
0x6a: {  	v33 =	vadd.s32 v2, v11;
	v28 =	vld [tilespmem:s6+$0x20];
	[tilespmem:v18+s21+$0x0] =	vst.idx.msk $0xffff, v16  }
0x6b: {  	v27 =	vadd.s32 v3, v10;
	v26 =	vld [tilespmem:s9+$0xFFFFFFF0];
	[tilespmem:v21+s21+$0x0] =	vst.idx.msk $0xffff, v20  }
0x6c: {  	v32 =	vadd.s32 v3, v12;
	v31 =	vld [tilespmem:s29+$0x30];
	[tilespmem:v22+s21+$0x0] =	vst.idx.msk $0xffff, v14  }
0x6d: {  	[tilespmem:v25+s21+$0x0] =	vst.idx.msk $0xffff, v23;
	v25 =	vadd.s32 v7, v17;
	v17 =	vld [tilespmem:s7+$0x60]  }
0x6e: {  	[tilespmem:v24+s21+$0x0] =	vst.idx.msk $0xffff, v15;
	v18 =	vld [tilespmem:s30+$0x30]  }
0x6f: {  	[tilespmem:v33+s21+$0x0] =	vst.idx.msk $0xffff, v28;
	v21 =	vld [tilespmem:s0+$0x70]  }
0x70: {  	v16 =	vadd.s32 v4, v10;
	v22 =	vadd.s32 v6, v9;
	[tilespmem:v27+s21+$0x0] =	vst.idx.msk $0xffff, v26;
	v20 =	vld [tilespmem:s8+$0x60]  }
0x71: {  	v15 =	vadd.s32 v7, v19;
	v26 =	vld [tilespmem:s14+$0x30];
	v27 =	vadd.s32 v3, v13;
	[tilespmem:v32+s21+$0x0] =	vst.idx.msk $0xffff, v31  }
0x72: {  	s15 =	simm.s32 $0x8;
	s31 =	simm.s32 $0x440;
	v14 =	vadd.s32 v7, v13;
	v19 =	vadd.s32 v6, v19;
	v24 =	vadd.s32 v4, v12;
	s30 =	simm.s32 $0x580;
	v23 =	vld [tilespmem:s29+$0x40]  }
.LBB2_4:
0x73: {  	s0 =	sadd.s32 $0xFFFFFE80, s30;
	v30 =	vadd.s32 v7, v8  }
0x74: {  	v28 =	vmov s15;
	s16 =	sadd.s32 $0x1, s15;
	s1 =	sadd.s32 $0x3, s15;
	v29 =	vld [tilespmem:s9+$0x0];
	v31 =	vadd.s32 v7, v9;
	[tilespmem:v25+s21+$0x0] =	vst.idx.msk $0xffff, v21;
	v8 =	vmovc v10;
	v9 =	vmov v11;
	s20 =	smov.u32 s15  }
0x75: {  	s20 =	sand.u32 $0xC00, s0;
	v21 =	vld [tilespmem:s31+$0xFFFFFFC0];
	v10 =	vand.u32 $0x1C, v28;
	v11 =	vmov s16;
	s0 =	sadd.s32 $0xFFFFFF00, s30;
	s16 =	sadd.s32 $0x2, s15;
	v25 =	vmov s1;
	[tilespmem:v22+s21+$0x0] =	vst.idx.msk $0xffff, v20  }
0x76: {  	s22 =	sadd.s32 $0xFFFFFF80, s30;
	v20 =	vadd.s32 v0, v10;
	s1 =	sand.u32 $0x280, s0;
	v11 =	vand.u32 $0x1D, v11;
	v22 =	vand.u32 $0x1F, v25;
	s0 =	sadd.s32 $0x4, s15;
	[tilespmem:v27+s21+$0x0] =	vst.idx.msk $0xffff, v26;
	v25 =	vld [tilespmem:s8+$0x70]  }
0x77: {  	v26 =	vadd.s32 v4, v10;
	v28 =	vmov s16;
	s16 =	sand.u32 $0x300, s22;
	s8 =	sand.u32 $0x380, s30;
	s1 =	sor.u32 s1, s20;
	v27 =	vadd.s32 v0, v11;
	v32 =	vld [tilespmem:s14+$0x40];
	[tilespmem:v19+s21+$0x0] =	vst.idx.msk $0xffff, v17  }
0x78: {  	p1 =	slt.u32 s15, $0x1C;
	v17 =	vand.u32 $0x1E, v28;
	s22 =	sor.u32 s8, s20;
	v19 =	vadd.s32 v7, v22;
	s8 =	smov.u32 s6;
	[tilespmem:v24+s21+$0x0] =	vst.idx.msk $0xffff, v23;
	v23 =	vld [tilespmem:s7+$0x70]  }
0x79: {  	v28 =	vadd.s32 v0, v22;
	s6 =	smov.u32 s1;
	s7 =	smov.u32 s14;
	s14 =	smov.u32 s22;
	v24 =	vld [tilespmem:s1+$0x0];
	[tilespmem:v16+s21+$0x0] =	vst.idx.msk $0xffff, v29;
	v16 =	vmov v26  }
0x7a: {  	s15 =	sor.u32 s16, s20;
	v26 =	vld [tilespmem:s14+$0x0];
	[tilespmem:v30+s21+$0x0] =	vst.idx.msk $0xffff, v18  }
0x7b: {  	v29 =	vadd.s32 v0, v17;
	v18 =	vld [tilespmem:s15+$0x0];
	[tilespmem:v31+s21+$0x0] =	vst.idx.msk $0xffff, v25  }
0x7c: {  	v25 =	vadd.s32 v4, v13;
	[tilespmem:v20+s21+$0x0] =	vst.idx.msk $0xffff, v21;
	v20 =	vadd.s32 v1, v10;
	v21 =	vld [tilespmem:s9+$0x10]  }
0x7d: {  	v30 =	vld [tilespmem:s31+$0xFFFFFFD0];
	[tilespmem:v15+s21+$0x0] =	vst.idx.msk $0xffff, v23;
	v15 =	vmov v14;
	v14 =	vmov v19  }
0x7e: {  	v19 =	vadd.s32 v1, v11;
	[tilespmem:v27+s21+$0x0] =	vst.idx.msk $0xffff, v24;
	v23 =	vld [tilespmem:s8+$0x30];
	v24 =	vadd.s32 v3, v9  }
0x7f: {  	v27 =	vld [tilespmem:s6+$0x10];
	[tilespmem:v28+s21+$0x0] =	vst.idx.msk $0xffff, v26  }
0x80: {  	v26 =	vadd.s32 v1, v22;
	[tilespmem:v29+s21+$0x0] =	vst.idx.msk $0xffff, v18;
	v18 =	vld [tilespmem:s14+$0x10]  }
0x81: {  	v29 =	vadd.s32 v1, v17;
	v28 =	vld [tilespmem:s15+$0x10];
	[tilespmem:v25+s21+$0x0] =	vst.idx.msk $0xffff, v32  }
0x82: {  	[tilespmem:v20+s21+$0x0] =	vst.idx.msk $0xffff, v30;
	v20 =	vadd.s32 v5, v8;
	v25 =	vld [tilespmem:s29+$0x50]  }
0x83: {  	v30 =	vld [tilespmem:s31+$0xFFFFFFE0];
	[tilespmem:v24+s21+$0x0] =	vst.idx.msk $0xffff, v23;
	v23 =	vadd.s32 v5, v12  }
0x84: {  	v24 =	vadd.s32 v4, v9;
	[tilespmem:v19+s21+$0x0] =	vst.idx.msk $0xffff, v27;
	v19 =	vld [tilespmem:s8+$0x40]  }
0x85: {  	v27 =	vadd.s32 v2, v10;
	v31 =	vld [tilespmem:s6+$0x20];
	[tilespmem:v26+s21+$0x0] =	vst.idx.msk $0xffff, v18  }
0x86: {  	v26 =	vadd.s32 v2, v22;
	[tilespmem:v29+s21+$0x0] =	vst.idx.msk $0xffff, v28;
	v18 =	vld [tilespmem:s14+$0x20]  }
0x87: {  	v29 =	vadd.s32 v2, v17;
	v28 =	vld [tilespmem:s15+$0x20];
	[tilespmem:v20+s21+$0x0] =	vst.idx.msk $0xffff, v21  }
0x88: {  	v21 =	vadd.s32 v6, v8;
	v20 =	vld [tilespmem:s9+$0x20];
	[tilespmem:v23+s21+$0x0] =	vst.idx.msk $0xffff, v25;
	v23 =	vadd.s32 v5, v13  }
0x89: {  	[tilespmem:v24+s21+$0x0] =	vst.idx.msk $0xffff, v19;
	v19 =	vld [tilespmem:s29+$0x60];
	v24 =	vadd.s32 v6, v12  }
0x8a: {  	[tilespmem:v27+s21+$0x0] =	vst.idx.msk $0xffff, v30;
	v25 =	vld [tilespmem:s8+$0x50];
	v27 =	vadd.s32 v5, v9  }
0x8b: {  	v32 =	vadd.s32 v3, v10;
	v30 =	vld [tilespmem:s31+$0xFFFFFFF0];
	[tilespmem:v26+s21+$0x0] =	vst.idx.msk $0xffff, v18  }
0x8c: {  	[tilespmem:v29+s21+$0x0] =	vst.idx.msk $0xffff, v28;
	v28 =	vld [tilespmem:s7+$0x50]  }
0x8d: {  	v33 =	vadd.s32 v3, v17;
	v29 =	vld [tilespmem:s15+$0x30];
	[tilespmem:v21+s21+$0x0] =	vst.idx.msk $0xffff, v20  }
0x8e: {  	v34 =	vadd.s32 v2, v11;
	v18 =	vld [tilespmem:s9+$0x30];
	[tilespmem:v24+s21+$0x0] =	vst.idx.msk $0xffff, v19;
	v19 =	vadd.s32 v6, v13;
	v13 =	vmov v22;
	s9 =	smov.u32 s31  }
.Ltmp5:
0x8f: {  	[tilespmem:v27+s21+$0x0] =	vst.idx.msk $0xffff, v25;
	v21 =	vld [tilespmem:s29+$0x70];
	v25 =	vadd.s32 v7, v12;
	v12 =	vmov v17;
	s29 =	smov.u32 s15;
	(pc) =	sbr.rel @p1 .LBB2_4-.Ltmp5, $4  }
0x90: {  	v22 =	vadd.s32 v6, v9;
	[tilespmem:v32+s21+$0x0] =	vst.idx.msk $0xffff, v30;
	v20 =	vld [tilespmem:s8+$0x60]  }
0x91: {  	v27 =	vadd.s32 v3, v13;
	v26 =	vld [tilespmem:s14+$0x30];
	[tilespmem:v23+s21+$0x0] =	vst.idx.msk $0xffff, v28  }
0x92: {  	[tilespmem:v33+s21+$0x0] =	vst.idx.msk $0xffff, v29;
	v17 =	vld [tilespmem:s7+$0x60]  }
0x93: {  	s30 =	sadd.s32 $0x200, s30;
	s31 =	sadd.s32 $0x200, s31;
	s15 =	smov.u32 s0;
	v24 =	vadd.s32 v4, v12;
	[tilespmem:v34+s21+$0x0] =	vst.idx.msk $0xffff, v31;
	v23 =	vld [tilespmem:s29+$0x40]  }
0x94: {  	v28 =	vld [tilespmem:s6+$0x30];
	v29 =	vadd.s32 v3, v11;
	_ =	sdelay $0x3  }
0x95: {  	v30 =	vld [tilespmem:s9+$0x0];
	[tilespmem:v27+s21+$0x0] =	vst.idx.msk $0xffff, v26  }
0x96: {  	v42 =	vadd.s32 v4, v13;
	v41 =	vld [tilespmem:s14+$0x40];
	[tilespmem:v29+s21+$0x0] =	vst.idx.msk $0xffff, v28  }
0x97: {  	v40 =	vadd.s32 v4, v11;
	v39 =	vld [tilespmem:s6+$0x40];
	_ =	sdelay $0x1  }
0x98: {  	[tilespmem:v24+s21+$0x0] =	vst.idx.msk $0xffff, v23  }
0x99: {  	v44 =	vadd.s32 v5, v12;
	[tilespmem:v16+s21+$0x0] =	vst.idx.msk $0xffff, v30;
	v43 =	vld [tilespmem:s29+$0x50]  }
0x9a: {  	v46 =	vadd.s32 v5, v10;
	v45 =	vld [tilespmem:s9+$0x10];
	[tilespmem:v42+s21+$0x0] =	vst.idx.msk $0xffff, v41  }
0x9b: {  	v48 =	vadd.s32 v5, v13;
	v49 =	vld [tilespmem:s14+$0x50];
	[tilespmem:v40+s21+$0x0] =	vst.idx.msk $0xffff, v39  }
0x9c: {  	v47 =	vadd.s32 v5, v11;
	[tilespmem:v25+s21+$0x0] =	vst.idx.msk $0xffff, v21;
	v27 =	vld [tilespmem:s6+$0x50]  }
0x9d: {  	[tilespmem:v22+s21+$0x0] =	vst.idx.msk $0xffff, v20  }
0x9e: {  	v8 =	vadd.s32 v7, v8;
	[tilespmem:v44+s21+$0x0] =	vst.idx.msk $0xffff, v43  }
0x9f: {  	v50 =	vadd.s32 v6, v12;
	[tilespmem:v46+s21+$0x0] =	vst.idx.msk $0xffff, v45;
	v16 =	vld [tilespmem:s29+$0x60]  }
0xa0: {  	v52 =	vadd.s32 v6, v10;
	v51 =	vld [tilespmem:s9+$0x20];
	[tilespmem:v48+s21+$0x0] =	vst.idx.msk $0xffff, v49  }
0xa1: {  	v55 =	vadd.s32 v6, v13;
	v56 =	vld [tilespmem:s14+$0x60];
	[tilespmem:v47+s21+$0x0] =	vst.idx.msk $0xffff, v27  }
0xa2: {  	v54 =	vadd.s32 v6, v11;
	[tilespmem:v19+s21+$0x0] =	vst.idx.msk $0xffff, v17;
	v53 =	vld [tilespmem:s6+$0x60]  }
0xa3: {  	v9 =	vadd.s32 v7, v9;
	v57 =	vld [tilespmem:s8+$0x70];
	[tilespmem:v8+s21+$0x0] =	vst.idx.msk $0xffff, v18  }
0xa4: {  	v8 =	vld [tilespmem:s7+$0x70];
	[tilespmem:v50+s21+$0x0] =	vst.idx.msk $0xffff, v16  }
0xa5: {  	v58 =	vadd.s32 v7, v12;
	[tilespmem:v52+s21+$0x0] =	vst.idx.msk $0xffff, v51;
	v16 =	vld [tilespmem:s29+$0x70]  }
0xa6: {  	v60 =	vadd.s32 v7, v10;
	v59 =	vld [tilespmem:s9+$0x30];
	[tilespmem:v55+s21+$0x0] =	vst.idx.msk $0xffff, v56  }
0xa7: {  	v63 =	vld [tilespmem:s14+$0x70];
	[tilespmem:v54+s21+$0x0] =	vst.idx.msk $0xffff, v53  }
0xa8: {  	v61 =	vadd.s32 v7, v11;
	[tilespmem:v9+s21+$0x0] =	vst.idx.msk $0xffff, v57;
	v62 =	vld [tilespmem:s6+$0x70]  }
0xa9: {  	[tilespmem:v15+s21+$0x0] =	vst.idx.msk $0xffff, v8  }
0xaa: {  	[tilespmem:v58+s21+$0x0] =	vst.idx.msk $0xffff, v16  }
0xab: {  	s0 =	sshll.u32 s19, $0x9;
	[tilespmem:v60+s21+$0x0] =	vst.idx.msk $0xffff, v59  }
0xac: {  	s0 =	sadd.s32 s5, s0;
	s8 =	simm.s32 $0x4028;
	[tilespmem:v14+s21+$0x0] =	vst.idx.msk $0xffff, v63  }
0xad: {  	s7 =	simm.s32 $0x4;
	s9 =	sadd.s32 $0x0, s0;
	s6 =	simm.s32 $0x4000;
	[tilespmem:v61+s21+$0x0] =	vst.idx.msk $0xffff, v62  }
.LBB2_6:
0xae: {  	[hbm4b:s9+s2] =	stream.linear.scatter [tilespmem:s6], [sflag:$0x5], $0x20, $0x38;
	[tilespmem:$0x9000] =	vst v63  }
0xaf: {  	s1 =	smov.u32 s7;
	s6 =	smov.u32 s8;
	p1 =	sne.s32 s7, $0x1FC  }
.Ltmp6:
0xb0: {  	s7 =	sadd.s32 $0x4, s7;
	(pc) =	sbr.rel @p1 .LBB2_6-.Ltmp6, $2  }
0xb1: {  	_ =	sdelay $0x2  }
0xb2: {  	s8 =	sadd.s32 $0x28, s8;
	s9 =	sadd.s32 s1, s0  }
0xb3: {  	[hbm4b:s9+s2] =	stream.linear.scatter [tilespmem:s6], [sflag:$0x5], $0x20, $0x38;
	[tilespmem:$0x9000] =	vst v63  }
.LBB2_8:
0xb4: {  	s0 =	sadd.s32 s10, s18  }
0xb5: {  	p1 =	sgt.u32 s0, $0x1E84  }
0xb6: {  	s0 =	sshll.u32 @!p1 s0, $0x7;
	s1 =	simm.s32 @!p1 $0x400  }
0xb7: {  	s6 =	simm.s32 @!p1 $0x7A1400;
	s7 =	simm.s32 @!p1 $0x0;
	s0 =	sadd.s32 @!p1 s4, s0  }
0xb8: {  	[tilespmem:s7], [sflag:$0x1] =	stream.strided.gather @!p1 [hbm4b:s0+s1], $0x1000, s6, s1, $0x38;
	[tilespmem:$0x9000] =	vst v63  }
0xb9: {  	s7 =	sor.u32 $0x20, s19  }
0xba: {  	p1 =	sgt.u32 s7, $0x1E84  }
.Ltmp7:
0xbb: {  	_ = 	snop;
	(pc) =	sbr.rel @p1 .LBB2_14-.Ltmp7, $1  }
0xbc: {  	_ =	sdelay $0x3  }
0xbd: {  	s0 =	simm.s32 $0x2  }
0xbe: {  	_ =	swait.ge [sflag:s0], $0x1000  }
0xbf: {  	s1 =	simm.s32 $0x0;
	s6 =	simm.s32 $0x2;
	[sflag:s0] =	ssyncset.done $0x0  }
0xc0: {  	s8 =	simm.s32 $0x100;
	[sflag:s0] =	ssyncadd.s32 $0xFFFFF000;
	s0 =	simm.s32 @!p0 $0x6  }
0xc1: {  	s9 =	simm.s32 $0x0;
	s24 =	simm.s32 $0x180;
	_ =	swait.ge @!p0 [sflag:s0], $0x1000  }
0xc2: {  	s31 =	simm.s32 $0x1070;
	s1 =	sand.u32 $0xC00, s1;
	v8 =	vmov s6;
	v9 =	vmov s9;
	[sflag:s0] =	ssyncset.done @!p0 $0x0  }
0xc3: {  	s22 =	sand.u32 $0x300, s8;
	s9 =	simm.s32 $0x3;
	v17 =	vand.u32 $0x1E, v8;
	v8 =	vand.u32 $0x1C, v9;
	[sflag:s0] =	ssyncadd.s32 @!p0 $0xFFFFF000  }
0xc4: {  	s6 =	sand.u32 $0x380, s24;
	v12 =	vmov s9;
	v13 =	vadd.s32 v0, v8;
	s0 =	sor.u32 s22, s1;
	v11 =	vld [tilespmem:s31+$0xFFFFFF90]  }
0xc5: {  	s8 =	sor.u32 s6, s1;
	v10 =	vadd.s32 v0, v17;
	v19 =	vand.u32 $0x1F, v12;
	v9 =	vld [tilespmem:s0+$0x1000]  }
0xc6: {  	v12 =	vadd.s32 v0, v19;
	v14 =	vld [tilespmem:s8+$0x1000];
	_ =	sdelay $0x2  }
0xc7: {  	[tilespmem:v13+s23+$0x0] =	vst.idx.msk $0xffff, v11  }
0xc8: {  	[tilespmem:v10+s23+$0x0] =	vst.idx.msk $0xffff, v9;
	v13 =	vadd.s32 v1, v8;
	v15 =	vld [tilespmem:s31+$0xFFFFFFA0]  }
0xc9: {  	s14 =	simm.s32 $0x1;
	s15 =	simm.s32 $0x80;
	v11 =	vadd.s32 v1, v17;
	[tilespmem:v12+s23+$0x0] =	vst.idx.msk $0xffff, v14;
	v10 =	vld [tilespmem:s0+$0x1010]  }
0xca: {  	s16 =	sand.u32 $0x280, s15;
	v9 =	vmov s14;
	v14 =	vadd.s32 v1, v19;
	v12 =	vld [tilespmem:s8+$0x1010]  }
0xcb: {  	s9 =	sor.u32 s16, s1;
	v9 =	vand.u32 $0x1D, v9  }
0xcc: {  	v18 =	vld [tilespmem:s9+$0x1000];
	v16 =	vadd.s32 v0, v9  }
0xcd: {  	[tilespmem:v13+s23+$0x0] =	vst.idx.msk $0xffff, v15  }
0xce: {  	[tilespmem:v11+s23+$0x0] =	vst.idx.msk $0xffff, v10;
	v15 =	vadd.s32 v2, v8;
	v13 =	vld [tilespmem:s31+$0xFFFFFFB0]  }
0xcf: {  	v11 =	vadd.s32 v2, v17;
	[tilespmem:v14+s23+$0x0] =	vst.idx.msk $0xffff, v12;
	v10 =	vld [tilespmem:s0+$0x1020]  }
0xd0: {  	v14 =	vadd.s32 v2, v19;
	v12 =	vld [tilespmem:s8+$0x1020]  }
0xd1: {  	[tilespmem:v16+s23+$0x0] =	vst.idx.msk $0xffff, v18  }
0xd2: {  	v16 =	vadd.s32 v1, v9;
	v18 =	vld [tilespmem:s9+$0x1010]  }
0xd3: {  	[tilespmem:v15+s23+$0x0] =	vst.idx.msk $0xffff, v13  }
0xd4: {  	[tilespmem:v11+s23+$0x0] =	vst.idx.msk $0xffff, v10;
	v15 =	vadd.s32 v3, v8;
	v13 =	vld [tilespmem:s31+$0xFFFFFFC0]  }
0xd5: {  	v11 =	vadd.s32 v3, v17;
	[tilespmem:v14+s23+$0x0] =	vst.idx.msk $0xffff, v12;
	v10 =	vld [tilespmem:s0+$0x1030]  }
0xd6: {  	v14 =	vadd.s32 v3, v19;
	v12 =	vld [tilespmem:s8+$0x1030]  }
0xd7: {  	[tilespmem:v16+s23+$0x0] =	vst.idx.msk $0xffff, v18  }
0xd8: {  	v18 =	vadd.s32 v2, v9;
	v16 =	vld [tilespmem:s9+$0x1020]  }
0xd9: {  	s20 =	simm.s32 $0x4;
	s15 =	simm.s32 $0x5;
	s6 =	simm.s32 $0x380;
	[tilespmem:v15+s23+$0x0] =	vst.idx.msk $0xffff, v13  }
0xda: {  	s16 =	simm.s32 $0x7;
	v20 =	vadd.s32 v4, v8;
	s6 =	sand.u32 $0x380, s6;
	s22 =	simm.s32 $0x200;
	[tilespmem:v11+s23+$0x0] =	vst.idx.msk $0xffff, v10;
	v10 =	vmov s20;
	v21 =	vld [tilespmem:s31+$0xFFFFFFD0]  }
0xdb: {  	s1 =	sand.u32 $0xC00, s22;
	s14 =	simm.s32 $0x1270;
	s20 =	simm.s32 $0x280;
	[tilespmem:v14+s23+$0x0] =	vst.idx.msk $0xffff, v12;
	v14 =	vadd.s32 v4, v17;
	v12 =	vmov s16;
	v15 =	vld [tilespmem:s0+$0x1040];
	v10 =	vand.u32 $0x1C, v10  }
0xdc: {  	s6 =	sor.u32 s6, s1;
	v22 =	vld [tilespmem:s14+$0xFFFFFF90];
	v11 =	vmov s15;
	s20 =	sand.u32 $0x280, s20;
	v13 =	vand.u32 $0x1F, v12;
	v23 =	vadd.s32 v0, v10  }
0xdd: {  	s24 =	simm.s32 $0x6;
	s22 =	simm.s32 $0x300;
	v11 =	vand.u32 $0x1D, v11;
	[tilespmem:v18+s23+$0x0] =	vst.idx.msk $0xffff, v16;
	v18 =	vld [tilespmem:s6+$0x1000];
	s29 =	sor.u32 s20, s1;
	v16 =	vadd.s32 v0, v13  }
0xde: {  	v12 =	vmov s24;
	s24 =	sand.u32 $0x300, s22;
	v25 =	vadd.s32 v0, v11;
	v26 =	vld [tilespmem:s29+$0x1000]  }
0xdf: {  	v12 =	vand.u32 $0x1E, v12;
	s30 =	sor.u32 s24, s1;
	[tilespmem:v20+s23+$0x0] =	vst.idx.msk $0xffff, v21  }
0xe0: {  	v20 =	vld [tilespmem:s30+$0x1000];
	v21 =	vadd.s32 v0, v12;
	[tilespmem:v14+s23+$0x0] =	vst.idx.msk $0xffff, v15  }
0xe1: {  	v24 =	vld [tilespmem:s8+$0x1040];
	[tilespmem:v23+s23+$0x0] =	vst.idx.msk $0xffff, v22;
	v23 =	vadd.s32 v4, v19  }
0xe2: {  	v14 =	vadd.s32 v1, v10;
	[tilespmem:v16+s23+$0x0] =	vst.idx.msk $0xffff, v18;
	v15 =	vld [tilespmem:s14+$0xFFFFFFA0]  }
0xe3: {  	[tilespmem:v25+s23+$0x0] =	vst.idx.msk $0xffff, v26;
	v25 =	vld [tilespmem:s9+$0x1030];
	v26 =	vadd.s32 v3, v9  }
0xe4: {  	v18 =	vadd.s32 v1, v13;
	v16 =	vld [tilespmem:s6+$0x1010]  }
0xe5: {  	v27 =	vadd.s32 v1, v11;
	v28 =	vld [tilespmem:s29+$0x1010];
	[tilespmem:v21+s23+$0x0] =	vst.idx.msk $0xffff, v20  }
0xe6: {  	v21 =	vadd.s32 v1, v12;
	v20 =	vld [tilespmem:s30+$0x1010];
	[tilespmem:v23+s23+$0x0] =	vst.idx.msk $0xffff, v24  }
0xe7: {  	v22 =	vld [tilespmem:s31+$0xFFFFFFE0];
	[tilespmem:v14+s23+$0x0] =	vst.idx.msk $0xffff, v15;
	v14 =	vadd.s32 v5, v8  }
0xe8: {  	v24 =	vadd.s32 v5, v17;
	v15 =	vld [tilespmem:s0+$0x1050];
	[tilespmem:v26+s23+$0x0] =	vst.idx.msk $0xffff, v25  }
0xe9: {  	v29 =	vadd.s32 v5, v19;
	[tilespmem:v18+s23+$0x0] =	vst.idx.msk $0xffff, v16;
	v30 =	vld [tilespmem:s8+$0x1050]  }
0xea: {  	v26 =	vadd.s32 v4, v9;
	[tilespmem:v27+s23+$0x0] =	vst.idx.msk $0xffff, v28;
	v25 =	vld [tilespmem:s9+$0x1040]  }
0xeb: {  	v23 =	vld [tilespmem:s14+$0xFFFFFFB0];
	v27 =	vadd.s32 v2, v10;
	[tilespmem:v21+s23+$0x0] =	vst.idx.msk $0xffff, v20  }
0xec: {  	v18 =	vadd.s32 v2, v13;
	v16 =	vld [tilespmem:s6+$0x1020];
	[tilespmem:v14+s23+$0x0] =	vst.idx.msk $0xffff, v22  }
0xed: {  	v21 =	vadd.s32 v2, v12;
	v20 =	vld [tilespmem:s30+$0x1020];
	[tilespmem:v24+s23+$0x0] =	vst.idx.msk $0xffff, v15  }
0xee: {  	v22 =	vadd.s32 v6, v8;
	[tilespmem:v29+s23+$0x0] =	vst.idx.msk $0xffff, v30;
	v14 =	vld [tilespmem:s31+$0xFFFFFFF0]  }
0xef: {  	v24 =	vadd.s32 v6, v17;
	[tilespmem:v26+s23+$0x0] =	vst.idx.msk $0xffff, v25;
	v15 =	vld [tilespmem:s0+$0x1060]  }
0xf0: {  	[tilespmem:v27+s23+$0x0] =	vst.idx.msk $0xffff, v23;
	v25 =	vadd.s32 v5, v9;
	v23 =	vld [tilespmem:s9+$0x1050]  }
0xf1: {  	v27 =	vadd.s32 v3, v10;
	[tilespmem:v18+s23+$0x0] =	vst.idx.msk $0xffff, v16;
	v26 =	vld [tilespmem:s14+$0xFFFFFFC0]  }
0xf2: {  	v33 =	vadd.s32 v2, v11;
	v28 =	vld [tilespmem:s29+$0x1020];
	[tilespmem:v21+s23+$0x0] =	vst.idx.msk $0xffff, v20  }
0xf3: {  	v32 =	vadd.s32 v3, v12;
	v31 =	vld [tilespmem:s30+$0x1030];
	[tilespmem:v22+s23+$0x0] =	vst.idx.msk $0xffff, v14  }
0xf4: {  	[tilespmem:v24+s23+$0x0] =	vst.idx.msk $0xffff, v15;
	v18 =	vld [tilespmem:s31+$0x0]  }
0xf5: {  	[tilespmem:v25+s23+$0x0] =	vst.idx.msk $0xffff, v23;
	v21 =	vld [tilespmem:s0+$0x1070]  }
0xf6: {  	[tilespmem:v27+s23+$0x0] =	vst.idx.msk $0xffff, v26;
	v26 =	vld [tilespmem:s6+$0x1030];
	v25 =	vadd.s32 v7, v17  }
0xf7: {  	v16 =	vadd.s32 v4, v10;
	[tilespmem:v33+s23+$0x0] =	vst.idx.msk $0xffff, v28;
	v22 =	vadd.s32 v6, v9;
	v20 =	vld [tilespmem:s9+$0x1060]  }
0xf8: {  	v15 =	vadd.s32 v7, v19;
	v17 =	vld [tilespmem:s8+$0x1060];
	v27 =	vadd.s32 v3, v13;
	[tilespmem:v32+s23+$0x0] =	vst.idx.msk $0xffff, v31  }
0xf9: {  	s16 =	simm.s32 $0x8;
	v14 =	vadd.s32 v7, v13;
	v19 =	vadd.s32 v6, v19;
	v24 =	vadd.s32 v4, v12;
	s31 =	simm.s32 $0x580;
	s0 =	simm.s32 $0x1470;
	v23 =	vld [tilespmem:s30+$0x1040]  }
.LBB2_10:
0xfa: {  	s1 =	sadd.s32 $0xFFFFFE80, s31;
	v30 =	vadd.s32 v7, v8  }
0xfb: {  	v28 =	vmov s16;
	s15 =	sadd.s32 $0x1, s16;
	s20 =	sadd.s32 $0x3, s16;
	v29 =	vld [tilespmem:s14+$0xFFFFFFD0];
	v31 =	vadd.s32 v7, v9;
	[tilespmem:v25+s23+$0x0] =	vst.idx.msk $0xffff, v21;
	v8 =	vmovc v10;
	v9 =	vmov v11;
	s22 =	smov.u32 s16  }
0xfc: {  	s1 =	sand.u32 $0xC00, s1;
	v21 =	vld [tilespmem:s0+$0xFFFFFF90];
	v10 =	vand.u32 $0x1C, v28;
	v11 =	vmov s15;
	s15 =	sadd.s32 $0xFFFFFF00, s31;
	s22 =	sadd.s32 $0x2, s16;
	v25 =	vmov s20;
	[tilespmem:v22+s23+$0x0] =	vst.idx.msk $0xffff, v20  }
0xfd: {  	s24 =	sadd.s32 $0xFFFFFF80, s31;
	v20 =	vadd.s32 v0, v10;
	s20 =	sand.u32 $0x280, s15;
	v11 =	vand.u32 $0x1D, v11;
	v22 =	vand.u32 $0x1F, v25;
	s15 =	sadd.s32 $0x4, s16;
	[tilespmem:v27+s23+$0x0] =	vst.idx.msk $0xffff, v26;
	v25 =	vld [tilespmem:s9+$0x1070]  }
0xfe: {  	v26 =	vadd.s32 v4, v10;
	v28 =	vmov s22;
	s22 =	sand.u32 $0x300, s24;
	s9 =	sand.u32 $0x380, s31;
	s20 =	sor.u32 s20, s1;
	v27 =	vadd.s32 v0, v11;
	v32 =	vld [tilespmem:s6+$0x1040];
	[tilespmem:v19+s23+$0x0] =	vst.idx.msk $0xffff, v17  }
0xff: {  	p1 =	slt.u32 s16, $0x1C;
	v17 =	vand.u32 $0x1E, v28;
	s24 =	sor.u32 s9, s1;
	v19 =	vadd.s32 v7, v22;
	s9 =	smov.u32 s29;
	[tilespmem:v24+s23+$0x0] =	vst.idx.msk $0xffff, v23;
	v23 =	vld [tilespmem:s8+$0x1070]  }
0x100: {  	v28 =	vadd.s32 v0, v22;
	s29 =	smov.u32 s20;
	s8 =	smov.u32 s6;
	s6 =	smov.u32 s24;
	v24 =	vld [tilespmem:s20+$0x1000];
	[tilespmem:v16+s23+$0x0] =	vst.idx.msk $0xffff, v29;
	v16 =	vmov v26  }
0x101: {  	s16 =	sor.u32 s22, s1;
	v26 =	vld [tilespmem:s6+$0x1000];
	[tilespmem:v30+s23+$0x0] =	vst.idx.msk $0xffff, v18  }
0x102: {  	v29 =	vadd.s32 v0, v17;
	v18 =	vld [tilespmem:s16+$0x1000];
	[tilespmem:v31+s23+$0x0] =	vst.idx.msk $0xffff, v25  }
0x103: {  	v25 =	vadd.s32 v4, v13;
	[tilespmem:v20+s23+$0x0] =	vst.idx.msk $0xffff, v21;
	v20 =	vadd.s32 v1, v10;
	v21 =	vld [tilespmem:s14+$0xFFFFFFE0]  }
0x104: {  	v30 =	vld [tilespmem:s0+$0xFFFFFFA0];
	[tilespmem:v15+s23+$0x0] =	vst.idx.msk $0xffff, v23;
	v15 =	vmov v14;
	v14 =	vmov v19  }
0x105: {  	v19 =	vadd.s32 v1, v11;
	[tilespmem:v27+s23+$0x0] =	vst.idx.msk $0xffff, v24;
	v23 =	vld [tilespmem:s9+$0x1030];
	v24 =	vadd.s32 v3, v9  }
0x106: {  	v27 =	vld [tilespmem:s29+$0x1010];
	[tilespmem:v28+s23+$0x0] =	vst.idx.msk $0xffff, v26  }
0x107: {  	v26 =	vadd.s32 v1, v22;
	[tilespmem:v29+s23+$0x0] =	vst.idx.msk $0xffff, v18;
	v18 =	vld [tilespmem:s6+$0x1010]  }
0x108: {  	v29 =	vadd.s32 v1, v17;
	v28 =	vld [tilespmem:s16+$0x1010];
	[tilespmem:v25+s23+$0x0] =	vst.idx.msk $0xffff, v32  }
0x109: {  	[tilespmem:v20+s23+$0x0] =	vst.idx.msk $0xffff, v30;
	v20 =	vadd.s32 v5, v8;
	v25 =	vld [tilespmem:s30+$0x1050]  }
0x10a: {  	v30 =	vld [tilespmem:s0+$0xFFFFFFB0];
	[tilespmem:v24+s23+$0x0] =	vst.idx.msk $0xffff, v23;
	v23 =	vadd.s32 v5, v12  }
0x10b: {  	v24 =	vadd.s32 v4, v9;
	[tilespmem:v19+s23+$0x0] =	vst.idx.msk $0xffff, v27;
	v19 =	vld [tilespmem:s9+$0x1040]  }
0x10c: {  	v27 =	vadd.s32 v2, v10;
	v31 =	vld [tilespmem:s29+$0x1020];
	[tilespmem:v26+s23+$0x0] =	vst.idx.msk $0xffff, v18  }
0x10d: {  	v26 =	vadd.s32 v2, v22;
	[tilespmem:v29+s23+$0x0] =	vst.idx.msk $0xffff, v28;
	v18 =	vld [tilespmem:s6+$0x1020]  }
0x10e: {  	v29 =	vadd.s32 v2, v17;
	v28 =	vld [tilespmem:s16+$0x1020];
	[tilespmem:v20+s23+$0x0] =	vst.idx.msk $0xffff, v21  }
0x10f: {  	v21 =	vadd.s32 v6, v8;
	v20 =	vld [tilespmem:s14+$0xFFFFFFF0];
	[tilespmem:v23+s23+$0x0] =	vst.idx.msk $0xffff, v25;
	v23 =	vadd.s32 v5, v13  }
0x110: {  	[tilespmem:v24+s23+$0x0] =	vst.idx.msk $0xffff, v19;
	v19 =	vld [tilespmem:s30+$0x1060];
	v24 =	vadd.s32 v6, v12  }
0x111: {  	[tilespmem:v27+s23+$0x0] =	vst.idx.msk $0xffff, v30;
	v25 =	vld [tilespmem:s9+$0x1050];
	v27 =	vadd.s32 v5, v9  }
0x112: {  	v32 =	vadd.s32 v3, v10;
	v30 =	vld [tilespmem:s0+$0xFFFFFFC0];
	[tilespmem:v26+s23+$0x0] =	vst.idx.msk $0xffff, v18  }
0x113: {  	[tilespmem:v29+s23+$0x0] =	vst.idx.msk $0xffff, v28;
	v28 =	vld [tilespmem:s8+$0x1050]  }
0x114: {  	v33 =	vadd.s32 v3, v17;
	v29 =	vld [tilespmem:s16+$0x1030];
	[tilespmem:v21+s23+$0x0] =	vst.idx.msk $0xffff, v20  }
0x115: {  	v34 =	vadd.s32 v2, v11;
	v18 =	vld [tilespmem:s14+$0x0];
	[tilespmem:v24+s23+$0x0] =	vst.idx.msk $0xffff, v19;
	v19 =	vadd.s32 v6, v13;
	v13 =	vmov v22;
	s14 =	smov.u32 s0  }
.Ltmp8:
0x116: {  	[tilespmem:v27+s23+$0x0] =	vst.idx.msk $0xffff, v25;
	v21 =	vld [tilespmem:s30+$0x1070];
	v25 =	vadd.s32 v7, v12;
	v12 =	vmov v17;
	s30 =	smov.u32 s16;
	(pc) =	sbr.rel @p1 .LBB2_10-.Ltmp8, $4  }
0x117: {  	v22 =	vadd.s32 v6, v9;
	[tilespmem:v32+s23+$0x0] =	vst.idx.msk $0xffff, v30;
	v20 =	vld [tilespmem:s9+$0x1060]  }
0x118: {  	v27 =	vadd.s32 v3, v13;
	v26 =	vld [tilespmem:s6+$0x1030];
	[tilespmem:v23+s23+$0x0] =	vst.idx.msk $0xffff, v28  }
0x119: {  	[tilespmem:v33+s23+$0x0] =	vst.idx.msk $0xffff, v29;
	v17 =	vld [tilespmem:s8+$0x1060]  }
0x11a: {  	s31 =	sadd.s32 $0x200, s31;
	s0 =	sadd.s32 $0x200, s0;
	s16 =	smov.u32 s15;
	v24 =	vadd.s32 v4, v12;
	[tilespmem:v34+s23+$0x0] =	vst.idx.msk $0xffff, v31;
	v23 =	vld [tilespmem:s30+$0x1040]  }
0x11b: {  	v28 =	vld [tilespmem:s29+$0x1030];
	v29 =	vadd.s32 v3, v11;
	_ =	sdelay $0x3  }
0x11c: {  	v30 =	vld [tilespmem:s14+$0xFFFFFFD0];
	[tilespmem:v27+s23+$0x0] =	vst.idx.msk $0xffff, v26  }
0x11d: {  	v42 =	vadd.s32 v4, v13;
	v41 =	vld [tilespmem:s6+$0x1040];
	[tilespmem:v29+s23+$0x0] =	vst.idx.msk $0xffff, v28  }
0x11e: {  	v40 =	vadd.s32 v4, v11;
	v39 =	vld [tilespmem:s29+$0x1040];
	_ =	sdelay $0x1  }
0x11f: {  	[tilespmem:v24+s23+$0x0] =	vst.idx.msk $0xffff, v23  }
0x120: {  	v44 =	vadd.s32 v5, v12;
	[tilespmem:v16+s23+$0x0] =	vst.idx.msk $0xffff, v30;
	v43 =	vld [tilespmem:s30+$0x1050]  }
0x121: {  	v46 =	vadd.s32 v5, v10;
	v45 =	vld [tilespmem:s14+$0xFFFFFFE0];
	[tilespmem:v42+s23+$0x0] =	vst.idx.msk $0xffff, v41  }
0x122: {  	v48 =	vadd.s32 v5, v13;
	v49 =	vld [tilespmem:s6+$0x1050];
	[tilespmem:v40+s23+$0x0] =	vst.idx.msk $0xffff, v39  }
0x123: {  	v47 =	vadd.s32 v5, v11;
	[tilespmem:v25+s23+$0x0] =	vst.idx.msk $0xffff, v21;
	v27 =	vld [tilespmem:s29+$0x1050]  }
0x124: {  	[tilespmem:v22+s23+$0x0] =	vst.idx.msk $0xffff, v20  }
0x125: {  	v8 =	vadd.s32 v7, v8;
	[tilespmem:v44+s23+$0x0] =	vst.idx.msk $0xffff, v43  }
0x126: {  	v50 =	vadd.s32 v6, v12;
	[tilespmem:v46+s23+$0x0] =	vst.idx.msk $0xffff, v45;
	v16 =	vld [tilespmem:s30+$0x1060]  }
0x127: {  	v52 =	vadd.s32 v6, v10;
	v51 =	vld [tilespmem:s14+$0xFFFFFFF0];
	[tilespmem:v48+s23+$0x0] =	vst.idx.msk $0xffff, v49  }
0x128: {  	v55 =	vadd.s32 v6, v13;
	v56 =	vld [tilespmem:s6+$0x1060];
	[tilespmem:v47+s23+$0x0] =	vst.idx.msk $0xffff, v27  }
0x129: {  	v54 =	vadd.s32 v6, v11;
	[tilespmem:v19+s23+$0x0] =	vst.idx.msk $0xffff, v17;
	v53 =	vld [tilespmem:s29+$0x1060]  }
0x12a: {  	v9 =	vadd.s32 v7, v9;
	v57 =	vld [tilespmem:s9+$0x1070];
	[tilespmem:v8+s23+$0x0] =	vst.idx.msk $0xffff, v18  }
0x12b: {  	v8 =	vld [tilespmem:s8+$0x1070];
	[tilespmem:v50+s23+$0x0] =	vst.idx.msk $0xffff, v16  }
0x12c: {  	v58 =	vadd.s32 v7, v12;
	[tilespmem:v52+s23+$0x0] =	vst.idx.msk $0xffff, v51;
	v16 =	vld [tilespmem:s30+$0x1070]  }
0x12d: {  	v60 =	vadd.s32 v7, v10;
	v59 =	vld [tilespmem:s14+$0x0];
	[tilespmem:v55+s23+$0x0] =	vst.idx.msk $0xffff, v56  }
0x12e: {  	v63 =	vld [tilespmem:s6+$0x1070];
	[tilespmem:v54+s23+$0x0] =	vst.idx.msk $0xffff, v53  }
0x12f: {  	v61 =	vadd.s32 v7, v11;
	[tilespmem:v9+s23+$0x0] =	vst.idx.msk $0xffff, v57;
	v62 =	vld [tilespmem:s29+$0x1070]  }
0x130: {  	[tilespmem:v15+s23+$0x0] =	vst.idx.msk $0xffff, v8  }
0x131: {  	[tilespmem:v58+s23+$0x0] =	vst.idx.msk $0xffff, v16  }
0x132: {  	s0 =	sshll.u32 s7, $0x9;
	[tilespmem:v60+s23+$0x0] =	vst.idx.msk $0xffff, v59  }
0x133: {  	s7 =	simm.s32 $0x4;
	s0 =	sadd.s32 s5, s0;
	[tilespmem:v14+s23+$0x0] =	vst.idx.msk $0xffff, v63  }
0x134: {  	s9 =	sadd.s32 $0x0, s0;
	s8 =	simm.s32 $0x5428;
	s6 =	simm.s32 $0x5400;
	[tilespmem:v61+s23+$0x0] =	vst.idx.msk $0xffff, v62  }
.LBB2_12:
0x135: {  	[hbm4b:s9+s2] =	stream.linear.scatter [tilespmem:s6], [sflag:$0x6], $0x20, $0x38;
	[tilespmem:$0x9000] =	vst v63  }
0x136: {  	s1 =	smov.u32 s7;
	s6 =	smov.u32 s8;
	p1 =	sne.s32 s7, $0x1FC  }
.Ltmp9:
0x137: {  	s7 =	sadd.s32 $0x4, s7;
	(pc) =	sbr.rel @p1 .LBB2_12-.Ltmp9, $2  }
0x138: {  	_ =	sdelay $0x2  }
0x139: {  	s8 =	sadd.s32 $0x28, s8;
	s9 =	sadd.s32 s1, s0  }
0x13a: {  	[hbm4b:s9+s2] =	stream.linear.scatter [tilespmem:s6], [sflag:$0x6], $0x20, $0x38;
	[tilespmem:$0x9000] =	vst v63  }
.LBB2_14:
0x13b: {  	s0 =	sadd.s32 s11, s18  }
0x13c: {  	p1 =	sgt.u32 s0, $0x1E84  }
0x13d: {  	s0 =	sshll.u32 @!p1 s0, $0x7;
	s1 =	simm.s32 @!p1 $0x400  }
0x13e: {  	s6 =	simm.s32 @!p1 $0x7A1400;
	s7 =	simm.s32 @!p1 $0x1000;
	s0 =	sadd.s32 @!p1 s4, s0  }
0x13f: {  	[tilespmem:s7], [sflag:$0x2] =	stream.strided.gather @!p1 [hbm4b:s0+s1], $0x1000, s6, s1, $0x38;
	[tilespmem:$0x9000] =	vst v63  }
0x140: {  	s7 =	sor.u32 $0x40, s19  }
0x141: {  	p1 =	sgt.u32 s7, $0x1E84  }
.Ltmp10:
0x142: {  	_ = 	snop;
	(pc) =	sbr.rel @p1 .LBB2_20-.Ltmp10, $1  }
0x143: {  	_ =	sdelay $0x3  }
0x144: {  	s0 =	simm.s32 $0x3  }
0x145: {  	_ =	swait.ge [sflag:s0], $0x1000  }
0x146: {  	s1 =	simm.s32 $0x0;
	s6 =	simm.s32 $0x2;
	[sflag:s0] =	ssyncset.done $0x0  }
0x147: {  	s8 =	simm.s32 $0x100;
	[sflag:s0] =	ssyncadd.s32 $0xFFFFF000;
	s0 =	simm.s32 @!p0 $0x7  }
0x148: {  	s9 =	simm.s32 $0x0;
	s24 =	simm.s32 $0x180;
	_ =	swait.ge @!p0 [sflag:s0], $0x1000  }
0x149: {  	s31 =	simm.s32 $0x2070;
	s1 =	sand.u32 $0xC00, s1;
	v8 =	vmov s6;
	v9 =	vmov s9;
	[sflag:s0] =	ssyncset.done @!p0 $0x0  }
0x14a: {  	s22 =	sand.u32 $0x300, s8;
	s9 =	simm.s32 $0x3;
	v17 =	vand.u32 $0x1E, v8;
	v8 =	vand.u32 $0x1C, v9;
	[sflag:s0] =	ssyncadd.s32 @!p0 $0xFFFFF000  }
0x14b: {  	s6 =	sand.u32 $0x380, s24;
	v12 =	vmov s9;
	v13 =	vadd.s32 v0, v8;
	s0 =	sor.u32 s22, s1;
	v11 =	vld [tilespmem:s31+$0xFFFFFF90]  }
0x14c: {  	s8 =	sor.u32 s6, s1;
	v10 =	vadd.s32 v0, v17;
	v19 =	vand.u32 $0x1F, v12;
	v9 =	vld [tilespmem:s0+$0x2000]  }
0x14d: {  	v12 =	vadd.s32 v0, v19;
	v14 =	vld [tilespmem:s8+$0x2000];
	_ =	sdelay $0x2  }
0x14e: {  	[tilespmem:v13+s25+$0x0] =	vst.idx.msk $0xffff, v11  }
0x14f: {  	[tilespmem:v10+s25+$0x0] =	vst.idx.msk $0xffff, v9;
	v13 =	vadd.s32 v1, v8;
	v15 =	vld [tilespmem:s31+$0xFFFFFFA0]  }
0x150: {  	s14 =	simm.s32 $0x1;
	s15 =	simm.s32 $0x80;
	v11 =	vadd.s32 v1, v17;
	[tilespmem:v12+s25+$0x0] =	vst.idx.msk $0xffff, v14;
	v10 =	vld [tilespmem:s0+$0x2010]  }
0x151: {  	s16 =	sand.u32 $0x280, s15;
	v9 =	vmov s14;
	v14 =	vadd.s32 v1, v19;
	v12 =	vld [tilespmem:s8+$0x2010]  }
0x152: {  	s9 =	sor.u32 s16, s1;
	v9 =	vand.u32 $0x1D, v9  }
0x153: {  	v18 =	vld [tilespmem:s9+$0x2000];
	v16 =	vadd.s32 v0, v9  }
0x154: {  	[tilespmem:v13+s25+$0x0] =	vst.idx.msk $0xffff, v15  }
0x155: {  	[tilespmem:v11+s25+$0x0] =	vst.idx.msk $0xffff, v10;
	v15 =	vadd.s32 v2, v8;
	v13 =	vld [tilespmem:s31+$0xFFFFFFB0]  }
0x156: {  	v11 =	vadd.s32 v2, v17;
	[tilespmem:v14+s25+$0x0] =	vst.idx.msk $0xffff, v12;
	v10 =	vld [tilespmem:s0+$0x2020]  }
0x157: {  	v14 =	vadd.s32 v2, v19;
	v12 =	vld [tilespmem:s8+$0x2020]  }
0x158: {  	[tilespmem:v16+s25+$0x0] =	vst.idx.msk $0xffff, v18  }
0x159: {  	v16 =	vadd.s32 v1, v9;
	v18 =	vld [tilespmem:s9+$0x2010]  }
0x15a: {  	[tilespmem:v15+s25+$0x0] =	vst.idx.msk $0xffff, v13  }
0x15b: {  	[tilespmem:v11+s25+$0x0] =	vst.idx.msk $0xffff, v10;
	v15 =	vadd.s32 v3, v8;
	v13 =	vld [tilespmem:s31+$0xFFFFFFC0]  }
0x15c: {  	v11 =	vadd.s32 v3, v17;
	[tilespmem:v14+s25+$0x0] =	vst.idx.msk $0xffff, v12;
	v10 =	vld [tilespmem:s0+$0x2030]  }
0x15d: {  	v14 =	vadd.s32 v3, v19;
	v12 =	vld [tilespmem:s8+$0x2030]  }
0x15e: {  	[tilespmem:v16+s25+$0x0] =	vst.idx.msk $0xffff, v18  }
0x15f: {  	v18 =	vadd.s32 v2, v9;
	v16 =	vld [tilespmem:s9+$0x2020]  }
0x160: {  	s20 =	simm.s32 $0x4;
	s15 =	simm.s32 $0x5;
	s6 =	simm.s32 $0x380;
	[tilespmem:v15+s25+$0x0] =	vst.idx.msk $0xffff, v13  }
0x161: {  	s16 =	simm.s32 $0x7;
	v20 =	vadd.s32 v4, v8;
	s6 =	sand.u32 $0x380, s6;
	s22 =	simm.s32 $0x200;
	[tilespmem:v11+s25+$0x0] =	vst.idx.msk $0xffff, v10;
	v10 =	vmov s20;
	v21 =	vld [tilespmem:s31+$0xFFFFFFD0]  }
0x162: {  	s1 =	sand.u32 $0xC00, s22;
	s14 =	simm.s32 $0x2270;
	s20 =	simm.s32 $0x280;
	[tilespmem:v14+s25+$0x0] =	vst.idx.msk $0xffff, v12;
	v14 =	vadd.s32 v4, v17;
	v12 =	vmov s16;
	v15 =	vld [tilespmem:s0+$0x2040];
	v10 =	vand.u32 $0x1C, v10  }
0x163: {  	s6 =	sor.u32 s6, s1;
	v22 =	vld [tilespmem:s14+$0xFFFFFF90];
	v11 =	vmov s15;
	s20 =	sand.u32 $0x280, s20;
	v13 =	vand.u32 $0x1F, v12;
	v23 =	vadd.s32 v0, v10  }
0x164: {  	s24 =	simm.s32 $0x6;
	s22 =	simm.s32 $0x300;
	v11 =	vand.u32 $0x1D, v11;
	[tilespmem:v18+s25+$0x0] =	vst.idx.msk $0xffff, v16;
	v18 =	vld [tilespmem:s6+$0x2000];
	s29 =	sor.u32 s20, s1;
	v16 =	vadd.s32 v0, v13  }
0x165: {  	v12 =	vmov s24;
	s24 =	sand.u32 $0x300, s22;
	v25 =	vadd.s32 v0, v11;
	v26 =	vld [tilespmem:s29+$0x2000]  }
0x166: {  	v12 =	vand.u32 $0x1E, v12;
	s30 =	sor.u32 s24, s1;
	[tilespmem:v20+s25+$0x0] =	vst.idx.msk $0xffff, v21  }
0x167: {  	v20 =	vld [tilespmem:s30+$0x2000];
	v21 =	vadd.s32 v0, v12;
	[tilespmem:v14+s25+$0x0] =	vst.idx.msk $0xffff, v15  }
0x168: {  	v24 =	vld [tilespmem:s8+$0x2040];
	[tilespmem:v23+s25+$0x0] =	vst.idx.msk $0xffff, v22;
	v23 =	vadd.s32 v4, v19  }
0x169: {  	v14 =	vadd.s32 v1, v10;
	[tilespmem:v16+s25+$0x0] =	vst.idx.msk $0xffff, v18;
	v15 =	vld [tilespmem:s14+$0xFFFFFFA0]  }
0x16a: {  	[tilespmem:v25+s25+$0x0] =	vst.idx.msk $0xffff, v26;
	v25 =	vld [tilespmem:s9+$0x2030];
	v26 =	vadd.s32 v3, v9  }
0x16b: {  	v18 =	vadd.s32 v1, v13;
	v16 =	vld [tilespmem:s6+$0x2010]  }
0x16c: {  	v27 =	vadd.s32 v1, v11;
	v28 =	vld [tilespmem:s29+$0x2010];
	[tilespmem:v21+s25+$0x0] =	vst.idx.msk $0xffff, v20  }
0x16d: {  	v21 =	vadd.s32 v1, v12;
	v20 =	vld [tilespmem:s30+$0x2010];
	[tilespmem:v23+s25+$0x0] =	vst.idx.msk $0xffff, v24  }
0x16e: {  	v22 =	vld [tilespmem:s31+$0xFFFFFFE0];
	[tilespmem:v14+s25+$0x0] =	vst.idx.msk $0xffff, v15;
	v14 =	vadd.s32 v5, v8  }
0x16f: {  	v24 =	vadd.s32 v5, v17;
	v15 =	vld [tilespmem:s0+$0x2050];
	[tilespmem:v26+s25+$0x0] =	vst.idx.msk $0xffff, v25  }
0x170: {  	v29 =	vadd.s32 v5, v19;
	[tilespmem:v18+s25+$0x0] =	vst.idx.msk $0xffff, v16;
	v30 =	vld [tilespmem:s8+$0x2050]  }
0x171: {  	v26 =	vadd.s32 v4, v9;
	[tilespmem:v27+s25+$0x0] =	vst.idx.msk $0xffff, v28;
	v25 =	vld [tilespmem:s9+$0x2040]  }
0x172: {  	v23 =	vld [tilespmem:s14+$0xFFFFFFB0];
	v27 =	vadd.s32 v2, v10;
	[tilespmem:v21+s25+$0x0] =	vst.idx.msk $0xffff, v20  }
0x173: {  	v18 =	vadd.s32 v2, v13;
	v16 =	vld [tilespmem:s6+$0x2020];
	[tilespmem:v14+s25+$0x0] =	vst.idx.msk $0xffff, v22  }
0x174: {  	v21 =	vadd.s32 v2, v12;
	v20 =	vld [tilespmem:s30+$0x2020];
	[tilespmem:v24+s25+$0x0] =	vst.idx.msk $0xffff, v15  }
0x175: {  	v22 =	vadd.s32 v6, v8;
	[tilespmem:v29+s25+$0x0] =	vst.idx.msk $0xffff, v30;
	v14 =	vld [tilespmem:s31+$0xFFFFFFF0]  }
0x176: {  	v24 =	vadd.s32 v6, v17;
	[tilespmem:v26+s25+$0x0] =	vst.idx.msk $0xffff, v25;
	v15 =	vld [tilespmem:s0+$0x2060]  }
0x177: {  	[tilespmem:v27+s25+$0x0] =	vst.idx.msk $0xffff, v23;
	v25 =	vadd.s32 v5, v9;
	v23 =	vld [tilespmem:s9+$0x2050]  }
0x178: {  	v27 =	vadd.s32 v3, v10;
	[tilespmem:v18+s25+$0x0] =	vst.idx.msk $0xffff, v16;
	v26 =	vld [tilespmem:s14+$0xFFFFFFC0]  }
0x179: {  	v33 =	vadd.s32 v2, v11;
	v28 =	vld [tilespmem:s29+$0x2020];
	[tilespmem:v21+s25+$0x0] =	vst.idx.msk $0xffff, v20  }
0x17a: {  	v32 =	vadd.s32 v3, v12;
	v31 =	vld [tilespmem:s30+$0x2030];
	[tilespmem:v22+s25+$0x0] =	vst.idx.msk $0xffff, v14  }
0x17b: {  	[tilespmem:v24+s25+$0x0] =	vst.idx.msk $0xffff, v15;
	v18 =	vld [tilespmem:s31+$0x0]  }
0x17c: {  	[tilespmem:v25+s25+$0x0] =	vst.idx.msk $0xffff, v23;
	v21 =	vld [tilespmem:s0+$0x2070]  }
0x17d: {  	[tilespmem:v27+s25+$0x0] =	vst.idx.msk $0xffff, v26;
	v26 =	vld [tilespmem:s6+$0x2030];
	v25 =	vadd.s32 v7, v17  }
0x17e: {  	v16 =	vadd.s32 v4, v10;
	[tilespmem:v33+s25+$0x0] =	vst.idx.msk $0xffff, v28;
	v22 =	vadd.s32 v6, v9;
	v20 =	vld [tilespmem:s9+$0x2060]  }
0x17f: {  	v15 =	vadd.s32 v7, v19;
	v17 =	vld [tilespmem:s8+$0x2060];
	v27 =	vadd.s32 v3, v13;
	[tilespmem:v32+s25+$0x0] =	vst.idx.msk $0xffff, v31  }
0x180: {  	s16 =	simm.s32 $0x8;
	v14 =	vadd.s32 v7, v13;
	v19 =	vadd.s32 v6, v19;
	v24 =	vadd.s32 v4, v12;
	s31 =	simm.s32 $0x580;
	s0 =	simm.s32 $0x2470;
	v23 =	vld [tilespmem:s30+$0x2040]  }
.LBB2_16:
0x181: {  	s1 =	sadd.s32 $0xFFFFFE80, s31;
	v30 =	vadd.s32 v7, v8  }
0x182: {  	v28 =	vmov s16;
	s15 =	sadd.s32 $0x1, s16;
	s20 =	sadd.s32 $0x3, s16;
	v29 =	vld [tilespmem:s14+$0xFFFFFFD0];
	v31 =	vadd.s32 v7, v9;
	[tilespmem:v25+s25+$0x0] =	vst.idx.msk $0xffff, v21;
	v8 =	vmovc v10;
	v9 =	vmov v11;
	s22 =	smov.u32 s16  }
0x183: {  	s1 =	sand.u32 $0xC00, s1;
	v21 =	vld [tilespmem:s0+$0xFFFFFF90];
	v10 =	vand.u32 $0x1C, v28;
	v11 =	vmov s15;
	s15 =	sadd.s32 $0xFFFFFF00, s31;
	s22 =	sadd.s32 $0x2, s16;
	v25 =	vmov s20;
	[tilespmem:v22+s25+$0x0] =	vst.idx.msk $0xffff, v20  }
0x184: {  	s24 =	sadd.s32 $0xFFFFFF80, s31;
	v20 =	vadd.s32 v0, v10;
	s20 =	sand.u32 $0x280, s15;
	v11 =	vand.u32 $0x1D, v11;
	v22 =	vand.u32 $0x1F, v25;
	s15 =	sadd.s32 $0x4, s16;
	[tilespmem:v27+s25+$0x0] =	vst.idx.msk $0xffff, v26;
	v25 =	vld [tilespmem:s9+$0x2070]  }
0x185: {  	v26 =	vadd.s32 v4, v10;
	v28 =	vmov s22;
	s22 =	sand.u32 $0x300, s24;
	s9 =	sand.u32 $0x380, s31;
	s20 =	sor.u32 s20, s1;
	v27 =	vadd.s32 v0, v11;
	v32 =	vld [tilespmem:s6+$0x2040];
	[tilespmem:v19+s25+$0x0] =	vst.idx.msk $0xffff, v17  }
0x186: {  	p1 =	slt.u32 s16, $0x1C;
	v17 =	vand.u32 $0x1E, v28;
	s24 =	sor.u32 s9, s1;
	v19 =	vadd.s32 v7, v22;
	s9 =	smov.u32 s29;
	[tilespmem:v24+s25+$0x0] =	vst.idx.msk $0xffff, v23;
	v23 =	vld [tilespmem:s8+$0x2070]  }
0x187: {  	v28 =	vadd.s32 v0, v22;
	s29 =	smov.u32 s20;
	s8 =	smov.u32 s6;
	s6 =	smov.u32 s24;
	v24 =	vld [tilespmem:s20+$0x2000];
	[tilespmem:v16+s25+$0x0] =	vst.idx.msk $0xffff, v29;
	v16 =	vmov v26  }
0x188: {  	s16 =	sor.u32 s22, s1;
	v26 =	vld [tilespmem:s6+$0x2000];
	[tilespmem:v30+s25+$0x0] =	vst.idx.msk $0xffff, v18  }
0x189: {  	v29 =	vadd.s32 v0, v17;
	v18 =	vld [tilespmem:s16+$0x2000];
	[tilespmem:v31+s25+$0x0] =	vst.idx.msk $0xffff, v25  }
0x18a: {  	v25 =	vadd.s32 v4, v13;
	[tilespmem:v20+s25+$0x0] =	vst.idx.msk $0xffff, v21;
	v20 =	vadd.s32 v1, v10;
	v21 =	vld [tilespmem:s14+$0xFFFFFFE0]  }
0x18b: {  	v30 =	vld [tilespmem:s0+$0xFFFFFFA0];
	[tilespmem:v15+s25+$0x0] =	vst.idx.msk $0xffff, v23;
	v15 =	vmov v14;
	v14 =	vmov v19  }
0x18c: {  	v19 =	vadd.s32 v1, v11;
	[tilespmem:v27+s25+$0x0] =	vst.idx.msk $0xffff, v24;
	v23 =	vld [tilespmem:s9+$0x2030];
	v24 =	vadd.s32 v3, v9  }
0x18d: {  	v27 =	vld [tilespmem:s29+$0x2010];
	[tilespmem:v28+s25+$0x0] =	vst.idx.msk $0xffff, v26  }
0x18e: {  	v26 =	vadd.s32 v1, v22;
	[tilespmem:v29+s25+$0x0] =	vst.idx.msk $0xffff, v18;
	v18 =	vld [tilespmem:s6+$0x2010]  }
0x18f: {  	v29 =	vadd.s32 v1, v17;
	v28 =	vld [tilespmem:s16+$0x2010];
	[tilespmem:v25+s25+$0x0] =	vst.idx.msk $0xffff, v32  }
0x190: {  	[tilespmem:v20+s25+$0x0] =	vst.idx.msk $0xffff, v30;
	v20 =	vadd.s32 v5, v8;
	v25 =	vld [tilespmem:s30+$0x2050]  }
0x191: {  	v30 =	vld [tilespmem:s0+$0xFFFFFFB0];
	[tilespmem:v24+s25+$0x0] =	vst.idx.msk $0xffff, v23;
	v23 =	vadd.s32 v5, v12  }
0x192: {  	v24 =	vadd.s32 v4, v9;
	[tilespmem:v19+s25+$0x0] =	vst.idx.msk $0xffff, v27;
	v19 =	vld [tilespmem:s9+$0x2040]  }
0x193: {  	v27 =	vadd.s32 v2, v10;
	v31 =	vld [tilespmem:s29+$0x2020];
	[tilespmem:v26+s25+$0x0] =	vst.idx.msk $0xffff, v18  }
0x194: {  	v26 =	vadd.s32 v2, v22;
	[tilespmem:v29+s25+$0x0] =	vst.idx.msk $0xffff, v28;
	v18 =	vld [tilespmem:s6+$0x2020]  }
0x195: {  	v29 =	vadd.s32 v2, v17;
	v28 =	vld [tilespmem:s16+$0x2020];
	[tilespmem:v20+s25+$0x0] =	vst.idx.msk $0xffff, v21  }
0x196: {  	v21 =	vadd.s32 v6, v8;
	v20 =	vld [tilespmem:s14+$0xFFFFFFF0];
	[tilespmem:v23+s25+$0x0] =	vst.idx.msk $0xffff, v25;
	v23 =	vadd.s32 v5, v13  }
0x197: {  	[tilespmem:v24+s25+$0x0] =	vst.idx.msk $0xffff, v19;
	v19 =	vld [tilespmem:s30+$0x2060];
	v24 =	vadd.s32 v6, v12  }
0x198: {  	[tilespmem:v27+s25+$0x0] =	vst.idx.msk $0xffff, v30;
	v25 =	vld [tilespmem:s9+$0x2050];
	v27 =	vadd.s32 v5, v9  }
0x199: {  	v32 =	vadd.s32 v3, v10;
	v30 =	vld [tilespmem:s0+$0xFFFFFFC0];
	[tilespmem:v26+s25+$0x0] =	vst.idx.msk $0xffff, v18  }
0x19a: {  	[tilespmem:v29+s25+$0x0] =	vst.idx.msk $0xffff, v28;
	v28 =	vld [tilespmem:s8+$0x2050]  }
0x19b: {  	v33 =	vadd.s32 v3, v17;
	v29 =	vld [tilespmem:s16+$0x2030];
	[tilespmem:v21+s25+$0x0] =	vst.idx.msk $0xffff, v20  }
0x19c: {  	v34 =	vadd.s32 v2, v11;
	v18 =	vld [tilespmem:s14+$0x0];
	[tilespmem:v24+s25+$0x0] =	vst.idx.msk $0xffff, v19;
	v19 =	vadd.s32 v6, v13;
	v13 =	vmov v22;
	s14 =	smov.u32 s0  }
.Ltmp11:
0x19d: {  	[tilespmem:v27+s25+$0x0] =	vst.idx.msk $0xffff, v25;
	v21 =	vld [tilespmem:s30+$0x2070];
	v25 =	vadd.s32 v7, v12;
	v12 =	vmov v17;
	s30 =	smov.u32 s16;
	(pc) =	sbr.rel @p1 .LBB2_16-.Ltmp11, $4  }
0x19e: {  	v22 =	vadd.s32 v6, v9;
	[tilespmem:v32+s25+$0x0] =	vst.idx.msk $0xffff, v30;
	v20 =	vld [tilespmem:s9+$0x2060]  }
0x19f: {  	v27 =	vadd.s32 v3, v13;
	v26 =	vld [tilespmem:s6+$0x2030];
	[tilespmem:v23+s25+$0x0] =	vst.idx.msk $0xffff, v28  }
0x1a0: {  	[tilespmem:v33+s25+$0x0] =	vst.idx.msk $0xffff, v29;
	v17 =	vld [tilespmem:s8+$0x2060]  }
0x1a1: {  	s31 =	sadd.s32 $0x200, s31;
	s0 =	sadd.s32 $0x200, s0;
	s16 =	smov.u32 s15;
	v24 =	vadd.s32 v4, v12;
	[tilespmem:v34+s25+$0x0] =	vst.idx.msk $0xffff, v31;
	v23 =	vld [tilespmem:s30+$0x2040]  }
0x1a2: {  	v28 =	vld [tilespmem:s29+$0x2030];
	v29 =	vadd.s32 v3, v11;
	_ =	sdelay $0x3  }
0x1a3: {  	v30 =	vld [tilespmem:s14+$0xFFFFFFD0];
	[tilespmem:v27+s25+$0x0] =	vst.idx.msk $0xffff, v26  }
0x1a4: {  	v42 =	vadd.s32 v4, v13;
	v41 =	vld [tilespmem:s6+$0x2040];
	[tilespmem:v29+s25+$0x0] =	vst.idx.msk $0xffff, v28  }
0x1a5: {  	v40 =	vadd.s32 v4, v11;
	v39 =	vld [tilespmem:s29+$0x2040];
	_ =	sdelay $0x1  }
0x1a6: {  	[tilespmem:v24+s25+$0x0] =	vst.idx.msk $0xffff, v23  }
0x1a7: {  	v44 =	vadd.s32 v5, v12;
	[tilespmem:v16+s25+$0x0] =	vst.idx.msk $0xffff, v30;
	v43 =	vld [tilespmem:s30+$0x2050]  }
0x1a8: {  	v46 =	vadd.s32 v5, v10;
	v45 =	vld [tilespmem:s14+$0xFFFFFFE0];
	[tilespmem:v42+s25+$0x0] =	vst.idx.msk $0xffff, v41  }
0x1a9: {  	v48 =	vadd.s32 v5, v13;
	v49 =	vld [tilespmem:s6+$0x2050];
	[tilespmem:v40+s25+$0x0] =	vst.idx.msk $0xffff, v39  }
0x1aa: {  	v47 =	vadd.s32 v5, v11;
	[tilespmem:v25+s25+$0x0] =	vst.idx.msk $0xffff, v21;
	v27 =	vld [tilespmem:s29+$0x2050]  }
0x1ab: {  	[tilespmem:v22+s25+$0x0] =	vst.idx.msk $0xffff, v20  }
0x1ac: {  	v8 =	vadd.s32 v7, v8;
	[tilespmem:v44+s25+$0x0] =	vst.idx.msk $0xffff, v43  }
0x1ad: {  	v50 =	vadd.s32 v6, v12;
	[tilespmem:v46+s25+$0x0] =	vst.idx.msk $0xffff, v45;
	v16 =	vld [tilespmem:s30+$0x2060]  }
0x1ae: {  	v52 =	vadd.s32 v6, v10;
	v51 =	vld [tilespmem:s14+$0xFFFFFFF0];
	[tilespmem:v48+s25+$0x0] =	vst.idx.msk $0xffff, v49  }
0x1af: {  	v55 =	vadd.s32 v6, v13;
	v56 =	vld [tilespmem:s6+$0x2060];
	[tilespmem:v47+s25+$0x0] =	vst.idx.msk $0xffff, v27  }
0x1b0: {  	v54 =	vadd.s32 v6, v11;
	[tilespmem:v19+s25+$0x0] =	vst.idx.msk $0xffff, v17;
	v53 =	vld [tilespmem:s29+$0x2060]  }
0x1b1: {  	v9 =	vadd.s32 v7, v9;
	v57 =	vld [tilespmem:s9+$0x2070];
	[tilespmem:v8+s25+$0x0] =	vst.idx.msk $0xffff, v18  }
0x1b2: {  	v8 =	vld [tilespmem:s8+$0x2070];
	[tilespmem:v50+s25+$0x0] =	vst.idx.msk $0xffff, v16  }
0x1b3: {  	v58 =	vadd.s32 v7, v12;
	[tilespmem:v52+s25+$0x0] =	vst.idx.msk $0xffff, v51;
	v16 =	vld [tilespmem:s30+$0x2070]  }
0x1b4: {  	v60 =	vadd.s32 v7, v10;
	v59 =	vld [tilespmem:s14+$0x0];
	[tilespmem:v55+s25+$0x0] =	vst.idx.msk $0xffff, v56  }
0x1b5: {  	v63 =	vld [tilespmem:s6+$0x2070];
	[tilespmem:v54+s25+$0x0] =	vst.idx.msk $0xffff, v53  }
0x1b6: {  	v61 =	vadd.s32 v7, v11;
	[tilespmem:v9+s25+$0x0] =	vst.idx.msk $0xffff, v57;
	v62 =	vld [tilespmem:s29+$0x2070]  }
0x1b7: {  	[tilespmem:v15+s25+$0x0] =	vst.idx.msk $0xffff, v8  }
0x1b8: {  	[tilespmem:v58+s25+$0x0] =	vst.idx.msk $0xffff, v16  }
0x1b9: {  	s0 =	sshll.u32 s7, $0x9;
	[tilespmem:v60+s25+$0x0] =	vst.idx.msk $0xffff, v59  }
0x1ba: {  	s7 =	simm.s32 $0x4;
	s0 =	sadd.s32 s5, s0;
	[tilespmem:v14+s25+$0x0] =	vst.idx.msk $0xffff, v63  }
0x1bb: {  	s9 =	sadd.s32 $0x0, s0;
	s8 =	simm.s32 $0x6828;
	s6 =	simm.s32 $0x6800;
	[tilespmem:v61+s25+$0x0] =	vst.idx.msk $0xffff, v62  }
.LBB2_18:
0x1bc: {  	[hbm4b:s9+s2] =	stream.linear.scatter [tilespmem:s6], [sflag:$0x7], $0x20, $0x38;
	[tilespmem:$0x9000] =	vst v63  }
0x1bd: {  	s1 =	smov.u32 s7;
	s6 =	smov.u32 s8;
	p1 =	sne.s32 s7, $0x1FC  }
.Ltmp12:
0x1be: {  	s7 =	sadd.s32 $0x4, s7;
	(pc) =	sbr.rel @p1 .LBB2_18-.Ltmp12, $2  }
0x1bf: {  	_ =	sdelay $0x2  }
0x1c0: {  	s8 =	sadd.s32 $0x28, s8;
	s9 =	sadd.s32 s1, s0  }
0x1c1: {  	[hbm4b:s9+s2] =	stream.linear.scatter [tilespmem:s6], [sflag:$0x7], $0x20, $0x38;
	[tilespmem:$0x9000] =	vst v63  }
.LBB2_20:
0x1c2: {  	s0 =	sadd.s32 s12, s18  }
0x1c3: {  	p1 =	sgt.u32 s0, $0x1E84  }
0x1c4: {  	s0 =	sshll.u32 @!p1 s0, $0x7;
	s1 =	simm.s32 @!p1 $0x400  }
0x1c5: {  	s6 =	simm.s32 @!p1 $0x7A1400;
	s7 =	simm.s32 @!p1 $0x2000;
	s0 =	sadd.s32 @!p1 s4, s0  }
0x1c6: {  	[tilespmem:s7], [sflag:$0x3] =	stream.strided.gather @!p1 [hbm4b:s0+s1], $0x1000, s6, s1, $0x38;
	[tilespmem:$0x9000] =	vst v63  }
0x1c7: {  	s7 =	sor.u32 $0x60, s19  }
0x1c8: {  	p1 =	sgt.u32 s7, $0x1E84  }
.Ltmp13:
0x1c9: {  	_ = 	snop;
	(pc) =	sbr.rel @p1 .LBB2_26-.Ltmp13, $1  }
0x1ca: {  	_ =	sdelay $0x3  }
0x1cb: {  	_ =	swait.ge [sflag:s26], $0x1000  }
0x1cc: {  	s0 =	simm.s32 @!p0 $0x8;
	[sflag:s26] =	ssyncset.done $0x0  }
0x1cd: {  	s1 =	simm.s32 $0x0;
	s6 =	simm.s32 $0x2;
	[sflag:s26] =	ssyncadd.s32 $0xFFFFF000  }
0x1ce: {  	s8 =	simm.s32 $0x100;
	s9 =	simm.s32 $0x0;
	_ =	swait.ge @!p0 [sflag:s0], $0x1000  }
0x1cf: {  	s1 =	sand.u32 $0xC00, s1;
	v8 =	vmov s6;
	s14 =	sand.u32 $0x300, s8;
	[sflag:s0] =	ssyncset.done @!p0 $0x0  }
0x1d0: {  	v9 =	vmov s9;
	v17 =	vand.u32 $0x1E, v8;
	[sflag:s0] =	ssyncadd.s32 @!p0 $0xFFFFF000;
	s0 =	sor.u32 s14, s1  }
0x1d1: {  	s30 =	simm.s32 $0x3070;
	v8 =	vand.u32 $0x1C, v9;
	v10 =	vadd.s32 v0, v17;
	v9 =	vld [tilespmem:s0+$0x3000]  }
0x1d2: {  	s15 =	simm.s32 $0x180;
	s16 =	simm.s32 $0x3;
	v13 =	vadd.s32 v0, v8;
	v11 =	vld [tilespmem:s30+$0xFFFFFF90]  }
0x1d3: {  	v12 =	vmov s16;
	s6 =	sand.u32 $0x380, s15  }
0x1d4: {  	v19 =	vand.u32 $0x1F, v12;
	s8 =	sor.u32 s6, s1  }
0x1d5: {  	v12 =	vadd.s32 v0, v19;
	v14 =	vld [tilespmem:s8+$0x3000]  }
0x1d6: {  	[tilespmem:v10+s28+$0x0] =	vst.idx.msk $0xffff, v9  }
0x1d7: {  	[tilespmem:v13+s28+$0x0] =	vst.idx.msk $0xffff, v11;
	v11 =	vadd.s32 v1, v17;
	v10 =	vld [tilespmem:s0+$0x3010]  }
0x1d8: {  	v13 =	vadd.s32 v1, v8;
	v15 =	vld [tilespmem:s30+$0xFFFFFFA0]  }
0x1d9: {  	s19 =	simm.s32 $0x1;
	s20 =	simm.s32 $0x80  }
0x1da: {  	s22 =	sand.u32 $0x280, s20;
	[tilespmem:v12+s28+$0x0] =	vst.idx.msk $0xffff, v14;
	v9 =	vmov s19  }
0x1db: {  	s9 =	sor.u32 s22, s1;
	v14 =	vadd.s32 v1, v19;
	v12 =	vld [tilespmem:s8+$0x3010];
	v9 =	vand.u32 $0x1D, v9  }
0x1dc: {  	v18 =	vld [tilespmem:s9+$0x3000];
	v16 =	vadd.s32 v0, v9;
	[tilespmem:v11+s28+$0x0] =	vst.idx.msk $0xffff, v10  }
0x1dd: {  	[tilespmem:v13+s28+$0x0] =	vst.idx.msk $0xffff, v15;
	v11 =	vadd.s32 v2, v17;
	v10 =	vld [tilespmem:s0+$0x3020]  }
0x1de: {  	v15 =	vadd.s32 v2, v8;
	v13 =	vld [tilespmem:s30+$0xFFFFFFB0];
	_ =	sdelay $0x1  }
0x1df: {  	[tilespmem:v14+s28+$0x0] =	vst.idx.msk $0xffff, v12  }
0x1e0: {  	v14 =	vadd.s32 v2, v19;
	v12 =	vld [tilespmem:s8+$0x3020];
	[tilespmem:v16+s28+$0x0] =	vst.idx.msk $0xffff, v18  }
0x1e1: {  	v16 =	vadd.s32 v1, v9;
	v18 =	vld [tilespmem:s9+$0x3010];
	[tilespmem:v11+s28+$0x0] =	vst.idx.msk $0xffff, v10  }
0x1e2: {  	[tilespmem:v15+s28+$0x0] =	vst.idx.msk $0xffff, v13;
	v11 =	vadd.s32 v3, v17;
	v10 =	vld [tilespmem:s0+$0x3030]  }
0x1e3: {  	v15 =	vadd.s32 v3, v8;
	v13 =	vld [tilespmem:s30+$0xFFFFFFC0];
	_ =	sdelay $0x1  }
0x1e4: {  	[tilespmem:v14+s28+$0x0] =	vst.idx.msk $0xffff, v12  }
0x1e5: {  	v14 =	vadd.s32 v3, v19;
	v12 =	vld [tilespmem:s8+$0x3030];
	[tilespmem:v16+s28+$0x0] =	vst.idx.msk $0xffff, v18  }
0x1e6: {  	s24 =	simm.s32 $0x4;
	[tilespmem:v11+s28+$0x0] =	vst.idx.msk $0xffff, v10  }
0x1e7: {  	s31 =	simm.s32 $0x380;
	s20 =	simm.s32 $0x200;
	s15 =	simm.s32 $0x5;
	v18 =	vadd.s32 v2, v9;
	v16 =	vld [tilespmem:s9+$0x3020];
	[tilespmem:v15+s28+$0x0] =	vst.idx.msk $0xffff, v13;
	v10 =	vmov s24  }
0x1e8: {  	s16 =	simm.s32 $0x7;
	v20 =	vadd.s32 v4, v8;
	s14 =	simm.s32 $0x3270;
	s19 =	simm.s32 $0x280;
	v21 =	vld [tilespmem:s30+$0xFFFFFFD0];
	v10 =	vand.u32 $0x1C, v10  }
0x1e9: {  	s22 =	simm.s32 $0x6;
	s1 =	sand.u32 $0xC00, s20;
	v22 =	vld [tilespmem:s14+$0xFFFFFF90];
	s19 =	sand.u32 $0x280, s19;
	v11 =	vmov s15;
	v23 =	vadd.s32 v0, v10  }
0x1ea: {  	s6 =	sand.u32 $0x380, s31;
	s19 =	sor.u32 s19, s1;
	[tilespmem:v14+s28+$0x0] =	vst.idx.msk $0xffff, v12;
	v14 =	vadd.s32 v4, v17;
	v12 =	vmov s16;
	s24 =	simm.s32 $0x300;
	v15 =	vld [tilespmem:s0+$0x3040];
	v11 =	vand.u32 $0x1D, v11  }
0x1eb: {  	s6 =	sor.u32 s6, s1;
	v26 =	vld [tilespmem:s19+$0x3000];
	v13 =	vand.u32 $0x1F, v12;
	v12 =	vmov s22;
	s31 =	sand.u32 $0x300, s24;
	v25 =	vadd.s32 v0, v11  }
0x1ec: {  	[tilespmem:v18+s28+$0x0] =	vst.idx.msk $0xffff, v16;
	v18 =	vld [tilespmem:s6+$0x3000];
	v12 =	vand.u32 $0x1E, v12;
	v16 =	vadd.s32 v0, v13;
	s29 =	sor.u32 s31, s1  }
0x1ed: {  	[tilespmem:v20+s28+$0x0] =	vst.idx.msk $0xffff, v21;
	v20 =	vld [tilespmem:s29+$0x3000];
	v21 =	vadd.s32 v0, v12  }
0x1ee: {  	v24 =	vld [tilespmem:s8+$0x3040];
	[tilespmem:v23+s28+$0x0] =	vst.idx.msk $0xffff, v22;
	v23 =	vadd.s32 v4, v19  }
0x1ef: {  	[tilespmem:v14+s28+$0x0] =	vst.idx.msk $0xffff, v15;
	v14 =	vadd.s32 v1, v10;
	v15 =	vld [tilespmem:s14+$0xFFFFFFA0]  }
0x1f0: {  	[tilespmem:v25+s28+$0x0] =	vst.idx.msk $0xffff, v26;
	v25 =	vld [tilespmem:s9+$0x3030];
	v26 =	vadd.s32 v3, v9  }
0x1f1: {  	v27 =	vadd.s32 v1, v11;
	[tilespmem:v16+s28+$0x0] =	vst.idx.msk $0xffff, v18;
	v28 =	vld [tilespmem:s19+$0x3010]  }
0x1f2: {  	v18 =	vadd.s32 v1, v13;
	v16 =	vld [tilespmem:s6+$0x3010];
	[tilespmem:v21+s28+$0x0] =	vst.idx.msk $0xffff, v20  }
0x1f3: {  	v21 =	vadd.s32 v1, v12;
	v20 =	vld [tilespmem:s29+$0x3010];
	[tilespmem:v23+s28+$0x0] =	vst.idx.msk $0xffff, v24  }
0x1f4: {  	v22 =	vld [tilespmem:s30+$0xFFFFFFE0];
	[tilespmem:v14+s28+$0x0] =	vst.idx.msk $0xffff, v15;
	v14 =	vadd.s32 v5, v8  }
0x1f5: {  	[tilespmem:v26+s28+$0x0] =	vst.idx.msk $0xffff, v25;
	v24 =	vadd.s32 v5, v17;
	v15 =	vld [tilespmem:s0+$0x3050]  }
0x1f6: {  	v26 =	vadd.s32 v4, v9;
	[tilespmem:v27+s28+$0x0] =	vst.idx.msk $0xffff, v28;
	v25 =	vld [tilespmem:s9+$0x3040]  }
0x1f7: {  	v27 =	vadd.s32 v2, v10;
	[tilespmem:v18+s28+$0x0] =	vst.idx.msk $0xffff, v16;
	v23 =	vld [tilespmem:s14+$0xFFFFFFB0]  }
0x1f8: {  	v29 =	vadd.s32 v5, v19;
	v30 =	vld [tilespmem:s8+$0x3050];
	[tilespmem:v21+s28+$0x0] =	vst.idx.msk $0xffff, v20  }
0x1f9: {  	v18 =	vadd.s32 v2, v13;
	v16 =	vld [tilespmem:s6+$0x3020];
	[tilespmem:v14+s28+$0x0] =	vst.idx.msk $0xffff, v22  }
0x1fa: {  	v21 =	vadd.s32 v2, v12;
	v20 =	vld [tilespmem:s29+$0x3020];
	[tilespmem:v24+s28+$0x0] =	vst.idx.msk $0xffff, v15  }
0x1fb: {  	v22 =	vadd.s32 v6, v8;
	[tilespmem:v26+s28+$0x0] =	vst.idx.msk $0xffff, v25;
	v14 =	vld [tilespmem:s30+$0xFFFFFFF0]  }
0x1fc: {  	v25 =	vadd.s32 v5, v9;
	[tilespmem:v27+s28+$0x0] =	vst.idx.msk $0xffff, v23;
	v23 =	vld [tilespmem:s9+$0x3050]  }
0x1fd: {  	v24 =	vadd.s32 v6, v17;
	[tilespmem:v29+s28+$0x0] =	vst.idx.msk $0xffff, v30;
	v15 =	vld [tilespmem:s0+$0x3060]  }
0x1fe: {  	v33 =	vadd.s32 v2, v11;
	v28 =	vld [tilespmem:s19+$0x3020];
	[tilespmem:v18+s28+$0x0] =	vst.idx.msk $0xffff, v16  }
0x1ff: {  	v27 =	vadd.s32 v3, v10;
	v26 =	vld [tilespmem:s14+$0xFFFFFFC0];
	[tilespmem:v21+s28+$0x0] =	vst.idx.msk $0xffff, v20  }
0x200: {  	v32 =	vadd.s32 v3, v12;
	v31 =	vld [tilespmem:s29+$0x3030];
	[tilespmem:v22+s28+$0x0] =	vst.idx.msk $0xffff, v14  }
0x201: {  	[tilespmem:v25+s28+$0x0] =	vst.idx.msk $0xffff, v23;
	v25 =	vadd.s32 v7, v17;
	v17 =	vld [tilespmem:s8+$0x3060]  }
0x202: {  	[tilespmem:v24+s28+$0x0] =	vst.idx.msk $0xffff, v15;
	v18 =	vld [tilespmem:s30+$0x0]  }
0x203: {  	[tilespmem:v33+s28+$0x0] =	vst.idx.msk $0xffff, v28;
	v21 =	vld [tilespmem:s0+$0x3070]  }
0x204: {  	v16 =	vadd.s32 v4, v10;
	v22 =	vadd.s32 v6, v9;
	[tilespmem:v27+s28+$0x0] =	vst.idx.msk $0xffff, v26;
	v20 =	vld [tilespmem:s9+$0x3060]  }
0x205: {  	v15 =	vadd.s32 v7, v19;
	v26 =	vld [tilespmem:s6+$0x3030];
	v27 =	vadd.s32 v3, v13;
	[tilespmem:v32+s28+$0x0] =	vst.idx.msk $0xffff, v31  }
0x206: {  	s16 =	simm.s32 $0x8;
	v14 =	vadd.s32 v7, v13;
	v19 =	vadd.s32 v6, v19;
	v24 =	vadd.s32 v4, v12;
	s30 =	simm.s32 $0x580;
	s0 =	simm.s32 $0x3470;
	v23 =	vld [tilespmem:s29+$0x3040]  }
.LBB2_22:
0x207: {  	s1 =	sadd.s32 $0xFFFFFE80, s30;
	v30 =	vadd.s32 v7, v8  }
0x208: {  	v28 =	vmov s16;
	s15 =	sadd.s32 $0x1, s16;
	s20 =	sadd.s32 $0x3, s16;
	v29 =	vld [tilespmem:s14+$0xFFFFFFD0];
	v31 =	vadd.s32 v7, v9;
	[tilespmem:v25+s28+$0x0] =	vst.idx.msk $0xffff, v21;
	v8 =	vmovc v10;
	v9 =	vmov v11;
	s22 =	smov.u32 s16  }
0x209: {  	s1 =	sand.u32 $0xC00, s1;
	v21 =	vld [tilespmem:s0+$0xFFFFFF90];
	v10 =	vand.u32 $0x1C, v28;
	v11 =	vmov s15;
	s15 =	sadd.s32 $0xFFFFFF00, s30;
	s22 =	sadd.s32 $0x2, s16;
	v25 =	vmov s20;
	[tilespmem:v22+s28+$0x0] =	vst.idx.msk $0xffff, v20  }
0x20a: {  	s24 =	sadd.s32 $0xFFFFFF80, s30;
	v20 =	vadd.s32 v0, v10;
	s20 =	sand.u32 $0x280, s15;
	v11 =	vand.u32 $0x1D, v11;
	v22 =	vand.u32 $0x1F, v25;
	s15 =	sadd.s32 $0x4, s16;
	[tilespmem:v27+s28+$0x0] =	vst.idx.msk $0xffff, v26;
	v25 =	vld [tilespmem:s9+$0x3070]  }
0x20b: {  	v26 =	vadd.s32 v4, v10;
	v28 =	vmov s22;
	s22 =	sand.u32 $0x300, s24;
	s9 =	sand.u32 $0x380, s30;
	s20 =	sor.u32 s20, s1;
	v27 =	vadd.s32 v0, v11;
	v32 =	vld [tilespmem:s6+$0x3040];
	[tilespmem:v19+s28+$0x0] =	vst.idx.msk $0xffff, v17  }
0x20c: {  	p0 =	slt.u32 s16, $0x1C;
	v17 =	vand.u32 $0x1E, v28;
	s24 =	sor.u32 s9, s1;
	v19 =	vadd.s32 v7, v22;
	s9 =	smov.u32 s19;
	[tilespmem:v24+s28+$0x0] =	vst.idx.msk $0xffff, v23;
	v23 =	vld [tilespmem:s8+$0x3070]  }
0x20d: {  	v28 =	vadd.s32 v0, v22;
	s19 =	smov.u32 s20;
	s8 =	smov.u32 s6;
	s6 =	smov.u32 s24;
	v24 =	vld [tilespmem:s20+$0x3000];
	[tilespmem:v16+s28+$0x0] =	vst.idx.msk $0xffff, v29;
	v16 =	vmov v26  }
0x20e: {  	s16 =	sor.u32 s22, s1;
	v26 =	vld [tilespmem:s6+$0x3000];
	[tilespmem:v30+s28+$0x0] =	vst.idx.msk $0xffff, v18  }
0x20f: {  	v29 =	vadd.s32 v0, v17;
	v18 =	vld [tilespmem:s16+$0x3000];
	[tilespmem:v31+s28+$0x0] =	vst.idx.msk $0xffff, v25  }
0x210: {  	v25 =	vadd.s32 v4, v13;
	[tilespmem:v20+s28+$0x0] =	vst.idx.msk $0xffff, v21;
	v20 =	vadd.s32 v1, v10;
	v21 =	vld [tilespmem:s14+$0xFFFFFFE0]  }
0x211: {  	v30 =	vld [tilespmem:s0+$0xFFFFFFA0];
	[tilespmem:v15+s28+$0x0] =	vst.idx.msk $0xffff, v23;
	v15 =	vmov v14;
	v14 =	vmov v19  }
0x212: {  	v19 =	vadd.s32 v1, v11;
	[tilespmem:v27+s28+$0x0] =	vst.idx.msk $0xffff, v24;
	v23 =	vld [tilespmem:s9+$0x3030];
	v24 =	vadd.s32 v3, v9  }
0x213: {  	v27 =	vld [tilespmem:s19+$0x3010];
	[tilespmem:v28+s28+$0x0] =	vst.idx.msk $0xffff, v26  }
0x214: {  	v26 =	vadd.s32 v1, v22;
	[tilespmem:v29+s28+$0x0] =	vst.idx.msk $0xffff, v18;
	v18 =	vld [tilespmem:s6+$0x3010]  }
0x215: {  	v29 =	vadd.s32 v1, v17;
	v28 =	vld [tilespmem:s16+$0x3010];
	[tilespmem:v25+s28+$0x0] =	vst.idx.msk $0xffff, v32  }
0x216: {  	[tilespmem:v20+s28+$0x0] =	vst.idx.msk $0xffff, v30;
	v20 =	vadd.s32 v5, v8;
	v25 =	vld [tilespmem:s29+$0x3050]  }
0x217: {  	v30 =	vld [tilespmem:s0+$0xFFFFFFB0];
	[tilespmem:v24+s28+$0x0] =	vst.idx.msk $0xffff, v23;
	v23 =	vadd.s32 v5, v12  }
0x218: {  	v24 =	vadd.s32 v4, v9;
	[tilespmem:v19+s28+$0x0] =	vst.idx.msk $0xffff, v27;
	v19 =	vld [tilespmem:s9+$0x3040]  }
0x219: {  	v27 =	vadd.s32 v2, v10;
	v31 =	vld [tilespmem:s19+$0x3020];
	[tilespmem:v26+s28+$0x0] =	vst.idx.msk $0xffff, v18  }
0x21a: {  	v26 =	vadd.s32 v2, v22;
	[tilespmem:v29+s28+$0x0] =	vst.idx.msk $0xffff, v28;
	v18 =	vld [tilespmem:s6+$0x3020]  }
0x21b: {  	v29 =	vadd.s32 v2, v17;
	v28 =	vld [tilespmem:s16+$0x3020];
	[tilespmem:v20+s28+$0x0] =	vst.idx.msk $0xffff, v21  }
0x21c: {  	v21 =	vadd.s32 v6, v8;
	v20 =	vld [tilespmem:s14+$0xFFFFFFF0];
	[tilespmem:v23+s28+$0x0] =	vst.idx.msk $0xffff, v25;
	v23 =	vadd.s32 v5, v13  }
0x21d: {  	[tilespmem:v24+s28+$0x0] =	vst.idx.msk $0xffff, v19;
	v19 =	vld [tilespmem:s29+$0x3060];
	v24 =	vadd.s32 v6, v12  }
0x21e: {  	[tilespmem:v27+s28+$0x0] =	vst.idx.msk $0xffff, v30;
	v25 =	vld [tilespmem:s9+$0x3050];
	v27 =	vadd.s32 v5, v9  }
0x21f: {  	v32 =	vadd.s32 v3, v10;
	v30 =	vld [tilespmem:s0+$0xFFFFFFC0];
	[tilespmem:v26+s28+$0x0] =	vst.idx.msk $0xffff, v18  }
0x220: {  	[tilespmem:v29+s28+$0x0] =	vst.idx.msk $0xffff, v28;
	v28 =	vld [tilespmem:s8+$0x3050]  }
0x221: {  	v33 =	vadd.s32 v3, v17;
	v29 =	vld [tilespmem:s16+$0x3030];
	[tilespmem:v21+s28+$0x0] =	vst.idx.msk $0xffff, v20  }
0x222: {  	v34 =	vadd.s32 v2, v11;
	v18 =	vld [tilespmem:s14+$0x0];
	[tilespmem:v24+s28+$0x0] =	vst.idx.msk $0xffff, v19;
	v19 =	vadd.s32 v6, v13;
	v13 =	vmov v22;
	s14 =	smov.u32 s0  }
.Ltmp14:
0x223: {  	[tilespmem:v27+s28+$0x0] =	vst.idx.msk $0xffff, v25;
	v21 =	vld [tilespmem:s29+$0x3070];
	v25 =	vadd.s32 v7, v12;
	v12 =	vmov v17;
	s29 =	smov.u32 s16;
	(pc) =	sbr.rel @p0 .LBB2_22-.Ltmp14, $4  }
0x224: {  	v22 =	vadd.s32 v6, v9;
	[tilespmem:v32+s28+$0x0] =	vst.idx.msk $0xffff, v30;
	v20 =	vld [tilespmem:s9+$0x3060]  }
0x225: {  	v27 =	vadd.s32 v3, v13;
	v26 =	vld [tilespmem:s6+$0x3030];
	[tilespmem:v23+s28+$0x0] =	vst.idx.msk $0xffff, v28  }
0x226: {  	[tilespmem:v33+s28+$0x0] =	vst.idx.msk $0xffff, v29;
	v17 =	vld [tilespmem:s8+$0x3060]  }
0x227: {  	s30 =	sadd.s32 $0x200, s30;
	s0 =	sadd.s32 $0x200, s0;
	s16 =	smov.u32 s15;
	v24 =	vadd.s32 v4, v12;
	[tilespmem:v34+s28+$0x0] =	vst.idx.msk $0xffff, v31;
	v23 =	vld [tilespmem:s29+$0x3040]  }
0x228: {  	v28 =	vld [tilespmem:s19+$0x3030];
	v29 =	vadd.s32 v3, v11;
	_ =	sdelay $0x3  }
0x229: {  	v30 =	vld [tilespmem:s14+$0xFFFFFFD0];
	[tilespmem:v27+s28+$0x0] =	vst.idx.msk $0xffff, v26  }
0x22a: {  	v42 =	vadd.s32 v4, v13;
	v41 =	vld [tilespmem:s6+$0x3040];
	[tilespmem:v29+s28+$0x0] =	vst.idx.msk $0xffff, v28  }
0x22b: {  	v40 =	vadd.s32 v4, v11;
	v39 =	vld [tilespmem:s19+$0x3040];
	_ =	sdelay $0x1  }
0x22c: {  	[tilespmem:v24+s28+$0x0] =	vst.idx.msk $0xffff, v23  }
0x22d: {  	v44 =	vadd.s32 v5, v12;
	[tilespmem:v16+s28+$0x0] =	vst.idx.msk $0xffff, v30;
	v43 =	vld [tilespmem:s29+$0x3050]  }
0x22e: {  	v46 =	vadd.s32 v5, v10;
	v45 =	vld [tilespmem:s14+$0xFFFFFFE0];
	[tilespmem:v42+s28+$0x0] =	vst.idx.msk $0xffff, v41  }
0x22f: {  	v48 =	vadd.s32 v5, v13;
	v49 =	vld [tilespmem:s6+$0x3050];
	[tilespmem:v40+s28+$0x0] =	vst.idx.msk $0xffff, v39  }
0x230: {  	v47 =	vadd.s32 v5, v11;
	[tilespmem:v25+s28+$0x0] =	vst.idx.msk $0xffff, v21;
	v27 =	vld [tilespmem:s19+$0x3050]  }
0x231: {  	[tilespmem:v22+s28+$0x0] =	vst.idx.msk $0xffff, v20  }
0x232: {  	v8 =	vadd.s32 v7, v8;
	[tilespmem:v44+s28+$0x0] =	vst.idx.msk $0xffff, v43  }
0x233: {  	v50 =	vadd.s32 v6, v12;
	[tilespmem:v46+s28+$0x0] =	vst.idx.msk $0xffff, v45;
	v16 =	vld [tilespmem:s29+$0x3060]  }
0x234: {  	v52 =	vadd.s32 v6, v10;
	v51 =	vld [tilespmem:s14+$0xFFFFFFF0];
	[tilespmem:v48+s28+$0x0] =	vst.idx.msk $0xffff, v49  }
0x235: {  	v55 =	vadd.s32 v6, v13;
	v56 =	vld [tilespmem:s6+$0x3060];
	[tilespmem:v47+s28+$0x0] =	vst.idx.msk $0xffff, v27  }
0x236: {  	v54 =	vadd.s32 v6, v11;
	[tilespmem:v19+s28+$0x0] =	vst.idx.msk $0xffff, v17;
	v53 =	vld [tilespmem:s19+$0x3060]  }
0x237: {  	v9 =	vadd.s32 v7, v9;
	v57 =	vld [tilespmem:s9+$0x3070];
	[tilespmem:v8+s28+$0x0] =	vst.idx.msk $0xffff, v18  }
0x238: {  	v8 =	vld [tilespmem:s8+$0x3070];
	[tilespmem:v50+s28+$0x0] =	vst.idx.msk $0xffff, v16  }
0x239: {  	v58 =	vadd.s32 v7, v12;
	[tilespmem:v52+s28+$0x0] =	vst.idx.msk $0xffff, v51;
	v16 =	vld [tilespmem:s29+$0x3070]  }
0x23a: {  	v60 =	vadd.s32 v7, v10;
	v59 =	vld [tilespmem:s14+$0x0];
	[tilespmem:v55+s28+$0x0] =	vst.idx.msk $0xffff, v56  }
0x23b: {  	v63 =	vld [tilespmem:s6+$0x3070];
	[tilespmem:v54+s28+$0x0] =	vst.idx.msk $0xffff, v53  }
0x23c: {  	v61 =	vadd.s32 v7, v11;
	[tilespmem:v9+s28+$0x0] =	vst.idx.msk $0xffff, v57;
	v62 =	vld [tilespmem:s19+$0x3070]  }
0x23d: {  	[tilespmem:v15+s28+$0x0] =	vst.idx.msk $0xffff, v8  }
0x23e: {  	[tilespmem:v58+s28+$0x0] =	vst.idx.msk $0xffff, v16  }
0x23f: {  	s0 =	sshll.u32 s7, $0x9;
	[tilespmem:v60+s28+$0x0] =	vst.idx.msk $0xffff, v59  }
0x240: {  	s7 =	simm.s32 $0x4;
	s0 =	sadd.s32 s5, s0;
	[tilespmem:v14+s28+$0x0] =	vst.idx.msk $0xffff, v63  }
0x241: {  	s9 =	sadd.s32 $0x0, s0;
	s8 =	simm.s32 $0x7C28;
	s6 =	simm.s32 $0x7C00;
	[tilespmem:v61+s28+$0x0] =	vst.idx.msk $0xffff, v62  }
.LBB2_24:
0x242: {  	[hbm4b:s9+s2] =	stream.linear.scatter [tilespmem:s6], [sflag:$0x8], $0x20, $0x38;
	[tilespmem:$0x9000] =	vst v63  }
0x243: {  	s1 =	smov.u32 s7;
	s6 =	smov.u32 s8;
	p0 =	sne.s32 s7, $0x1FC  }
.Ltmp15:
0x244: {  	s7 =	sadd.s32 $0x4, s7;
	(pc) =	sbr.rel @p0 .LBB2_24-.Ltmp15, $2  }
0x245: {  	_ =	sdelay $0x2  }
0x246: {  	s8 =	sadd.s32 $0x28, s8;
	s9 =	sadd.s32 s1, s0  }
.Ltmp16:
0x247: {  	(pc) =	sbr.rel .LBB2_26-.Ltmp16, $2  }
0x248: {  	_ =	sdelay $0x2  }
0x249: {  	[hbm4b:s9+s2] =	stream.linear.scatter [tilespmem:s6], [sflag:$0x8], $0x20, $0x38;
	[tilespmem:$0x9000] =	vst v63  }
.LBB2_28:
0x24a: {  	_ =	sfence.sel $0x180000  }
0x24b: {  	[bflag:$0x0] =	sbarrier.arrive $0xFFFF  }
0x24c: {  	_ =	strace $0x90000047  }
0x24d: {  	s0 =	stileid.u32;
	[bflag:$0x2] =	sbarrier.arrive $0xFFFF  }
0x24e: {  	p0 =	sne.s32 s0, $0x0;
	s0 =	rddreg [dreg:$0x1]  }
0x24f: {  	s0 =	sadd.s32 @!p0 $0x100000, s0  }
0x250: {  	[sflag:s0] =	ssyncadd.tile.s32 @!p0 $0x1;
	_ =	shalt  }
.Lfunc_end2:
_tile_overlayer_lowered:
.L_overlay_start_2:
0x251: {  	(tag) =	ssettag $0x2  }
0x252: {  	s0 =	rddreg [dreg:$0x0];
	s2 =	stileid.u32  }
0x253: {  	s1 =	rddreg [dreg:$0x1];
	p0 =	sne.s32 s2, $0x0  }
0x254: {  	s3 =	rddreg [dreg:$0x2];
	[bflag:$0x3] =	sbarrier.arrive $0xFFFF;
	s2 =	simm.s32 @!p0 $0x1C09  }
0x255: {  	[timem:s3], [sflag:s2] =	dma.local @!p0 [hbm:s0], s1  }
0x256: {  	s0 =	simm.s32 @!p0 $0x9  }
0x257: {  	_ =	swait.ge @!p0 [sflag:s0], s1  }
0x258: {  	s1 =	ssub.s32 @!p0 $0x0, s1;
	[sflag:s0] =	ssyncset.done @!p0 $0x0  }
0x259: {  	[sflag:s0] =	ssyncadd.s32 @!p0 s1  }
0x25a: {  	[bflag:$0x3] =	sbarrier.arrive $0xFFFF  }
0x25b: {  	_ =	shalt  }

// kernel: kernel.7.cloned.1.call-start
scs
__scs_entry_jumppad:
0x0: {  	(pc) =	sbr.rel $0x88, $3  }
0x1: {  	(tag) =	ssettag $0x0;
	lr =	simm.s32 $0x1  }
0x2: {  	[smem:$0x3F9F] =	sst lr;
	_ =	strace $0xD0000000  }
0x3: {  	_ = 	snop  }
0x4: {  	_ = 	snop  }
0x5: {  	_ = 	snop  }
0x6: {  	_ = 	snop  }
0x7: {  	_ = 	snop  }
__scs_overlays_trampoline_lowered:
0x8: {  	[smem:$0x3FAE] =	sst s0  }
0x9: {  	[smem:$0x3FAF] =	sst s1  }
0xa: {  	[smem:$0x3FB0] =	sst s2  }
0xb: {  	[smem:$0x3FB1] =	sst s3  }
0xc: {  	[smem:$0x3FB2] =	sst s4  }
0xd: {  	[smem:$0x3FB3] =	sst s5  }
0xe: {  	[smem:$0x3FB4] =	sst s6  }
0xf: {  	[smem:$0x3FB5] =	sst s7  }
0x10: {  	[smem:$0x3FB6] =	sst s8  }
0x11: {  	[smem:$0x3FB7] =	sst s9;
	s0 =	simm.s32 @!p0 $0x0  }
0x12: {  	s1 =	sld [smem:$0x3F9D];
	s0 =	simm.s32 @p0 $0x1  }
0x13: {  	[smem:$0x3FB8] =	sst s0;
	s0 =	simm.s32 @!p1 $0x0  }
0x14: {  	s2 =	sld [smem:$0x3F9C];
	s0 =	simm.s32 @p1 $0x1  }
0x15: {  	[smem:$0x3FB9] =	sst s0;
	s0 =	simm.s32 @!p2 $0x0  }
0x16: {  	s3 =	sld [smem:$0x3FDB];
	s0 =	simm.s32 @p2 $0x1  }
0x17: {  	s4 =	simm.s32 $0x1BF5;
	[smem:$0x3FBB] =	sst s0  }
0x18: {  	s0 =	sld [smem:$0x3F9E];
	_ =	swait.ge [sflag:s4], $0x0  }
0x19: {  	s7 =	sld [smem:$0x3F9F]  }
0x1a: {  	s8 =	sadd.s32 $0xFFFFE003, lr  }
0x1b: {  	s9 =	sadd.s32 $0xFFFFFEF7, lr;
	s5 =	simm.s32 $0xFFFFFFFF;
	p2 =	slt.u32 s8, $0xFFFFF086  }
0x1c: {  	p1 =	slt.u32 s9, $0xF7A;
	s5 =	simm.s32 @!p2 $0x0  }
0x1d: {  	s5 =	simm.s32 @p1 $0x1;
	p0 =	seq.s32 s7, s2  }
0x1e: {  	s7 =	smul.u32 @!p0 $0xF7A, s2;
	p2 =	seq.s32 @!p0 s5, $0x0  }
0x1f: {  	s9 =	smul.u32 $0xF7A, s1;
	s8 =	simm.s32 @!p0 $0x1BF5;
	p2 =	por !p2, p0  }
0x20: {  	[sflag:s8] =	ssyncset.s32 @!p0 $0xFFFFF086;
	s6 =	sadd.s32 @!p0 s3, s7;
	s7 =	simm.s32 @!p0 $0x108  }
0x21: {  	s3 =	sadd.s32 s3, s9;
	s6 =	sadd.s32 @!p0 $0x88, s6;
	s7 =	simm.s32 @p2 $0x1082  }
0x22: {  	[simem:s7], [sflag:s8] =	dma.local @!p0 [hbm:s6], $0xF7A  }
0x23: {  	s9 =	sor.u32 $0xD0000000, s2;
	s6 =	simm.s32 $0x108;
	_ =	swait.ge @!p0 [sflag:s8], $0x0  }
0x24: {  	s3 =	sadd.s32 $0x88, s3;
	s6 =	simm.s32 @!p1 $0x1082;
	[sflag:s4] =	ssyncset.s32 $0xFFFFF086  }
0x25: {  	[simem:s6], [sflag:s4] =	dma.local [hbm:s3], $0xF7A  }
0x26: {  	[smem:$0x3F9F] =	sst s1;
	(tag) =	ssettag s2;
	_ =	strace s9  }
0x27: {  	s1 =	sld [smem:$0x3FAF]  }
0x28: {  	s2 =	sld [smem:$0x3FB0]  }
0x29: {  	s4 =	sld [smem:$0x3FB2]  }
0x2a: {  	p0 =	seq.s32 s5, $0x0;
	s5 =	sld [smem:$0x3FB3]  }
0x2b: {  	s6 =	sld [smem:$0x3FB4]  }
0x2c: {  	s7 =	sld [smem:$0x3FB5]  }
0x2d: {  	s3 =	simm.s32 $0x108;
	s8 =	sld [smem:$0x3FB6]  }
0x2e: {  	s3 =	simm.s32 @!p0 $0x1082;
	s9 =	sld [smem:$0x3FB7]  }
0x2f: {  	lr =	sadd.s32 s0, s3;
	s0 =	sld [smem:$0x3FAE]  }
0x30: {  	s3 =	sld [smem:$0x3FB1]  }
0x31: {  	[smem:$0x3FBA] =	sst s10  }
0x32: {  	s10 =	sld [smem:$0x3FB8];
	_ =	sdelay $0x3  }
0x33: {  	p0 =	seq.s32 s10, $0x1;
	s10 =	sld [smem:$0x3FBA];
	_ =	sdelay $0x3  }
0x34: {  	[smem:$0x3FBA] =	sst s10  }
0x35: {  	s10 =	sld [smem:$0x3FB9];
	_ =	sdelay $0x3  }
0x36: {  	p1 =	seq.s32 s10, $0x1;
	s10 =	sld [smem:$0x3FBA];
	_ =	sdelay $0x3  }
0x37: {  	[smem:$0x3FBA] =	sst s10  }
0x38: {  	s10 =	sld [smem:$0x3FBB]  }
0x39: {  	_ = 	snop;
	(pc) =	sbr.ind lr, $3  }
0x3a: {  	_ = 	snop  }
0x3b: {  	_ = 	snop  }
0x3c: {  	p2 =	seq.s32 s10, $0x1;
	s10 =	sld [smem:$0x3FBA]  }
0x3d: {  	_ =	shalt  }
0x3e: {  	_ =	shalt  }
0x3f: {  	_ =	shalt  }
0x40: {  	_ =	shalt  }
0x41: {  	_ =	shalt  }
0x42: {  	_ =	shalt  }
0x43: {  	_ =	shalt  }
0x44: {  	_ =	shalt  }
0x45: {  	_ =	shalt  }
0x46: {  	_ =	shalt  }
0x47: {  	_ =	shalt  }
0x48: {  	_ =	shalt  }
0x49: {  	_ =	shalt  }
0x4a: {  	_ =	shalt  }
0x4b: {  	_ =	shalt  }
0x4c: {  	_ =	shalt  }
0x4d: {  	_ =	shalt  }
0x4e: {  	_ =	shalt  }
0x4f: {  	_ =	shalt  }
0x50: {  	_ =	shalt  }
0x51: {  	_ =	shalt  }
0x52: {  	_ =	shalt  }
0x53: {  	_ =	shalt  }
0x54: {  	_ =	shalt  }
0x55: {  	_ =	shalt  }
0x56: {  	_ =	shalt  }
0x57: {  	_ =	shalt  }
0x58: {  	_ =	shalt  }
0x59: {  	_ =	shalt  }
0x5a: {  	_ =	shalt  }
0x5b: {  	_ =	shalt  }
0x5c: {  	_ =	shalt  }
0x5d: {  	_ =	shalt  }
0x5e: {  	_ =	shalt  }
0x5f: {  	_ =	shalt  }
0x60: {  	_ =	shalt  }
0x61: {  	_ =	shalt  }
0x62: {  	_ =	shalt  }
0x63: {  	_ =	shalt  }
0x64: {  	_ =	shalt  }
0x65: {  	_ =	shalt  }
0x66: {  	_ =	shalt  }
0x67: {  	_ =	shalt  }
0x68: {  	_ =	shalt  }
0x69: {  	_ =	shalt  }
0x6a: {  	_ =	shalt  }
0x6b: {  	_ =	shalt  }
0x6c: {  	_ =	shalt  }
0x6d: {  	_ =	shalt  }
0x6e: {  	_ =	shalt  }
0x6f: {  	_ =	shalt  }
0x70: {  	_ =	shalt  }
0x71: {  	_ =	shalt  }
0x72: {  	_ =	shalt  }
0x73: {  	_ =	shalt  }
0x74: {  	_ =	shalt  }
0x75: {  	_ =	shalt  }
0x76: {  	_ =	shalt  }
0x77: {  	_ =	shalt  }
0x78: {  	_ =	shalt  }
0x79: {  	_ =	shalt  }
0x7a: {  	_ =	shalt  }
0x7b: {  	_ =	shalt  }
0x7c: {  	_ =	shalt  }
0x7d: {  	_ =	shalt  }
0x7e: {  	_ =	shalt  }
0x7f: {  	_ =	shalt  }
0x80: {  	_ =	shalt  }
0x81: {  	_ =	shalt  }
0x82: {  	_ =	shalt  }
0x83: {  	_ =	shalt  }
0x84: {  	_ =	shalt  }
0x85: {  	_ =	shalt  }
0x86: {  	_ =	shalt  }
0x87: {  	_ =	shalt  }
.Lfunc_end0:
.L_simem_size_0:
called_computation.1_lowered:
.L_overlay_start_0:
0x88: {  	s2 =	sld [smem:$0x3FD9]  }
0x89: {  	s3 =	sld [smem:$0x3FFE];
	_ =	sdelay $0x1  }
0x8a: {  	s1 =	srdreg.scid  }
0x8b: {  	s0 =	sand.u32 $0x1, s1  }
0x8c: {  	s17 =	sshll.u32 s0, $0xA;
	s2 =	sadd.s32 s3, s2  }
0x8d: {  	s2 =	sadd.s32 s2, s17  }
0x8e: {  	[smem:$0x3FC6] =	sst s2  }
0x8f: {  	_ = 	snop  }
0x90: {  	s2 =	sld [smem:$0x3FC9]  }
0x91: {  	s18 =	sld [smem:$0x3FD0];
	(tm) =	ssettm $0x1  }
0x92: {  	s4 =	sld [smem:$0x3FFB];
	_ =	sdelay $0x3  }
0x93: {  	_ =	strace s4  }
0x94: {  	s4 =	sld [smem:$0x3FFC];
	_ =	sdelay $0x3  }
0x95: {  	_ =	strace s4  }
0x96: {  	s4 =	sld [smem:$0x3FFD];
	_ =	sdelay $0x3  }
0x97: {  	_ =	strace s4  }
0x98: {  	_ =	strace $0x8FFFFFFF  }
0x99: {  	s19 =	sld [smem:$0x3FDB];
	_ =	sdelay $0x1  }
0x9a: {  	s5 =	simm.s32 $_scs_section_size  }
0x9b: {  	s6 =	simm.s32 $_size__tile_overlayer_lowered;
	s7 =	simm.s32 $_tile_overlayer_lowered  }
0x9c: {  	s22 =	simm.s32 $0x1BFF;
	s21 =	sshll.u32 s7, $0x1;
	s4 =	sadd.s32 s5, s19  }
0x9d: {  	s8 =	simm.s32 $0x0;
	s20 =	sshll.u32 s6, $0x1;
	s6 =	sadd.s32 s21, s4  }
0x9e: {  	[timem:s8], [sflag:s22] =	dma.local [hbm:s6], s20  }
0x9f: {  	_ =	swait.ge [sflag:s22], s20  }
0xa0: {  	s5 =	ssub.s32 $0x0, s20;
	[sflag:s22] =	ssyncset.done $0x0  }
0xa1: {  	[sflag:s22] =	ssyncadd.s32 s5;
	_ =	sdelay $0x1  }
0xa2: {  	s23 =	simm.s32 $0x1B8B  }
0xa3: {  	_ =	swait.ge [sflag:s23], $0x1  }
0xa4: {  	[sflag:s23] =	ssyncset.done $0x0  }
0xa5: {  	s25 =	simm.s32 $0x1B8E;
	s24 =	sld [smem:$0x3FFE];
	[sflag:s23] =	ssyncadd.s32 $0xFFFFFFFF  }
0xa6: {  	s26 =	simm.s32 $execute0_lowered;
	[smem:$0x3FD2] =	sst s25  }
0xa7: {  	s6 =	sshll.u32 s26, $0x1;
	_ =	strace $0x80000049;
	[dreg:$0x1] =	wrdreg $0xFFFFFFFF  }
0xa8: {  	s28 =	simm.s32 $_size_execute0_lowered;
	s4 =	sadd.s32 s4, s6;
	[dreg:$0x0] =	wrdreg $0x0  }
0xa9: {  	s6 =	sshll.u32 s28, $0x1;
	[dreg:$0x2] =	wrdreg s4  }
0xaa: {  	[dreg:$0x3] =	wrdreg s6  }
0xab: {  	[dreg:$0x4] =	wrdreg $0xC0  }
0xac: {  	_ =	task [dreg:s8], $0x5FFFF  }
0xad: {  	[dreg:$0x1] =	wrdreg $0xFFFFFFFF  }
0xae: {  	[dreg:$0x0] =	wrdreg $0x60  }
0xaf: {  	[dreg:$0x2] =	wrdreg s2  }
0xb0: {  	[dreg:$0x3] =	wrdreg s24  }
0xb1: {  	[dreg:$0x4] =	wrdreg s18  }
0xb2: {  	[dreg:$0x5] =	wrdreg $0x9  }
0xb3: {  	_ =	task.clear_ibuf [dreg:s8], $0x6FFFF;
	_ =	strace $0x90000049  }
0xb4: {  	s29 =	simm.s32 $0x9;
	_ =	strace $0x8000004B  }
0xb5: {  	_ =	swait.ge [sflag:s29], $0x1  }
0xb6: {  	[sflag:s29] =	ssyncadd.s32 $0xFFFFFFFF  }
0xb7: {  	_ =	strace $0x9000004B  }
0xb8: {  	_ =	sfence  }
0xb9: {  	s30 =	sld [smem:$0x0];
	_ =	sdelay $0x2  }
0xba: {  	s31 =	sshll.u32 s1, $0xD;
	s1 =	sshrl.u32 s1, $0x2  }
0xbb: {  	s3 =	sand.u32 $0x4000, s31;
	s1 =	sadd.s32 s1, s30  }
0xbc: {  	s0 =	sor.u32 s3, s0;
	s1 =	sshll.u32 s1, $0x11  }
0xbd: {  	s0 =	sor.u32 s1, s0  }
0xbe: {  	s0 =	sadd.s32 $0x8F2B, s0  }
0xbf: {  	[sflag:s0] =	ssyncadd.remote.s32 $0x1  }
0xc0: {  	_ =	sfence.sel $0xFFFF  }
0xc1: {  	[dreg:$0x0] =	wrdreg $0xFFFFFFFF;
	(pc) =	sbr.abs _section_cstart, $3  }
0xc2: {  	[dreg:$0x1] =	wrdreg $0xFFFFFFFF  }
0xc3: {  	_ =	task.clear_ibuf [dreg:s8], $0x2FFFF;
	_ =	strace $0x9FFFFFFF  }
0xc4: {  	(tm) =	ssettm $0x7FFFFFFF  }
0xc5: {  	_ =	shalt  }
tec
execute0_lowered:
.L_overlay_start_1:
0x0: {  	(tag) =	ssettag $0x1  }
0x1: {  	s1 =	rddreg [dreg:$0x0]  }
0x2: {  	s0 =	srdreg.scid;
	s5 =	rddreg [dreg:$0x1]  }
0x3: {  	s2 =	stileid.u32;
	s3 =	rddreg [dreg:$0x2];
	s4 =	simm.s32 $0x0  }
0x4: {  	s16 =	simm.s32 $0x80;
	s28 =	simm.s32 $0x5300;
	s9 =	simm.s32 $0x6400  }
0x5: {  	s31 =	simm.s32 $0x8;
	s17 =	simm.s32 $0x7500;
	s30 =	simm.s32 $0x9  }
0x6: {  	s10 =	simm.s32 $0xB;
	s0 =	sand.u32 $0x1, s0;
	s2 =	sshll.u32 s2, $0x1  }
0x7: {  	[smem:$0x7FF] =	sst s4;
	s5 =	sadd.s32 $0x3D1200, s5;
	s2 =	sor.u32 s0, s2  }
0x8: {  	s14 =	simm.s32 $0x0;
	_ =	strace $0x8000004A;
	s6 =	smul.u32 $0x6400, s2  }
0x9: {  	s0 =	ssub.s32 $0x2, s0;
	s7 =	sshll.u32 s2, $0xD;
	s8 =	smul.u32 $0x320, s2  }
0xa: {  	s22 =	sshrl.u32 s0, $0x1;
	s7 =	sand.u32 $0x6000, s7;
	s6 =	sand.u32 $0xF8000, s6  }
0xb: {  	s0 =	ssub.s32 s0, s22;
	s21 =	sand.u32 $0x380, s8;
	s6 =	sor.u32 s7, s6  }
0xc: {  	s22 =	simm.s32 $0x3;
	s0 =	smax.u32 s0, $0x1;
	s6 =	sor.u32 s21, s6  }
0xd: {  	s8 =	simm.s32 $0x7;
	[dreg:$0x9] =	wrdreg s0;
	s23 =	sshrl.u32 s6, $0x3  }
0xe: {  	s0 =	simm.s32 $0xC;
	s21 =	simm.s32 $0x2;
	s24 =	sadd.s32 s1, s23  }
0xf: {  	s6 =	smul.u32 $0xC8, s2;
	s23 =	simm.s32 $0x5;
	s25 =	sadd.s32 $0x80, s24  }
.Ltmp0:
0x10: {  	s26 =	sadd.s32 $0x100, s24;
	[dreg:$0x4] =	wrdreg s24;
	(pc) =	sbr.rel .LBB2_1-.Ltmp0, $4  }
0x11: {  	v0 =	vlaneseq.u32;
	s2 =	sadd.s32 $0x180, s24;
	s11 =	sor.u32 $0x4, s6;
	[dreg:$0x5] =	wrdreg s25  }
0x12: {  	v0 =	vmul.u32 $0x88, v0;
	s12 =	sor.u32 $0x5, s6;
	s13 =	sor.u32 $0x6, s6;
	[dreg:$0x6] =	wrdreg s26  }
0x13: {  	s29 =	sor.u32 $0x7, s6;
	s24 =	simm.s32 $0x4200;
	[dreg:$0x7] =	wrdreg s2  }
0x14: {  	v1 =	vadd.s32 $0x880, v0;
	[dreg:$0x8] =	wrdreg s29;
	s26 =	simm.s32 $0x6;
	s2 =	simm.s32 $0x4  }
.LBB2_19:
0x15: {  	_ =	swait.ge [sflag:s30], $0x1000  }
0x16: {  	[sflag:s30] =	ssyncset.done $0x0  }
0x17: {  	s7 =	simm.s32 $0xA;
	[sflag:s30] =	ssyncadd.s32 $0xFFFFF000  }
0x18: {  	_ =	swait.ge [sflag:s7], $0x1000  }
0x19: {  	[sflag:s7] =	ssyncset.done $0x0  }
0x1a: {  	[sflag:s7] =	ssyncadd.s32 $0xFFFFF000  }
0x1b: {  	_ =	swait.ge [sflag:s10], $0x1000  }
0x1c: {  	[sflag:s10] =	ssyncset.done $0x0  }
0x1d: {  	[sflag:s10] =	ssyncadd.s32 $0xFFFFF000  }
0x1e: {  	_ =	swait.ge [sflag:s0], $0x1000  }
0x1f: {  	s14 =	rddreg [dreg:$0xa]  }
0x20: {  	s29 =	rddreg [dreg:$0x9];
	s14 =	sadd.s32 $0x1, s14  }
0x21: {  	p0 =	sne.s32 s14, s29  }
.Ltmp1:
0x22: {  	_ = 	snop;
	(pc) =	sbr.rel @!p0 .LBB2_20-.Ltmp1, $3  }
0x23: {  	_ =	sdelay $0x1  }
0x24: {  	[sflag:s0] =	ssyncset.done $0x0  }
0x25: {  	[sflag:s0] =	ssyncadd.s32 $0xFFFFF000  }
.LBB2_1:
0x26: {  	[dreg:$0xa] =	wrdreg s14  }
0x27: {  	s7 =	rddreg [dreg:$0x4]  }
0x28: {  	[tilespmem:s4], [sflag:$0x1] =	stream.linear.gather [hbm4b:s7+s4], $0x80, $0x38;
	[tilespmem:$0x8600] =	vst v63  }
0x29: {  	s29 =	rddreg [dreg:$0x5]  }
0x2a: {  	[tilespmem:s16], [sflag:$0x2] =	stream.linear.gather [hbm4b:s29+s4], $0x80, $0x38;
	[tilespmem:$0x8600] =	vst v63  }
0x2b: {  	s14 =	rddreg [dreg:$0x6];
	s15 =	simm.s32 $0x100  }
0x2c: {  	[tilespmem:s15], [sflag:$0x3] =	stream.linear.gather [hbm4b:s14+s4], $0x80, $0x38;
	[tilespmem:$0x8600] =	vst v63  }
0x2d: {  	s18 =	rddreg [dreg:$0x7];
	s19 =	simm.s32 $0x180;
	s20 =	simm.s32 $0x1  }
0x2e: {  	[tilespmem:s19], [sflag:$0x4] =	stream.linear.gather [hbm4b:s18+s4], $0x80, $0x38;
	[tilespmem:$0x8600] =	vst v63  }
0x2f: {  	_ =	swait.ge [sflag:s20], $0x80  }
0x30: {  	[sflag:s20] =	ssyncset.done $0x0  }
0x31: {  	s25 =	simm.s32 $0x200;
	[sflag:s20] =	ssyncadd.s32 $0xFFFFFF80  }
0x32: {  	[tilespmem:s25], [sflag:$0x5] =	stream.indirect.gather [hbm4b:s5+s16], $0x20, s4, s16, $0xb8;
	[tilespmem:$0x8600] =	vst v63  }
0x33: {  	_ =	swait.ge [sflag:s21], $0x80  }
0x34: {  	[sflag:s21] =	ssyncset.done $0x0  }
0x35: {  	s29 =	simm.s32 $0x1200;
	s15 =	simm.s32 $0x0;
	[sflag:s21] =	ssyncadd.s32 $0xFFFFFF80  }
0x36: {  	[tilespmem:s29], [sflag:$0x6] =	stream.indirect.gather [hbm4b:s5+s16], $0x20, s16, s16, $0xb8;
	[tilespmem:$0x8600] =	vst v63  }
.LBB2_2:
0x37: {  	s7 =	sshll.u32 s15, $0x2;
	p0 =	seq.s32 s15, $0x31  }
0x38: {  	s14 =	sadd.s32 @!p0 s7, s11;
	p1 =	seq.s32 @!p0 s15, $0x0  }
0x39: {  	s18 =	sshll.u32 @!p0 s14, $0x7;
	s20 =	sshll.u32 @!p0 s14, $0xA;
	s14 =	sshll.u32 @!p0 s14, $0x2  }
0x3a: {  	p1 =	por p0, !p1;
	s18 =	sand.u32 @!p0 $0x7FFF8000, s18;
	s20 =	sand.u32 @!p0 $0x7000, s20  }
.Ltmp2:
0x3b: {  	s14 =	sand.u32 @!p0 $0x380, s14;
	s18 =	sor.u32 @!p0 s20, s18;
	(pc) =	sbr.rel @!p1 .LBB2_3-.Ltmp2, $4  }
0x3c: {  	_ =	swait.ge [sflag:s23], $0x1000;
	s14 =	sor.u32 @!p0 s14, s18  }
0x3d: {  	[sflag:s23] =	ssyncset.done $0x0;
	s14 =	sshrl.u32 @!p0 s14, $0x3  }
0x3e: {  	[sflag:s23] =	ssyncadd.s32 $0xFFFFF000;
	s18 =	simm.s32 @!p0 $0x0;
	s14 =	sadd.s32 @!p0 s1, s14  }
0x3f: {  	[tilespmem:s18], [sflag:$0x1] =	stream.linear.gather @!p0 [hbm4b:s14+s18], $0x80, $0x38;
	[tilespmem:$0x8600] =	vst v63  }
.Ltmp3:
0x40: {  	(pc) =	sbr.rel .LBB2_5-.Ltmp3, $4  }
0x41: {  	_ = 	snop  }
0x42: {  	_ =	swait.ge [sflag:s30], $0x1000  }
0x43: {  	[sflag:s30] =	ssyncset.done $0x0  }
0x44: {  	p1 =	por $0x0, $0x0;
	[sflag:s30] =	ssyncadd.s32 $0xFFFFF000  }
.LBB2_3:
0x45: {  	p1 =	por @!p0 $0x1, $0x1  }
.LBB2_5:
0x46: {  	s14 =	simm.s32 $0x3  }
0x47: {  	v2 =	vmov s14  }
0x48: {  	s18 =	simm.s32 $0x0;
	s14 =	simm.s32 $0x240;
	v2 =	vand.u32 $0x7F, v2  }
0x49: {  	v6 =	vld [tilespmem:s14+$0x20];
	v9 =	vadd.s32 v0, v2;
	v15 =	vadd.s32 v1, v2;
	v2 =	vmov s18  }
0x4a: {  	s20 =	simm.s32 $0x1;
	v14 =	vld [tilespmem:s14+$0x30];
	v4 =	vand.u32 $0x7C, v2  }
0x4b: {  	v3 =	vmov s20;
	v7 =	vld [tilespmem:s14+$0xFFFFFFC0];
	v11 =	vadd.s32 v0, v4  }
0x4c: {  	s25 =	simm.s32 $0x2;
	v10 =	vand.u32 $0x7D, v3;
	v2 =	vld [tilespmem:s14+$0xFFFFFFD0];
	v8 =	vadd.s32 v1, v4  }
0x4d: {  	v12 =	vmov s25;
	v3 =	vld [tilespmem:s14+$0xFFFFFFE0];
	v5 =	vadd.s32 v0, v10  }
0x4e: {  	s29 =	simm.s32 $0x7;
	v12 =	vand.u32 $0x7E, v12;
	v4 =	vld [tilespmem:s14+$0xFFFFFFF0];
	[tilespmem:v9+s24+$0x0] =	vst.idx.msk $0xffff, v6;
	v9 =	vadd.s32 v1, v10  }
0x4f: {  	s20 =	simm.s32 $0x4;
	v13 =	vmov s29;
	s25 =	simm.s32 $0x8;
	v6 =	vld [tilespmem:s14+$0x0];
	v10 =	vadd.s32 v0, v12;
	[tilespmem:v15+s24+$0x0] =	vst.idx.msk $0xffff, v14  }
.LBB2_6:
0x50: {  	p2 =	slt.u32 s25, $0x7C;
	v13 =	vand.u32 $0x7F, v13;
	[tilespmem:v11+s24+$0x0] =	vst.idx.msk $0xffff, v7;
	v14 =	vld [tilespmem:s14+$0x10];
	v12 =	vadd.s32 v1, v12;
	s14 =	sadd.s32 $0x80, s14  }
0x51: {  	v7 =	vmov s20;
	v15 =	vld [tilespmem:s14+$0x20];
	v16 =	vadd.s32 v0, v13;
	[tilespmem:v8+s24+$0x0] =	vst.idx.msk $0xffff, v2  }
0x52: {  	s18 =	sadd.s32 $0x1, s20;
	v8 =	vand.u32 $0x7C, v7;
	v18 =	vadd.s32 v1, v13;
	v17 =	vld [tilespmem:s14+$0x30];
	[tilespmem:v5+s24+$0x0] =	vst.idx.msk $0xffff, v3  }
.Ltmp4:
0x53: {  	v11 =	vadd.s32 v0, v8;
	v3 =	vmov s18;
	v7 =	vld [tilespmem:s14+$0xFFFFFFC0];
	[tilespmem:v9+s24+$0x0] =	vst.idx.msk $0xffff, v4;
	(pc) =	sbr.rel @p2 .LBB2_6-.Ltmp4, $4  }
0x54: {  	v8 =	vadd.s32 v1, v8;
	s18 =	sadd.s32 $0x2, s20;
	s20 =	smov.u32 s25;
	v9 =	vand.u32 $0x7D, v3;
	v2 =	vld [tilespmem:s14+$0xFFFFFFD0];
	[tilespmem:v10+s24+$0x0] =	vst.idx.msk $0xffff, v6  }
0x55: {  	v5 =	vadd.s32 v0, v9;
	v6 =	vmov s18;
	v3 =	vld [tilespmem:s14+$0xFFFFFFE0];
	[tilespmem:v12+s24+$0x0] =	vst.idx.msk $0xffff, v14  }
0x56: {  	s18 =	sadd.s32 $0x3, s25;
	v9 =	vadd.s32 v1, v9;
	v12 =	vand.u32 $0x7E, v6;
	v4 =	vld [tilespmem:s14+$0xFFFFFFF0];
	[tilespmem:v16+s24+$0x0] =	vst.idx.msk $0xffff, v15  }
0x57: {  	s25 =	sadd.s32 $0x4, s25;
	v13 =	vmov s18;
	v10 =	vadd.s32 v0, v12;
	v6 =	vld [tilespmem:s14+$0x0];
	[tilespmem:v18+s24+$0x0] =	vst.idx.msk $0xffff, v17  }
0x58: {  	_ =	sdelay $0x3  }
0x59: {  	v13 =	vand.u32 $0x7F, v13;
	[tilespmem:v11+s24+$0x0] =	vst.idx.msk $0xffff, v7;
	v7 =	vld [tilespmem:s14+$0x10];
	v11 =	vadd.s32 v1, v12;
	s19 =	sadd.s32 $0x80, s14  }
0x5a: {  	v12 =	vmov s20;
	v14 =	vld [tilespmem:s19+$0x20];
	v15 =	vadd.s32 v0, v13;
	[tilespmem:v8+s24+$0x0] =	vst.idx.msk $0xffff, v2  }
0x5b: {  	s18 =	sadd.s32 $0x1, s20;
	v2 =	vand.u32 $0x7C, v12;
	v8 =	vld [tilespmem:s19+$0x30];
	v12 =	vadd.s32 v1, v13;
	[tilespmem:v5+s24+$0x0] =	vst.idx.msk $0xffff, v3  }
0x5c: {  	v13 =	vmov s18;
	v3 =	vld [tilespmem:s19+$0xFFFFFFC0];
	v5 =	vadd.s32 v0, v2;
	[tilespmem:v9+s24+$0x0] =	vst.idx.msk $0xffff, v4  }
0x5d: {  	s25 =	sadd.s32 $0x2, s20;
	v2 =	vadd.s32 v1, v2;
	v4 =	vld [tilespmem:s19+$0xFFFFFFD0];
	v9 =	vand.u32 $0x7D, v13;
	[tilespmem:v10+s24+$0x0] =	vst.idx.msk $0xffff, v6  }
0x5e: {  	v13 =	vmov s25;
	v6 =	vld [tilespmem:s19+$0xFFFFFFE0];
	v10 =	vadd.s32 v0, v9;
	[tilespmem:v11+s24+$0x0] =	vst.idx.msk $0xffff, v7  }
0x5f: {  	v9 =	vadd.s32 v1, v9;
	v7 =	vld [tilespmem:s19+$0xFFFFFFF0];
	v11 =	vand.u32 $0x7E, v13;
	[tilespmem:v15+s24+$0x0] =	vst.idx.msk $0xffff, v14  }
0x60: {  	v13 =	vld [tilespmem:s19+$0x0];
	v14 =	vadd.s32 v0, v11;
	[tilespmem:v12+s24+$0x0] =	vst.idx.msk $0xffff, v8  }
0x61: {  	[tilespmem:v5+s24+$0x0] =	vst.idx.msk $0xffff, v3;
	v3 =	vld [tilespmem:s19+$0x10];
	v5 =	vadd.s32 v1, v11  }
0x62: {  	s18 =	sadd.s32 s6, s7;
	[tilespmem:v2+s24+$0x0] =	vst.idx.msk $0xffff, v4  }
0x63: {  	s19 =	sshll.u32 s18, $0x7;
	[tilespmem:v10+s24+$0x0] =	vst.idx.msk $0xffff, v6  }
0x64: {  	s14 =	sshll.u32 s18, $0x9;
	s18 =	sand.u32 $0xE00, s19;
	[tilespmem:v9+s24+$0x0] =	vst.idx.msk $0xffff, v7  }
0x65: {  	s14 =	sand.u32 $0xFFFC000, s14;
	s18 =	sadd.s32 s3, s18;
	[tilespmem:v14+s24+$0x0] =	vst.idx.msk $0xffff, v13  }
0x66: {  	s14 =	sadd.s32 s14, s18;
	[tilespmem:v5+s24+$0x0] =	vst.idx.msk $0xffff, v3  }
0x67: {  	[hbm4b:s14+s4] =	stream.linear.scatter [tilespmem:s24], [sflag:$0x9], $0x80, $0x38;
	[tilespmem:$0x8600] =	vst v63  }
0x68: {  	s19 =	simm.s32 $0x4288;
	s18 =	sadd.s32 $0x10, s14  }
0x69: {  	[hbm4b:s18+s4] =	stream.linear.scatter [tilespmem:s19], [sflag:$0x9], $0x80, $0x38;
	[tilespmem:$0x8600] =	vst v63  }
0x6a: {  	s25 =	simm.s32 $0x4310;
	s20 =	sadd.s32 $0x20, s14  }
0x6b: {  	[hbm4b:s20+s4] =	stream.linear.scatter [tilespmem:s25], [sflag:$0x9], $0x80, $0x38;
	[tilespmem:$0x8600] =	vst v63  }
0x6c: {  	s20 =	sadd.s32 $0x30, s14;
	s25 =	simm.s32 $0x4398  }
0x6d: {  	[hbm4b:s20+s4] =	stream.linear.scatter [tilespmem:s25], [sflag:$0x9], $0x80, $0x38;
	[tilespmem:$0x8600] =	vst v63  }
0x6e: {  	s20 =	sadd.s32 $0x40, s14;
	s25 =	simm.s32 $0x4420  }
0x6f: {  	[hbm4b:s20+s4] =	stream.linear.scatter [tilespmem:s25], [sflag:$0x9], $0x80, $0x38;
	[tilespmem:$0x8600] =	vst v63  }
0x70: {  	s20 =	sadd.s32 $0x50, s14;
	s25 =	simm.s32 $0x44A8  }
0x71: {  	[hbm4b:s20+s4] =	stream.linear.scatter [tilespmem:s25], [sflag:$0x9], $0x80, $0x38;
	[tilespmem:$0x8600] =	vst v63  }
0x72: {  	s20 =	sadd.s32 $0x60, s14;
	s25 =	simm.s32 $0x4530  }
0x73: {  	[hbm4b:s20+s4] =	stream.linear.scatter [tilespmem:s25], [sflag:$0x9], $0x80, $0x38;
	[tilespmem:$0x8600] =	vst v63  }
0x74: {  	s20 =	sadd.s32 $0x70, s14;
	s25 =	simm.s32 $0x45B8  }
0x75: {  	[hbm4b:s20+s4] =	stream.linear.scatter [tilespmem:s25], [sflag:$0x9], $0x80, $0x38;
	[tilespmem:$0x8600] =	vst v63  }
0x76: {  	s20 =	sadd.s32 $0x1000, s14;
	s25 =	simm.s32 $0x4640  }
0x77: {  	[hbm4b:s20+s4] =	stream.linear.scatter [tilespmem:s25], [sflag:$0x9], $0x80, $0x38;
	[tilespmem:$0x8600] =	vst v63  }
0x78: {  	s20 =	sadd.s32 $0x1010, s14;
	s25 =	simm.s32 $0x46C8  }
0x79: {  	[hbm4b:s20+s4] =	stream.linear.scatter [tilespmem:s25], [sflag:$0x9], $0x80, $0x38;
	[tilespmem:$0x8600] =	vst v63  }
0x7a: {  	s20 =	sadd.s32 $0x1020, s14;
	s25 =	simm.s32 $0x4750  }
0x7b: {  	[hbm4b:s20+s4] =	stream.linear.scatter [tilespmem:s25], [sflag:$0x9], $0x80, $0x38;
	[tilespmem:$0x8600] =	vst v63  }
0x7c: {  	s20 =	sadd.s32 $0x1030, s14;
	s25 =	simm.s32 $0x47D8  }
0x7d: {  	[hbm4b:s20+s4] =	stream.linear.scatter [tilespmem:s25], [sflag:$0x9], $0x80, $0x38;
	[tilespmem:$0x8600] =	vst v63  }
0x7e: {  	s20 =	sadd.s32 $0x1040, s14;
	s25 =	simm.s32 $0x4860  }
0x7f: {  	[hbm4b:s20+s4] =	stream.linear.scatter [tilespmem:s25], [sflag:$0x9], $0x80, $0x38;
	[tilespmem:$0x8600] =	vst v63  }
0x80: {  	s20 =	sadd.s32 $0x1050, s14;
	s25 =	simm.s32 $0x48E8  }
0x81: {  	[hbm4b:s20+s4] =	stream.linear.scatter [tilespmem:s25], [sflag:$0x9], $0x80, $0x38;
	[tilespmem:$0x8600] =	vst v63  }
0x82: {  	s20 =	sadd.s32 $0x1060, s14;
	s25 =	simm.s32 $0x4970  }
0x83: {  	[hbm4b:s20+s4] =	stream.linear.scatter [tilespmem:s25], [sflag:$0x9], $0x80, $0x38;
	[tilespmem:$0x8600] =	vst v63  }
0x84: {  	s20 =	sadd.s32 $0x1070, s14;
	s25 =	simm.s32 $0x49F8  }
0x85: {  	[hbm4b:s20+s4] =	stream.linear.scatter [tilespmem:s25], [sflag:$0x9], $0x80, $0x38;
	[tilespmem:$0x8600] =	vst v63  }
0x86: {  	s20 =	sadd.s32 $0x2000, s14;
	s25 =	simm.s32 $0x4A80  }
0x87: {  	[hbm4b:s20+s4] =	stream.linear.scatter [tilespmem:s25], [sflag:$0x9], $0x80, $0x38;
	[tilespmem:$0x8600] =	vst v63  }
0x88: {  	s20 =	sadd.s32 $0x2010, s14;
	s25 =	simm.s32 $0x4B08  }
0x89: {  	[hbm4b:s20+s4] =	stream.linear.scatter [tilespmem:s25], [sflag:$0x9], $0x80, $0x38;
	[tilespmem:$0x8600] =	vst v63  }
0x8a: {  	s20 =	sadd.s32 $0x2020, s14;
	s25 =	simm.s32 $0x4B90  }
0x8b: {  	[hbm4b:s20+s4] =	stream.linear.scatter [tilespmem:s25], [sflag:$0x9], $0x80, $0x38;
	[tilespmem:$0x8600] =	vst v63  }
0x8c: {  	s20 =	sadd.s32 $0x2030, s14;
	s25 =	simm.s32 $0x4C18  }
0x8d: {  	[hbm4b:s20+s4] =	stream.linear.scatter [tilespmem:s25], [sflag:$0x9], $0x80, $0x38;
	[tilespmem:$0x8600] =	vst v63  }
0x8e: {  	s20 =	sadd.s32 $0x2040, s14;
	s25 =	simm.s32 $0x4CA0  }
0x8f: {  	[hbm4b:s20+s4] =	stream.linear.scatter [tilespmem:s25], [sflag:$0x9], $0x80, $0x38;
	[tilespmem:$0x8600] =	vst v63  }
0x90: {  	s20 =	sadd.s32 $0x2050, s14;
	s25 =	simm.s32 $0x4D28  }
0x91: {  	[hbm4b:s20+s4] =	stream.linear.scatter [tilespmem:s25], [sflag:$0x9], $0x80, $0x38;
	[tilespmem:$0x8600] =	vst v63  }
0x92: {  	s20 =	sadd.s32 $0x2060, s14;
	s25 =	simm.s32 $0x4DB0  }
0x93: {  	[hbm4b:s20+s4] =	stream.linear.scatter [tilespmem:s25], [sflag:$0x9], $0x80, $0x38;
	[tilespmem:$0x8600] =	vst v63  }
0x94: {  	s20 =	sadd.s32 $0x2070, s14;
	s25 =	simm.s32 $0x4E38  }
0x95: {  	[hbm4b:s20+s4] =	stream.linear.scatter [tilespmem:s25], [sflag:$0x9], $0x80, $0x38;
	[tilespmem:$0x8600] =	vst v63  }
0x96: {  	s20 =	sadd.s32 $0x3000, s14;
	s25 =	simm.s32 $0x4EC0  }
0x97: {  	[hbm4b:s20+s4] =	stream.linear.scatter [tilespmem:s25], [sflag:$0x9], $0x80, $0x38;
	[tilespmem:$0x8600] =	vst v63  }
0x98: {  	s20 =	sadd.s32 $0x3010, s14;
	s25 =	simm.s32 $0x4F48  }
0x99: {  	[hbm4b:s20+s4] =	stream.linear.scatter [tilespmem:s25], [sflag:$0x9], $0x80, $0x38;
	[tilespmem:$0x8600] =	vst v63  }
0x9a: {  	s20 =	sadd.s32 $0x3020, s14;
	s25 =	simm.s32 $0x4FD0  }
0x9b: {  	[hbm4b:s20+s4] =	stream.linear.scatter [tilespmem:s25], [sflag:$0x9], $0x80, $0x38;
	[tilespmem:$0x8600] =	vst v63  }
0x9c: {  	s20 =	sadd.s32 $0x3030, s14;
	s25 =	simm.s32 $0x5058  }
0x9d: {  	[hbm4b:s20+s4] =	stream.linear.scatter [tilespmem:s25], [sflag:$0x9], $0x80, $0x38;
	[tilespmem:$0x8600] =	vst v63  }
0x9e: {  	s20 =	sadd.s32 $0x3040, s14;
	s25 =	simm.s32 $0x50E0  }
0x9f: {  	[hbm4b:s20+s4] =	stream.linear.scatter [tilespmem:s25], [sflag:$0x9], $0x80, $0x38;
	[tilespmem:$0x8600] =	vst v63  }
0xa0: {  	s20 =	sadd.s32 $0x3050, s14;
	s25 =	simm.s32 $0x5168  }
0xa1: {  	[hbm4b:s20+s4] =	stream.linear.scatter [tilespmem:s25], [sflag:$0x9], $0x80, $0x38;
	[tilespmem:$0x8600] =	vst v63  }
0xa2: {  	s19 =	sadd.s32 $0x3060, s14;
	s20 =	simm.s32 $0x51F0  }
0xa3: {  	[hbm4b:s19+s4] =	stream.linear.scatter [tilespmem:s20], [sflag:$0x9], $0x80, $0x38;
	[tilespmem:$0x8600] =	vst v63  }
0xa4: {  	s14 =	sadd.s32 $0x3070, s14;
	s25 =	simm.s32 $0x5278  }
0xa5: {  	[hbm4b:s14+s4] =	stream.linear.scatter [tilespmem:s25], [sflag:$0x9], $0x80, $0x38;
	[tilespmem:$0x8600] =	vst v63  }
0xa6: {  	_ =	swait.ge [sflag:s22], $0x80  }
0xa7: {  	s19 =	simm.s32 $0x100;
	[sflag:s22] =	ssyncset.done $0x0  }
0xa8: {  	s20 =	simm.s32 $0x2200;
	s14 =	sadd.s32 @!p0 s7, s12;
	[sflag:s22] =	ssyncadd.s32 $0xFFFFFF80  }
0xa9: {  	[tilespmem:s20], [sflag:$0x7] =	stream.indirect.gather [hbm4b:s5+s16], $0x20, s19, s16, $0xb8;
	[tilespmem:$0x8600] =	vst v63  }
0xaa: {  	s18 =	sshll.u32 @!p0 s14, $0x7;
	s20 =	sshll.u32 @!p0 s14, $0xA  }
0xab: {  	s18 =	sand.u32 @!p0 $0x7FFF8000, s18;
	s14 =	sshll.u32 @!p0 s14, $0x2;
	s20 =	sand.u32 @!p0 $0x7400, s20  }
0xac: {  	s14 =	sand.u32 @!p0 $0x380, s14;
	s18 =	sor.u32 @!p0 s20, s18  }
0xad: {  	_ =	swait.ge [sflag:s26], $0x1000;
	s14 =	sor.u32 @!p0 s14, s18  }
0xae: {  	[sflag:s26] =	ssyncset.done $0x0;
	s20 =	simm.s32 @!p0 $0x80;
	s14 =	sshrl.u32 @!p0 s14, $0x3  }
0xaf: {  	[sflag:s26] =	ssyncadd.s32 $0xFFFFF000;
	s18 =	simm.s32 @!p0 $0x0;
	s14 =	sadd.s32 @!p0 s1, s14  }
0xb0: {  	[tilespmem:s20], [sflag:$0x2] =	stream.linear.gather @!p0 [hbm4b:s14+s18], $0x80, $0x38;
	[tilespmem:$0x8600] =	vst v63  }
0xb1: {  	s14 =	simm.s32 @!p1 $0xA  }
0xb2: {  	s25 =	simm.s32 $0x3;
	_ =	swait.ge @!p1 [sflag:s14], $0x1000  }
0xb3: {  	v2 =	vmov s25;
	[sflag:s14] =	ssyncset.done @!p1 $0x0  }
0xb4: {  	s25 =	simm.s32 $0x1270;
	v2 =	vand.u32 $0x7F, v2;
	s19 =	simm.s32 $0x0;
	[sflag:s14] =	ssyncadd.s32 @!p1 $0xFFFFF000  }
0xb5: {  	v9 =	vadd.s32 v0, v2;
	v15 =	vadd.s32 v1, v2;
	v2 =	vmov s19;
	v7 =	vld [tilespmem:s25+$0xFFFFFFF0]  }
0xb6: {  	v4 =	vand.u32 $0x7C, v2;
	s20 =	simm.s32 $0x1;
	v14 =	vld [tilespmem:s25+$0x0]  }
0xb7: {  	v11 =	vadd.s32 v0, v4;
	v3 =	vmov s20;
	v6 =	vld [tilespmem:s25+$0xFFFFFF90]  }
0xb8: {  	v8 =	vadd.s32 v1, v4;
	s18 =	simm.s32 $0x2;
	v10 =	vand.u32 $0x7D, v3;
	v2 =	vld [tilespmem:s25+$0xFFFFFFA0]  }
0xb9: {  	v12 =	vmov s18;
	v5 =	vadd.s32 v0, v10;
	v3 =	vld [tilespmem:s25+$0xFFFFFFB0]  }
0xba: {  	s29 =	simm.s32 $0x4;
	s19 =	simm.s32 $0x7;
	v12 =	vand.u32 $0x7E, v12;
	v4 =	vld [tilespmem:s25+$0xFFFFFFC0];
	[tilespmem:v9+s28+$0x0] =	vst.idx.msk $0xffff, v7;
	v9 =	vadd.s32 v1, v10  }
0xbb: {  	v13 =	vmov s19;
	s20 =	sor.u32 $0x2, s7;
	s18 =	simm.s32 $0x8;
	s14 =	sor.u32 $0x1, s7;
	v7 =	vld [tilespmem:s25+$0xFFFFFFD0];
	v10 =	vadd.s32 v0, v12;
	[tilespmem:v15+s28+$0x0] =	vst.idx.msk $0xffff, v14  }
.LBB2_8:
0xbc: {  	p2 =	slt.u32 s18, $0x7C;
	v13 =	vand.u32 $0x7F, v13;
	[tilespmem:v11+s28+$0x0] =	vst.idx.msk $0xffff, v6;
	v14 =	vld [tilespmem:s25+$0xFFFFFFE0];
	v12 =	vadd.s32 v1, v12;
	s25 =	sadd.s32 $0x80, s25  }
0xbd: {  	v6 =	vmov s29;
	v15 =	vld [tilespmem:s25+$0xFFFFFFF0];
	v16 =	vadd.s32 v0, v13;
	[tilespmem:v8+s28+$0x0] =	vst.idx.msk $0xffff, v2  }
0xbe: {  	s19 =	sadd.s32 $0x1, s29;
	v8 =	vand.u32 $0x7C, v6;
	v18 =	vadd.s32 v1, v13;
	v17 =	vld [tilespmem:s25+$0x0];
	[tilespmem:v5+s28+$0x0] =	vst.idx.msk $0xffff, v3  }
.Ltmp5:
0xbf: {  	v11 =	vadd.s32 v0, v8;
	v3 =	vmov s19;
	v6 =	vld [tilespmem:s25+$0xFFFFFF90];
	[tilespmem:v9+s28+$0x0] =	vst.idx.msk $0xffff, v4;
	(pc) =	sbr.rel @p2 .LBB2_8-.Ltmp5, $4  }
0xc0: {  	v8 =	vadd.s32 v1, v8;
	s19 =	sadd.s32 $0x2, s29;
	s29 =	smov.u32 s18;
	v9 =	vand.u32 $0x7D, v3;
	v2 =	vld [tilespmem:s25+$0xFFFFFFA0];
	[tilespmem:v10+s28+$0x0] =	vst.idx.msk $0xffff, v7  }
0xc1: {  	v5 =	vadd.s32 v0, v9;
	v7 =	vmov s19;
	v3 =	vld [tilespmem:s25+$0xFFFFFFB0];
	[tilespmem:v12+s28+$0x0] =	vst.idx.msk $0xffff, v14  }
0xc2: {  	s19 =	sadd.s32 $0x3, s18;
	v9 =	vadd.s32 v1, v9;
	v12 =	vand.u32 $0x7E, v7;
	v4 =	vld [tilespmem:s25+$0xFFFFFFC0];
	[tilespmem:v16+s28+$0x0] =	vst.idx.msk $0xffff, v15  }
0xc3: {  	s18 =	sadd.s32 $0x4, s18;
	v13 =	vmov s19;
	v10 =	vadd.s32 v0, v12;
	v7 =	vld [tilespmem:s25+$0xFFFFFFD0];
	[tilespmem:v18+s28+$0x0] =	vst.idx.msk $0xffff, v17  }
0xc4: {  	_ =	sdelay $0x3  }
0xc5: {  	v13 =	vand.u32 $0x7F, v13;
	[tilespmem:v11+s28+$0x0] =	vst.idx.msk $0xffff, v6;
	v6 =	vld [tilespmem:s25+$0xFFFFFFE0];
	v11 =	vadd.s32 v1, v12;
	s18 =	sadd.s32 $0x80, s25  }
0xc6: {  	v12 =	vmov s29;
	v14 =	vld [tilespmem:s18+$0xFFFFFFF0];
	v15 =	vadd.s32 v0, v13;
	[tilespmem:v8+s28+$0x0] =	vst.idx.msk $0xffff, v2  }
0xc7: {  	s19 =	sadd.s32 $0x1, s29;
	v2 =	vand.u32 $0x7C, v12;
	v8 =	vld [tilespmem:s18+$0x0];
	v12 =	vadd.s32 v1, v13;
	[tilespmem:v5+s28+$0x0] =	vst.idx.msk $0xffff, v3  }
0xc8: {  	v3 =	vmov s19;
	v5 =	vld [tilespmem:s18+$0xFFFFFF90];
	v13 =	vadd.s32 v0, v2;
	[tilespmem:v9+s28+$0x0] =	vst.idx.msk $0xffff, v4  }
0xc9: {  	s25 =	sadd.s32 $0x2, s29;
	v2 =	vadd.s32 v1, v2;
	v4 =	vld [tilespmem:s18+$0xFFFFFFA0];
	v3 =	vand.u32 $0x7D, v3;
	[tilespmem:v10+s28+$0x0] =	vst.idx.msk $0xffff, v7  }
0xca: {  	v7 =	vld [tilespmem:s18+$0xFFFFFFB0];
	v9 =	vadd.s32 v0, v3;
	v10 =	vmov s25;
	[tilespmem:v11+s28+$0x0] =	vst.idx.msk $0xffff, v6  }
0xcb: {  	v3 =	vadd.s32 v1, v3;
	v6 =	vld [tilespmem:s18+$0xFFFFFFC0];
	v10 =	vand.u32 $0x7E, v10;
	[tilespmem:v15+s28+$0x0] =	vst.idx.msk $0xffff, v14  }
0xcc: {  	v11 =	vld [tilespmem:s18+$0xFFFFFFD0];
	v14 =	vadd.s32 v0, v10;
	[tilespmem:v12+s28+$0x0] =	vst.idx.msk $0xffff, v8  }
0xcd: {  	[tilespmem:v13+s28+$0x0] =	vst.idx.msk $0xffff, v5;
	v5 =	vld [tilespmem:s18+$0xFFFFFFE0];
	v8 =	vadd.s32 v1, v10  }
0xce: {  	s14 =	sadd.s32 s6, s14;
	[tilespmem:v2+s28+$0x0] =	vst.idx.msk $0xffff, v4  }
0xcf: {  	s19 =	sshll.u32 s14, $0x7;
	[tilespmem:v9+s28+$0x0] =	vst.idx.msk $0xffff, v7  }
0xd0: {  	s14 =	sshll.u32 s14, $0x9;
	s18 =	sand.u32 $0xE80, s19;
	[tilespmem:v3+s28+$0x0] =	vst.idx.msk $0xffff, v6  }
0xd1: {  	s14 =	sand.u32 $0xFFFC000, s14;
	s18 =	sadd.s32 s3, s18;
	[tilespmem:v14+s28+$0x0] =	vst.idx.msk $0xffff, v11  }
0xd2: {  	s14 =	sadd.s32 s14, s18;
	[tilespmem:v8+s28+$0x0] =	vst.idx.msk $0xffff, v5  }
0xd3: {  	[hbm4b:s14+s4] =	stream.linear.scatter [tilespmem:s28], [sflag:$0xA], $0x80, $0x38;
	[tilespmem:$0x8600] =	vst v63  }
0xd4: {  	s25 =	simm.s32 $0x5388;
	s18 =	sadd.s32 $0x10, s14  }
0xd5: {  	[hbm4b:s18+s4] =	stream.linear.scatter [tilespmem:s25], [sflag:$0xA], $0x80, $0x38;
	[tilespmem:$0x8600] =	vst v63  }
0xd6: {  	s19 =	sadd.s32 $0x20, s14;
	s25 =	simm.s32 $0x5410  }
0xd7: {  	[hbm4b:s19+s4] =	stream.linear.scatter [tilespmem:s25], [sflag:$0xA], $0x80, $0x38;
	[tilespmem:$0x8600] =	vst v63  }
0xd8: {  	s19 =	sadd.s32 $0x30, s14;
	s25 =	simm.s32 $0x5498  }
0xd9: {  	[hbm4b:s19+s4] =	stream.linear.scatter [tilespmem:s25], [sflag:$0xA], $0x80, $0x38;
	[tilespmem:$0x8600] =	vst v63  }
0xda: {  	s19 =	sadd.s32 $0x40, s14;
	s25 =	simm.s32 $0x5520  }
0xdb: {  	[hbm4b:s19+s4] =	stream.linear.scatter [tilespmem:s25], [sflag:$0xA], $0x80, $0x38;
	[tilespmem:$0x8600] =	vst v63  }
0xdc: {  	s19 =	sadd.s32 $0x50, s14;
	s25 =	simm.s32 $0x55A8  }
0xdd: {  	[hbm4b:s19+s4] =	stream.linear.scatter [tilespmem:s25], [sflag:$0xA], $0x80, $0x38;
	[tilespmem:$0x8600] =	vst v63  }
0xde: {  	s19 =	sadd.s32 $0x60, s14;
	s25 =	simm.s32 $0x5630  }
0xdf: {  	[hbm4b:s19+s4] =	stream.linear.scatter [tilespmem:s25], [sflag:$0xA], $0x80, $0x38;
	[tilespmem:$0x8600] =	vst v63  }
0xe0: {  	s19 =	sadd.s32 $0x70, s14;
	s25 =	simm.s32 $0x56B8  }
0xe1: {  	[hbm4b:s19+s4] =	stream.linear.scatter [tilespmem:s25], [sflag:$0xA], $0x80, $0x38;
	[tilespmem:$0x8600] =	vst v63  }
0xe2: {  	s19 =	sadd.s32 $0x1000, s14;
	s25 =	simm.s32 $0x5740  }
0xe3: {  	[hbm4b:s19+s4] =	stream.linear.scatter [tilespmem:s25], [sflag:$0xA], $0x80, $0x38;
	[tilespmem:$0x8600] =	vst v63  }
0xe4: {  	s19 =	sadd.s32 $0x1010, s14;
	s25 =	simm.s32 $0x57C8  }
0xe5: {  	[hbm4b:s19+s4] =	stream.linear.scatter [tilespmem:s25], [sflag:$0xA], $0x80, $0x38;
	[tilespmem:$0x8600] =	vst v63  }
0xe6: {  	s19 =	sadd.s32 $0x1020, s14;
	s25 =	simm.s32 $0x5850  }
0xe7: {  	[hbm4b:s19+s4] =	stream.linear.scatter [tilespmem:s25], [sflag:$0xA], $0x80, $0x38;
	[tilespmem:$0x8600] =	vst v63  }
0xe8: {  	s19 =	sadd.s32 $0x1030, s14;
	s25 =	simm.s32 $0x58D8  }
0xe9: {  	[hbm4b:s19+s4] =	stream.linear.scatter [tilespmem:s25], [sflag:$0xA], $0x80, $0x38;
	[tilespmem:$0x8600] =	vst v63  }
0xea: {  	s19 =	sadd.s32 $0x1040, s14;
	s25 =	simm.s32 $0x5960  }
0xeb: {  	[hbm4b:s19+s4] =	stream.linear.scatter [tilespmem:s25], [sflag:$0xA], $0x80, $0x38;
	[tilespmem:$0x8600] =	vst v63  }
0xec: {  	s19 =	sadd.s32 $0x1050, s14;
	s25 =	simm.s32 $0x59E8  }
0xed: {  	[hbm4b:s19+s4] =	stream.linear.scatter [tilespmem:s25], [sflag:$0xA], $0x80, $0x38;
	[tilespmem:$0x8600] =	vst v63  }
0xee: {  	s19 =	sadd.s32 $0x1060, s14;
	s25 =	simm.s32 $0x5A70  }
0xef: {  	[hbm4b:s19+s4] =	stream.linear.scatter [tilespmem:s25], [sflag:$0xA], $0x80, $0x38;
	[tilespmem:$0x8600] =	vst v63  }
0xf0: {  	s19 =	sadd.s32 $0x1070, s14;
	s25 =	simm.s32 $0x5AF8  }
0xf1: {  	[hbm4b:s19+s4] =	stream.linear.scatter [tilespmem:s25], [sflag:$0xA], $0x80, $0x38;
	[tilespmem:$0x8600] =	vst v63  }
0xf2: {  	s19 =	sadd.s32 $0x2000, s14;
	s25 =	simm.s32 $0x5B80  }
0xf3: {  	[hbm4b:s19+s4] =	stream.linear.scatter [tilespmem:s25], [sflag:$0xA], $0x80, $0x38;
	[tilespmem:$0x8600] =	vst v63  }
0xf4: {  	s19 =	sadd.s32 $0x2010, s14;
	s25 =	simm.s32 $0x5C08  }
0xf5: {  	[hbm4b:s19+s4] =	stream.linear.scatter [tilespmem:s25], [sflag:$0xA], $0x80, $0x38;
	[tilespmem:$0x8600] =	vst v63  }
0xf6: {  	s19 =	sadd.s32 $0x2020, s14;
	s25 =	simm.s32 $0x5C90  }
0xf7: {  	[hbm4b:s19+s4] =	stream.linear.scatter [tilespmem:s25], [sflag:$0xA], $0x80, $0x38;
	[tilespmem:$0x8600] =	vst v63  }
0xf8: {  	s19 =	sadd.s32 $0x2030, s14;
	s25 =	simm.s32 $0x5D18  }
0xf9: {  	[hbm4b:s19+s4] =	stream.linear.scatter [tilespmem:s25], [sflag:$0xA], $0x80, $0x38;
	[tilespmem:$0x8600] =	vst v63  }
0xfa: {  	s19 =	sadd.s32 $0x2040, s14;
	s25 =	simm.s32 $0x5DA0  }
0xfb: {  	[hbm4b:s19+s4] =	stream.linear.scatter [tilespmem:s25], [sflag:$0xA], $0x80, $0x38;
	[tilespmem:$0x8600] =	vst v63  }
0xfc: {  	s19 =	sadd.s32 $0x2050, s14;
	s25 =	simm.s32 $0x5E28  }
0xfd: {  	[hbm4b:s19+s4] =	stream.linear.scatter [tilespmem:s25], [sflag:$0xA], $0x80, $0x38;
	[tilespmem:$0x8600] =	vst v63  }
0xfe: {  	s19 =	sadd.s32 $0x2060, s14;
	s25 =	simm.s32 $0x5EB0  }
0xff: {  	[hbm4b:s19+s4] =	stream.linear.scatter [tilespmem:s25], [sflag:$0xA], $0x80, $0x38;
	[tilespmem:$0x8600] =	vst v63  }
0x100: {  	s19 =	sadd.s32 $0x2070, s14;
	s25 =	simm.s32 $0x5F38  }
0x101: {  	[hbm4b:s19+s4] =	stream.linear.scatter [tilespmem:s25], [sflag:$0xA], $0x80, $0x38;
	[tilespmem:$0x8600] =	vst v63  }
0x102: {  	s19 =	sadd.s32 $0x3000, s14;
	s25 =	simm.s32 $0x5FC0  }
0x103: {  	[hbm4b:s19+s4] =	stream.linear.scatter [tilespmem:s25], [sflag:$0xA], $0x80, $0x38;
	[tilespmem:$0x8600] =	vst v63  }
0x104: {  	s19 =	sadd.s32 $0x3010, s14;
	s25 =	simm.s32 $0x6048  }
0x105: {  	[hbm4b:s19+s4] =	stream.linear.scatter [tilespmem:s25], [sflag:$0xA], $0x80, $0x38;
	[tilespmem:$0x8600] =	vst v63  }
0x106: {  	s19 =	sadd.s32 $0x3020, s14;
	s25 =	simm.s32 $0x60D0  }
0x107: {  	[hbm4b:s19+s4] =	stream.linear.scatter [tilespmem:s25], [sflag:$0xA], $0x80, $0x38;
	[tilespmem:$0x8600] =	vst v63  }
0x108: {  	s19 =	sadd.s32 $0x3030, s14;
	s25 =	simm.s32 $0x6158  }
0x109: {  	[hbm4b:s19+s4] =	stream.linear.scatter [tilespmem:s25], [sflag:$0xA], $0x80, $0x38;
	[tilespmem:$0x8600] =	vst v63  }
0x10a: {  	s19 =	sadd.s32 $0x3040, s14;
	s25 =	simm.s32 $0x61E0  }
0x10b: {  	[hbm4b:s19+s4] =	stream.linear.scatter [tilespmem:s25], [sflag:$0xA], $0x80, $0x38;
	[tilespmem:$0x8600] =	vst v63  }
0x10c: {  	s19 =	sadd.s32 $0x3050, s14;
	s25 =	simm.s32 $0x6268  }
0x10d: {  	[hbm4b:s19+s4] =	stream.linear.scatter [tilespmem:s25], [sflag:$0xA], $0x80, $0x38;
	[tilespmem:$0x8600] =	vst v63  }
0x10e: {  	s19 =	sadd.s32 $0x3060, s14;
	s25 =	simm.s32 $0x62F0  }
0x10f: {  	[hbm4b:s19+s4] =	stream.linear.scatter [tilespmem:s25], [sflag:$0xA], $0x80, $0x38;
	[tilespmem:$0x8600] =	vst v63  }
0x110: {  	s14 =	sadd.s32 $0x3070, s14;
	s25 =	simm.s32 $0x6378  }
0x111: {  	[hbm4b:s14+s4] =	stream.linear.scatter [tilespmem:s25], [sflag:$0xA], $0x80, $0x38;
	[tilespmem:$0x8600] =	vst v63  }
0x112: {  	_ =	swait.ge [sflag:s2], $0x80  }
0x113: {  	s18 =	simm.s32 $0x180;
	[sflag:s2] =	ssyncset.done $0x0  }
0x114: {  	s19 =	simm.s32 $0x3200;
	s14 =	sadd.s32 @!p0 s7, s13;
	[sflag:s2] =	ssyncadd.s32 $0xFFFFFF80  }
0x115: {  	[tilespmem:s19], [sflag:$0x8] =	stream.indirect.gather [hbm4b:s5+s16], $0x20, s18, s16, $0xb8;
	[tilespmem:$0x8600] =	vst v63  }
0x116: {  	s18 =	sshll.u32 @!p0 s14, $0x7;
	s19 =	sshll.u32 @!p0 s14, $0xA  }
0x117: {  	s14 =	sshll.u32 @!p0 s14, $0x2;
	s18 =	sand.u32 @!p0 $0x7FFF8000, s18;
	s19 =	sand.u32 @!p0 $0x7800, s19  }
0x118: {  	s14 =	sand.u32 @!p0 $0x380, s14;
	s18 =	sor.u32 @!p0 s19, s18  }
0x119: {  	p2 =	por p0, !p1;
	_ =	swait.ge [sflag:s8], $0x1000;
	s14 =	sor.u32 @!p0 s14, s18  }
0x11a: {  	[sflag:s8] =	ssyncset.done $0x0;
	s19 =	simm.s32 @!p0 $0x100;
	s14 =	sshrl.u32 @!p0 s14, $0x3  }
0x11b: {  	[sflag:s8] =	ssyncadd.s32 $0xFFFFF000;
	s18 =	simm.s32 @!p0 $0x0;
	s14 =	sadd.s32 @!p0 s1, s14  }
0x11c: {  	[tilespmem:s19], [sflag:$0x3] =	stream.linear.gather @!p0 [hbm4b:s14+s18], $0x80, $0x38;
	[tilespmem:$0x8600] =	vst v63  }
0x11d: {  	s25 =	simm.s32 $0x3;
	_ =	swait.ge @p2 [sflag:s10], $0x1000  }
0x11e: {  	v2 =	vmov s25;
	[sflag:s10] =	ssyncset.done @p2 $0x0  }
0x11f: {  	s25 =	simm.s32 $0x2270;
	v2 =	vand.u32 $0x7F, v2;
	s18 =	simm.s32 $0x0;
	[sflag:s10] =	ssyncadd.s32 @p2 $0xFFFFF000  }
0x120: {  	v9 =	vadd.s32 v0, v2;
	v15 =	vadd.s32 v1, v2;
	v2 =	vmov s18;
	v6 =	vld [tilespmem:s25+$0xFFFFFFF0]  }
0x121: {  	s19 =	simm.s32 $0x1;
	v4 =	vand.u32 $0x7C, v2;
	v14 =	vld [tilespmem:s25+$0x0]  }
0x122: {  	v3 =	vmov s19;
	v11 =	vadd.s32 v0, v4;
	v7 =	vld [tilespmem:s25+$0xFFFFFF90]  }
0x123: {  	s18 =	simm.s32 $0x2;
	v10 =	vand.u32 $0x7D, v3;
	v8 =	vadd.s32 v1, v4;
	v2 =	vld [tilespmem:s25+$0xFFFFFFA0]  }
0x124: {  	v12 =	vmov s18;
	v5 =	vadd.s32 v0, v10;
	v3 =	vld [tilespmem:s25+$0xFFFFFFB0]  }
0x125: {  	s19 =	simm.s32 $0x7;
	v12 =	vand.u32 $0x7E, v12;
	v4 =	vld [tilespmem:s25+$0xFFFFFFC0];
	[tilespmem:v9+s9+$0x0] =	vst.idx.msk $0xffff, v6;
	v9 =	vadd.s32 v1, v10  }
0x126: {  	s29 =	simm.s32 $0x4;
	s14 =	sor.u32 $0x3, s7;
	v13 =	vmov s19;
	s18 =	simm.s32 $0x8;
	v6 =	vld [tilespmem:s25+$0xFFFFFFD0];
	v10 =	vadd.s32 v0, v12;
	[tilespmem:v15+s9+$0x0] =	vst.idx.msk $0xffff, v14  }
.LBB2_10:
0x127: {  	p2 =	slt.u32 s18, $0x7C;
	v13 =	vand.u32 $0x7F, v13;
	[tilespmem:v11+s9+$0x0] =	vst.idx.msk $0xffff, v7;
	v14 =	vld [tilespmem:s25+$0xFFFFFFE0];
	v12 =	vadd.s32 v1, v12;
	s25 =	sadd.s32 $0x80, s25  }
0x128: {  	v7 =	vmov s29;
	v15 =	vld [tilespmem:s25+$0xFFFFFFF0];
	v16 =	vadd.s32 v0, v13;
	[tilespmem:v8+s9+$0x0] =	vst.idx.msk $0xffff, v2  }
0x129: {  	s19 =	sadd.s32 $0x1, s29;
	v8 =	vand.u32 $0x7C, v7;
	v18 =	vadd.s32 v1, v13;
	v17 =	vld [tilespmem:s25+$0x0];
	[tilespmem:v5+s9+$0x0] =	vst.idx.msk $0xffff, v3  }
.Ltmp6:
0x12a: {  	v11 =	vadd.s32 v0, v8;
	v3 =	vmov s19;
	v7 =	vld [tilespmem:s25+$0xFFFFFF90];
	[tilespmem:v9+s9+$0x0] =	vst.idx.msk $0xffff, v4;
	(pc) =	sbr.rel @p2 .LBB2_10-.Ltmp6, $4  }
0x12b: {  	v8 =	vadd.s32 v1, v8;
	s19 =	sadd.s32 $0x2, s29;
	s29 =	smov.u32 s18;
	v9 =	vand.u32 $0x7D, v3;
	v2 =	vld [tilespmem:s25+$0xFFFFFFA0];
	[tilespmem:v10+s9+$0x0] =	vst.idx.msk $0xffff, v6  }
0x12c: {  	v5 =	vadd.s32 v0, v9;
	v6 =	vmov s19;
	v3 =	vld [tilespmem:s25+$0xFFFFFFB0];
	[tilespmem:v12+s9+$0x0] =	vst.idx.msk $0xffff, v14  }
0x12d: {  	s19 =	sadd.s32 $0x3, s18;
	v9 =	vadd.s32 v1, v9;
	v12 =	vand.u32 $0x7E, v6;
	v4 =	vld [tilespmem:s25+$0xFFFFFFC0];
	[tilespmem:v16+s9+$0x0] =	vst.idx.msk $0xffff, v15  }
0x12e: {  	s18 =	sadd.s32 $0x4, s18;
	v13 =	vmov s19;
	v10 =	vadd.s32 v0, v12;
	v6 =	vld [tilespmem:s25+$0xFFFFFFD0];
	[tilespmem:v18+s9+$0x0] =	vst.idx.msk $0xffff, v17  }
0x12f: {  	_ =	sdelay $0x3  }
0x130: {  	v13 =	vand.u32 $0x7F, v13;
	[tilespmem:v11+s9+$0x0] =	vst.idx.msk $0xffff, v7;
	v49 =	vld [tilespmem:s25+$0xFFFFFFE0];
	v50 =	vadd.s32 v1, v12;
	s18 =	sadd.s32 $0x80, s25  }
0x131: {  	v51 =	vmov s29;
	v14 =	vld [tilespmem:s18+$0xFFFFFFF0];
	v15 =	vadd.s32 v0, v13;
	[tilespmem:v8+s9+$0x0] =	vst.idx.msk $0xffff, v2  }
0x132: {  	s19 =	sadd.s32 $0x1, s29;
	v2 =	vand.u32 $0x7C, v51;
	v52 =	vld [tilespmem:s18+$0x0];
	v53 =	vadd.s32 v1, v13;
	[tilespmem:v5+s9+$0x0] =	vst.idx.msk $0xffff, v3  }
0x133: {  	v54 =	vld [tilespmem:s18+$0xFFFFFF90];
	v3 =	vmov s19;
	v55 =	vadd.s32 v0, v2;
	[tilespmem:v9+s9+$0x0] =	vst.idx.msk $0xffff, v4  }
0x134: {  	s29 =	sadd.s32 $0x2, s29;
	v56 =	vld [tilespmem:s18+$0xFFFFFFA0];
	v2 =	vadd.s32 v1, v2;
	v3 =	vand.u32 $0x7D, v3;
	[tilespmem:v10+s9+$0x0] =	vst.idx.msk $0xffff, v6  }
0x135: {  	v57 =	vmov s29;
	v58 =	vld [tilespmem:s18+$0xFFFFFFB0];
	v59 =	vadd.s32 v0, v3;
	[tilespmem:v50+s9+$0x0] =	vst.idx.msk $0xffff, v49  }
0x136: {  	v60 =	vld [tilespmem:s18+$0xFFFFFFC0];
	v3 =	vadd.s32 v1, v3;
	v6 =	vand.u32 $0x7E, v57;
	[tilespmem:v15+s9+$0x0] =	vst.idx.msk $0xffff, v14  }
0x137: {  	v61 =	vld [tilespmem:s18+$0xFFFFFFD0];
	v62 =	vadd.s32 v0, v6;
	[tilespmem:v53+s9+$0x0] =	vst.idx.msk $0xffff, v52  }
0x138: {  	v63 =	vld [tilespmem:s18+$0xFFFFFFE0];
	v6 =	vadd.s32 v1, v6;
	[tilespmem:v55+s9+$0x0] =	vst.idx.msk $0xffff, v54  }
0x139: {  	s20 =	sadd.s32 s6, s20;
	[tilespmem:v2+s9+$0x0] =	vst.idx.msk $0xffff, v56  }
0x13a: {  	s25 =	sshll.u32 s20, $0x7;
	[tilespmem:v59+s9+$0x0] =	vst.idx.msk $0xffff, v58  }
0x13b: {  	s18 =	sshll.u32 s20, $0x9;
	s19 =	sand.u32 $0xF00, s25;
	[tilespmem:v3+s9+$0x0] =	vst.idx.msk $0xffff, v60  }
0x13c: {  	s18 =	sand.u32 $0xFFFC000, s18;
	s19 =	sadd.s32 s3, s19;
	[tilespmem:v62+s9+$0x0] =	vst.idx.msk $0xffff, v61  }
0x13d: {  	s18 =	sadd.s32 s18, s19;
	[tilespmem:v6+s9+$0x0] =	vst.idx.msk $0xffff, v63  }
0x13e: {  	[hbm4b:s18+s4] =	stream.linear.scatter [tilespmem:s9], [sflag:$0xB], $0x80, $0x38;
	[tilespmem:$0x8600] =	vst v63  }
0x13f: {  	s29 =	simm.s32 $0x6488;
	s19 =	sadd.s32 $0x10, s18  }
0x140: {  	[hbm4b:s19+s4] =	stream.linear.scatter [tilespmem:s29], [sflag:$0xB], $0x80, $0x38;
	[tilespmem:$0x8600] =	vst v63  }
0x141: {  	s25 =	sadd.s32 $0x20, s18;
	s29 =	simm.s32 $0x6510  }
0x142: {  	[hbm4b:s25+s4] =	stream.linear.scatter [tilespmem:s29], [sflag:$0xB], $0x80, $0x38;
	[tilespmem:$0x8600] =	vst v63  }
0x143: {  	s25 =	sadd.s32 $0x30, s18;
	s29 =	simm.s32 $0x6598  }
0x144: {  	[hbm4b:s25+s4] =	stream.linear.scatter [tilespmem:s29], [sflag:$0xB], $0x80, $0x38;
	[tilespmem:$0x8600] =	vst v63  }
0x145: {  	s25 =	sadd.s32 $0x40, s18;
	s29 =	simm.s32 $0x6620  }
0x146: {  	[hbm4b:s25+s4] =	stream.linear.scatter [tilespmem:s29], [sflag:$0xB], $0x80, $0x38;
	[tilespmem:$0x8600] =	vst v63  }
0x147: {  	s25 =	sadd.s32 $0x50, s18;
	s29 =	simm.s32 $0x66A8  }
0x148: {  	[hbm4b:s25+s4] =	stream.linear.scatter [tilespmem:s29], [sflag:$0xB], $0x80, $0x38;
	[tilespmem:$0x8600] =	vst v63  }
0x149: {  	s25 =	sadd.s32 $0x60, s18;
	s29 =	simm.s32 $0x6730  }
0x14a: {  	[hbm4b:s25+s4] =	stream.linear.scatter [tilespmem:s29], [sflag:$0xB], $0x80, $0x38;
	[tilespmem:$0x8600] =	vst v63  }
0x14b: {  	s25 =	sadd.s32 $0x70, s18;
	s29 =	simm.s32 $0x67B8  }
0x14c: {  	[hbm4b:s25+s4] =	stream.linear.scatter [tilespmem:s29], [sflag:$0xB], $0x80, $0x38;
	[tilespmem:$0x8600] =	vst v63  }
0x14d: {  	s25 =	sadd.s32 $0x1000, s18;
	s29 =	simm.s32 $0x6840  }
0x14e: {  	[hbm4b:s25+s4] =	stream.linear.scatter [tilespmem:s29], [sflag:$0xB], $0x80, $0x38;
	[tilespmem:$0x8600] =	vst v63  }
0x14f: {  	s25 =	sadd.s32 $0x1010, s18;
	s29 =	simm.s32 $0x68C8  }
0x150: {  	[hbm4b:s25+s4] =	stream.linear.scatter [tilespmem:s29], [sflag:$0xB], $0x80, $0x38;
	[tilespmem:$0x8600] =	vst v63  }
0x151: {  	s25 =	sadd.s32 $0x1020, s18;
	s29 =	simm.s32 $0x6950  }
0x152: {  	[hbm4b:s25+s4] =	stream.linear.scatter [tilespmem:s29], [sflag:$0xB], $0x80, $0x38;
	[tilespmem:$0x8600] =	vst v63  }
0x153: {  	s25 =	sadd.s32 $0x1030, s18;
	s29 =	simm.s32 $0x69D8  }
0x154: {  	[hbm4b:s25+s4] =	stream.linear.scatter [tilespmem:s29], [sflag:$0xB], $0x80, $0x38;
	[tilespmem:$0x8600] =	vst v63  }
0x155: {  	s25 =	sadd.s32 $0x1040, s18;
	s29 =	simm.s32 $0x6A60  }
0x156: {  	[hbm4b:s25+s4] =	stream.linear.scatter [tilespmem:s29], [sflag:$0xB], $0x80, $0x38;
	[tilespmem:$0x8600] =	vst v63  }
0x157: {  	s25 =	sadd.s32 $0x1050, s18;
	s29 =	simm.s32 $0x6AE8  }
0x158: {  	[hbm4b:s25+s4] =	stream.linear.scatter [tilespmem:s29], [sflag:$0xB], $0x80, $0x38;
	[tilespmem:$0x8600] =	vst v63  }
0x159: {  	s25 =	sadd.s32 $0x1060, s18;
	s29 =	simm.s32 $0x6B70  }
0x15a: {  	[hbm4b:s25+s4] =	stream.linear.scatter [tilespmem:s29], [sflag:$0xB], $0x80, $0x38;
	[tilespmem:$0x8600] =	vst v63  }
0x15b: {  	s25 =	sadd.s32 $0x1070, s18;
	s29 =	simm.s32 $0x6BF8  }
0x15c: {  	[hbm4b:s25+s4] =	stream.linear.scatter [tilespmem:s29], [sflag:$0xB], $0x80, $0x38;
	[tilespmem:$0x8600] =	vst v63  }
0x15d: {  	s25 =	sadd.s32 $0x2000, s18;
	s29 =	simm.s32 $0x6C80  }
0x15e: {  	[hbm4b:s25+s4] =	stream.linear.scatter [tilespmem:s29], [sflag:$0xB], $0x80, $0x38;
	[tilespmem:$0x8600] =	vst v63  }
0x15f: {  	s25 =	sadd.s32 $0x2010, s18;
	s29 =	simm.s32 $0x6D08  }
0x160: {  	[hbm4b:s25+s4] =	stream.linear.scatter [tilespmem:s29], [sflag:$0xB], $0x80, $0x38;
	[tilespmem:$0x8600] =	vst v63  }
0x161: {  	s25 =	sadd.s32 $0x2020, s18;
	s29 =	simm.s32 $0x6D90  }
0x162: {  	[hbm4b:s25+s4] =	stream.linear.scatter [tilespmem:s29], [sflag:$0xB], $0x80, $0x38;
	[tilespmem:$0x8600] =	vst v63  }
0x163: {  	s25 =	sadd.s32 $0x2030, s18;
	s29 =	simm.s32 $0x6E18  }
0x164: {  	[hbm4b:s25+s4] =	stream.linear.scatter [tilespmem:s29], [sflag:$0xB], $0x80, $0x38;
	[tilespmem:$0x8600] =	vst v63  }
0x165: {  	s25 =	sadd.s32 $0x2040, s18;
	s29 =	simm.s32 $0x6EA0  }
0x166: {  	[hbm4b:s25+s4] =	stream.linear.scatter [tilespmem:s29], [sflag:$0xB], $0x80, $0x38;
	[tilespmem:$0x8600] =	vst v63  }
0x167: {  	s25 =	sadd.s32 $0x2050, s18;
	s29 =	simm.s32 $0x6F28  }
0x168: {  	[hbm4b:s25+s4] =	stream.linear.scatter [tilespmem:s29], [sflag:$0xB], $0x80, $0x38;
	[tilespmem:$0x8600] =	vst v63  }
0x169: {  	s25 =	sadd.s32 $0x2060, s18;
	s29 =	simm.s32 $0x6FB0  }
0x16a: {  	[hbm4b:s25+s4] =	stream.linear.scatter [tilespmem:s29], [sflag:$0xB], $0x80, $0x38;
	[tilespmem:$0x8600] =	vst v63  }
0x16b: {  	s25 =	sadd.s32 $0x2070, s18;
	s29 =	simm.s32 $0x7038  }
0x16c: {  	[hbm4b:s25+s4] =	stream.linear.scatter [tilespmem:s29], [sflag:$0xB], $0x80, $0x38;
	[tilespmem:$0x8600] =	vst v63  }
0x16d: {  	s25 =	sadd.s32 $0x3000, s18;
	s29 =	simm.s32 $0x70C0  }
0x16e: {  	[hbm4b:s25+s4] =	stream.linear.scatter [tilespmem:s29], [sflag:$0xB], $0x80, $0x38;
	[tilespmem:$0x8600] =	vst v63  }
0x16f: {  	s25 =	sadd.s32 $0x3010, s18;
	s29 =	simm.s32 $0x7148  }
0x170: {  	[hbm4b:s25+s4] =	stream.linear.scatter [tilespmem:s29], [sflag:$0xB], $0x80, $0x38;
	[tilespmem:$0x8600] =	vst v63  }
0x171: {  	s25 =	sadd.s32 $0x3020, s18;
	s29 =	simm.s32 $0x71D0  }
0x172: {  	[hbm4b:s25+s4] =	stream.linear.scatter [tilespmem:s29], [sflag:$0xB], $0x80, $0x38;
	[tilespmem:$0x8600] =	vst v63  }
0x173: {  	s25 =	sadd.s32 $0x3030, s18;
	s29 =	simm.s32 $0x7258  }
0x174: {  	[hbm4b:s25+s4] =	stream.linear.scatter [tilespmem:s29], [sflag:$0xB], $0x80, $0x38;
	[tilespmem:$0x8600] =	vst v63  }
0x175: {  	s25 =	sadd.s32 $0x3040, s18;
	s29 =	simm.s32 $0x72E0  }
0x176: {  	[hbm4b:s25+s4] =	stream.linear.scatter [tilespmem:s29], [sflag:$0xB], $0x80, $0x38;
	[tilespmem:$0x8600] =	vst v63  }
0x177: {  	p2 =	sne.s32 s15, $0x31;
	s25 =	sadd.s32 $0x3050, s18;
	s29 =	simm.s32 $0x7368  }
0x178: {  	[hbm4b:s25+s4] =	stream.linear.scatter [tilespmem:s29], [sflag:$0xB], $0x80, $0x38;
	[tilespmem:$0x8600] =	vst v63  }
.Ltmp7:
0x179: {  	_ = 	snop;
	(pc) =	sbr.rel @p2 .LBB2_13-.Ltmp7, $4  }
0x17a: {  	s20 =	sadd.s32 $0x3060, s18;
	s25 =	simm.s32 $0x73F0  }
0x17b: {  	[hbm4b:s20+s4] =	stream.linear.scatter [tilespmem:s25], [sflag:$0xB], $0x80, $0x38;
	[tilespmem:$0x8600] =	vst v63  }
0x17c: {  	s18 =	sadd.s32 $0x3070, s18;
	s29 =	simm.s32 $0x7478  }
0x17d: {  	[hbm4b:s18+s4] =	stream.linear.scatter [tilespmem:s29], [sflag:$0xB], $0x80, $0x38;
	[tilespmem:$0x8600] =	vst v63  }
.Ltmp8:
0x17e: {  	(pc) =	sbr.rel .LBB2_14-.Ltmp8, $4  }
0x17f: {  	_ = 	snop  }
0x180: {  	_ =	swait.ge [sflag:s31], $0x1000  }
0x181: {  	[sflag:s31] =	ssyncset.done $0x0  }
0x182: {  	[sflag:s31] =	ssyncadd.s32 $0xFFFFF000  }
.LBB2_13:
0x183: {  	s18 =	simm.s32 $0x1  }
0x184: {  	_ =	swait.ge [sflag:s18], $0x80  }
0x185: {  	[sflag:s18] =	ssyncset.done $0x0;
	s25 =	rddreg [dreg:$0x8]  }
0x186: {  	s20 =	simm.s32 $0x200;
	[sflag:s18] =	ssyncadd.s32 $0xFFFFFF80;
	s7 =	sadd.s32 s7, s25  }
0x187: {  	[tilespmem:s20], [sflag:$0x5] =	stream.indirect.gather [hbm4b:s5+s16], $0x20, s4, s16, $0xb8;
	[tilespmem:$0x8600] =	vst v63  }
0x188: {  	s18 =	sshll.u32 s7, $0x7;
	s19 =	sshll.u32 s7, $0xA  }
0x189: {  	s7 =	sshll.u32 s7, $0x2;
	s18 =	sand.u32 $0x7FFF8000, s18;
	s19 =	sand.u32 $0x7C00, s19  }
.Ltmp9:
0x18a: {  	s7 =	sand.u32 $0x380, s7;
	s18 =	sor.u32 s19, s18;
	(pc) =	sbr.rel @p1 .LBB2_15-.Ltmp9, $4  }
0x18b: {  	_ =	swait.ge [sflag:s31], $0x1000;
	s7 =	sor.u32 s7, s18  }
0x18c: {  	[sflag:s31] =	ssyncset.done $0x0;
	s7 =	sshrl.u32 s7, $0x3  }
0x18d: {  	s29 =	simm.s32 $0x180;
	[sflag:s31] =	ssyncadd.s32 $0xFFFFF000;
	s7 =	sadd.s32 s1, s7  }
0x18e: {  	[tilespmem:s29], [sflag:$0x4] =	stream.linear.gather [hbm4b:s7+s4], $0x80, $0x38;
	[tilespmem:$0x8600] =	vst v63  }
.LBB2_14:
0x18f: {  	_ =	swait.ge [sflag:s0], $0x1000  }
0x190: {  	[sflag:s0] =	ssyncset.done $0x0  }
0x191: {  	[sflag:s0] =	ssyncadd.s32 $0xFFFFF000  }
.LBB2_15:
0x192: {  	s7 =	simm.s32 $0x3  }
0x193: {  	v2 =	vmov s7  }
0x194: {  	s18 =	simm.s32 $0x0;
	s7 =	simm.s32 $0x3270;
	v2 =	vand.u32 $0x7F, v2  }
0x195: {  	v6 =	vld [tilespmem:s7+$0xFFFFFFF0];
	v9 =	vadd.s32 v0, v2;
	v15 =	vadd.s32 v1, v2;
	v2 =	vmov s18  }
0x196: {  	s20 =	simm.s32 $0x1;
	v14 =	vld [tilespmem:s7+$0x0];
	v4 =	vand.u32 $0x7C, v2  }
0x197: {  	v3 =	vmov s20;
	v7 =	vld [tilespmem:s7+$0xFFFFFF90];
	v11 =	vadd.s32 v0, v4  }
0x198: {  	s25 =	simm.s32 $0x2;
	v10 =	vand.u32 $0x7D, v3;
	v2 =	vld [tilespmem:s7+$0xFFFFFFA0];
	v8 =	vadd.s32 v1, v4  }
0x199: {  	v12 =	vmov s25;
	v3 =	vld [tilespmem:s7+$0xFFFFFFB0];
	v5 =	vadd.s32 v0, v10  }
0x19a: {  	s29 =	simm.s32 $0x7;
	v12 =	vand.u32 $0x7E, v12;
	v4 =	vld [tilespmem:s7+$0xFFFFFFC0];
	[tilespmem:v9+s17+$0x0] =	vst.idx.msk $0xffff, v6;
	v9 =	vadd.s32 v1, v10  }
0x19b: {  	s20 =	simm.s32 $0x4;
	v13 =	vmov s29;
	s18 =	simm.s32 $0x8;
	v6 =	vld [tilespmem:s7+$0xFFFFFFD0];
	v10 =	vadd.s32 v0, v12;
	[tilespmem:v15+s17+$0x0] =	vst.idx.msk $0xffff, v14  }
.LBB2_16:
0x19c: {  	p1 =	slt.u32 s18, $0x7C;
	v13 =	vand.u32 $0x7F, v13;
	[tilespmem:v11+s17+$0x0] =	vst.idx.msk $0xffff, v7;
	v14 =	vld [tilespmem:s7+$0xFFFFFFE0];
	v12 =	vadd.s32 v1, v12;
	s7 =	sadd.s32 $0x80, s7  }
0x19d: {  	v7 =	vmov s20;
	v15 =	vld [tilespmem:s7+$0xFFFFFFF0];
	v16 =	vadd.s32 v0, v13;
	[tilespmem:v8+s17+$0x0] =	vst.idx.msk $0xffff, v2  }
0x19e: {  	s19 =	sadd.s32 $0x1, s20;
	v8 =	vand.u32 $0x7C, v7;
	v18 =	vadd.s32 v1, v13;
	v17 =	vld [tilespmem:s7+$0x0];
	[tilespmem:v5+s17+$0x0] =	vst.idx.msk $0xffff, v3  }
.Ltmp10:
0x19f: {  	v11 =	vadd.s32 v0, v8;
	v3 =	vmov s19;
	v7 =	vld [tilespmem:s7+$0xFFFFFF90];
	[tilespmem:v9+s17+$0x0] =	vst.idx.msk $0xffff, v4;
	(pc) =	sbr.rel @p1 .LBB2_16-.Ltmp10, $4  }
0x1a0: {  	v8 =	vadd.s32 v1, v8;
	s19 =	sadd.s32 $0x2, s20;
	s20 =	smov.u32 s18;
	v9 =	vand.u32 $0x7D, v3;
	v2 =	vld [tilespmem:s7+$0xFFFFFFA0];
	[tilespmem:v10+s17+$0x0] =	vst.idx.msk $0xffff, v6  }
0x1a1: {  	v5 =	vadd.s32 v0, v9;
	v6 =	vmov s19;
	v3 =	vld [tilespmem:s7+$0xFFFFFFB0];
	[tilespmem:v12+s17+$0x0] =	vst.idx.msk $0xffff, v14  }
0x1a2: {  	s19 =	sadd.s32 $0x3, s18;
	v9 =	vadd.s32 v1, v9;
	v12 =	vand.u32 $0x7E, v6;
	v4 =	vld [tilespmem:s7+$0xFFFFFFC0];
	[tilespmem:v16+s17+$0x0] =	vst.idx.msk $0xffff, v15  }
0x1a3: {  	s18 =	sadd.s32 $0x4, s18;
	v13 =	vmov s19;
	v10 =	vadd.s32 v0, v12;
	v6 =	vld [tilespmem:s7+$0xFFFFFFD0];
	[tilespmem:v18+s17+$0x0] =	vst.idx.msk $0xffff, v17  }
0x1a4: {  	_ =	sdelay $0x3  }
0x1a5: {  	v13 =	vand.u32 $0x7F, v13;
	[tilespmem:v11+s17+$0x0] =	vst.idx.msk $0xffff, v7;
	v49 =	vld [tilespmem:s7+$0xFFFFFFE0];
	v50 =	vadd.s32 v1, v12;
	s25 =	sadd.s32 $0x80, s7  }
0x1a6: {  	v51 =	vmov s20;
	v14 =	vld [tilespmem:s25+$0xFFFFFFF0];
	v15 =	vadd.s32 v0, v13;
	[tilespmem:v8+s17+$0x0] =	vst.idx.msk $0xffff, v2  }
0x1a7: {  	s18 =	sadd.s32 $0x1, s20;
	v2 =	vand.u32 $0x7C, v51;
	v52 =	vld [tilespmem:s25+$0x0];
	v53 =	vadd.s32 v1, v13;
	[tilespmem:v5+s17+$0x0] =	vst.idx.msk $0xffff, v3  }
0x1a8: {  	v54 =	vld [tilespmem:s25+$0xFFFFFF90];
	v3 =	vmov s18;
	v55 =	vadd.s32 v0, v2;
	[tilespmem:v9+s17+$0x0] =	vst.idx.msk $0xffff, v4  }
0x1a9: {  	s29 =	sadd.s32 $0x2, s20;
	v56 =	vld [tilespmem:s25+$0xFFFFFFA0];
	v2 =	vadd.s32 v1, v2;
	v3 =	vand.u32 $0x7D, v3;
	[tilespmem:v10+s17+$0x0] =	vst.idx.msk $0xffff, v6  }
0x1aa: {  	v57 =	vmov s29;
	v58 =	vld [tilespmem:s25+$0xFFFFFFB0];
	v59 =	vadd.s32 v0, v3;
	[tilespmem:v50+s17+$0x0] =	vst.idx.msk $0xffff, v49  }
0x1ab: {  	v60 =	vld [tilespmem:s25+$0xFFFFFFC0];
	v3 =	vadd.s32 v1, v3;
	v6 =	vand.u32 $0x7E, v57;
	[tilespmem:v15+s17+$0x0] =	vst.idx.msk $0xffff, v14  }
0x1ac: {  	v61 =	vld [tilespmem:s25+$0xFFFFFFD0];
	v62 =	vadd.s32 v0, v6;
	[tilespmem:v53+s17+$0x0] =	vst.idx.msk $0xffff, v52  }
0x1ad: {  	v63 =	vld [tilespmem:s25+$0xFFFFFFE0];
	v6 =	vadd.s32 v1, v6;
	[tilespmem:v55+s17+$0x0] =	vst.idx.msk $0xffff, v54  }
0x1ae: {  	s19 =	sadd.s32 s6, s14;
	[tilespmem:v2+s17+$0x0] =	vst.idx.msk $0xffff, v56  }
0x1af: {  	s14 =	sshll.u32 s19, $0x7;
	[tilespmem:v59+s17+$0x0] =	vst.idx.msk $0xffff, v58  }
0x1b0: {  	s7 =	sshll.u32 s19, $0x9;
	s14 =	sand.u32 $0xF80, s14;
	[tilespmem:v3+s17+$0x0] =	vst.idx.msk $0xffff, v60  }
0x1b1: {  	s7 =	sand.u32 $0xFFFC000, s7;
	s14 =	sadd.s32 s3, s14;
	[tilespmem:v62+s17+$0x0] =	vst.idx.msk $0xffff, v61  }
0x1b2: {  	s7 =	sadd.s32 s7, s14;
	[tilespmem:v6+s17+$0x0] =	vst.idx.msk $0xffff, v63  }
0x1b3: {  	[hbm4b:s7+s4] =	stream.linear.scatter [tilespmem:s17], [sflag:$0xC], $0x80, $0x38;
	[tilespmem:$0x8600] =	vst v63  }
0x1b4: {  	s20 =	simm.s32 $0x7588;
	s14 =	sadd.s32 $0x10, s7  }
0x1b5: {  	[hbm4b:s14+s4] =	stream.linear.scatter [tilespmem:s20], [sflag:$0xC], $0x80, $0x38;
	[tilespmem:$0x8600] =	vst v63  }
0x1b6: {  	s29 =	simm.s32 $0x7610;
	s25 =	sadd.s32 $0x20, s7  }
0x1b7: {  	[hbm4b:s25+s4] =	stream.linear.scatter [tilespmem:s29], [sflag:$0xC], $0x80, $0x38;
	[tilespmem:$0x8600] =	vst v63  }
0x1b8: {  	s19 =	sadd.s32 $0x30, s7;
	s20 =	simm.s32 $0x7698  }
0x1b9: {  	[hbm4b:s19+s4] =	stream.linear.scatter [tilespmem:s20], [sflag:$0xC], $0x80, $0x38;
	[tilespmem:$0x8600] =	vst v63  }
0x1ba: {  	s25 =	sadd.s32 $0x40, s7;
	s29 =	simm.s32 $0x7720  }
0x1bb: {  	[hbm4b:s25+s4] =	stream.linear.scatter [tilespmem:s29], [sflag:$0xC], $0x80, $0x38;
	[tilespmem:$0x8600] =	vst v63  }
0x1bc: {  	s19 =	sadd.s32 $0x50, s7;
	s20 =	simm.s32 $0x77A8  }
0x1bd: {  	[hbm4b:s19+s4] =	stream.linear.scatter [tilespmem:s20], [sflag:$0xC], $0x80, $0x38;
	[tilespmem:$0x8600] =	vst v63  }
0x1be: {  	s25 =	sadd.s32 $0x60, s7;
	s29 =	simm.s32 $0x7830  }
0x1bf: {  	[hbm4b:s25+s4] =	stream.linear.scatter [tilespmem:s29], [sflag:$0xC], $0x80, $0x38;
	[tilespmem:$0x8600] =	vst v63  }
0x1c0: {  	s19 =	sadd.s32 $0x70, s7;
	s20 =	simm.s32 $0x78B8  }
0x1c1: {  	[hbm4b:s19+s4] =	stream.linear.scatter [tilespmem:s20], [sflag:$0xC], $0x80, $0x38;
	[tilespmem:$0x8600] =	vst v63  }
0x1c2: {  	s25 =	sadd.s32 $0x1000, s7;
	s29 =	simm.s32 $0x7940  }
0x1c3: {  	[hbm4b:s25+s4] =	stream.linear.scatter [tilespmem:s29], [sflag:$0xC], $0x80, $0x38;
	[tilespmem:$0x8600] =	vst v63  }
0x1c4: {  	s19 =	sadd.s32 $0x1010, s7;
	s20 =	simm.s32 $0x79C8  }
0x1c5: {  	[hbm4b:s19+s4] =	stream.linear.scatter [tilespmem:s20], [sflag:$0xC], $0x80, $0x38;
	[tilespmem:$0x8600] =	vst v63  }
0x1c6: {  	s25 =	sadd.s32 $0x1020, s7;
	s29 =	simm.s32 $0x7A50  }
0x1c7: {  	[hbm4b:s25+s4] =	stream.linear.scatter [tilespmem:s29], [sflag:$0xC], $0x80, $0x38;
	[tilespmem:$0x8600] =	vst v63  }
0x1c8: {  	s19 =	sadd.s32 $0x1030, s7;
	s20 =	simm.s32 $0x7AD8  }
0x1c9: {  	[hbm4b:s19+s4] =	stream.linear.scatter [tilespmem:s20], [sflag:$0xC], $0x80, $0x38;
	[tilespmem:$0x8600] =	vst v63  }
0x1ca: {  	s25 =	sadd.s32 $0x1040, s7;
	s29 =	simm.s32 $0x7B60  }
0x1cb: {  	[hbm4b:s25+s4] =	stream.linear.scatter [tilespmem:s29], [sflag:$0xC], $0x80, $0x38;
	[tilespmem:$0x8600] =	vst v63  }
0x1cc: {  	s19 =	sadd.s32 $0x1050, s7;
	s20 =	simm.s32 $0x7BE8  }
0x1cd: {  	[hbm4b:s19+s4] =	stream.linear.scatter [tilespmem:s20], [sflag:$0xC], $0x80, $0x38;
	[tilespmem:$0x8600] =	vst v63  }
0x1ce: {  	s25 =	sadd.s32 $0x1060, s7;
	s29 =	simm.s32 $0x7C70  }
0x1cf: {  	[hbm4b:s25+s4] =	stream.linear.scatter [tilespmem:s29], [sflag:$0xC], $0x80, $0x38;
	[tilespmem:$0x8600] =	vst v63  }
0x1d0: {  	s19 =	sadd.s32 $0x1070, s7;
	s20 =	simm.s32 $0x7CF8  }
0x1d1: {  	[hbm4b:s19+s4] =	stream.linear.scatter [tilespmem:s20], [sflag:$0xC], $0x80, $0x38;
	[tilespmem:$0x8600] =	vst v63  }
0x1d2: {  	s25 =	sadd.s32 $0x2000, s7;
	s29 =	simm.s32 $0x7D80  }
0x1d3: {  	[hbm4b:s25+s4] =	stream.linear.scatter [tilespmem:s29], [sflag:$0xC], $0x80, $0x38;
	[tilespmem:$0x8600] =	vst v63  }
0x1d4: {  	s19 =	sadd.s32 $0x2010, s7;
	s20 =	simm.s32 $0x7E08  }
0x1d5: {  	[hbm4b:s19+s4] =	stream.linear.scatter [tilespmem:s20], [sflag:$0xC], $0x80, $0x38;
	[tilespmem:$0x8600] =	vst v63  }
0x1d6: {  	s25 =	sadd.s32 $0x2020, s7;
	s29 =	simm.s32 $0x7E90  }
0x1d7: {  	[hbm4b:s25+s4] =	stream.linear.scatter [tilespmem:s29], [sflag:$0xC], $0x80, $0x38;
	[tilespmem:$0x8600] =	vst v63  }
0x1d8: {  	s19 =	sadd.s32 $0x2030, s7;
	s20 =	simm.s32 $0x7F18  }
0x1d9: {  	[hbm4b:s19+s4] =	stream.linear.scatter [tilespmem:s20], [sflag:$0xC], $0x80, $0x38;
	[tilespmem:$0x8600] =	vst v63  }
0x1da: {  	s25 =	sadd.s32 $0x2040, s7;
	s29 =	simm.s32 $0x7FA0  }
0x1db: {  	[hbm4b:s25+s4] =	stream.linear.scatter [tilespmem:s29], [sflag:$0xC], $0x80, $0x38;
	[tilespmem:$0x8600] =	vst v63  }
0x1dc: {  	s19 =	sadd.s32 $0x2050, s7;
	s20 =	simm.s32 $0x8028  }
0x1dd: {  	[hbm4b:s19+s4] =	stream.linear.scatter [tilespmem:s20], [sflag:$0xC], $0x80, $0x38;
	[tilespmem:$0x8600] =	vst v63  }
0x1de: {  	s25 =	sadd.s32 $0x2060, s7;
	s29 =	simm.s32 $0x80B0  }
0x1df: {  	[hbm4b:s25+s4] =	stream.linear.scatter [tilespmem:s29], [sflag:$0xC], $0x80, $0x38;
	[tilespmem:$0x8600] =	vst v63  }
0x1e0: {  	s19 =	sadd.s32 $0x2070, s7;
	s20 =	simm.s32 $0x8138  }
0x1e1: {  	[hbm4b:s19+s4] =	stream.linear.scatter [tilespmem:s20], [sflag:$0xC], $0x80, $0x38;
	[tilespmem:$0x8600] =	vst v63  }
0x1e2: {  	s25 =	sadd.s32 $0x3000, s7;
	s29 =	simm.s32 $0x81C0  }
0x1e3: {  	[hbm4b:s25+s4] =	stream.linear.scatter [tilespmem:s29], [sflag:$0xC], $0x80, $0x38;
	[tilespmem:$0x8600] =	vst v63  }
0x1e4: {  	s19 =	sadd.s32 $0x3010, s7;
	s20 =	simm.s32 $0x8248  }
0x1e5: {  	[hbm4b:s19+s4] =	stream.linear.scatter [tilespmem:s20], [sflag:$0xC], $0x80, $0x38;
	[tilespmem:$0x8600] =	vst v63  }
0x1e6: {  	s25 =	sadd.s32 $0x3020, s7;
	s29 =	simm.s32 $0x82D0  }
0x1e7: {  	[hbm4b:s25+s4] =	stream.linear.scatter [tilespmem:s29], [sflag:$0xC], $0x80, $0x38;
	[tilespmem:$0x8600] =	vst v63  }
0x1e8: {  	s19 =	sadd.s32 $0x3030, s7;
	s20 =	simm.s32 $0x8358  }
0x1e9: {  	[hbm4b:s19+s4] =	stream.linear.scatter [tilespmem:s20], [sflag:$0xC], $0x80, $0x38;
	[tilespmem:$0x8600] =	vst v63  }
0x1ea: {  	s25 =	sadd.s32 $0x3040, s7;
	s29 =	simm.s32 $0x83E0  }
0x1eb: {  	[hbm4b:s25+s4] =	stream.linear.scatter [tilespmem:s29], [sflag:$0xC], $0x80, $0x38;
	[tilespmem:$0x8600] =	vst v63  }
0x1ec: {  	s18 =	sadd.s32 $0x3050, s7;
	s19 =	simm.s32 $0x8468  }
0x1ed: {  	[hbm4b:s18+s4] =	stream.linear.scatter [tilespmem:s19], [sflag:$0xC], $0x80, $0x38;
	[tilespmem:$0x8600] =	vst v63  }
.Ltmp11:
0x1ee: {  	_ = 	snop;
	(pc) =	sbr.rel @p0 .LBB2_19-.Ltmp11, $4  }
0x1ef: {  	s20 =	sadd.s32 $0x3060, s7;
	s25 =	simm.s32 $0x84F0  }
0x1f0: {  	[hbm4b:s20+s4] =	stream.linear.scatter [tilespmem:s25], [sflag:$0xC], $0x80, $0x38;
	[tilespmem:$0x8600] =	vst v63  }
0x1f1: {  	s7 =	sadd.s32 $0x3070, s7;
	s29 =	simm.s32 $0x8578  }
0x1f2: {  	[hbm4b:s7+s4] =	stream.linear.scatter [tilespmem:s29], [sflag:$0xC], $0x80, $0x38;
	[tilespmem:$0x8600] =	vst v63  }
.Ltmp12:
0x1f3: {  	(pc) =	sbr.rel .LBB2_2-.Ltmp12, $4  }
0x1f4: {  	_ =	swait.ge [sflag:s21], $0x80  }
0x1f5: {  	[sflag:s21] =	ssyncset.done $0x0  }
0x1f6: {  	s7 =	simm.s32 $0x1200;
	s15 =	sadd.s32 $0x1, s15;
	[sflag:s21] =	ssyncadd.s32 $0xFFFFFF80  }
0x1f7: {  	[tilespmem:s7], [sflag:$0x6] =	stream.indirect.gather [hbm4b:s5+s16], $0x20, s16, s16, $0xb8;
	[tilespmem:$0x8600] =	vst v63  }
.LBB2_20:
0x1f8: {  	_ =	sfence.sel $0x180000  }
0x1f9: {  	[bflag:$0x0] =	sbarrier.arrive $0xFFFF  }
0x1fa: {  	_ =	strace $0x9000004A  }
0x1fb: {  	s0 =	stileid.u32;
	[bflag:$0x2] =	sbarrier.arrive $0xFFFF  }
0x1fc: {  	p0 =	sne.s32 s0, $0x0;
	s0 =	rddreg [dreg:$0x3]  }
0x1fd: {  	s0 =	sadd.s32 @!p0 $0x100000, s0  }
0x1fe: {  	[sflag:s0] =	ssyncadd.tile.s32 @!p0 $0x1;
	_ =	shalt  }
.Lfunc_end2:
_tile_overlayer_lowered:
.L_overlay_start_2:
0x1ff: {  	(tag) =	ssettag $0x2  }
0x200: {  	s0 =	rddreg [dreg:$0x0];
	s2 =	stileid.u32  }
0x201: {  	s1 =	rddreg [dreg:$0x1];
	p0 =	sne.s32 s2, $0x0  }
0x202: {  	s3 =	rddreg [dreg:$0x2];
	[bflag:$0x3] =	sbarrier.arrive $0xFFFF;
	s2 =	simm.s32 @!p0 $0x1C0D  }
0x203: {  	[timem:s3], [sflag:s2] =	dma.local @!p0 [hbm:s0], s1  }
0x204: {  	s0 =	simm.s32 @!p0 $0xD  }
0x205: {  	_ =	swait.ge @!p0 [sflag:s0], s1  }
0x206: {  	s1 =	ssub.s32 @!p0 $0x0, s1;
	[sflag:s0] =	ssyncset.done @!p0 $0x0  }
0x207: {  	[sflag:s0] =	ssyncadd.s32 @!p0 s1  }
0x208: {  	[bflag:$0x3] =	sbarrier.arrive $0xFFFF  }
0x209: {  	_ =	shalt  }

</sc_bundles>
